<compile_context>
chip_gen: v7x
topology: tpu7x:2x2x1
jax: 0.10.2.dev20260603
libtpu: 0.0.44.dev20260713+nightly
codegen_flags: <defaults>
</compile_context>

<pallas_src>
import jax
import jax.numpy as jnp
from jax import lax
from jax.experimental import pallas as pl
from jax.experimental.pallas import tpu as pltpu
from jax.experimental.pallas import tpu_sc as plsc

GAMMA = 12.0
PI = 3.141592653589793

_NC, _NS, _L = 2, 16, 16
_NW = _NC * _NS

_NE = 1000000
_HALF_E = _NE // 2
_CH = 80
_NCHG = _HALF_E // _CH
_PERW = _NCHG // _NW
_EXTRA = _NCHG - _PERW * _NW

_NRR = 1000
_HALF_R = _NRR // 2
_RPAD = 512



def _pack_kernel(ent_hbm, rel_hbm, packed_out, relp_out, ss_out,
                 in0, in1, out0, out1, acc_v, sem_f, sem_w):
    wid = lax.axis_index("s") * _NC + lax.axis_index("c")
    D = ent_hbm.shape[1]
    nh = D // _L

    def fire_fetch(g, inb):
        p0 = pl.multiple_of(g * _CH, 16)
        p1 = pl.multiple_of(_HALF_E + g * _CH, 16)
        pltpu.async_copy(ent_hbm.at[pl.ds(p0, _CH)],
                         inb.at[pl.ds(0, _CH)], sem_f)
        pltpu.async_copy(ent_hbm.at[pl.ds(p1, _CH)],
                         inb.at[pl.ds(_CH, _CH)], sem_f)

    def drain_fetch(inb):
        pltpu.make_async_copy(ent_hbm.at[pl.ds(0, 2 * _CH)], inb,
                              sem_f).wait()

    def fire_write(g, outb):
        p0 = pl.multiple_of(g * _CH, 16)
        pltpu.async_copy(outb, packed_out.at[pl.ds(p0, _CH)], sem_w)

    def drain_write(outb):
        pltpu.make_async_copy(packed_out.at[pl.ds(0, _CH)], outb,
                              sem_w).wait()

    def repack(inb, outb, accs):
        def row_body(r, a):
            lo = [inb[r, pl.ds(k * _L, _L)] for k in range(nh)]
            hi = [inb[_CH + r, pl.ds(k * _L, _L)] for k in range(nh)]
            for k in range(nh):
                outb[r, pl.ds(k * _L, _L)] = lo[k]
                outb[r, pl.ds(D + k * _L, _L)] = hi[k]
            a = tuple(a[k] + lo[k] * lo[k] for k in range(nh)) \
                + tuple(a[nh + k] + hi[k] * hi[k] for k in range(nh))
            return a
        return lax.fori_loop(0, _CH, row_body, accs)

    def gchunk(i):
        return wid + _NW * i

    def slot(c, inb, oinb, outb, accs, last):
        drain_fetch(inb)

        @pl.when(c + 1 < last)
        def _():
            fire_fetch(gchunk(c + 1), oinb)

        @pl.when(c >= 2)
        def _():
            drain_write(outb)

        accs = repack(inb, outb, accs)
        fire_write(gchunk(c), outb)
        return accs

    fire_fetch(gchunk(0), in0)
    accs0 = (jnp.zeros((_L,), jnp.float32),) * (2 * nh)

    def pair(i, accs):
        accs = slot(2 * i, in0, in1, out0, accs, _PERW)
        accs = slot(2 * i + 1, in1, in0, out1, accs, _PERW)
        return accs

    accs = lax.fori_loop(0, _PERW // 2, pair, accs0)
    c = _PERW - 1
    drain_fetch(in0)

    @pl.when(wid < _EXTRA)
    def _():
        fire_fetch(_NW * _PERW + wid, in1)

    drain_write(out0)
    accs = repack(in0, out0, accs)
    fire_write(gchunk(c), out0)

    has_extra = wid < _EXTRA

    @pl.when(has_extra)
    def _():
        drain_fetch(in1)

    drain_write(out1)
    eaccs = repack(in1, out1, accs)
    accs = tuple(jnp.where(has_extra, a2, a1) for a1, a2 in zip(accs, eaccs))

    @pl.when(has_extra)
    def _():
        fire_write(_NW * _PERW + wid, out1)

    @pl.when(wid == _NW - 1)
    def _():
        for r0, sz, szu in ((0, 80, 88), (80, 80, 88), (160, 80, 88),
                            (240, 80, 88), (320, 80, 88), (400, 80, 88),
                            (480, 24, 24)):
            pltpu.async_copy(rel_hbm.at[pl.ds(r0, sz)],
                             in0.at[pl.ds(0, sz)], sem_f)
            pltpu.async_copy(rel_hbm.at[pl.ds(496 + r0, szu)],
                             in1.at[pl.ds(0, szu)], sem_f)
            pltpu.make_async_copy(rel_hbm.at[pl.ds(0, sz)],
                                  in0.at[pl.ds(0, sz)], sem_f).wait()
            pltpu.make_async_copy(rel_hbm.at[pl.ds(0, szu)],
                                  in1.at[pl.ds(0, szu)], sem_f).wait()

            def rrow(r, carry):
                for k in range(nh):
                    out0[r, pl.ds(k * _L, _L)] = in0[r, pl.ds(k * _L, _L)]
                    out0[r, pl.ds(D + k * _L, _L)] = \
                        in1[4 + r, pl.ds(k * _L, _L)]
                return carry

            lax.fori_loop(0, sz, rrow, 0)
            pltpu.sync_copy(out0.at[pl.ds(0, sz)],
                            relp_out.at[pl.ds(r0, sz)])

    total = accs[0]
    for k in range(1, 2 * nh):
        total = total + accs[k]
    acc_v[0, pl.ds(0, _L)] = total
    pltpu.sync_copy(acc_v, ss_out.at[wid])
    drain_write(out0)

    @pl.when(has_extra)
    def _():
        drain_write(out1)


def _pack(entity_emb, relation_emb):
    N, D = entity_emb.shape
    mesh = plsc.VectorSubcoreMesh(core_axis_name="c", subcore_axis_name="s")
    f32 = jnp.float32
    kern = pl.kernel(
        _pack_kernel,
        out_type=(
            jax.ShapeDtypeStruct((N // 2, 2 * D), f32),
            jax.ShapeDtypeStruct((_RPAD, 2 * D), f32),
            jax.ShapeDtypeStruct((_NW, 1, _L), f32),
        ),
        mesh=mesh,
        compiler_params=pltpu.CompilerParams(needs_layout_passes=False),
        scratch_types=[
            pltpu.VMEM((2 * _CH, D), f32),
            pltpu.VMEM((2 * _CH, D), f32),
            pltpu.VMEM((_CH, 2 * D), f32),
            pltpu.VMEM((_CH, 2 * D), f32),
            pltpu.VMEM((1, _L), f32),
            pltpu.SemaphoreType.DMA,
            pltpu.SemaphoreType.DMA,
        ],
    )
    return kern(entity_emb, relation_emb)



_GCH = 128


def _gather_kernel(packed, relp, hi_hbm, ri_hbm, ti_hbm,
                   h_out, r_out, t_out,
                   hidx_v, ridx_v, tidx_v, pidx_v, fbuf, obuf, sem):
    wid = lax.axis_index("s") * _NC + lax.axis_index("c")
    bw = hidx_v.shape[1]
    base = pl.multiple_of(wid * bw, 512)
    nchunk = bw // _GCH
    D = packed.shape[1] // 2
    pltpu.sync_copy(hi_hbm.at[wid], hidx_v)
    pltpu.sync_copy(ri_hbm.at[wid], ridx_v)
    pltpu.sync_copy(ti_hbm.at[wid], tidx_v)

    for tbl, idx_v, out, half in ((packed, hidx_v, h_out, _HALF_E),
                                  (relp, ridx_v, r_out, _HALF_R),
                                  (packed, tidx_v, t_out, _HALF_E)):
        def do_chunk(c, carry, tbl=tbl, idx_v=idx_v, half=half):
            off = pl.multiple_of(c * _GCH, _GCH)
            for g in range(_GCH // _L):
                v = idx_v[0, pl.ds(off + g * _L, _L)]
                pidx_v[0, pl.ds(g * _L, _L)] = jnp.where(v >= half,
                                                         v - half, v)
            pltpu.async_copy(tbl.at[pidx_v.at[0]], fbuf, sem)
            pltpu.make_async_copy(tbl.at[pl.ds(0, _GCH)], fbuf, sem).wait()
            hvs = []
            for g in range(_GCH // _L):
                v = idx_v[0, pl.ds(off + g * _L, _L)]
                hvs.append(jnp.where(v >= half, D, 0))

            poss = [lax.iota(jnp.int32, _L) + g * _L
                    for g in range(_GCH // _L)]

            def dim_body(d2, carry2):
                for dd in range(2):
                    d = d2 * 2 + dd
                    for g in range(_GCH // _L):
                        vals = plsc.load_gather(fbuf, [poss[g], hvs[g] + d])
                        obuf[d, pl.ds(off + g * _L, _L)] = vals
                return carry2

            lax.fori_loop(0, D // 2, dim_body, 0)
            return carry

        lax.fori_loop(0, nchunk, do_chunk, 0)
        pltpu.sync_copy(obuf, out.at[:, pl.ds(base, bw)])


def _gather(packed, relp, h_idx, r_idx, t_idx):
    B = h_idx.shape[0]
    bw = B // _NW
    D = packed.shape[1] // 2
    mesh = plsc.VectorSubcoreMesh(core_axis_name="c", subcore_axis_name="s")
    f32 = jnp.float32
    kern = pl.kernel(
        _gather_kernel,
        out_type=(
            jax.ShapeDtypeStruct((D, B), f32),
            jax.ShapeDtypeStruct((D, B), f32),
            jax.ShapeDtypeStruct((D, B), f32),
        ),
        mesh=mesh,
        compiler_params=pltpu.CompilerParams(needs_layout_passes=False),
        scratch_types=[
            pltpu.VMEM((1, bw), jnp.int32),
            pltpu.VMEM((1, bw), jnp.int32),
            pltpu.VMEM((1, bw), jnp.int32),
            pltpu.VMEM((1, _GCH), jnp.int32),
            pltpu.VMEM((_GCH, 2 * D), f32),
            pltpu.VMEM((D, bw), f32),
            pltpu.SemaphoreType.DMA,
        ],
    )
    hi = h_idx.reshape(_NW, 1, bw)
    ri = r_idx.reshape(_NW, 1, bw)
    ti = t_idx.reshape(_NW, 1, bw)
    return kern(packed, relp, hi, ri, ti)



_SCORE_COLS = 16384


def _score_body(scp_ref, h_ref, r_ref, t_ref, o_ref):
    half = h_ref.shape[0] // 2
    ss = jnp.sum(scp_ref[...])
    norm = jnp.sqrt(ss)
    scale = PI / (norm + 1e-9)
    phase = r_ref[:half, :] * scale
    r_re = jnp.cos(phase)
    r_im = jnp.sin(phase)
    h_r = h_ref[:half, :]
    h_i = h_ref[half:, :]
    rot_r = h_r * r_re - h_i * r_im
    rot_i = h_r * r_im + h_i * r_re
    re_d = rot_r - t_ref[:half, :]
    im_d = rot_i - t_ref[half:, :]
    dist = jnp.sum(jnp.sqrt(re_d * re_d + im_d * im_d + 1e-9), axis=0)
    o_ref[...] = (GAMMA - dist)[None, :]


def _score(ss_parts, h_t, r_t, t_t):
    D, B = h_t.shape
    cols = _SCORE_COLS
    grid = B // cols
    out = pl.pallas_call(
        _score_body,
        grid=(grid,),
        in_specs=[
            pl.BlockSpec((_NW, _L), lambda i: (0, 0)),
            pl.BlockSpec((D, cols), lambda i: (0, i)),
            pl.BlockSpec((D, cols), lambda i: (0, i)),
            pl.BlockSpec((D, cols), lambda i: (0, i)),
        ],
        out_specs=pl.BlockSpec((1, cols), lambda i: (0, i)),
        out_shape=jax.ShapeDtypeStruct((1, B), jnp.float32),
    )(ss_parts, h_t, r_t, t_t)
    return out[0]


def kernel(entity_emb, relation_emb, h_idx, r_idx, t_idx):
    packed, relp, ss = _pack(entity_emb, relation_emb)
    h_t, r_t, t_t = _gather(packed, relp,
                            h_idx.astype(jnp.int32),
                            r_idx.astype(jnp.int32),
                            t_idx.astype(jnp.int32))
    return _score(ss.reshape(_NW, _L), h_t, r_t, t_t)

# --- scband reference (transcript-rebuilt; emitter-appended) ---
"""Pipeline reference for scband-rotat-e-75239237091453 (READ-ONLY COPY).

The authoritative reference and input builder live on the scoring server;
editing this copy changes nothing except your own understanding.
"""

import jax, jax.numpy as jnp
import numpy as np

NUM_ENTITIES = 1000000
NUM_RELATIONS = 1000
EMB_DIM = 64
REAL_DIM = EMB_DIM // 2
GAMMA = 12.0
PI = 3.141592653589793
BATCH = 16384

def setup_inputs(seed: int = 0) -> dict:
    key = jax.random.key(seed)
    k1, k2, k3, k4, k5 = jax.random.split(key, 5)
    h_idx = jax.random.randint(k1, (BATCH,), 0, NUM_ENTITIES, dtype=jnp.int64) if jax.config.jax_enable_x64 else jax.random.randint(k1, (BATCH,), 0, NUM_ENTITIES, dtype=jnp.int32)
    r_idx = jax.random.randint(k2, (BATCH,), 0, NUM_RELATIONS, dtype=jnp.int32)
    t_idx = jax.random.randint(k3, (BATCH,), 0, NUM_ENTITIES, dtype=jnp.int32)
    # nn.Embedding default init: N(0, 1)
    entity_emb = jax.random.normal(k4, (NUM_ENTITIES, EMB_DIM), dtype=jnp.float32)
    relation_emb = jax.random.normal(k5, (NUM_RELATIONS, EMB_DIM), dtype=jnp.float32)
    return {"entity_emb": entity_emb, "relation_emb": relation_emb, "h_idx": h_idx, "r_idx": r_idx, "t_idx": t_idx}

def reference(entity_emb, relation_emb, h_idx, r_idx, t_idx):
    h = jnp.take(entity_emb, h_idx, axis=0)
    r = jnp.take(relation_emb, r_idx, axis=0)
    t = jnp.take(entity_emb, t_idx, axis=0)
    h_r, h_i = h[..., :REAL_DIM], h[..., REAL_DIM:]
    t_r, t_i = t[..., :REAL_DIM], t[..., REAL_DIM:]
    # torch .data.norm(p=2) is the Frobenius norm of the full entity table (detached)
    ent_norm = jax.lax.stop_gradient(jnp.sqrt(jnp.sum(entity_emb.astype(jnp.float32) ** 2)))
    phase = r / (ent_norm + 1e-09)
    phase = phase[..., :REAL_DIM] * PI
    r_re = jnp.cos(phase)
    r_im = jnp.sin(phase)
    rot_r = h_r * r_re - h_i * r_im
    rot_i = h_r * r_im + h_i * r_re
    re_diff = rot_r - t_r
    im_diff = rot_i - t_i
    dist = jnp.sqrt(re_diff ** 2 + im_diff ** 2 + 1e-09).sum(axis=-1)
    return GAMMA - dist

if __name__ == "__main__":
    import jax
    _d = setup_inputs()
    print(jax.jit(kernel)(*tuple(_d.values())))

</pallas_src>

<mosaic_0001>
#map = affine_map<(d0, d1) -> (0, 0)>
#map1 = affine_map<(d0, d1) -> (0, 0, 0)>
module attributes {stable_mosaic.version = 14 : i64} {
  func.func @_pack_kernel(%arg0: i32, %arg1: i32, %arg2: memref<1000000x64xf32, #tpu.memory_space<hbm>>, %arg3: memref<1000x64xf32, #tpu.memory_space<hbm>>, %arg4: memref<500000x128xf32, #tpu.memory_space<hbm>>, %arg5: memref<512x128xf32, #tpu.memory_space<hbm>>, %arg6: memref<32x1x16xf32, #tpu.memory_space<hbm>>, %arg7: memref<160x64xf32, #tpu.memory_space<vmem>>, %arg8: memref<160x64xf32, #tpu.memory_space<vmem>>, %arg9: memref<80x128xf32, #tpu.memory_space<vmem>>, %arg10: memref<80x128xf32, #tpu.memory_space<vmem>>, %arg11: memref<1x16xf32, #tpu.memory_space<vmem>>, %arg12: memref<!tpu.dma_semaphore, #tpu.memory_space<semaphore_mem>>, %arg13: memref<!tpu.dma_semaphore, #tpu.memory_space<semaphore_mem>>) attributes {dimension_semantics = [#tpu.dimension_semantics<core_parallel>, #tpu.dimension_semantics<subcore_parallel>], iteration_bounds = array<i64: 2, 16>, scalar_prefetch = 0 : i64, scratch_operands = 7 : i64, tpu.core_type = #tpu.core_type<sc_vector_subcore>, window_params = [{transform_indices = #map}, {transform_indices = #map}, {transform_indices = #map}, {transform_indices = #map}, {transform_indices = #map1}]} {
    %mul3A = arith.constant 2 : i32
    %mul3A_0 = arith.muli %arg1, %mul3A : i32
    %add3A = arith.addi %mul3A_0, %arg0 : i32
    %add3A_1 = arith.constant 0 : i32
    %add3A_2 = arith.addi %add3A, %add3A_1 : i32
    %mul3A_3 = arith.constant 80 : i32
    %mul3A_4 = arith.muli %add3A_2, %mul3A_3 : i32
    %multiple_of3A = tpu.assume_multiple %mul3A_4, 16 : i32
    %mul3A_5 = arith.constant 80 : i32
    %mul3A_6 = arith.muli %add3A_2, %mul3A_5 : i32
    %add3A_7 = arith.constant 500000 : i32
    %add3A_8 = arith.addi %add3A_7, %mul3A_6 : i32
    %multiple_of3A_9 = tpu.assume_multiple %add3A_8, 16 : i32
    %dma_start3A = arith.constant 0 : i32
    %dma_start3A_10 = arith.constant 0 : i32
    %dma_start3A_11 = tpu.memref_slice %arg7[%dma_start3A, %dma_start3A_10] : memref<160x64xf32, #tpu.memory_space<vmem>> -> memref<80x64xf32, #tpu.memory_space<vmem>>
    %dma_start3A_12 = arith.constant 0 : i32
    %dma_start3A_13 = tpu.memref_slice %arg2[%multiple_of3A, %dma_start3A_12] : memref<1000000x64xf32, #tpu.memory_space<hbm>> -> memref<80x64xf32, #tpu.memory_space<hbm>>
    %dma_start3A_14 = arith.constant 0 : i32
    %dma_start3A_15 = arith.constant 0 : i32
    %dma_start3A_16 = tpu.memref_slice %arg7[%dma_start3A_14, %dma_start3A_15] : memref<160x64xf32, #tpu.memory_space<vmem>> -> memref<80x64xf32, #tpu.memory_space<vmem>>
    %dma_start3A_17 = arith.constant 0 : i32
    %dma_start3A_18 = tpu.memref_slice %arg2[%multiple_of3A, %dma_start3A_17] : memref<1000000x64xf32, #tpu.memory_space<hbm>> -> memref<80x64xf32, #tpu.memory_space<hbm>>
    tpu.enqueue_dma source(%dma_start3A_18 : memref<80x64xf32, #tpu.memory_space<hbm>>) target(%dma_start3A_16 : memref<80x64xf32, #tpu.memory_space<vmem>>) target_semaphore(%arg12 : memref<!tpu.dma_semaphore, #tpu.memory_space<semaphore_mem>>)
    %dma_start3A_19 = arith.constant 80 : i32
    %dma_start3A_20 = arith.constant 0 : i32
    %dma_start3A_21 = tpu.memref_slice %arg7[%dma_start3A_19, %dma_start3A_20] : memref<160x64xf32, #tpu.memory_space<vmem>> -> memref<80x64xf32, #tpu.memory_space<vmem>>
    %dma_start3A_22 = arith.constant 0 : i32
    %dma_start3A_23 = tpu.memref_slice %arg2[%multiple_of3A_9, %dma_start3A_22] : memref<1000000x64xf32, #tpu.memory_space<hbm>> -> memref<80x64xf32, #tpu.memory_space<hbm>>
    %dma_start3A_24 = arith.constant 80 : i32
    %dma_start3A_25 = arith.constant 0 : i32
    %dma_start3A_26 = tpu.memref_slice %arg7[%dma_start3A_24, %dma_start3A_25] : memref<160x64xf32, #tpu.memory_space<vmem>> -> memref<80x64xf32, #tpu.memory_space<vmem>>
    %dma_start3A_27 = arith.constant 0 : i32
    %dma_start3A_28 = tpu.memref_slice %arg2[%multiple_of3A_9, %dma_start3A_27] : memref<1000000x64xf32, #tpu.memory_space<hbm>> -> memref<80x64xf32, #tpu.memory_space<hbm>>
    tpu.enqueue_dma source(%dma_start3A_28 : memref<80x64xf32, #tpu.memory_space<hbm>>) target(%dma_start3A_26 : memref<80x64xf32, #tpu.memory_space<vmem>>) target_semaphore(%arg12 : memref<!tpu.dma_semaphore, #tpu.memory_space<semaphore_mem>>)
    %broadcast_in_dim3A = arith.constant 0.000000e+00 : f32
    %broadcast_in_dim3A_29 = vector.broadcast %broadcast_in_dim3A : f32 to vector<16xf32>
    %scan3A = arith.constant 0 : i32
    %scan3A_30 = arith.constant 97 : i32
    %scan3A_31 = arith.addi %scan3A, %scan3A_30 : i32
    %scan3A_32 = arith.constant 1 : i32
    %scan3A_33:8 = scf.for %scan3A_113 = %scan3A to %scan3A_31 step %scan3A_32 iter_args(%scan3A_114 = %broadcast_in_dim3A_29, %scan3A_115 = %broadcast_in_dim3A_29, %scan3A_116 = %broadcast_in_dim3A_29, %scan3A_117 = %broadcast_in_dim3A_29, %scan3A_118 = %broadcast_in_dim3A_29, %scan3A_119 = %broadcast_in_dim3A_29, %scan3A_120 = %broadcast_in_dim3A_29, %scan3A_121 = %broadcast_in_dim3A_29) -> (vector<16xf32>, vector<16xf32>, vector<16xf32>, vector<16xf32>, vector<16xf32>, vector<16xf32>, vector<16xf32>, vector<16xf32>)  : i32 {
      %mul3A_122 = arith.constant 2 : i32
      %mul3A_123 = arith.muli %mul3A_122, %scan3A_113 : i32
      %dma_wait3A_124 = arith.constant 0 : i32
      %dma_wait3A_125 = arith.constant 0 : i32
      %dma_wait3A_126 = tpu.memref_slice %arg2[%dma_wait3A_124, %dma_wait3A_125] : memref<1000000x64xf32, #tpu.memory_space<hbm>> -> memref<160x64xf32, #tpu.memory_space<hbm>>
      %dma_wait3A_127 = arith.constant 0 : i32
      %dma_wait3A_128 = arith.constant 0 : i32
      %dma_wait3A_129 = tpu.memref_slice %arg2[%dma_wait3A_127, %dma_wait3A_128] : memref<1000000x64xf32, #tpu.memory_space<hbm>> -> memref<160x64xf32, #tpu.memory_space<hbm>>
      tpu.wait_dma2 semaphore(%arg12 : memref<!tpu.dma_semaphore, #tpu.memory_space<semaphore_mem>>) src(%dma_wait3A_129 : memref<160x64xf32, #tpu.memory_space<hbm>>) dst(%arg7 : memref<160x64xf32, #tpu.memory_space<vmem>>)
      %add3A_130 = arith.constant 1 : i32
      %add3A_131 = arith.addi %mul3A_123, %add3A_130 : i32
      %lt3A_132 = arith.constant 195 : i32
      %lt3A_133 = arith.cmpi slt, %add3A_131, %lt3A_132 : i32
      %convert_element_type3A_134 = arith.extui %lt3A_133 : i1 to i32
      %cond3A_135 = arith.constant 0 : i32
      %cond3A_136 = arith.cmpi ne, %convert_element_type3A_134, %cond3A_135 : i32
      scf.if %cond3A_136 {
        %add3A_195 = arith.constant 1 : i32
        %add3A_196 = arith.addi %mul3A_123, %add3A_195 : i32
        %mul3A_197 = arith.constant 32 : i32
        %mul3A_198 = arith.muli %mul3A_197, %add3A_196 : i32
        %add3A_199 = arith.addi %add3A, %mul3A_198 : i32
        %mul3A_200 = arith.constant 80 : i32
        %mul3A_201 = arith.muli %add3A_199, %mul3A_200 : i32
        %multiple_of3A_202 = tpu.assume_multiple %mul3A_201, 16 : i32
        %mul3A_203 = arith.constant 80 : i32
        %mul3A_204 = arith.muli %add3A_199, %mul3A_203 : i32
        %add3A_205 = arith.constant 500000 : i32
        %add3A_206 = arith.addi %add3A_205, %mul3A_204 : i32
        %multiple_of3A_207 = tpu.assume_multiple %add3A_206, 16 : i32
        %dma_start3A_208 = arith.constant 0 : i32
        %dma_start3A_209 = arith.constant 0 : i32
        %dma_start3A_210 = tpu.memref_slice %arg8[%dma_start3A_208, %dma_start3A_209] : memref<160x64xf32, #tpu.memory_space<vmem>> -> memref<80x64xf32, #tpu.memory_space<vmem>>
        %dma_start3A_211 = arith.constant 0 : i32
        %dma_start3A_212 = tpu.memref_slice %arg2[%multiple_of3A_202, %dma_start3A_211] : memref<1000000x64xf32, #tpu.memory_space<hbm>> -> memref<80x64xf32, #tpu.memory_space<hbm>>
        %dma_start3A_213 = arith.constant 0 : i32
        %dma_start3A_214 = arith.constant 0 : i32
        %dma_start3A_215 = tpu.memref_slice %arg8[%dma_start3A_213, %dma_start3A_214] : memref<160x64xf32, #tpu.memory_space<vmem>> -> memref<80x64xf32, #tpu.memory_space<vmem>>
        %dma_start3A_216 = arith.constant 0 : i32
        %dma_start3A_217 = tpu.memref_slice %arg2[%multiple_of3A_202, %dma_start3A_216] : memref<1000000x64xf32, #tpu.memory_space<hbm>> -> memref<80x64xf32, #tpu.memory_space<hbm>>
        tpu.enqueue_dma source(%dma_start3A_217 : memref<80x64xf32, #tpu.memory_space<hbm>>) target(%dma_start3A_215 : memref<80x64xf32, #tpu.memory_space<vmem>>) target_semaphore(%arg12 : memref<!tpu.dma_semaphore, #tpu.memory_space<semaphore_mem>>)
        %dma_start3A_218 = arith.constant 80 : i32
        %dma_start3A_219 = arith.constant 0 : i32
        %dma_start3A_220 = tpu.memref_slice %arg8[%dma_start3A_218, %dma_start3A_219] : memref<160x64xf32, #tpu.memory_space<vmem>> -> memref<80x64xf32, #tpu.memory_space<vmem>>
        %dma_start3A_221 = arith.constant 0 : i32
        %dma_start3A_222 = tpu.memref_slice %arg2[%multiple_of3A_207, %dma_start3A_221] : memref<1000000x64xf32, #tpu.memory_space<hbm>> -> memref<80x64xf32, #tpu.memory_space<hbm>>
        %dma_start3A_223 = arith.constant 80 : i32
        %dma_start3A_224 = arith.constant 0 : i32
        %dma_start3A_225 = tpu.memref_slice %arg8[%dma_start3A_223, %dma_start3A_224] : memref<160x64xf32, #tpu.memory_space<vmem>> -> memref<80x64xf32, #tpu.memory_space<vmem>>
        %dma_start3A_226 = arith.constant 0 : i32
        %dma_start3A_227 = tpu.memref_slice %arg2[%multiple_of3A_207, %dma_start3A_226] : memref<1000000x64xf32, #tpu.memory_space<hbm>> -> memref<80x64xf32, #tpu.memory_space<hbm>>
        tpu.enqueue_dma source(%dma_start3A_227 : memref<80x64xf32, #tpu.memory_space<hbm>>) target(%dma_start3A_225 : memref<80x64xf32, #tpu.memory_space<vmem>>) target_semaphore(%arg12 : memref<!tpu.dma_semaphore, #tpu.memory_space<semaphore_mem>>)
      } else {
      }
      %ge3A = arith.constant 2 : i32
      %ge3A_137 = arith.cmpi sge, %mul3A_123, %ge3A : i32
      %convert_element_type3A_138 = arith.extui %ge3A_137 : i1 to i32
      %cond3A_139 = arith.constant 0 : i32
      %cond3A_140 = arith.cmpi ne, %convert_element_type3A_138, %cond3A_139 : i32
      scf.if %cond3A_140 {
        %dma_wait3A_195 = arith.constant 0 : i32
        %dma_wait3A_196 = arith.constant 0 : i32
        %dma_wait3A_197 = tpu.memref_slice %arg4[%dma_wait3A_195, %dma_wait3A_196] : memref<500000x128xf32, #tpu.memory_space<hbm>> -> memref<80x128xf32, #tpu.memory_space<hbm>>
        %dma_wait3A_198 = arith.constant 0 : i32
        %dma_wait3A_199 = arith.constant 0 : i32
        %dma_wait3A_200 = tpu.memref_slice %arg4[%dma_wait3A_198, %dma_wait3A_199] : memref<500000x128xf32, #tpu.memory_space<hbm>> -> memref<80x128xf32, #tpu.memory_space<hbm>>
        tpu.wait_dma2 semaphore(%arg13 : memref<!tpu.dma_semaphore, #tpu.memory_space<semaphore_mem>>) src(%dma_wait3A_200 : memref<80x128xf32, #tpu.memory_space<hbm>>) dst(%arg9 : memref<80x128xf32, #tpu.memory_space<vmem>>)
      } else {
      }
      %scan3A_141 = arith.constant 0 : i32
      %scan3A_142 = arith.constant 80 : i32
      %scan3A_143 = arith.addi %scan3A_141, %scan3A_142 : i32
      %scan3A_144 = arith.constant 1 : i32
      %scan3A_145:8 = scf.for %scan3A_195 = %scan3A_141 to %scan3A_143 step %scan3A_144 iter_args(%scan3A_196 = %scan3A_114, %scan3A_197 = %scan3A_115, %scan3A_198 = %scan3A_116, %scan3A_199 = %scan3A_117, %scan3A_200 = %scan3A_118, %scan3A_201 = %scan3A_119, %scan3A_202 = %scan3A_120, %scan3A_203 = %scan3A_121) -> (vector<16xf32>, vector<16xf32>, vector<16xf32>, vector<16xf32>, vector<16xf32>, vector<16xf32>, vector<16xf32>, vector<16xf32>)  : i32 {
        %get3A = arith.index_cast %scan3A_195 : i32 to index
        %get3A_204 = arith.constant 0 : index
        %get3A_205 = tpu.vector_load %arg7[%get3A, %get3A_204] {strides = array<i32>} : memref<160x64xf32, #tpu.memory_space<vmem>>, vector<16xf32>,
        %get3A_206 = arith.index_cast %scan3A_195 : i32 to index
        %get3A_207 = arith.constant 16 : index
        %get3A_208 = tpu.vector_load %arg7[%get3A_206, %get3A_207] {strides = array<i32>} : memref<160x64xf32, #tpu.memory_space<vmem>>, vector<16xf32>,
        %get3A_209 = arith.index_cast %scan3A_195 : i32 to index
        %get3A_210 = arith.constant 32 : index
        %get3A_211 = tpu.vector_load %arg7[%get3A_209, %get3A_210] {strides = array<i32>} : memref<160x64xf32, #tpu.memory_space<vmem>>, vector<16xf32>,
        %get3A_212 = arith.index_cast %scan3A_195 : i32 to index
        %get3A_213 = arith.constant 48 : index
        %get3A_214 = tpu.vector_load %arg7[%get3A_212, %get3A_213] {strides = array<i32>} : memref<160x64xf32, #tpu.memory_space<vmem>>, vector<16xf32>,
        %add3A_215 = arith.constant 80 : i32
        %add3A_216 = arith.addi %add3A_215, %scan3A_195 : i32
        %get3A_217 = arith.index_cast %add3A_216 : i32 to index
        %get3A_218 = arith.constant 0 : index
        %get3A_219 = tpu.vector_load %arg7[%get3A_217, %get3A_218] {strides = array<i32>} : memref<160x64xf32, #tpu.memory_space<vmem>>, vector<16xf32>,
        %add3A_220 = arith.constant 80 : i32
        %add3A_221 = arith.addi %add3A_220, %scan3A_195 : i32
        %get3A_222 = arith.index_cast %add3A_221 : i32 to index
        %get3A_223 = arith.constant 16 : index
        %get3A_224 = tpu.vector_load %arg7[%get3A_222, %get3A_223] {strides = array<i32>} : memref<160x64xf32, #tpu.memory_space<vmem>>, vector<16xf32>,
        %add3A_225 = arith.constant 80 : i32
        %add3A_226 = arith.addi %add3A_225, %scan3A_195 : i32
        %get3A_227 = arith.index_cast %add3A_226 : i32 to index
        %get3A_228 = arith.constant 32 : index
        %get3A_229 = tpu.vector_load %arg7[%get3A_227, %get3A_228] {strides = array<i32>} : memref<160x64xf32, #tpu.memory_space<vmem>>, vector<16xf32>,
        %add3A_230 = arith.constant 80 : i32
        %add3A_231 = arith.addi %add3A_230, %scan3A_195 : i32
        %get3A_232 = arith.index_cast %add3A_231 : i32 to index
        %get3A_233 = arith.constant 48 : index
        %get3A_234 = tpu.vector_load %arg7[%get3A_232, %get3A_233] {strides = array<i32>} : memref<160x64xf32, #tpu.memory_space<vmem>>, vector<16xf32>,
        %swap3A_235 = arith.index_cast %scan3A_195 : i32 to index
        %swap3A_236 = arith.constant 0 : index
        %swap3A_237 = tpu.vector_load %arg9[%swap3A_235, %swap3A_236] {strides = array<i32>} : memref<80x128xf32, #tpu.memory_space<vmem>>, vector<16xf32>,
        tpu.vector_store %arg9[%swap3A_235, %swap3A_236], %get3A_205 {strides = array<i32>} : memref<80x128xf32, #tpu.memory_space<vmem>>, vector<16xf32>,
        %swap3A_238 = arith.index_cast %scan3A_195 : i32 to index
        %swap3A_239 = arith.constant 64 : index
        %swap3A_240 = tpu.vector_load %arg9[%swap3A_238, %swap3A_239] {strides = array<i32>} : memref<80x128xf32, #tpu.memory_space<vmem>>, vector<16xf32>,
        tpu.vector_store %arg9[%swap3A_238, %swap3A_239], %get3A_219 {strides = array<i32>} : memref<80x128xf32, #tpu.memory_space<vmem>>, vector<16xf32>,
        %swap3A_241 = arith.index_cast %scan3A_195 : i32 to index
        %swap3A_242 = arith.constant 16 : index
        %swap3A_243 = tpu.vector_load %arg9[%swap3A_241, %swap3A_242] {strides = array<i32>} : memref<80x128xf32, #tpu.memory_space<vmem>>, vector<16xf32>,
        tpu.vector_store %arg9[%swap3A_241, %swap3A_242], %get3A_208 {strides = array<i32>} : memref<80x128xf32, #tpu.memory_space<vmem>>, vector<16xf32>,
        %swap3A_244 = arith.index_cast %scan3A_195 : i32 to index
        %swap3A_245 = arith.constant 80 : index
        %swap3A_246 = tpu.vector_load %arg9[%swap3A_244, %swap3A_245] {strides = array<i32>} : memref<80x128xf32, #tpu.memory_space<vmem>>, vector<16xf32>,
        tpu.vector_store %arg9[%swap3A_244, %swap3A_245], %get3A_224 {strides = array<i32>} : memref<80x128xf32, #tpu.memory_space<vmem>>, vector<16xf32>,
        %swap3A_247 = arith.index_cast %scan3A_195 : i32 to index
        %swap3A_248 = arith.constant 32 : index
        %swap3A_249 = tpu.vector_load %arg9[%swap3A_247, %swap3A_248] {strides = array<i32>} : memref<80x128xf32, #tpu.memory_space<vmem>>, vector<16xf32>,
        tpu.vector_store %arg9[%swap3A_247, %swap3A_248], %get3A_211 {strides = array<i32>} : memref<80x128xf32, #tpu.memory_space<vmem>>, vector<16xf32>,
        %swap3A_250 = arith.index_cast %scan3A_195 : i32 to index
        %swap3A_251 = arith.constant 96 : index
        %swap3A_252 = tpu.vector_load %arg9[%swap3A_250, %swap3A_251] {strides = array<i32>} : memref<80x128xf32, #tpu.memory_space<vmem>>, vector<16xf32>,
        tpu.vector_store %arg9[%swap3A_250, %swap3A_251], %get3A_229 {strides = array<i32>} : memref<80x128xf32, #tpu.memory_space<vmem>>, vector<16xf32>,
        %swap3A_253 = arith.index_cast %scan3A_195 : i32 to index
        %swap3A_254 = arith.constant 48 : index
        %swap3A_255 = tpu.vector_load %arg9[%swap3A_253, %swap3A_254] {strides = array<i32>} : memref<80x128xf32, #tpu.memory_space<vmem>>, vector<16xf32>,
        tpu.vector_store %arg9[%swap3A_253, %swap3A_254], %get3A_214 {strides = array<i32>} : memref<80x128xf32, #tpu.memory_space<vmem>>, vector<16xf32>,
        %swap3A_256 = arith.index_cast %scan3A_195 : i32 to index
        %swap3A_257 = arith.constant 112 : index
        %swap3A_258 = tpu.vector_load %arg9[%swap3A_256, %swap3A_257] {strides = array<i32>} : memref<80x128xf32, #tpu.memory_space<vmem>>, vector<16xf32>,
        tpu.vector_store %arg9[%swap3A_256, %swap3A_257], %get3A_234 {strides = array<i32>} : memref<80x128xf32, #tpu.memory_space<vmem>>, vector<16xf32>,
        %mul3A_259 = arith.mulf %get3A_205, %get3A_205 : vector<16xf32>
        %add3A_260 = arith.addf %scan3A_196, %mul3A_259 : vector<16xf32>
        %mul3A_261 = arith.mulf %get3A_208, %get3A_208 : vector<16xf32>
        %add3A_262 = arith.addf %scan3A_197, %mul3A_261 : vector<16xf32>
        %mul3A_263 = arith.mulf %get3A_211, %get3A_211 : vector<16xf32>
        %add3A_264 = arith.addf %scan3A_198, %mul3A_263 : vector<16xf32>
        %mul3A_265 = arith.mulf %get3A_214, %get3A_214 : vector<16xf32>
        %add3A_266 = arith.addf %scan3A_199, %mul3A_265 : vector<16xf32>
        %mul3A_267 = arith.mulf %get3A_219, %get3A_219 : vector<16xf32>
        %add3A_268 = arith.addf %scan3A_200, %mul3A_267 : vector<16xf32>
        %mul3A_269 = arith.mulf %get3A_224, %get3A_224 : vector<16xf32>
        %add3A_270 = arith.addf %scan3A_201, %mul3A_269 : vector<16xf32>
        %mul3A_271 = arith.mulf %get3A_229, %get3A_229 : vector<16xf32>
        %add3A_272 = arith.addf %scan3A_202, %mul3A_271 : vector<16xf32>
        %mul3A_273 = arith.mulf %get3A_234, %get3A_234 : vector<16xf32>
        %add3A_274 = arith.addf %scan3A_203, %mul3A_273 : vector<16xf32>
        scf.yield %add3A_260, %add3A_262, %add3A_264, %add3A_266, %add3A_268, %add3A_270, %add3A_272, %add3A_274 : vector<16xf32>, vector<16xf32>, vector<16xf32>, vector<16xf32>, vector<16xf32>, vector<16xf32>, vector<16xf32>, vector<16xf32>
      }
      %scan3A_146 = arith.constant 80 : i32
      %mul3A_147 = arith.constant 32 : i32
      %mul3A_148 = arith.muli %mul3A_147, %mul3A_123 : i32
      %add3A_149 = arith.addi %add3A, %mul3A_148 : i32
      %mul3A_150 = arith.constant 80 : i32
      %mul3A_151 = arith.muli %add3A_149, %mul3A_150 : i32
      %multiple_of3A_152 = tpu.assume_multiple %mul3A_151, 16 : i32
      %dma_start3A_153 = arith.constant 0 : i32
      %dma_start3A_154 = tpu.memref_slice %arg4[%multiple_of3A_152, %dma_start3A_153] : memref<500000x128xf32, #tpu.memory_space<hbm>> -> memref<80x128xf32, #tpu.memory_space<hbm>>
      %dma_start3A_155 = arith.constant 0 : i32
      %dma_start3A_156 = tpu.memref_slice %arg4[%multiple_of3A_152, %dma_start3A_155] : memref<500000x128xf32, #tpu.memory_space<hbm>> -> memref<80x128xf32, #tpu.memory_space<hbm>>
      tpu.enqueue_dma source(%arg9 : memref<80x128xf32, #tpu.memory_space<vmem>>) target(%dma_start3A_156 : memref<80x128xf32, #tpu.memory_space<hbm>>) target_semaphore(%arg13 : memref<!tpu.dma_semaphore, #tpu.memory_space<semaphore_mem>>)
      %mul3A_157 = arith.constant 2 : i32
      %mul3A_158 = arith.muli %mul3A_157, %scan3A_113 : i32
      %add3A_159 = arith.constant 1 : i32
      %add3A_160 = arith.addi %mul3A_158, %add3A_159 : i32
      %dma_wait3A_161 = arith.constant 0 : i32
      %dma_wait3A_162 = arith.constant 0 : i32
      %dma_wait3A_163 = tpu.memref_slice %arg2[%dma_wait3A_161, %dma_wait3A_162] : memref<1000000x64xf32, #tpu.memory_space<hbm>> -> memref<160x64xf32, #tpu.memory_space<hbm>>
      %dma_wait3A_164 = arith.constant 0 : i32
      %dma_wait3A_165 = arith.constant 0 : i32
      %dma_wait3A_166 = tpu.memref_slice %arg2[%dma_wait3A_164, %dma_wait3A_165] : memref<1000000x64xf32, #tpu.memory_space<hbm>> -> memref<160x64xf32, #tpu.memory_space<hbm>>
      tpu.wait_dma2 semaphore(%arg12 : memref<!tpu.dma_semaphore, #tpu.memory_space<semaphore_mem>>) src(%dma_wait3A_166 : memref<160x64xf32, #tpu.memory_space<hbm>>) dst(%arg8 : memref<160x64xf32, #tpu.memory_space<vmem>>)
      %add3A_167 = arith.constant 1 : i32
      %add3A_168 = arith.addi %add3A_160, %add3A_167 : i32
      %lt3A_169 = arith.constant 195 : i32
      %lt3A_170 = arith.cmpi slt, %add3A_168, %lt3A_169 : i32
      %convert_element_type3A_171 = arith.extui %lt3A_170 : i1 to i32
      %cond3A_172 = arith.constant 0 : i32
      %cond3A_173 = arith.cmpi ne, %convert_element_type3A_171, %cond3A_172 : i32
      scf.if %cond3A_173 {
        %add3A_195 = arith.constant 1 : i32
        %add3A_196 = arith.addi %add3A_160, %add3A_195 : i32
        %mul3A_197 = arith.constant 32 : i32
        %mul3A_198 = arith.muli %mul3A_197, %add3A_196 : i32
        %add3A_199 = arith.addi %add3A, %mul3A_198 : i32
        %mul3A_200 = arith.constant 80 : i32
        %mul3A_201 = arith.muli %add3A_199, %mul3A_200 : i32
        %multiple_of3A_202 = tpu.assume_multiple %mul3A_201, 16 : i32
        %mul3A_203 = arith.constant 80 : i32
        %mul3A_204 = arith.muli %add3A_199, %mul3A_203 : i32
        %add3A_205 = arith.constant 500000 : i32
        %add3A_206 = arith.addi %add3A_205, %mul3A_204 : i32
        %multiple_of3A_207 = tpu.assume_multiple %add3A_206, 16 : i32
        %dma_start3A_208 = arith.constant 0 : i32
        %dma_start3A_209 = arith.constant 0 : i32
        %dma_start3A_210 = tpu.memref_slice %arg7[%dma_start3A_208, %dma_start3A_209] : memref<160x64xf32, #tpu.memory_space<vmem>> -> memref<80x64xf32, #tpu.memory_space<vmem>>
        %dma_start3A_211 = arith.constant 0 : i32
        %dma_start3A_212 = tpu.memref_slice %arg2[%multiple_of3A_202, %dma_start3A_211] : memref<1000000x64xf32, #tpu.memory_space<hbm>> -> memref<80x64xf32, #tpu.memory_space<hbm>>
        %dma_start3A_213 = arith.constant 0 : i32
        %dma_start3A_214 = arith.constant 0 : i32
        %dma_start3A_215 = tpu.memref_slice %arg7[%dma_start3A_213, %dma_start3A_214] : memref<160x64xf32, #tpu.memory_space<vmem>> -> memref<80x64xf32, #tpu.memory_space<vmem>>
        %dma_start3A_216 = arith.constant 0 : i32
        %dma_start3A_217 = tpu.memref_slice %arg2[%multiple_of3A_202, %dma_start3A_216] : memref<1000000x64xf32, #tpu.memory_space<hbm>> -> memref<80x64xf32, #tpu.memory_space<hbm>>
        tpu.enqueue_dma source(%dma_start3A_217 : memref<80x64xf32, #tpu.memory_space<hbm>>) target(%dma_start3A_215 : memref<80x64xf32, #tpu.memory_space<vmem>>) target_semaphore(%arg12 : memref<!tpu.dma_semaphore, #tpu.memory_space<semaphore_mem>>)
        %dma_start3A_218 = arith.constant 80 : i32
        %dma_start3A_219 = arith.constant 0 : i32
        %dma_start3A_220 = tpu.memref_slice %arg7[%dma_start3A_218, %dma_start3A_219] : memref<160x64xf32, #tpu.memory_space<vmem>> -> memref<80x64xf32, #tpu.memory_space<vmem>>
        %dma_start3A_221 = arith.constant 0 : i32
        %dma_start3A_222 = tpu.memref_slice %arg2[%multiple_of3A_207, %dma_start3A_221] : memref<1000000x64xf32, #tpu.memory_space<hbm>> -> memref<80x64xf32, #tpu.memory_space<hbm>>
        %dma_start3A_223 = arith.constant 80 : i32
        %dma_start3A_224 = arith.constant 0 : i32
        %dma_start3A_225 = tpu.memref_slice %arg7[%dma_start3A_223, %dma_start3A_224] : memref<160x64xf32, #tpu.memory_space<vmem>> -> memref<80x64xf32, #tpu.memory_space<vmem>>
        %dma_start3A_226 = arith.constant 0 : i32
        %dma_start3A_227 = tpu.memref_slice %arg2[%multiple_of3A_207, %dma_start3A_226] : memref<1000000x64xf32, #tpu.memory_space<hbm>> -> memref<80x64xf32, #tpu.memory_space<hbm>>
        tpu.enqueue_dma source(%dma_start3A_227 : memref<80x64xf32, #tpu.memory_space<hbm>>) target(%dma_start3A_225 : memref<80x64xf32, #tpu.memory_space<vmem>>) target_semaphore(%arg12 : memref<!tpu.dma_semaphore, #tpu.memory_space<semaphore_mem>>)
      } else {
      }
      %ge3A_174 = arith.constant 2 : i32
      %ge3A_175 = arith.cmpi sge, %add3A_160, %ge3A_174 : i32
      %convert_element_type3A_176 = arith.extui %ge3A_175 : i1 to i32
      %cond3A_177 = arith.constant 0 : i32
      %cond3A_178 = arith.cmpi ne, %convert_element_type3A_176, %cond3A_177 : i32
      scf.if %cond3A_178 {
        %dma_wait3A_195 = arith.constant 0 : i32
        %dma_wait3A_196 = arith.constant 0 : i32
        %dma_wait3A_197 = tpu.memref_slice %arg4[%dma_wait3A_195, %dma_wait3A_196] : memref<500000x128xf32, #tpu.memory_space<hbm>> -> memref<80x128xf32, #tpu.memory_space<hbm>>
        %dma_wait3A_198 = arith.constant 0 : i32
        %dma_wait3A_199 = arith.constant 0 : i32
        %dma_wait3A_200 = tpu.memref_slice %arg4[%dma_wait3A_198, %dma_wait3A_199] : memref<500000x128xf32, #tpu.memory_space<hbm>> -> memref<80x128xf32, #tpu.memory_space<hbm>>
        tpu.wait_dma2 semaphore(%arg13 : memref<!tpu.dma_semaphore, #tpu.memory_space<semaphore_mem>>) src(%dma_wait3A_200 : memref<80x128xf32, #tpu.memory_space<hbm>>) dst(%arg10 : memref<80x128xf32, #tpu.memory_space<vmem>>)
      } else {
      }
      %scan3A_179 = arith.constant 0 : i32
      %scan3A_180 = arith.constant 80 : i32
      %scan3A_181 = arith.addi %scan3A_179, %scan3A_180 : i32
      %scan3A_182 = arith.constant 1 : i32
      %scan3A_183:8 = scf.for %scan3A_195 = %scan3A_179 to %scan3A_181 step %scan3A_182 iter_args(%scan3A_196 = %scan3A_145#0, %scan3A_197 = %scan3A_145#1, %scan3A_198 = %scan3A_145#2, %scan3A_199 = %scan3A_145#3, %scan3A_200 = %scan3A_145#4, %scan3A_201 = %scan3A_145#5, %scan3A_202 = %scan3A_145#6, %scan3A_203 = %scan3A_145#7) -> (vector<16xf32>, vector<16xf32>, vector<16xf32>, vector<16xf32>, vector<16xf32>, vector<16xf32>, vector<16xf32>, vector<16xf32>)  : i32 {
        %get3A = arith.index_cast %scan3A_195 : i32 to index
        %get3A_204 = arith.constant 0 : index
        %get3A_205 = tpu.vector_load %arg8[%get3A, %get3A_204] {strides = array<i32>} : memref<160x64xf32, #tpu.memory_space<vmem>>, vector<16xf32>,
        %get3A_206 = arith.index_cast %scan3A_195 : i32 to index
        %get3A_207 = arith.constant 16 : index
        %get3A_208 = tpu.vector_load %arg8[%get3A_206, %get3A_207] {strides = array<i32>} : memref<160x64xf32, #tpu.memory_space<vmem>>, vector<16xf32>,
        %get3A_209 = arith.index_cast %scan3A_195 : i32 to index
        %get3A_210 = arith.constant 32 : index
        %get3A_211 = tpu.vector_load %arg8[%get3A_209, %get3A_210] {strides = array<i32>} : memref<160x64xf32, #tpu.memory_space<vmem>>, vector<16xf32>,
        %get3A_212 = arith.index_cast %scan3A_195 : i32 to index
        %get3A_213 = arith.constant 48 : index
        %get3A_214 = tpu.vector_load %arg8[%get3A_212, %get3A_213] {strides = array<i32>} : memref<160x64xf32, #tpu.memory_space<vmem>>, vector<16xf32>,
        %add3A_215 = arith.constant 80 : i32
        %add3A_216 = arith.addi %add3A_215, %scan3A_195 : i32
        %get3A_217 = arith.index_cast %add3A_216 : i32 to index
        %get3A_218 = arith.constant 0 : index
        %get3A_219 = tpu.vector_load %arg8[%get3A_217, %get3A_218] {strides = array<i32>} : memref<160x64xf32, #tpu.memory_space<vmem>>, vector<16xf32>,
        %add3A_220 = arith.constant 80 : i32
        %add3A_221 = arith.addi %add3A_220, %scan3A_195 : i32
        %get3A_222 = arith.index_cast %add3A_221 : i32 to index
        %get3A_223 = arith.constant 16 : index
        %get3A_224 = tpu.vector_load %arg8[%get3A_222, %get3A_223] {strides = array<i32>} : memref<160x64xf32, #tpu.memory_space<vmem>>, vector<16xf32>,
        %add3A_225 = arith.constant 80 : i32
        %add3A_226 = arith.addi %add3A_225, %scan3A_195 : i32
        %get3A_227 = arith.index_cast %add3A_226 : i32 to index
        %get3A_228 = arith.constant 32 : index
        %get3A_229 = tpu.vector_load %arg8[%get3A_227, %get3A_228] {strides = array<i32>} : memref<160x64xf32, #tpu.memory_space<vmem>>, vector<16xf32>,
        %add3A_230 = arith.constant 80 : i32
        %add3A_231 = arith.addi %add3A_230, %scan3A_195 : i32
        %get3A_232 = arith.index_cast %add3A_231 : i32 to index
        %get3A_233 = arith.constant 48 : index
        %get3A_234 = tpu.vector_load %arg8[%get3A_232, %get3A_233] {strides = array<i32>} : memref<160x64xf32, #tpu.memory_space<vmem>>, vector<16xf32>,
        %swap3A_235 = arith.index_cast %scan3A_195 : i32 to index
        %swap3A_236 = arith.constant 0 : index
        %swap3A_237 = tpu.vector_load %arg10[%swap3A_235, %swap3A_236] {strides = array<i32>} : memref<80x128xf32, #tpu.memory_space<vmem>>, vector<16xf32>,
        tpu.vector_store %arg10[%swap3A_235, %swap3A_236], %get3A_205 {strides = array<i32>} : memref<80x128xf32, #tpu.memory_space<vmem>>, vector<16xf32>,
        %swap3A_238 = arith.index_cast %scan3A_195 : i32 to index
        %swap3A_239 = arith.constant 64 : index
        %swap3A_240 = tpu.vector_load %arg10[%swap3A_238, %swap3A_239] {strides = array<i32>} : memref<80x128xf32, #tpu.memory_space<vmem>>, vector<16xf32>,
        tpu.vector_store %arg10[%swap3A_238, %swap3A_239], %get3A_219 {strides = array<i32>} : memref<80x128xf32, #tpu.memory_space<vmem>>, vector<16xf32>,
        %swap3A_241 = arith.index_cast %scan3A_195 : i32 to index
        %swap3A_242 = arith.constant 16 : index
        %swap3A_243 = tpu.vector_load %arg10[%swap3A_241, %swap3A_242] {strides = array<i32>} : memref<80x128xf32, #tpu.memory_space<vmem>>, vector<16xf32>,
        tpu.vector_store %arg10[%swap3A_241, %swap3A_242], %get3A_208 {strides = array<i32>} : memref<80x128xf32, #tpu.memory_space<vmem>>, vector<16xf32>,
        %swap3A_244 = arith.index_cast %scan3A_195 : i32 to index
        %swap3A_245 = arith.constant 80 : index
        %swap3A_246 = tpu.vector_load %arg10[%swap3A_244, %swap3A_245] {strides = array<i32>} : memref<80x128xf32, #tpu.memory_space<vmem>>, vector<16xf32>,
        tpu.vector_store %arg10[%swap3A_244, %swap3A_245], %get3A_224 {strides = array<i32>} : memref<80x128xf32, #tpu.memory_space<vmem>>, vector<16xf32>,
        %swap3A_247 = arith.index_cast %scan3A_195 : i32 to index
        %swap3A_248 = arith.constant 32 : index
        %swap3A_249 = tpu.vector_load %arg10[%swap3A_247, %swap3A_248] {strides = array<i32>} : memref<80x128xf32, #tpu.memory_space<vmem>>, vector<16xf32>,
        tpu.vector_store %arg10[%swap3A_247, %swap3A_248], %get3A_211 {strides = array<i32>} : memref<80x128xf32, #tpu.memory_space<vmem>>, vector<16xf32>,
        %swap3A_250 = arith.index_cast %scan3A_195 : i32 to index
        %swap3A_251 = arith.constant 96 : index
        %swap3A_252 = tpu.vector_load %arg10[%swap3A_250, %swap3A_251] {strides = array<i32>} : memref<80x128xf32, #tpu.memory_space<vmem>>, vector<16xf32>,
        tpu.vector_store %arg10[%swap3A_250, %swap3A_251], %get3A_229 {strides = array<i32>} : memref<80x128xf32, #tpu.memory_space<vmem>>, vector<16xf32>,
        %swap3A_253 = arith.index_cast %scan3A_195 : i32 to index
        %swap3A_254 = arith.constant 48 : index
        %swap3A_255 = tpu.vector_load %arg10[%swap3A_253, %swap3A_254] {strides = array<i32>} : memref<80x128xf32, #tpu.memory_space<vmem>>, vector<16xf32>,
        tpu.vector_store %arg10[%swap3A_253, %swap3A_254], %get3A_214 {strides = array<i32>} : memref<80x128xf32, #tpu.memory_space<vmem>>, vector<16xf32>,
        %swap3A_256 = arith.index_cast %scan3A_195 : i32 to index
        %swap3A_257 = arith.constant 112 : index
        %swap3A_258 = tpu.vector_load %arg10[%swap3A_256, %swap3A_257] {strides = array<i32>} : memref<80x128xf32, #tpu.memory_space<vmem>>, vector<16xf32>,
        tpu.vector_store %arg10[%swap3A_256, %swap3A_257], %get3A_234 {strides = array<i32>} : memref<80x128xf32, #tpu.memory_space<vmem>>, vector<16xf32>,
        %mul3A_259 = arith.mulf %get3A_205, %get3A_205 : vector<16xf32>
        %add3A_260 = arith.addf %scan3A_196, %mul3A_259 : vector<16xf32>
        %mul3A_261 = arith.mulf %get3A_208, %get3A_208 : vector<16xf32>
        %add3A_262 = arith.addf %scan3A_197, %mul3A_261 : vector<16xf32>
        %mul3A_263 = arith.mulf %get3A_211, %get3A_211 : vector<16xf32>
        %add3A_264 = arith.addf %scan3A_198, %mul3A_263 : vector<16xf32>
        %mul3A_265 = arith.mulf %get3A_214, %get3A_214 : vector<16xf32>
        %add3A_266 = arith.addf %scan3A_199, %mul3A_265 : vector<16xf32>
        %mul3A_267 = arith.mulf %get3A_219, %get3A_219 : vector<16xf32>
        %add3A_268 = arith.addf %scan3A_200, %mul3A_267 : vector<16xf32>
        %mul3A_269 = arith.mulf %get3A_224, %get3A_224 : vector<16xf32>
        %add3A_270 = arith.addf %scan3A_201, %mul3A_269 : vector<16xf32>
        %mul3A_271 = arith.mulf %get3A_229, %get3A_229 : vector<16xf32>
        %add3A_272 = arith.addf %scan3A_202, %mul3A_271 : vector<16xf32>
        %mul3A_273 = arith.mulf %get3A_234, %get3A_234 : vector<16xf32>
        %add3A_274 = arith.addf %scan3A_203, %mul3A_273 : vector<16xf32>
        scf.yield %add3A_260, %add3A_262, %add3A_264, %add3A_266, %add3A_268, %add3A_270, %add3A_272, %add3A_274 : vector<16xf32>, vector<16xf32>, vector<16xf32>, vector<16xf32>, vector<16xf32>, vector<16xf32>, vector<16xf32>, vector<16xf32>
      }
      %scan3A_184 = arith.constant 80 : i32
      %mul3A_185 = arith.constant 32 : i32
      %mul3A_186 = arith.muli %mul3A_185, %add3A_160 : i32
      %add3A_187 = arith.addi %add3A, %mul3A_186 : i32
      %mul3A_188 = arith.constant 80 : i32
      %mul3A_189 = arith.muli %add3A_187, %mul3A_188 : i32
      %multiple_of3A_190 = tpu.assume_multiple %mul3A_189, 16 : i32
      %dma_start3A_191 = arith.constant 0 : i32
      %dma_start3A_192 = tpu.memref_slice %arg4[%multiple_of3A_190, %dma_start3A_191] : memref<500000x128xf32, #tpu.memory_space<hbm>> -> memref<80x128xf32, #tpu.memory_space<hbm>>
      %dma_start3A_193 = arith.constant 0 : i32
      %dma_start3A_194 = tpu.memref_slice %arg4[%multiple_of3A_190, %dma_start3A_193] : memref<500000x128xf32, #tpu.memory_space<hbm>> -> memref<80x128xf32, #tpu.memory_space<hbm>>
      tpu.enqueue_dma source(%arg10 : memref<80x128xf32, #tpu.memory_space<vmem>>) target(%dma_start3A_194 : memref<80x128xf32, #tpu.memory_space<hbm>>) target_semaphore(%arg13 : memref<!tpu.dma_semaphore, #tpu.memory_space<semaphore_mem>>)
      scf.yield %scan3A_183#0, %scan3A_183#1, %scan3A_183#2, %scan3A_183#3, %scan3A_183#4, %scan3A_183#5, %scan3A_183#6, %scan3A_183#7 : vector<16xf32>, vector<16xf32>, vector<16xf32>, vector<16xf32>, vector<16xf32>, vector<16xf32>, vector<16xf32>, vector<16xf32>
    }
    %scan3A_34 = arith.constant 97 : i32
    %dma_wait3A = arith.constant 0 : i32
    %dma_wait3A_35 = arith.constant 0 : i32
    %dma_wait3A_36 = tpu.memref_slice %arg2[%dma_wait3A, %dma_wait3A_35] : memref<1000000x64xf32, #tpu.memory_space<hbm>> -> memref<160x64xf32, #tpu.memory_space<hbm>>
    %dma_wait3A_37 = arith.constant 0 : i32
    %dma_wait3A_38 = arith.constant 0 : i32
    %dma_wait3A_39 = tpu.memref_slice %arg2[%dma_wait3A_37, %dma_wait3A_38] : memref<1000000x64xf32, #tpu.memory_space<hbm>> -> memref<160x64xf32, #tpu.memory_space<hbm>>
    tpu.wait_dma2 semaphore(%arg12 : memref<!tpu.dma_semaphore, #tpu.memory_space<semaphore_mem>>) src(%dma_wait3A_39 : memref<160x64xf32, #tpu.memory_space<hbm>>) dst(%arg7 : memref<160x64xf32, #tpu.memory_space<vmem>>)
    %lt3A = arith.constant 10 : i32
    %lt3A_40 = arith.cmpi slt, %add3A, %lt3A : i32
    %convert_element_type3A = arith.extui %lt3A_40 : i1 to i32
    %cond3A = arith.constant 0 : i32
    %cond3A_41 = arith.cmpi ne, %convert_element_type3A, %cond3A : i32
    scf.if %cond3A_41 {
      %add3A_113 = arith.constant 6240 : i32
      %add3A_114 = arith.addi %add3A_113, %add3A : i32
      %mul3A_115 = arith.constant 80 : i32
      %mul3A_116 = arith.muli %add3A_114, %mul3A_115 : i32
      %multiple_of3A_117 = tpu.assume_multiple %mul3A_116, 16 : i32
      %mul3A_118 = arith.constant 80 : i32
      %mul3A_119 = arith.muli %add3A_114, %mul3A_118 : i32
      %add3A_120 = arith.constant 500000 : i32
      %add3A_121 = arith.addi %add3A_120, %mul3A_119 : i32
      %multiple_of3A_122 = tpu.assume_multiple %add3A_121, 16 : i32
      %dma_start3A_123 = arith.constant 0 : i32
      %dma_start3A_124 = arith.constant 0 : i32
      %dma_start3A_125 = tpu.memref_slice %arg8[%dma_start3A_123, %dma_start3A_124] : memref<160x64xf32, #tpu.memory_space<vmem>> -> memref<80x64xf32, #tpu.memory_space<vmem>>
      %dma_start3A_126 = arith.constant 0 : i32
      %dma_start3A_127 = tpu.memref_slice %arg2[%multiple_of3A_117, %dma_start3A_126] : memref<1000000x64xf32, #tpu.memory_space<hbm>> -> memref<80x64xf32, #tpu.memory_space<hbm>>
      %dma_start3A_128 = arith.constant 0 : i32
      %dma_start3A_129 = arith.constant 0 : i32
      %dma_start3A_130 = tpu.memref_slice %arg8[%dma_start3A_128, %dma_start3A_129] : memref<160x64xf32, #tpu.memory_space<vmem>> -> memref<80x64xf32, #tpu.memory_space<vmem>>
      %dma_start3A_131 = arith.constant 0 : i32
      %dma_start3A_132 = tpu.memref_slice %arg2[%multiple_of3A_117, %dma_start3A_131] : memref<1000000x64xf32, #tpu.memory_space<hbm>> -> memref<80x64xf32, #tpu.memory_space<hbm>>
      tpu.enqueue_dma source(%dma_start3A_132 : memref<80x64xf32, #tpu.memory_space<hbm>>) target(%dma_start3A_130 : memref<80x64xf32, #tpu.memory_space<vmem>>) target_semaphore(%arg12 : memref<!tpu.dma_semaphore, #tpu.memory_space<semaphore_mem>>)
      %dma_start3A_133 = arith.constant 80 : i32
      %dma_start3A_134 = arith.constant 0 : i32
      %dma_start3A_135 = tpu.memref_slice %arg8[%dma_start3A_133, %dma_start3A_134] : memref<160x64xf32, #tpu.memory_space<vmem>> -> memref<80x64xf32, #tpu.memory_space<vmem>>
      %dma_start3A_136 = arith.constant 0 : i32
      %dma_start3A_137 = tpu.memref_slice %arg2[%multiple_of3A_122, %dma_start3A_136] : memref<1000000x64xf32, #tpu.memory_space<hbm>> -> memref<80x64xf32, #tpu.memory_space<hbm>>
      %dma_start3A_138 = arith.constant 80 : i32
      %dma_start3A_139 = arith.constant 0 : i32
      %dma_start3A_140 = tpu.memref_slice %arg8[%dma_start3A_138, %dma_start3A_139] : memref<160x64xf32, #tpu.memory_space<vmem>> -> memref<80x64xf32, #tpu.memory_space<vmem>>
      %dma_start3A_141 = arith.constant 0 : i32
      %dma_start3A_142 = tpu.memref_slice %arg2[%multiple_of3A_122, %dma_start3A_141] : memref<1000000x64xf32, #tpu.memory_space<hbm>> -> memref<80x64xf32, #tpu.memory_space<hbm>>
      tpu.enqueue_dma source(%dma_start3A_142 : memref<80x64xf32, #tpu.memory_space<hbm>>) target(%dma_start3A_140 : memref<80x64xf32, #tpu.memory_space<vmem>>) target_semaphore(%arg12 : memref<!tpu.dma_semaphore, #tpu.memory_space<semaphore_mem>>)
    } else {
    }
    %dma_wait3A_42 = arith.constant 0 : i32
    %dma_wait3A_43 = arith.constant 0 : i32
    %dma_wait3A_44 = tpu.memref_slice %arg4[%dma_wait3A_42, %dma_wait3A_43] : memref<500000x128xf32, #tpu.memory_space<hbm>> -> memref<80x128xf32, #tpu.memory_space<hbm>>
    %dma_wait3A_45 = arith.constant 0 : i32
    %dma_wait3A_46 = arith.constant 0 : i32
    %dma_wait3A_47 = tpu.memref_slice %arg4[%dma_wait3A_45, %dma_wait3A_46] : memref<500000x128xf32, #tpu.memory_space<hbm>> -> memref<80x128xf32, #tpu.memory_space<hbm>>
    tpu.wait_dma2 semaphore(%arg13 : memref<!tpu.dma_semaphore, #tpu.memory_space<semaphore_mem>>) src(%dma_wait3A_47 : memref<80x128xf32, #tpu.memory_space<hbm>>) dst(%arg9 : memref<80x128xf32, #tpu.memory_space<vmem>>)
    %scan3A_48 = arith.constant 0 : i32
    %scan3A_49 = arith.constant 80 : i32
    %scan3A_50 = arith.addi %scan3A_48, %scan3A_49 : i32
    %scan3A_51 = arith.constant 1 : i32
    %scan3A_52:8 = scf.for %scan3A_113 = %scan3A_48 to %scan3A_50 step %scan3A_51 iter_args(%scan3A_114 = %scan3A_33#0, %scan3A_115 = %scan3A_33#1, %scan3A_116 = %scan3A_33#2, %scan3A_117 = %scan3A_33#3, %scan3A_118 = %scan3A_33#4, %scan3A_119 = %scan3A_33#5, %scan3A_120 = %scan3A_33#6, %scan3A_121 = %scan3A_33#7) -> (vector<16xf32>, vector<16xf32>, vector<16xf32>, vector<16xf32>, vector<16xf32>, vector<16xf32>, vector<16xf32>, vector<16xf32>)  : i32 {
      %get3A = arith.index_cast %scan3A_113 : i32 to index
      %get3A_122 = arith.constant 0 : index
      %get3A_123 = tpu.vector_load %arg7[%get3A, %get3A_122] {strides = array<i32>} : memref<160x64xf32, #tpu.memory_space<vmem>>, vector<16xf32>,
      %get3A_124 = arith.index_cast %scan3A_113 : i32 to index
      %get3A_125 = arith.constant 16 : index
      %get3A_126 = tpu.vector_load %arg7[%get3A_124, %get3A_125] {strides = array<i32>} : memref<160x64xf32, #tpu.memory_space<vmem>>, vector<16xf32>,
      %get3A_127 = arith.index_cast %scan3A_113 : i32 to index
      %get3A_128 = arith.constant 32 : index
      %get3A_129 = tpu.vector_load %arg7[%get3A_127, %get3A_128] {strides = array<i32>} : memref<160x64xf32, #tpu.memory_space<vmem>>, vector<16xf32>,
      %get3A_130 = arith.index_cast %scan3A_113 : i32 to index
      %get3A_131 = arith.constant 48 : index
      %get3A_132 = tpu.vector_load %arg7[%get3A_130, %get3A_131] {strides = array<i32>} : memref<160x64xf32, #tpu.memory_space<vmem>>, vector<16xf32>,
      %add3A_133 = arith.constant 80 : i32
      %add3A_134 = arith.addi %add3A_133, %scan3A_113 : i32
      %get3A_135 = arith.index_cast %add3A_134 : i32 to index
      %get3A_136 = arith.constant 0 : index
      %get3A_137 = tpu.vector_load %arg7[%get3A_135, %get3A_136] {strides = array<i32>} : memref<160x64xf32, #tpu.memory_space<vmem>>, vector<16xf32>,
      %add3A_138 = arith.constant 80 : i32
      %add3A_139 = arith.addi %add3A_138, %scan3A_113 : i32
      %get3A_140 = arith.index_cast %add3A_139 : i32 to index
      %get3A_141 = arith.constant 16 : index
      %get3A_142 = tpu.vector_load %arg7[%get3A_140, %get3A_141] {strides = array<i32>} : memref<160x64xf32, #tpu.memory_space<vmem>>, vector<16xf32>,
      %add3A_143 = arith.constant 80 : i32
      %add3A_144 = arith.addi %add3A_143, %scan3A_113 : i32
      %get3A_145 = arith.index_cast %add3A_144 : i32 to index
      %get3A_146 = arith.constant 32 : index
      %get3A_147 = tpu.vector_load %arg7[%get3A_145, %get3A_146] {strides = array<i32>} : memref<160x64xf32, #tpu.memory_space<vmem>>, vector<16xf32>,
      %add3A_148 = arith.constant 80 : i32
      %add3A_149 = arith.addi %add3A_148, %scan3A_113 : i32
      %get3A_150 = arith.index_cast %add3A_149 : i32 to index
      %get3A_151 = arith.constant 48 : index
      %get3A_152 = tpu.vector_load %arg7[%get3A_150, %get3A_151] {strides = array<i32>} : memref<160x64xf32, #tpu.memory_space<vmem>>, vector<16xf32>,
      %swap3A_153 = arith.index_cast %scan3A_113 : i32 to index
      %swap3A_154 = arith.constant 0 : index
      %swap3A_155 = tpu.vector_load %arg9[%swap3A_153, %swap3A_154] {strides = array<i32>} : memref<80x128xf32, #tpu.memory_space<vmem>>, vector<16xf32>,
      tpu.vector_store %arg9[%swap3A_153, %swap3A_154], %get3A_123 {strides = array<i32>} : memref<80x128xf32, #tpu.memory_space<vmem>>, vector<16xf32>,
      %swap3A_156 = arith.index_cast %scan3A_113 : i32 to index
      %swap3A_157 = arith.constant 64 : index
      %swap3A_158 = tpu.vector_load %arg9[%swap3A_156, %swap3A_157] {strides = array<i32>} : memref<80x128xf32, #tpu.memory_space<vmem>>, vector<16xf32>,
      tpu.vector_store %arg9[%swap3A_156, %swap3A_157], %get3A_137 {strides = array<i32>} : memref<80x128xf32, #tpu.memory_space<vmem>>, vector<16xf32>,
      %swap3A_159 = arith.index_cast %scan3A_113 : i32 to index
      %swap3A_160 = arith.constant 16 : index
      %swap3A_161 = tpu.vector_load %arg9[%swap3A_159, %swap3A_160] {strides = array<i32>} : memref<80x128xf32, #tpu.memory_space<vmem>>, vector<16xf32>,
      tpu.vector_store %arg9[%swap3A_159, %swap3A_160], %get3A_126 {strides = array<i32>} : memref<80x128xf32, #tpu.memory_space<vmem>>, vector<16xf32>,
      %swap3A_162 = arith.index_cast %scan3A_113 : i32 to index
      %swap3A_163 = arith.constant 80 : index
      %swap3A_164 = tpu.vector_load %arg9[%swap3A_162, %swap3A_163] {strides = array<i32>} : memref<80x128xf32, #tpu.memory_space<vmem>>, vector<16xf32>,
      tpu.vector_store %arg9[%swap3A_162, %swap3A_163], %get3A_142 {strides = array<i32>} : memref<80x128xf32, #tpu.memory_space<vmem>>, vector<16xf32>,
      %swap3A_165 = arith.index_cast %scan3A_113 : i32 to index
      %swap3A_166 = arith.constant 32 : index
      %swap3A_167 = tpu.vector_load %arg9[%swap3A_165, %swap3A_166] {strides = array<i32>} : memref<80x128xf32, #tpu.memory_space<vmem>>, vector<16xf32>,
      tpu.vector_store %arg9[%swap3A_165, %swap3A_166], %get3A_129 {strides = array<i32>} : memref<80x128xf32, #tpu.memory_space<vmem>>, vector<16xf32>,
      %swap3A_168 = arith.index_cast %scan3A_113 : i32 to index
      %swap3A_169 = arith.constant 96 : index
      %swap3A_170 = tpu.vector_load %arg9[%swap3A_168, %swap3A_169] {strides = array<i32>} : memref<80x128xf32, #tpu.memory_space<vmem>>, vector<16xf32>,
      tpu.vector_store %arg9[%swap3A_168, %swap3A_169], %get3A_147 {strides = array<i32>} : memref<80x128xf32, #tpu.memory_space<vmem>>, vector<16xf32>,
      %swap3A_171 = arith.index_cast %scan3A_113 : i32 to index
      %swap3A_172 = arith.constant 48 : index
      %swap3A_173 = tpu.vector_load %arg9[%swap3A_171, %swap3A_172] {strides = array<i32>} : memref<80x128xf32, #tpu.memory_space<vmem>>, vector<16xf32>,
      tpu.vector_store %arg9[%swap3A_171, %swap3A_172], %get3A_132 {strides = array<i32>} : memref<80x128xf32, #tpu.memory_space<vmem>>, vector<16xf32>,
      %swap3A_174 = arith.index_cast %scan3A_113 : i32 to index
      %swap3A_175 = arith.constant 112 : index
      %swap3A_176 = tpu.vector_load %arg9[%swap3A_174, %swap3A_175] {strides = array<i32>} : memref<80x128xf32, #tpu.memory_space<vmem>>, vector<16xf32>,
      tpu.vector_store %arg9[%swap3A_174, %swap3A_175], %get3A_152 {strides = array<i32>} : memref<80x128xf32, #tpu.memory_space<vmem>>, vector<16xf32>,
      %mul3A_177 = arith.mulf %get3A_123, %get3A_123 : vector<16xf32>
      %add3A_178 = arith.addf %scan3A_114, %mul3A_177 : vector<16xf32>
      %mul3A_179 = arith.mulf %get3A_126, %get3A_126 : vector<16xf32>
      %add3A_180 = arith.addf %scan3A_115, %mul3A_179 : vector<16xf32>
      %mul3A_181 = arith.mulf %get3A_129, %get3A_129 : vector<16xf32>
      %add3A_182 = arith.addf %scan3A_116, %mul3A_181 : vector<16xf32>
      %mul3A_183 = arith.mulf %get3A_132, %get3A_132 : vector<16xf32>
      %add3A_184 = arith.addf %scan3A_117, %mul3A_183 : vector<16xf32>
      %mul3A_185 = arith.mulf %get3A_137, %get3A_137 : vector<16xf32>
      %add3A_186 = arith.addf %scan3A_118, %mul3A_185 : vector<16xf32>
      %mul3A_187 = arith.mulf %get3A_142, %get3A_142 : vector<16xf32>
      %add3A_188 = arith.addf %scan3A_119, %mul3A_187 : vector<16xf32>
      %mul3A_189 = arith.mulf %get3A_147, %get3A_147 : vector<16xf32>
      %add3A_190 = arith.addf %scan3A_120, %mul3A_189 : vector<16xf32>
      %mul3A_191 = arith.mulf %get3A_152, %get3A_152 : vector<16xf32>
      %add3A_192 = arith.addf %scan3A_121, %mul3A_191 : vector<16xf32>
      scf.yield %add3A_178, %add3A_180, %add3A_182, %add3A_184, %add3A_186, %add3A_188, %add3A_190, %add3A_192 : vector<16xf32>, vector<16xf32>, vector<16xf32>, vector<16xf32>, vector<16xf32>, vector<16xf32>, vector<16xf32>, vector<16xf32>
    }
    %scan3A_53 = arith.constant 80 : i32
    %add3A_54 = arith.constant 6208 : i32
    %add3A_55 = arith.addi %add3A, %add3A_54 : i32
    %mul3A_56 = arith.constant 80 : i32
    %mul3A_57 = arith.muli %add3A_55, %mul3A_56 : i32
    %multiple_of3A_58 = tpu.assume_multiple %mul3A_57, 16 : i32
    %dma_start3A_59 = arith.constant 0 : i32
    %dma_start3A_60 = tpu.memref_slice %arg4[%multiple_of3A_58, %dma_start3A_59] : memref<500000x128xf32, #tpu.memory_space<hbm>> -> memref<80x128xf32, #tpu.memory_space<hbm>>
    %dma_start3A_61 = arith.constant 0 : i32
    %dma_start3A_62 = tpu.memref_slice %arg4[%multiple_of3A_58, %dma_start3A_61] : memref<500000x128xf32, #tpu.memory_space<hbm>> -> memref<80x128xf32, #tpu.memory_space<hbm>>
    tpu.enqueue_dma source(%arg9 : memref<80x128xf32, #tpu.memory_space<vmem>>) target(%dma_start3A_62 : memref<80x128xf32, #tpu.memory_space<hbm>>) target_semaphore(%arg13 : memref<!tpu.dma_semaphore, #tpu.memory_space<semaphore_mem>>)
    %lt3A_63 = arith.constant 10 : i32
    %lt3A_64 = arith.cmpi slt, %add3A, %lt3A_63 : i32
    %convert_element_type3A_65 = arith.extui %lt3A_64 : i1 to i32
    %cond3A_66 = arith.constant 0 : i32
    %cond3A_67 = arith.cmpi ne, %convert_element_type3A_65, %cond3A_66 : i32
    scf.if %cond3A_67 {
      %dma_wait3A_113 = arith.constant 0 : i32
      %dma_wait3A_114 = arith.constant 0 : i32
      %dma_wait3A_115 = tpu.memref_slice %arg2[%dma_wait3A_113, %dma_wait3A_114] : memref<1000000x64xf32, #tpu.memory_space<hbm>> -> memref<160x64xf32, #tpu.memory_space<hbm>>
      %dma_wait3A_116 = arith.constant 0 : i32
      %dma_wait3A_117 = arith.constant 0 : i32
      %dma_wait3A_118 = tpu.memref_slice %arg2[%dma_wait3A_116, %dma_wait3A_117] : memref<1000000x64xf32, #tpu.memory_space<hbm>> -> memref<160x64xf32, #tpu.memory_space<hbm>>
      tpu.wait_dma2 semaphore(%arg12 : memref<!tpu.dma_semaphore, #tpu.memory_space<semaphore_mem>>) src(%dma_wait3A_118 : memref<160x64xf32, #tpu.memory_space<hbm>>) dst(%arg8 : memref<160x64xf32, #tpu.memory_space<vmem>>)
    } else {
    }
    %dma_wait3A_68 = arith.constant 0 : i32
    %dma_wait3A_69 = arith.constant 0 : i32
    %dma_wait3A_70 = tpu.memref_slice %arg4[%dma_wait3A_68, %dma_wait3A_69] : memref<500000x128xf32, #tpu.memory_space<hbm>> -> memref<80x128xf32, #tpu.memory_space<hbm>>
    %dma_wait3A_71 = arith.constant 0 : i32
    %dma_wait3A_72 = arith.constant 0 : i32
    %dma_wait3A_73 = tpu.memref_slice %arg4[%dma_wait3A_71, %dma_wait3A_72] : memref<500000x128xf32, #tpu.memory_space<hbm>> -> memref<80x128xf32, #tpu.memory_space<hbm>>
    tpu.wait_dma2 semaphore(%arg13 : memref<!tpu.dma_semaphore, #tpu.memory_space<semaphore_mem>>) src(%dma_wait3A_73 : memref<80x128xf32, #tpu.memory_space<hbm>>) dst(%arg10 : memref<80x128xf32, #tpu.memory_space<vmem>>)
    %scan3A_74 = arith.constant 0 : i32
    %scan3A_75 = arith.constant 80 : i32
    %scan3A_76 = arith.addi %scan3A_74, %scan3A_75 : i32
    %scan3A_77 = arith.constant 1 : i32
    %scan3A_78:8 = scf.for %scan3A_113 = %scan3A_74 to %scan3A_76 step %scan3A_77 iter_args(%scan3A_114 = %scan3A_52#0, %scan3A_115 = %scan3A_52#1, %scan3A_116 = %scan3A_52#2, %scan3A_117 = %scan3A_52#3, %scan3A_118 = %scan3A_52#4, %scan3A_119 = %scan3A_52#5, %scan3A_120 = %scan3A_52#6, %scan3A_121 = %scan3A_52#7) -> (vector<16xf32>, vector<16xf32>, vector<16xf32>, vector<16xf32>, vector<16xf32>, vector<16xf32>, vector<16xf32>, vector<16xf32>)  : i32 {
      %get3A = arith.index_cast %scan3A_113 : i32 to index
      %get3A_122 = arith.constant 0 : index
      %get3A_123 = tpu.vector_load %arg8[%get3A, %get3A_122] {strides = array<i32>} : memref<160x64xf32, #tpu.memory_space<vmem>>, vector<16xf32>,
      %get3A_124 = arith.index_cast %scan3A_113 : i32 to index
      %get3A_125 = arith.constant 16 : index
      %get3A_126 = tpu.vector_load %arg8[%get3A_124, %get3A_125] {strides = array<i32>} : memref<160x64xf32, #tpu.memory_space<vmem>>, vector<16xf32>,
      %get3A_127 = arith.index_cast %scan3A_113 : i32 to index
      %get3A_128 = arith.constant 32 : index
      %get3A_129 = tpu.vector_load %arg8[%get3A_127, %get3A_128] {strides = array<i32>} : memref<160x64xf32, #tpu.memory_space<vmem>>, vector<16xf32>,
      %get3A_130 = arith.index_cast %scan3A_113 : i32 to index
      %get3A_131 = arith.constant 48 : index
      %get3A_132 = tpu.vector_load %arg8[%get3A_130, %get3A_131] {strides = array<i32>} : memref<160x64xf32, #tpu.memory_space<vmem>>, vector<16xf32>,
      %add3A_133 = arith.constant 80 : i32
      %add3A_134 = arith.addi %add3A_133, %scan3A_113 : i32
      %get3A_135 = arith.index_cast %add3A_134 : i32 to index
      %get3A_136 = arith.constant 0 : index
      %get3A_137 = tpu.vector_load %arg8[%get3A_135, %get3A_136] {strides = array<i32>} : memref<160x64xf32, #tpu.memory_space<vmem>>, vector<16xf32>,
      %add3A_138 = arith.constant 80 : i32
      %add3A_139 = arith.addi %add3A_138, %scan3A_113 : i32
      %get3A_140 = arith.index_cast %add3A_139 : i32 to index
      %get3A_141 = arith.constant 16 : index
      %get3A_142 = tpu.vector_load %arg8[%get3A_140, %get3A_141] {strides = array<i32>} : memref<160x64xf32, #tpu.memory_space<vmem>>, vector<16xf32>,
      %add3A_143 = arith.constant 80 : i32
      %add3A_144 = arith.addi %add3A_143, %scan3A_113 : i32
      %get3A_145 = arith.index_cast %add3A_144 : i32 to index
      %get3A_146 = arith.constant 32 : index
      %get3A_147 = tpu.vector_load %arg8[%get3A_145, %get3A_146] {strides = array<i32>} : memref<160x64xf32, #tpu.memory_space<vmem>>, vector<16xf32>,
      %add3A_148 = arith.constant 80 : i32
      %add3A_149 = arith.addi %add3A_148, %scan3A_113 : i32
      %get3A_150 = arith.index_cast %add3A_149 : i32 to index
      %get3A_151 = arith.constant 48 : index
      %get3A_152 = tpu.vector_load %arg8[%get3A_150, %get3A_151] {strides = array<i32>} : memref<160x64xf32, #tpu.memory_space<vmem>>, vector<16xf32>,
      %swap3A_153 = arith.index_cast %scan3A_113 : i32 to index
      %swap3A_154 = arith.constant 0 : index
      %swap3A_155 = tpu.vector_load %arg10[%swap3A_153, %swap3A_154] {strides = array<i32>} : memref<80x128xf32, #tpu.memory_space<vmem>>, vector<16xf32>,
      tpu.vector_store %arg10[%swap3A_153, %swap3A_154], %get3A_123 {strides = array<i32>} : memref<80x128xf32, #tpu.memory_space<vmem>>, vector<16xf32>,
      %swap3A_156 = arith.index_cast %scan3A_113 : i32 to index
      %swap3A_157 = arith.constant 64 : index
      %swap3A_158 = tpu.vector_load %arg10[%swap3A_156, %swap3A_157] {strides = array<i32>} : memref<80x128xf32, #tpu.memory_space<vmem>>, vector<16xf32>,
      tpu.vector_store %arg10[%swap3A_156, %swap3A_157], %get3A_137 {strides = array<i32>} : memref<80x128xf32, #tpu.memory_space<vmem>>, vector<16xf32>,
      %swap3A_159 = arith.index_cast %scan3A_113 : i32 to index
      %swap3A_160 = arith.constant 16 : index
      %swap3A_161 = tpu.vector_load %arg10[%swap3A_159, %swap3A_160] {strides = array<i32>} : memref<80x128xf32, #tpu.memory_space<vmem>>, vector<16xf32>,
      tpu.vector_store %arg10[%swap3A_159, %swap3A_160], %get3A_126 {strides = array<i32>} : memref<80x128xf32, #tpu.memory_space<vmem>>, vector<16xf32>,
      %swap3A_162 = arith.index_cast %scan3A_113 : i32 to index
      %swap3A_163 = arith.constant 80 : index
      %swap3A_164 = tpu.vector_load %arg10[%swap3A_162, %swap3A_163] {strides = array<i32>} : memref<80x128xf32, #tpu.memory_space<vmem>>, vector<16xf32>,
      tpu.vector_store %arg10[%swap3A_162, %swap3A_163], %get3A_142 {strides = array<i32>} : memref<80x128xf32, #tpu.memory_space<vmem>>, vector<16xf32>,
      %swap3A_165 = arith.index_cast %scan3A_113 : i32 to index
      %swap3A_166 = arith.constant 32 : index
      %swap3A_167 = tpu.vector_load %arg10[%swap3A_165, %swap3A_166] {strides = array<i32>} : memref<80x128xf32, #tpu.memory_space<vmem>>, vector<16xf32>,
      tpu.vector_store %arg10[%swap3A_165, %swap3A_166], %get3A_129 {strides = array<i32>} : memref<80x128xf32, #tpu.memory_space<vmem>>, vector<16xf32>,
      %swap3A_168 = arith.index_cast %scan3A_113 : i32 to index
      %swap3A_169 = arith.constant 96 : index
      %swap3A_170 = tpu.vector_load %arg10[%swap3A_168, %swap3A_169] {strides = array<i32>} : memref<80x128xf32, #tpu.memory_space<vmem>>, vector<16xf32>,
      tpu.vector_store %arg10[%swap3A_168, %swap3A_169], %get3A_147 {strides = array<i32>} : memref<80x128xf32, #tpu.memory_space<vmem>>, vector<16xf32>,
      %swap3A_171 = arith.index_cast %scan3A_113 : i32 to index
      %swap3A_172 = arith.constant 48 : index
      %swap3A_173 = tpu.vector_load %arg10[%swap3A_171, %swap3A_172] {strides = array<i32>} : memref<80x128xf32, #tpu.memory_space<vmem>>, vector<16xf32>,
      tpu.vector_store %arg10[%swap3A_171, %swap3A_172], %get3A_132 {strides = array<i32>} : memref<80x128xf32, #tpu.memory_space<vmem>>, vector<16xf32>,
      %swap3A_174 = arith.index_cast %scan3A_113 : i32 to index
      %swap3A_175 = arith.constant 112 : index
      %swap3A_176 = tpu.vector_load %arg10[%swap3A_174, %swap3A_175] {strides = array<i32>} : memref<80x128xf32, #tpu.memory_space<vmem>>, vector<16xf32>,
      tpu.vector_store %arg10[%swap3A_174, %swap3A_175], %get3A_152 {strides = array<i32>} : memref<80x128xf32, #tpu.memory_space<vmem>>, vector<16xf32>,
      %mul3A_177 = arith.mulf %get3A_123, %get3A_123 : vector<16xf32>
      %add3A_178 = arith.addf %scan3A_114, %mul3A_177 : vector<16xf32>
      %mul3A_179 = arith.mulf %get3A_126, %get3A_126 : vector<16xf32>
      %add3A_180 = arith.addf %scan3A_115, %mul3A_179 : vector<16xf32>
      %mul3A_181 = arith.mulf %get3A_129, %get3A_129 : vector<16xf32>
      %add3A_182 = arith.addf %scan3A_116, %mul3A_181 : vector<16xf32>
      %mul3A_183 = arith.mulf %get3A_132, %get3A_132 : vector<16xf32>
      %add3A_184 = arith.addf %scan3A_117, %mul3A_183 : vector<16xf32>
      %mul3A_185 = arith.mulf %get3A_137, %get3A_137 : vector<16xf32>
      %add3A_186 = arith.addf %scan3A_118, %mul3A_185 : vector<16xf32>
      %mul3A_187 = arith.mulf %get3A_142, %get3A_142 : vector<16xf32>
      %add3A_188 = arith.addf %scan3A_119, %mul3A_187 : vector<16xf32>
      %mul3A_189 = arith.mulf %get3A_147, %get3A_147 : vector<16xf32>
      %add3A_190 = arith.addf %scan3A_120, %mul3A_189 : vector<16xf32>
      %mul3A_191 = arith.mulf %get3A_152, %get3A_152 : vector<16xf32>
      %add3A_192 = arith.addf %scan3A_121, %mul3A_191 : vector<16xf32>
      scf.yield %add3A_178, %add3A_180, %add3A_182, %add3A_184, %add3A_186, %add3A_188, %add3A_190, %add3A_192 : vector<16xf32>, vector<16xf32>, vector<16xf32>, vector<16xf32>, vector<16xf32>, vector<16xf32>, vector<16xf32>, vector<16xf32>
    }
    %scan3A_79 = arith.constant 80 : i32
    %select_n3A = arith.select %lt3A_64, %scan3A_78#0, %scan3A_52#0 : vector<16xf32>
    %select_n3A_80 = arith.select %lt3A_64, %scan3A_78#1, %scan3A_52#1 : vector<16xf32>
    %select_n3A_81 = arith.select %lt3A_64, %scan3A_78#2, %scan3A_52#2 : vector<16xf32>
    %select_n3A_82 = arith.select %lt3A_64, %scan3A_78#3, %scan3A_52#3 : vector<16xf32>
    %select_n3A_83 = arith.select %lt3A_64, %scan3A_78#4, %scan3A_52#4 : vector<16xf32>
    %select_n3A_84 = arith.select %lt3A_64, %scan3A_78#5, %scan3A_52#5 : vector<16xf32>
    %select_n3A_85 = arith.select %lt3A_64, %scan3A_78#6, %scan3A_52#6 : vector<16xf32>
    %select_n3A_86 = arith.select %lt3A_64, %scan3A_78#7, %scan3A_52#7 : vector<16xf32>
    %convert_element_type3A_87 = arith.extui %lt3A_64 : i1 to i32
    %cond3A_88 = arith.constant 0 : i32
    %cond3A_89 = arith.cmpi ne, %convert_element_type3A_87, %cond3A_88 : i32
    scf.if %cond3A_89 {
      %add3A_113 = arith.constant 6240 : i32
      %add3A_114 = arith.addi %add3A_113, %add3A : i32
      %mul3A_115 = arith.constant 80 : i32
      %mul3A_116 = arith.muli %add3A_114, %mul3A_115 : i32
      %multiple_of3A_117 = tpu.assume_multiple %mul3A_116, 16 : i32
      %dma_start3A_118 = arith.constant 0 : i32
      %dma_start3A_119 = tpu.memref_slice %arg4[%multiple_of3A_117, %dma_start3A_118] : memref<500000x128xf32, #tpu.memory_space<hbm>> -> memref<80x128xf32, #tpu.memory_space<hbm>>
      %dma_start3A_120 = arith.constant 0 : i32
      %dma_start3A_121 = tpu.memref_slice %arg4[%multiple_of3A_117, %dma_start3A_120] : memref<500000x128xf32, #tpu.memory_space<hbm>> -> memref<80x128xf32, #tpu.memory_space<hbm>>
      tpu.enqueue_dma source(%arg10 : memref<80x128xf32, #tpu.memory_space<vmem>>) target(%dma_start3A_121 : memref<80x128xf32, #tpu.memory_space<hbm>>) target_semaphore(%arg13 : memref<!tpu.dma_semaphore, #tpu.memory_space<semaphore_mem>>)
    } else {
    }
    %eq3A = arith.constant 31 : i32
    %eq3A_90 = arith.cmpi eq, %add3A, %eq3A : i32
    %convert_element_type3A_91 = arith.extui %eq3A_90 : i1 to i32
    %cond3A_92 = arith.constant 0 : i32
    %cond3A_93 = arith.cmpi ne, %convert_element_type3A_91, %cond3A_92 : i32
    scf.if %cond3A_93 {
      %dma_start3A_113 = arith.constant 0 : i32
      %dma_start3A_114 = arith.constant 0 : i32
      %dma_start3A_115 = tpu.memref_slice %arg7[%dma_start3A_113, %dma_start3A_114] : memref<160x64xf32, #tpu.memory_space<vmem>> -> memref<80x64xf32, #tpu.memory_space<vmem>>
      %dma_start3A_116 = arith.constant 0 : i32
      %dma_start3A_117 = arith.constant 0 : i32
      %dma_start3A_118 = tpu.memref_slice %arg3[%dma_start3A_116, %dma_start3A_117] : memref<1000x64xf32, #tpu.memory_space<hbm>> -> memref<80x64xf32, #tpu.memory_space<hbm>>
      %dma_start3A_119 = arith.constant 0 : i32
      %dma_start3A_120 = arith.constant 0 : i32
      %dma_start3A_121 = tpu.memref_slice %arg7[%dma_start3A_119, %dma_start3A_120] : memref<160x64xf32, #tpu.memory_space<vmem>> -> memref<80x64xf32, #tpu.memory_space<vmem>>
      %dma_start3A_122 = arith.constant 0 : i32
      %dma_start3A_123 = arith.constant 0 : i32
      %dma_start3A_124 = tpu.memref_slice %arg3[%dma_start3A_122, %dma_start3A_123] : memref<1000x64xf32, #tpu.memory_space<hbm>> -> memref<80x64xf32, #tpu.memory_space<hbm>>
      tpu.enqueue_dma source(%dma_start3A_124 : memref<80x64xf32, #tpu.memory_space<hbm>>) target(%dma_start3A_121 : memref<80x64xf32, #tpu.memory_space<vmem>>) target_semaphore(%arg12 : memref<!tpu.dma_semaphore, #tpu.memory_space<semaphore_mem>>)
      %dma_start3A_125 = arith.constant 0 : i32
      %dma_start3A_126 = arith.constant 0 : i32
      %dma_start3A_127 = tpu.memref_slice %arg8[%dma_start3A_125, %dma_start3A_126] : memref<160x64xf32, #tpu.memory_space<vmem>> -> memref<88x64xf32, #tpu.memory_space<vmem>>
      %dma_start3A_128 = arith.constant 496 : i32
      %dma_start3A_129 = arith.constant 0 : i32
      %dma_start3A_130 = tpu.memref_slice %arg3[%dma_start3A_128, %dma_start3A_129] : memref<1000x64xf32, #tpu.memory_space<hbm>> -> memref<88x64xf32, #tpu.memory_space<hbm>>
      %dma_start3A_131 = arith.constant 0 : i32
      %dma_start3A_132 = arith.constant 0 : i32
      %dma_start3A_133 = tpu.memref_slice %arg8[%dma_start3A_131, %dma_start3A_132] : memref<160x64xf32, #tpu.memory_space<vmem>> -> memref<88x64xf32, #tpu.memory_space<vmem>>
      %dma_start3A_134 = arith.constant 496 : i32
      %dma_start3A_135 = arith.constant 0 : i32
      %dma_start3A_136 = tpu.memref_slice %arg3[%dma_start3A_134, %dma_start3A_135] : memref<1000x64xf32, #tpu.memory_space<hbm>> -> memref<88x64xf32, #tpu.memory_space<hbm>>
      tpu.enqueue_dma source(%dma_start3A_136 : memref<88x64xf32, #tpu.memory_space<hbm>>) target(%dma_start3A_133 : memref<88x64xf32, #tpu.memory_space<vmem>>) target_semaphore(%arg12 : memref<!tpu.dma_semaphore, #tpu.memory_space<semaphore_mem>>)
      %dma_wait3A_137 = arith.constant 0 : i32
      %dma_wait3A_138 = arith.constant 0 : i32
      %dma_wait3A_139 = tpu.memref_slice %arg7[%dma_wait3A_137, %dma_wait3A_138] : memref<160x64xf32, #tpu.memory_space<vmem>> -> memref<80x64xf32, #tpu.memory_space<vmem>>
      %dma_wait3A_140 = arith.constant 0 : i32
      %dma_wait3A_141 = arith.constant 0 : i32
      %dma_wait3A_142 = tpu.memref_slice %arg3[%dma_wait3A_140, %dma_wait3A_141] : memref<1000x64xf32, #tpu.memory_space<hbm>> -> memref<80x64xf32, #tpu.memory_space<hbm>>
      %dma_wait3A_143 = arith.constant 0 : i32
      %dma_wait3A_144 = arith.constant 0 : i32
      %dma_wait3A_145 = tpu.memref_slice %arg7[%dma_wait3A_143, %dma_wait3A_144] : memref<160x64xf32, #tpu.memory_space<vmem>> -> memref<80x64xf32, #tpu.memory_space<vmem>>
      %dma_wait3A_146 = arith.constant 0 : i32
      %dma_wait3A_147 = arith.constant 0 : i32
      %dma_wait3A_148 = tpu.memref_slice %arg3[%dma_wait3A_146, %dma_wait3A_147] : memref<1000x64xf32, #tpu.memory_space<hbm>> -> memref<80x64xf32, #tpu.memory_space<hbm>>
      tpu.wait_dma2 semaphore(%arg12 : memref<!tpu.dma_semaphore, #tpu.memory_space<semaphore_mem>>) src(%dma_wait3A_148 : memref<80x64xf32, #tpu.memory_space<hbm>>) dst(%dma_wait3A_145 : memref<80x64xf32, #tpu.memory_space<vmem>>)
      %dma_wait3A_149 = arith.constant 0 : i32
      %dma_wait3A_150 = arith.constant 0 : i32
      %dma_wait3A_151 = tpu.memref_slice %arg8[%dma_wait3A_149, %dma_wait3A_150] : memref<160x64xf32, #tpu.memory_space<vmem>> -> memref<88x64xf32, #tpu.memory_space<vmem>>
      %dma_wait3A_152 = arith.constant 0 : i32
      %dma_wait3A_153 = arith.constant 0 : i32
      %dma_wait3A_154 = tpu.memref_slice %arg3[%dma_wait3A_152, %dma_wait3A_153] : memref<1000x64xf32, #tpu.memory_space<hbm>> -> memref<88x64xf32, #tpu.memory_space<hbm>>
      %dma_wait3A_155 = arith.constant 0 : i32
      %dma_wait3A_156 = arith.constant 0 : i32
      %dma_wait3A_157 = tpu.memref_slice %arg8[%dma_wait3A_155, %dma_wait3A_156] : memref<160x64xf32, #tpu.memory_space<vmem>> -> memref<88x64xf32, #tpu.memory_space<vmem>>
      %dma_wait3A_158 = arith.constant 0 : i32
      %dma_wait3A_159 = arith.constant 0 : i32
      %dma_wait3A_160 = tpu.memref_slice %arg3[%dma_wait3A_158, %dma_wait3A_159] : memref<1000x64xf32, #tpu.memory_space<hbm>> -> memref<88x64xf32, #tpu.memory_space<hbm>>
      tpu.wait_dma2 semaphore(%arg12 : memref<!tpu.dma_semaphore, #tpu.memory_space<semaphore_mem>>) src(%dma_wait3A_160 : memref<88x64xf32, #tpu.memory_space<hbm>>) dst(%dma_wait3A_157 : memref<88x64xf32, #tpu.memory_space<vmem>>)
      %scan3A_161 = arith.constant 0 : i32
      %scan3A_162 = arith.constant 0 : i32
      %scan3A_163 = arith.constant 80 : i32
      %scan3A_164 = arith.addi %scan3A_162, %scan3A_163 : i32
      %scan3A_165 = arith.constant 1 : i32
      scf.for %scan3A_491 = %scan3A_162 to %scan3A_164 step %scan3A_165  : i32 {
        %get3A = arith.index_cast %scan3A_491 : i32 to index
        %get3A_492 = arith.constant 0 : index
        %get3A_493 = tpu.vector_load %arg7[%get3A, %get3A_492] {strides = array<i32>} : memref<160x64xf32, #tpu.memory_space<vmem>>, vector<16xf32>,
        %swap3A_494 = arith.index_cast %scan3A_491 : i32 to index
        %swap3A_495 = arith.constant 0 : index
        %swap3A_496 = tpu.vector_load %arg9[%swap3A_494, %swap3A_495] {strides = array<i32>} : memref<80x128xf32, #tpu.memory_space<vmem>>, vector<16xf32>,
        tpu.vector_store %arg9[%swap3A_494, %swap3A_495], %get3A_493 {strides = array<i32>} : memref<80x128xf32, #tpu.memory_space<vmem>>, vector<16xf32>,
        %add3A_497 = arith.constant 4 : i32
        %add3A_498 = arith.addi %add3A_497, %scan3A_491 : i32
        %get3A_499 = arith.index_cast %add3A_498 : i32 to index
        %get3A_500 = arith.constant 0 : index
        %get3A_501 = tpu.vector_load %arg8[%get3A_499, %get3A_500] {strides = array<i32>} : memref<160x64xf32, #tpu.memory_space<vmem>>, vector<16xf32>,
        %swap3A_502 = arith.index_cast %scan3A_491 : i32 to index
        %swap3A_503 = arith.constant 64 : index
        %swap3A_504 = tpu.vector_load %arg9[%swap3A_502, %swap3A_503] {strides = array<i32>} : memref<80x128xf32, #tpu.memory_space<vmem>>, vector<16xf32>,
        tpu.vector_store %arg9[%swap3A_502, %swap3A_503], %get3A_501 {strides = array<i32>} : memref<80x128xf32, #tpu.memory_space<vmem>>, vector<16xf32>,
        %get3A_505 = arith.index_cast %scan3A_491 : i32 to index
        %get3A_506 = arith.constant 16 : index
        %get3A_507 = tpu.vector_load %arg7[%get3A_505, %get3A_506] {strides = array<i32>} : memref<160x64xf32, #tpu.memory_space<vmem>>, vector<16xf32>,
        %swap3A_508 = arith.index_cast %scan3A_491 : i32 to index
        %swap3A_509 = arith.constant 16 : index
        %swap3A_510 = tpu.vector_load %arg9[%swap3A_508, %swap3A_509] {strides = array<i32>} : memref<80x128xf32, #tpu.memory_space<vmem>>, vector<16xf32>,
        tpu.vector_store %arg9[%swap3A_508, %swap3A_509], %get3A_507 {strides = array<i32>} : memref<80x128xf32, #tpu.memory_space<vmem>>, vector<16xf32>,
        %add3A_511 = arith.constant 4 : i32
        %add3A_512 = arith.addi %add3A_511, %scan3A_491 : i32
        %get3A_513 = arith.index_cast %add3A_512 : i32 to index
        %get3A_514 = arith.constant 16 : index
        %get3A_515 = tpu.vector_load %arg8[%get3A_513, %get3A_514] {strides = array<i32>} : memref<160x64xf32, #tpu.memory_space<vmem>>, vector<16xf32>,
        %swap3A_516 = arith.index_cast %scan3A_491 : i32 to index
        %swap3A_517 = arith.constant 80 : index
        %swap3A_518 = tpu.vector_load %arg9[%swap3A_516, %swap3A_517] {strides = array<i32>} : memref<80x128xf32, #tpu.memory_space<vmem>>, vector<16xf32>,
        tpu.vector_store %arg9[%swap3A_516, %swap3A_517], %get3A_515 {strides = array<i32>} : memref<80x128xf32, #tpu.memory_space<vmem>>, vector<16xf32>,
        %get3A_519 = arith.index_cast %scan3A_491 : i32 to index
        %get3A_520 = arith.constant 32 : index
        %get3A_521 = tpu.vector_load %arg7[%get3A_519, %get3A_520] {strides = array<i32>} : memref<160x64xf32, #tpu.memory_space<vmem>>, vector<16xf32>,
        %swap3A_522 = arith.index_cast %scan3A_491 : i32 to index
        %swap3A_523 = arith.constant 32 : index
        %swap3A_524 = tpu.vector_load %arg9[%swap3A_522, %swap3A_523] {strides = array<i32>} : memref<80x128xf32, #tpu.memory_space<vmem>>, vector<16xf32>,
        tpu.vector_store %arg9[%swap3A_522, %swap3A_523], %get3A_521 {strides = array<i32>} : memref<80x128xf32, #tpu.memory_space<vmem>>, vector<16xf32>,
        %add3A_525 = arith.constant 4 : i32
        %add3A_526 = arith.addi %add3A_525, %scan3A_491 : i32
        %get3A_527 = arith.index_cast %add3A_526 : i32 to index
        %get3A_528 = arith.constant 32 : index
        %get3A_529 = tpu.vector_load %arg8[%get3A_527, %get3A_528] {strides = array<i32>} : memref<160x64xf32, #tpu.memory_space<vmem>>, vector<16xf32>,
        %swap3A_530 = arith.index_cast %scan3A_491 : i32 to index
        %swap3A_531 = arith.constant 96 : index
        %swap3A_532 = tpu.vector_load %arg9[%swap3A_530, %swap3A_531] {strides = array<i32>} : memref<80x128xf32, #tpu.memory_space<vmem>>, vector<16xf32>,
        tpu.vector_store %arg9[%swap3A_530, %swap3A_531], %get3A_529 {strides = array<i32>} : memref<80x128xf32, #tpu.memory_space<vmem>>, vector<16xf32>,
        %get3A_533 = arith.index_cast %scan3A_491 : i32 to index
        %get3A_534 = arith.constant 48 : index
        %get3A_535 = tpu.vector_load %arg7[%get3A_533, %get3A_534] {strides = array<i32>} : memref<160x64xf32, #tpu.memory_space<vmem>>, vector<16xf32>,
        %swap3A_536 = arith.index_cast %scan3A_491 : i32 to index
        %swap3A_537 = arith.constant 48 : index
        %swap3A_538 = tpu.vector_load %arg9[%swap3A_536, %swap3A_537] {strides = array<i32>} : memref<80x128xf32, #tpu.memory_space<vmem>>, vector<16xf32>,
        tpu.vector_store %arg9[%swap3A_536, %swap3A_537], %get3A_535 {strides = array<i32>} : memref<80x128xf32, #tpu.memory_space<vmem>>, vector<16xf32>,
        %add3A_539 = arith.constant 4 : i32
        %add3A_540 = arith.addi %add3A_539, %scan3A_491 : i32
        %get3A_541 = arith.index_cast %add3A_540 : i32 to index
        %get3A_542 = arith.constant 48 : index
        %get3A_543 = tpu.vector_load %arg8[%get3A_541, %get3A_542] {strides = array<i32>} : memref<160x64xf32, #tpu.memory_space<vmem>>, vector<16xf32>,
        %swap3A_544 = arith.index_cast %scan3A_491 : i32 to index
        %swap3A_545 = arith.constant 112 : index
        %swap3A_546 = tpu.vector_load %arg9[%swap3A_544, %swap3A_545] {strides = array<i32>} : memref<80x128xf32, #tpu.memory_space<vmem>>, vector<16xf32>,
        tpu.vector_store %arg9[%swap3A_544, %swap3A_545], %get3A_543 {strides = array<i32>} : memref<80x128xf32, #tpu.memory_space<vmem>>, vector<16xf32>,
      }
      %scan3A_166 = arith.constant 80 : i32
      "tpu.region"() ({
        %run_scoped3A = tpu.sem_alloc : memref<!tpu.dma_semaphore, #tpu.memory_space<semaphore_mem>>
        %dma_start3A_491 = arith.constant 0 : i32
        %dma_start3A_492 = arith.constant 0 : i32
        %dma_start3A_493 = tpu.memref_slice %arg9[%dma_start3A_491, %dma_start3A_492] : memref<80x128xf32, #tpu.memory_space<vmem>> -> memref<80x128xf32, #tpu.memory_space<vmem>>
        %dma_start3A_494 = arith.constant 0 : i32
        %dma_start3A_495 = arith.constant 0 : i32
        %dma_start3A_496 = tpu.memref_slice %arg5[%dma_start3A_494, %dma_start3A_495] : memref<512x128xf32, #tpu.memory_space<hbm>> -> memref<80x128xf32, #tpu.memory_space<hbm>>
        %dma_start3A_497 = arith.constant 0 : i32
        %dma_start3A_498 = arith.constant 0 : i32
        %dma_start3A_499 = tpu.memref_slice %arg5[%dma_start3A_497, %dma_start3A_498] : memref<512x128xf32, #tpu.memory_space<hbm>> -> memref<80x128xf32, #tpu.memory_space<hbm>>
        %dma_start3A_500 = arith.constant 0 : i32
        %dma_start3A_501 = arith.constant 0 : i32
        %dma_start3A_502 = tpu.memref_slice %arg9[%dma_start3A_500, %dma_start3A_501] : memref<80x128xf32, #tpu.memory_space<vmem>> -> memref<80x128xf32, #tpu.memory_space<vmem>>
        tpu.enqueue_dma source(%dma_start3A_502 : memref<80x128xf32, #tpu.memory_space<vmem>>) target(%dma_start3A_499 : memref<80x128xf32, #tpu.memory_space<hbm>>) target_semaphore(%run_scoped3A : memref<!tpu.dma_semaphore, #tpu.memory_space<semaphore_mem>>)
        %dma_wait3A_503 = arith.constant 0 : i32
        %dma_wait3A_504 = arith.constant 0 : i32
        %dma_wait3A_505 = tpu.memref_slice %arg9[%dma_wait3A_503, %dma_wait3A_504] : memref<80x128xf32, #tpu.memory_space<vmem>> -> memref<80x128xf32, #tpu.memory_space<vmem>>
        %dma_wait3A_506 = arith.constant 0 : i32
        %dma_wait3A_507 = arith.constant 0 : i32
        %dma_wait3A_508 = tpu.memref_slice %arg5[%dma_wait3A_506, %dma_wait3A_507] : memref<512x128xf32, #tpu.memory_space<hbm>> -> memref<80x128xf32, #tpu.memory_space<hbm>>
        %dma_wait3A_509 = arith.constant 0 : i32
        %dma_wait3A_510 = arith.constant 0 : i32
        %dma_wait3A_511 = tpu.memref_slice %arg5[%dma_wait3A_509, %dma_wait3A_510] : memref<512x128xf32, #tpu.memory_space<hbm>> -> memref<80x128xf32, #tpu.memory_space<hbm>>
        %dma_wait3A_512 = arith.constant 0 : i32
        %dma_wait3A_513 = arith.constant 0 : i32
        %dma_wait3A_514 = tpu.memref_slice %arg9[%dma_wait3A_512, %dma_wait3A_513] : memref<80x128xf32, #tpu.memory_space<vmem>> -> memref<80x128xf32, #tpu.memory_space<vmem>>
        tpu.wait_dma2 semaphore(%run_scoped3A : memref<!tpu.dma_semaphore, #tpu.memory_space<semaphore_mem>>) src(%dma_wait3A_514 : memref<80x128xf32, #tpu.memory_space<vmem>>) dst(%dma_wait3A_511 : memref<80x128xf32, #tpu.memory_space<hbm>>)
        tpu.yield
      }) : () -> ()
      %dma_start3A_167 = arith.constant 0 : i32
      %dma_start3A_168 = arith.constant 0 : i32
      %dma_start3A_169 = tpu.memref_slice %arg7[%dma_start3A_167, %dma_start3A_168] : memref<160x64xf32, #tpu.memory_space<vmem>> -> memref<80x64xf32, #tpu.memory_space<vmem>>
      %dma_start3A_170 = arith.constant 80 : i32
      %dma_start3A_171 = arith.constant 0 : i32
      %dma_start3A_172 = tpu.memref_slice %arg3[%dma_start3A_170, %dma_start3A_171] : memref<1000x64xf32, #tpu.memory_space<hbm>> -> memref<80x64xf32, #tpu.memory_space<hbm>>
      %dma_start3A_173 = arith.constant 0 : i32
      %dma_start3A_174 = arith.constant 0 : i32
      %dma_start3A_175 = tpu.memref_slice %arg7[%dma_start3A_173, %dma_start3A_174] : memref<160x64xf32, #tpu.memory_space<vmem>> -> memref<80x64xf32, #tpu.memory_space<vmem>>
      %dma_start3A_176 = arith.constant 80 : i32
      %dma_start3A_177 = arith.constant 0 : i32
      %dma_start3A_178 = tpu.memref_slice %arg3[%dma_start3A_176, %dma_start3A_177] : memref<1000x64xf32, #tpu.memory_space<hbm>> -> memref<80x64xf32, #tpu.memory_space<hbm>>
      tpu.enqueue_dma source(%dma_start3A_178 : memref<80x64xf32, #tpu.memory_space<hbm>>) target(%dma_start3A_175 : memref<80x64xf32, #tpu.memory_space<vmem>>) target_semaphore(%arg12 : memref<!tpu.dma_semaphore, #tpu.memory_space<semaphore_mem>>)
      %dma_start3A_179 = arith.constant 0 : i32
      %dma_start3A_180 = arith.constant 0 : i32
      %dma_start3A_181 = tpu.memref_slice %arg8[%dma_start3A_179, %dma_start3A_180] : memref<160x64xf32, #tpu.memory_space<vmem>> -> memref<88x64xf32, #tpu.memory_space<vmem>>
      %dma_start3A_182 = arith.constant 576 : i32
      %dma_start3A_183 = arith.constant 0 : i32
      %dma_start3A_184 = tpu.memref_slice %arg3[%dma_start3A_182, %dma_start3A_183] : memref<1000x64xf32, #tpu.memory_space<hbm>> -> memref<88x64xf32, #tpu.memory_space<hbm>>
      %dma_start3A_185 = arith.constant 0 : i32
      %dma_start3A_186 = arith.constant 0 : i32
      %dma_start3A_187 = tpu.memref_slice %arg8[%dma_start3A_185, %dma_start3A_186] : memref<160x64xf32, #tpu.memory_space<vmem>> -> memref<88x64xf32, #tpu.memory_space<vmem>>
      %dma_start3A_188 = arith.constant 576 : i32
      %dma_start3A_189 = arith.constant 0 : i32
      %dma_start3A_190 = tpu.memref_slice %arg3[%dma_start3A_188, %dma_start3A_189] : memref<1000x64xf32, #tpu.memory_space<hbm>> -> memref<88x64xf32, #tpu.memory_space<hbm>>
      tpu.enqueue_dma source(%dma_start3A_190 : memref<88x64xf32, #tpu.memory_space<hbm>>) target(%dma_start3A_187 : memref<88x64xf32, #tpu.memory_space<vmem>>) target_semaphore(%arg12 : memref<!tpu.dma_semaphore, #tpu.memory_space<semaphore_mem>>)
      %dma_wait3A_191 = arith.constant 0 : i32
      %dma_wait3A_192 = arith.constant 0 : i32
      %dma_wait3A_193 = tpu.memref_slice %arg7[%dma_wait3A_191, %dma_wait3A_192] : memref<160x64xf32, #tpu.memory_space<vmem>> -> memref<80x64xf32, #tpu.memory_space<vmem>>
      %dma_wait3A_194 = arith.constant 0 : i32
      %dma_wait3A_195 = arith.constant 0 : i32
      %dma_wait3A_196 = tpu.memref_slice %arg3[%dma_wait3A_194, %dma_wait3A_195] : memref<1000x64xf32, #tpu.memory_space<hbm>> -> memref<80x64xf32, #tpu.memory_space<hbm>>
      %dma_wait3A_197 = arith.constant 0 : i32
      %dma_wait3A_198 = arith.constant 0 : i32
      %dma_wait3A_199 = tpu.memref_slice %arg7[%dma_wait3A_197, %dma_wait3A_198] : memref<160x64xf32, #tpu.memory_space<vmem>> -> memref<80x64xf32, #tpu.memory_space<vmem>>
      %dma_wait3A_200 = arith.constant 0 : i32
      %dma_wait3A_201 = arith.constant 0 : i32
      %dma_wait3A_202 = tpu.memref_slice %arg3[%dma_wait3A_200, %dma_wait3A_201] : memref<1000x64xf32, #tpu.memory_space<hbm>> -> memref<80x64xf32, #tpu.memory_space<hbm>>
      tpu.wait_dma2 semaphore(%arg12 : memref<!tpu.dma_semaphore, #tpu.memory_space<semaphore_mem>>) src(%dma_wait3A_202 : memref<80x64xf32, #tpu.memory_space<hbm>>) dst(%dma_wait3A_199 : memref<80x64xf32, #tpu.memory_space<vmem>>)
      %dma_wait3A_203 = arith.constant 0 : i32
      %dma_wait3A_204 = arith.constant 0 : i32
      %dma_wait3A_205 = tpu.memref_slice %arg8[%dma_wait3A_203, %dma_wait3A_204] : memref<160x64xf32, #tpu.memory_space<vmem>> -> memref<88x64xf32, #tpu.memory_space<vmem>>
      %dma_wait3A_206 = arith.constant 0 : i32
      %dma_wait3A_207 = arith.constant 0 : i32
      %dma_wait3A_208 = tpu.memref_slice %arg3[%dma_wait3A_206, %dma_wait3A_207] : memref<1000x64xf32, #tpu.memory_space<hbm>> -> memref<88x64xf32, #tpu.memory_space<hbm>>
      %dma_wait3A_209 = arith.constant 0 : i32
      %dma_wait3A_210 = arith.constant 0 : i32
      %dma_wait3A_211 = tpu.memref_slice %arg8[%dma_wait3A_209, %dma_wait3A_210] : memref<160x64xf32, #tpu.memory_space<vmem>> -> memref<88x64xf32, #tpu.memory_space<vmem>>
      %dma_wait3A_212 = arith.constant 0 : i32
      %dma_wait3A_213 = arith.constant 0 : i32
      %dma_wait3A_214 = tpu.memref_slice %arg3[%dma_wait3A_212, %dma_wait3A_213] : memref<1000x64xf32, #tpu.memory_space<hbm>> -> memref<88x64xf32, #tpu.memory_space<hbm>>
      tpu.wait_dma2 semaphore(%arg12 : memref<!tpu.dma_semaphore, #tpu.memory_space<semaphore_mem>>) src(%dma_wait3A_214 : memref<88x64xf32, #tpu.memory_space<hbm>>) dst(%dma_wait3A_211 : memref<88x64xf32, #tpu.memory_space<vmem>>)
      %scan3A_215 = arith.constant 0 : i32
      %scan3A_216 = arith.constant 0 : i32
      %scan3A_217 = arith.constant 80 : i32
      %scan3A_218 = arith.addi %scan3A_216, %scan3A_217 : i32
      %scan3A_219 = arith.constant 1 : i32
      scf.for %scan3A_491 = %scan3A_216 to %scan3A_218 step %scan3A_219  : i32 {
        %get3A = arith.index_cast %scan3A_491 : i32 to index
        %get3A_492 = arith.constant 0 : index
        %get3A_493 = tpu.vector_load %arg7[%get3A, %get3A_492] {strides = array<i32>} : memref<160x64xf32, #tpu.memory_space<vmem>>, vector<16xf32>,
        %swap3A_494 = arith.index_cast %scan3A_491 : i32 to index
        %swap3A_495 = arith.constant 0 : index
        %swap3A_496 = tpu.vector_load %arg9[%swap3A_494, %swap3A_495] {strides = array<i32>} : memref<80x128xf32, #tpu.memory_space<vmem>>, vector<16xf32>,
        tpu.vector_store %arg9[%swap3A_494, %swap3A_495], %get3A_493 {strides = array<i32>} : memref<80x128xf32, #tpu.memory_space<vmem>>, vector<16xf32>,
        %add3A_497 = arith.constant 4 : i32
        %add3A_498 = arith.addi %add3A_497, %scan3A_491 : i32
        %get3A_499 = arith.index_cast %add3A_498 : i32 to index
        %get3A_500 = arith.constant 0 : index
        %get3A_501 = tpu.vector_load %arg8[%get3A_499, %get3A_500] {strides = array<i32>} : memref<160x64xf32, #tpu.memory_space<vmem>>, vector<16xf32>,
        %swap3A_502 = arith.index_cast %scan3A_491 : i32 to index
        %swap3A_503 = arith.constant 64 : index
        %swap3A_504 = tpu.vector_load %arg9[%swap3A_502, %swap3A_503] {strides = array<i32>} : memref<80x128xf32, #tpu.memory_space<vmem>>, vector<16xf32>,
        tpu.vector_store %arg9[%swap3A_502, %swap3A_503], %get3A_501 {strides = array<i32>} : memref<80x128xf32, #tpu.memory_space<vmem>>, vector<16xf32>,
        %get3A_505 = arith.index_cast %scan3A_491 : i32 to index
        %get3A_506 = arith.constant 16 : index
        %get3A_507 = tpu.vector_load %arg7[%get3A_505, %get3A_506] {strides = array<i32>} : memref<160x64xf32, #tpu.memory_space<vmem>>, vector<16xf32>,
        %swap3A_508 = arith.index_cast %scan3A_491 : i32 to index
        %swap3A_509 = arith.constant 16 : index
        %swap3A_510 = tpu.vector_load %arg9[%swap3A_508, %swap3A_509] {strides = array<i32>} : memref<80x128xf32, #tpu.memory_space<vmem>>, vector<16xf32>,
        tpu.vector_store %arg9[%swap3A_508, %swap3A_509], %get3A_507 {strides = array<i32>} : memref<80x128xf32, #tpu.memory_space<vmem>>, vector<16xf32>,
        %add3A_511 = arith.constant 4 : i32
        %add3A_512 = arith.addi %add3A_511, %scan3A_491 : i32
        %get3A_513 = arith.index_cast %add3A_512 : i32 to index
        %get3A_514 = arith.constant 16 : index
        %get3A_515 = tpu.vector_load %arg8[%get3A_513, %get3A_514] {strides = array<i32>} : memref<160x64xf32, #tpu.memory_space<vmem>>, vector<16xf32>,
        %swap3A_516 = arith.index_cast %scan3A_491 : i32 to index
        %swap3A_517 = arith.constant 80 : index
        %swap3A_518 = tpu.vector_load %arg9[%swap3A_516, %swap3A_517] {strides = array<i32>} : memref<80x128xf32, #tpu.memory_space<vmem>>, vector<16xf32>,
        tpu.vector_store %arg9[%swap3A_516, %swap3A_517], %get3A_515 {strides = array<i32>} : memref<80x128xf32, #tpu.memory_space<vmem>>, vector<16xf32>,
        %get3A_519 = arith.index_cast %scan3A_491 : i32 to index
        %get3A_520 = arith.constant 32 : index
        %get3A_521 = tpu.vector_load %arg7[%get3A_519, %get3A_520] {strides = array<i32>} : memref<160x64xf32, #tpu.memory_space<vmem>>, vector<16xf32>,
        %swap3A_522 = arith.index_cast %scan3A_491 : i32 to index
        %swap3A_523 = arith.constant 32 : index
        %swap3A_524 = tpu.vector_load %arg9[%swap3A_522, %swap3A_523] {strides = array<i32>} : memref<80x128xf32, #tpu.memory_space<vmem>>, vector<16xf32>,
        tpu.vector_store %arg9[%swap3A_522, %swap3A_523], %get3A_521 {strides = array<i32>} : memref<80x128xf32, #tpu.memory_space<vmem>>, vector<16xf32>,
        %add3A_525 = arith.constant 4 : i32
        %add3A_526 = arith.addi %add3A_525, %scan3A_491 : i32
        %get3A_527 = arith.index_cast %add3A_526 : i32 to index
        %get3A_528 = arith.constant 32 : index
        %get3A_529 = tpu.vector_load %arg8[%get3A_527, %get3A_528] {strides = array<i32>} : memref<160x64xf32, #tpu.memory_space<vmem>>, vector<16xf32>,
        %swap3A_530 = arith.index_cast %scan3A_491 : i32 to index
        %swap3A_531 = arith.constant 96 : index
        %swap3A_532 = tpu.vector_load %arg9[%swap3A_530, %swap3A_531] {strides = array<i32>} : memref<80x128xf32, #tpu.memory_space<vmem>>, vector<16xf32>,
        tpu.vector_store %arg9[%swap3A_530, %swap3A_531], %get3A_529 {strides = array<i32>} : memref<80x128xf32, #tpu.memory_space<vmem>>, vector<16xf32>,
        %get3A_533 = arith.index_cast %scan3A_491 : i32 to index
        %get3A_534 = arith.constant 48 : index
        %get3A_535 = tpu.vector_load %arg7[%get3A_533, %get3A_534] {strides = array<i32>} : memref<160x64xf32, #tpu.memory_space<vmem>>, vector<16xf32>,
        %swap3A_536 = arith.index_cast %scan3A_491 : i32 to index
        %swap3A_537 = arith.constant 48 : index
        %swap3A_538 = tpu.vector_load %arg9[%swap3A_536, %swap3A_537] {strides = array<i32>} : memref<80x128xf32, #tpu.memory_space<vmem>>, vector<16xf32>,
        tpu.vector_store %arg9[%swap3A_536, %swap3A_537], %get3A_535 {strides = array<i32>} : memref<80x128xf32, #tpu.memory_space<vmem>>, vector<16xf32>,
        %add3A_539 = arith.constant 4 : i32
        %add3A_540 = arith.addi %add3A_539, %scan3A_491 : i32
        %get3A_541 = arith.index_cast %add3A_540 : i32 to index
        %get3A_542 = arith.constant 48 : index
        %get3A_543 = tpu.vector_load %arg8[%get3A_541, %get3A_542] {strides = array<i32>} : memref<160x64xf32, #tpu.memory_space<vmem>>, vector<16xf32>,
        %swap3A_544 = arith.index_cast %scan3A_491 : i32 to index
        %swap3A_545 = arith.constant 112 : index
        %swap3A_546 = tpu.vector_load %arg9[%swap3A_544, %swap3A_545] {strides = array<i32>} : memref<80x128xf32, #tpu.memory_space<vmem>>, vector<16xf32>,
        tpu.vector_store %arg9[%swap3A_544, %swap3A_545], %get3A_543 {strides = array<i32>} : memref<80x128xf32, #tpu.memory_space<vmem>>, vector<16xf32>,
      }
      %scan3A_220 = arith.constant 80 : i32
      "tpu.region"() ({
        %run_scoped3A = tpu.sem_alloc : memref<!tpu.dma_semaphore, #tpu.memory_space<semaphore_mem>>
        %dma_start3A_491 = arith.constant 0 : i32
        %dma_start3A_492 = arith.constant 0 : i32
        %dma_start3A_493 = tpu.memref_slice %arg9[%dma_start3A_491, %dma_start3A_492] : memref<80x128xf32, #tpu.memory_space<vmem>> -> memref<80x128xf32, #tpu.memory_space<vmem>>
        %dma_start3A_494 = arith.constant 80 : i32
        %dma_start3A_495 = arith.constant 0 : i32
        %dma_start3A_496 = tpu.memref_slice %arg5[%dma_start3A_494, %dma_start3A_495] : memref<512x128xf32, #tpu.memory_space<hbm>> -> memref<80x128xf32, #tpu.memory_space<hbm>>
        %dma_start3A_497 = arith.constant 80 : i32
        %dma_start3A_498 = arith.constant 0 : i32
        %dma_start3A_499 = tpu.memref_slice %arg5[%dma_start3A_497, %dma_start3A_498] : memref<512x128xf32, #tpu.memory_space<hbm>> -> memref<80x128xf32, #tpu.memory_space<hbm>>
        %dma_start3A_500 = arith.constant 0 : i32
        %dma_start3A_501 = arith.constant 0 : i32
        %dma_start3A_502 = tpu.memref_slice %arg9[%dma_start3A_500, %dma_start3A_501] : memref<80x128xf32, #tpu.memory_space<vmem>> -> memref<80x128xf32, #tpu.memory_space<vmem>>
        tpu.enqueue_dma source(%dma_start3A_502 : memref<80x128xf32, #tpu.memory_space<vmem>>) target(%dma_start3A_499 : memref<80x128xf32, #tpu.memory_space<hbm>>) target_semaphore(%run_scoped3A : memref<!tpu.dma_semaphore, #tpu.memory_space<semaphore_mem>>)
        %dma_wait3A_503 = arith.constant 0 : i32
        %dma_wait3A_504 = arith.constant 0 : i32
        %dma_wait3A_505 = tpu.memref_slice %arg9[%dma_wait3A_503, %dma_wait3A_504] : memref<80x128xf32, #tpu.memory_space<vmem>> -> memref<80x128xf32, #tpu.memory_space<vmem>>
        %dma_wait3A_506 = arith.constant 80 : i32
        %dma_wait3A_507 = arith.constant 0 : i32
        %dma_wait3A_508 = tpu.memref_slice %arg5[%dma_wait3A_506, %dma_wait3A_507] : memref<512x128xf32, #tpu.memory_space<hbm>> -> memref<80x128xf32, #tpu.memory_space<hbm>>
        %dma_wait3A_509 = arith.constant 80 : i32
        %dma_wait3A_510 = arith.constant 0 : i32
        %dma_wait3A_511 = tpu.memref_slice %arg5[%dma_wait3A_509, %dma_wait3A_510] : memref<512x128xf32, #tpu.memory_space<hbm>> -> memref<80x128xf32, #tpu.memory_space<hbm>>
        %dma_wait3A_512 = arith.constant 0 : i32
        %dma_wait3A_513 = arith.constant 0 : i32
        %dma_wait3A_514 = tpu.memref_slice %arg9[%dma_wait3A_512, %dma_wait3A_513] : memref<80x128xf32, #tpu.memory_space<vmem>> -> memref<80x128xf32, #tpu.memory_space<vmem>>
        tpu.wait_dma2 semaphore(%run_scoped3A : memref<!tpu.dma_semaphore, #tpu.memory_space<semaphore_mem>>) src(%dma_wait3A_514 : memref<80x128xf32, #tpu.memory_space<vmem>>) dst(%dma_wait3A_511 : memref<80x128xf32, #tpu.memory_space<hbm>>)
        tpu.yield
      }) : () -> ()
      %dma_start3A_221 = arith.constant 0 : i32
      %dma_start3A_222 = arith.constant 0 : i32
      %dma_start3A_223 = tpu.memref_slice %arg7[%dma_start3A_221, %dma_start3A_222] : memref<160x64xf32, #tpu.memory_space<vmem>> -> memref<80x64xf32, #tpu.memory_space<vmem>>
      %dma_start3A_224 = arith.constant 160 : i32
      %dma_start3A_225 = arith.constant 0 : i32
      %dma_start3A_226 = tpu.memref_slice %arg3[%dma_start3A_224, %dma_start3A_225] : memref<1000x64xf32, #tpu.memory_space<hbm>> -> memref<80x64xf32, #tpu.memory_space<hbm>>
      %dma_start3A_227 = arith.constant 0 : i32
      %dma_start3A_228 = arith.constant 0 : i32
      %dma_start3A_229 = tpu.memref_slice %arg7[%dma_start3A_227, %dma_start3A_228] : memref<160x64xf32, #tpu.memory_space<vmem>> -> memref<80x64xf32, #tpu.memory_space<vmem>>
      %dma_start3A_230 = arith.constant 160 : i32
      %dma_start3A_231 = arith.constant 0 : i32
      %dma_start3A_232 = tpu.memref_slice %arg3[%dma_start3A_230, %dma_start3A_231] : memref<1000x64xf32, #tpu.memory_space<hbm>> -> memref<80x64xf32, #tpu.memory_space<hbm>>
      tpu.enqueue_dma source(%dma_start3A_232 : memref<80x64xf32, #tpu.memory_space<hbm>>) target(%dma_start3A_229 : memref<80x64xf32, #tpu.memory_space<vmem>>) target_semaphore(%arg12 : memref<!tpu.dma_semaphore, #tpu.memory_space<semaphore_mem>>)
      %dma_start3A_233 = arith.constant 0 : i32
      %dma_start3A_234 = arith.constant 0 : i32
      %dma_start3A_235 = tpu.memref_slice %arg8[%dma_start3A_233, %dma_start3A_234] : memref<160x64xf32, #tpu.memory_space<vmem>> -> memref<88x64xf32, #tpu.memory_space<vmem>>
      %dma_start3A_236 = arith.constant 656 : i32
      %dma_start3A_237 = arith.constant 0 : i32
      %dma_start3A_238 = tpu.memref_slice %arg3[%dma_start3A_236, %dma_start3A_237] : memref<1000x64xf32, #tpu.memory_space<hbm>> -> memref<88x64xf32, #tpu.memory_space<hbm>>
      %dma_start3A_239 = arith.constant 0 : i32
      %dma_start3A_240 = arith.constant 0 : i32
      %dma_start3A_241 = tpu.memref_slice %arg8[%dma_start3A_239, %dma_start3A_240] : memref<160x64xf32, #tpu.memory_space<vmem>> -> memref<88x64xf32, #tpu.memory_space<vmem>>
      %dma_start3A_242 = arith.constant 656 : i32
      %dma_start3A_243 = arith.constant 0 : i32
      %dma_start3A_244 = tpu.memref_slice %arg3[%dma_start3A_242, %dma_start3A_243] : memref<1000x64xf32, #tpu.memory_space<hbm>> -> memref<88x64xf32, #tpu.memory_space<hbm>>
      tpu.enqueue_dma source(%dma_start3A_244 : memref<88x64xf32, #tpu.memory_space<hbm>>) target(%dma_start3A_241 : memref<88x64xf32, #tpu.memory_space<vmem>>) target_semaphore(%arg12 : memref<!tpu.dma_semaphore, #tpu.memory_space<semaphore_mem>>)
      %dma_wait3A_245 = arith.constant 0 : i32
      %dma_wait3A_246 = arith.constant 0 : i32
      %dma_wait3A_247 = tpu.memref_slice %arg7[%dma_wait3A_245, %dma_wait3A_246] : memref<160x64xf32, #tpu.memory_space<vmem>> -> memref<80x64xf32, #tpu.memory_space<vmem>>
      %dma_wait3A_248 = arith.constant 0 : i32
      %dma_wait3A_249 = arith.constant 0 : i32
      %dma_wait3A_250 = tpu.memref_slice %arg3[%dma_wait3A_248, %dma_wait3A_249] : memref<1000x64xf32, #tpu.memory_space<hbm>> -> memref<80x64xf32, #tpu.memory_space<hbm>>
      %dma_wait3A_251 = arith.constant 0 : i32
      %dma_wait3A_252 = arith.constant 0 : i32
      %dma_wait3A_253 = tpu.memref_slice %arg7[%dma_wait3A_251, %dma_wait3A_252] : memref<160x64xf32, #tpu.memory_space<vmem>> -> memref<80x64xf32, #tpu.memory_space<vmem>>
      %dma_wait3A_254 = arith.constant 0 : i32
      %dma_wait3A_255 = arith.constant 0 : i32
      %dma_wait3A_256 = tpu.memref_slice %arg3[%dma_wait3A_254, %dma_wait3A_255] : memref<1000x64xf32, #tpu.memory_space<hbm>> -> memref<80x64xf32, #tpu.memory_space<hbm>>
      tpu.wait_dma2 semaphore(%arg12 : memref<!tpu.dma_semaphore, #tpu.memory_space<semaphore_mem>>) src(%dma_wait3A_256 : memref<80x64xf32, #tpu.memory_space<hbm>>) dst(%dma_wait3A_253 : memref<80x64xf32, #tpu.memory_space<vmem>>)
      %dma_wait3A_257 = arith.constant 0 : i32
      %dma_wait3A_258 = arith.constant 0 : i32
      %dma_wait3A_259 = tpu.memref_slice %arg8[%dma_wait3A_257, %dma_wait3A_258] : memref<160x64xf32, #tpu.memory_space<vmem>> -> memref<88x64xf32, #tpu.memory_space<vmem>>
      %dma_wait3A_260 = arith.constant 0 : i32
      %dma_wait3A_261 = arith.constant 0 : i32
      %dma_wait3A_262 = tpu.memref_slice %arg3[%dma_wait3A_260, %dma_wait3A_261] : memref<1000x64xf32, #tpu.memory_space<hbm>> -> memref<88x64xf32, #tpu.memory_space<hbm>>
      %dma_wait3A_263 = arith.constant 0 : i32
      %dma_wait3A_264 = arith.constant 0 : i32
      %dma_wait3A_265 = tpu.memref_slice %arg8[%dma_wait3A_263, %dma_wait3A_264] : memref<160x64xf32, #tpu.memory_space<vmem>> -> memref<88x64xf32, #tpu.memory_space<vmem>>
      %dma_wait3A_266 = arith.constant 0 : i32
      %dma_wait3A_267 = arith.constant 0 : i32
      %dma_wait3A_268 = tpu.memref_slice %arg3[%dma_wait3A_266, %dma_wait3A_267] : memref<1000x64xf32, #tpu.memory_space<hbm>> -> memref<88x64xf32, #tpu.memory_space<hbm>>
      tpu.wait_dma2 semaphore(%arg12 : memref<!tpu.dma_semaphore, #tpu.memory_space<semaphore_mem>>) src(%dma_wait3A_268 : memref<88x64xf32, #tpu.memory_space<hbm>>) dst(%dma_wait3A_265 : memref<88x64xf32, #tpu.memory_space<vmem>>)
      %scan3A_269 = arith.constant 0 : i32
      %scan3A_270 = arith.constant 0 : i32
      %scan3A_271 = arith.constant 80 : i32
      %scan3A_272 = arith.addi %scan3A_270, %scan3A_271 : i32
      %scan3A_273 = arith.constant 1 : i32
      scf.for %scan3A_491 = %scan3A_270 to %scan3A_272 step %scan3A_273  : i32 {
        %get3A = arith.index_cast %scan3A_491 : i32 to index
        %get3A_492 = arith.constant 0 : index
        %get3A_493 = tpu.vector_load %arg7[%get3A, %get3A_492] {strides = array<i32>} : memref<160x64xf32, #tpu.memory_space<vmem>>, vector<16xf32>,
        %swap3A_494 = arith.index_cast %scan3A_491 : i32 to index
        %swap3A_495 = arith.constant 0 : index
        %swap3A_496 = tpu.vector_load %arg9[%swap3A_494, %swap3A_495] {strides = array<i32>} : memref<80x128xf32, #tpu.memory_space<vmem>>, vector<16xf32>,
        tpu.vector_store %arg9[%swap3A_494, %swap3A_495], %get3A_493 {strides = array<i32>} : memref<80x128xf32, #tpu.memory_space<vmem>>, vector<16xf32>,
        %add3A_497 = arith.constant 4 : i32
        %add3A_498 = arith.addi %add3A_497, %scan3A_491 : i32
        %get3A_499 = arith.index_cast %add3A_498 : i32 to index
        %get3A_500 = arith.constant 0 : index
        %get3A_501 = tpu.vector_load %arg8[%get3A_499, %get3A_500] {strides = array<i32>} : memref<160x64xf32, #tpu.memory_space<vmem>>, vector<16xf32>,
        %swap3A_502 = arith.index_cast %scan3A_491 : i32 to index
        %swap3A_503 = arith.constant 64 : index
        %swap3A_504 = tpu.vector_load %arg9[%swap3A_502, %swap3A_503] {strides = array<i32>} : memref<80x128xf32, #tpu.memory_space<vmem>>, vector<16xf32>,
        tpu.vector_store %arg9[%swap3A_502, %swap3A_503], %get3A_501 {strides = array<i32>} : memref<80x128xf32, #tpu.memory_space<vmem>>, vector<16xf32>,
        %get3A_505 = arith.index_cast %scan3A_491 : i32 to index
        %get3A_506 = arith.constant 16 : index
        %get3A_507 = tpu.vector_load %arg7[%get3A_505, %get3A_506] {strides = array<i32>} : memref<160x64xf32, #tpu.memory_space<vmem>>, vector<16xf32>,
        %swap3A_508 = arith.index_cast %scan3A_491 : i32 to index
        %swap3A_509 = arith.constant 16 : index
        %swap3A_510 = tpu.vector_load %arg9[%swap3A_508, %swap3A_509] {strides = array<i32>} : memref<80x128xf32, #tpu.memory_space<vmem>>, vector<16xf32>,
        tpu.vector_store %arg9[%swap3A_508, %swap3A_509], %get3A_507 {strides = array<i32>} : memref<80x128xf32, #tpu.memory_space<vmem>>, vector<16xf32>,
        %add3A_511 = arith.constant 4 : i32
        %add3A_512 = arith.addi %add3A_511, %scan3A_491 : i32
        %get3A_513 = arith.index_cast %add3A_512 : i32 to index
        %get3A_514 = arith.constant 16 : index
        %get3A_515 = tpu.vector_load %arg8[%get3A_513, %get3A_514] {strides = array<i32>} : memref<160x64xf32, #tpu.memory_space<vmem>>, vector<16xf32>,
        %swap3A_516 = arith.index_cast %scan3A_491 : i32 to index
        %swap3A_517 = arith.constant 80 : index
        %swap3A_518 = tpu.vector_load %arg9[%swap3A_516, %swap3A_517] {strides = array<i32>} : memref<80x128xf32, #tpu.memory_space<vmem>>, vector<16xf32>,
        tpu.vector_store %arg9[%swap3A_516, %swap3A_517], %get3A_515 {strides = array<i32>} : memref<80x128xf32, #tpu.memory_space<vmem>>, vector<16xf32>,
        %get3A_519 = arith.index_cast %scan3A_491 : i32 to index
        %get3A_520 = arith.constant 32 : index
        %get3A_521 = tpu.vector_load %arg7[%get3A_519, %get3A_520] {strides = array<i32>} : memref<160x64xf32, #tpu.memory_space<vmem>>, vector<16xf32>,
        %swap3A_522 = arith.index_cast %scan3A_491 : i32 to index
        %swap3A_523 = arith.constant 32 : index
        %swap3A_524 = tpu.vector_load %arg9[%swap3A_522, %swap3A_523] {strides = array<i32>} : memref<80x128xf32, #tpu.memory_space<vmem>>, vector<16xf32>,
        tpu.vector_store %arg9[%swap3A_522, %swap3A_523], %get3A_521 {strides = array<i32>} : memref<80x128xf32, #tpu.memory_space<vmem>>, vector<16xf32>,
        %add3A_525 = arith.constant 4 : i32
        %add3A_526 = arith.addi %add3A_525, %scan3A_491 : i32
        %get3A_527 = arith.index_cast %add3A_526 : i32 to index
        %get3A_528 = arith.constant 32 : index
        %get3A_529 = tpu.vector_load %arg8[%get3A_527, %get3A_528] {strides = array<i32>} : memref<160x64xf32, #tpu.memory_space<vmem>>, vector<16xf32>,
        %swap3A_530 = arith.index_cast %scan3A_491 : i32 to index
        %swap3A_531 = arith.constant 96 : index
        %swap3A_532 = tpu.vector_load %arg9[%swap3A_530, %swap3A_531] {strides = array<i32>} : memref<80x128xf32, #tpu.memory_space<vmem>>, vector<16xf32>,
        tpu.vector_store %arg9[%swap3A_530, %swap3A_531], %get3A_529 {strides = array<i32>} : memref<80x128xf32, #tpu.memory_space<vmem>>, vector<16xf32>,
        %get3A_533 = arith.index_cast %scan3A_491 : i32 to index
        %get3A_534 = arith.constant 48 : index
        %get3A_535 = tpu.vector_load %arg7[%get3A_533, %get3A_534] {strides = array<i32>} : memref<160x64xf32, #tpu.memory_space<vmem>>, vector<16xf32>,
        %swap3A_536 = arith.index_cast %scan3A_491 : i32 to index
        %swap3A_537 = arith.constant 48 : index
        %swap3A_538 = tpu.vector_load %arg9[%swap3A_536, %swap3A_537] {strides = array<i32>} : memref<80x128xf32, #tpu.memory_space<vmem>>, vector<16xf32>,
        tpu.vector_store %arg9[%swap3A_536, %swap3A_537], %get3A_535 {strides = array<i32>} : memref<80x128xf32, #tpu.memory_space<vmem>>, vector<16xf32>,
        %add3A_539 = arith.constant 4 : i32
        %add3A_540 = arith.addi %add3A_539, %scan3A_491 : i32
        %get3A_541 = arith.index_cast %add3A_540 : i32 to index
        %get3A_542 = arith.constant 48 : index
        %get3A_543 = tpu.vector_load %arg8[%get3A_541, %get3A_542] {strides = array<i32>} : memref<160x64xf32, #tpu.memory_space<vmem>>, vector<16xf32>,
        %swap3A_544 = arith.index_cast %scan3A_491 : i32 to index
        %swap3A_545 = arith.constant 112 : index
        %swap3A_546 = tpu.vector_load %arg9[%swap3A_544, %swap3A_545] {strides = array<i32>} : memref<80x128xf32, #tpu.memory_space<vmem>>, vector<16xf32>,
        tpu.vector_store %arg9[%swap3A_544, %swap3A_545], %get3A_543 {strides = array<i32>} : memref<80x128xf32, #tpu.memory_space<vmem>>, vector<16xf32>,
      }
      %scan3A_274 = arith.constant 80 : i32
      "tpu.region"() ({
        %run_scoped3A = tpu.sem_alloc : memref<!tpu.dma_semaphore, #tpu.memory_space<semaphore_mem>>
        %dma_start3A_491 = arith.constant 0 : i32
        %dma_start3A_492 = arith.constant 0 : i32
        %dma_start3A_493 = tpu.memref_slice %arg9[%dma_start3A_491, %dma_start3A_492] : memref<80x128xf32, #tpu.memory_space<vmem>> -> memref<80x128xf32, #tpu.memory_space<vmem>>
        %dma_start3A_494 = arith.constant 160 : i32
        %dma_start3A_495 = arith.constant 0 : i32
        %dma_start3A_496 = tpu.memref_slice %arg5[%dma_start3A_494, %dma_start3A_495] : memref<512x128xf32, #tpu.memory_space<hbm>> -> memref<80x128xf32, #tpu.memory_space<hbm>>
        %dma_start3A_497 = arith.constant 160 : i32
        %dma_start3A_498 = arith.constant 0 : i32
        %dma_start3A_499 = tpu.memref_slice %arg5[%dma_start3A_497, %dma_start3A_498] : memref<512x128xf32, #tpu.memory_space<hbm>> -> memref<80x128xf32, #tpu.memory_space<hbm>>
        %dma_start3A_500 = arith.constant 0 : i32
        %dma_start3A_501 = arith.constant 0 : i32
        %dma_start3A_502 = tpu.memref_slice %arg9[%dma_start3A_500, %dma_start3A_501] : memref<80x128xf32, #tpu.memory_space<vmem>> -> memref<80x128xf32, #tpu.memory_space<vmem>>
        tpu.enqueue_dma source(%dma_start3A_502 : memref<80x128xf32, #tpu.memory_space<vmem>>) target(%dma_start3A_499 : memref<80x128xf32, #tpu.memory_space<hbm>>) target_semaphore(%run_scoped3A : memref<!tpu.dma_semaphore, #tpu.memory_space<semaphore_mem>>)
        %dma_wait3A_503 = arith.constant 0 : i32
        %dma_wait3A_504 = arith.constant 0 : i32
        %dma_wait3A_505 = tpu.memref_slice %arg9[%dma_wait3A_503, %dma_wait3A_504] : memref<80x128xf32, #tpu.memory_space<vmem>> -> memref<80x128xf32, #tpu.memory_space<vmem>>
        %dma_wait3A_506 = arith.constant 160 : i32
        %dma_wait3A_507 = arith.constant 0 : i32
        %dma_wait3A_508 = tpu.memref_slice %arg5[%dma_wait3A_506, %dma_wait3A_507] : memref<512x128xf32, #tpu.memory_space<hbm>> -> memref<80x128xf32, #tpu.memory_space<hbm>>
        %dma_wait3A_509 = arith.constant 160 : i32
        %dma_wait3A_510 = arith.constant 0 : i32
        %dma_wait3A_511 = tpu.memref_slice %arg5[%dma_wait3A_509, %dma_wait3A_510] : memref<512x128xf32, #tpu.memory_space<hbm>> -> memref<80x128xf32, #tpu.memory_space<hbm>>
        %dma_wait3A_512 = arith.constant 0 : i32
        %dma_wait3A_513 = arith.constant 0 : i32
        %dma_wait3A_514 = tpu.memref_slice %arg9[%dma_wait3A_512, %dma_wait3A_513] : memref<80x128xf32, #tpu.memory_space<vmem>> -> memref<80x128xf32, #tpu.memory_space<vmem>>
        tpu.wait_dma2 semaphore(%run_scoped3A : memref<!tpu.dma_semaphore, #tpu.memory_space<semaphore_mem>>) src(%dma_wait3A_514 : memref<80x128xf32, #tpu.memory_space<vmem>>) dst(%dma_wait3A_511 : memref<80x128xf32, #tpu.memory_space<hbm>>)
        tpu.yield
      }) : () -> ()
      %dma_start3A_275 = arith.constant 0 : i32
      %dma_start3A_276 = arith.constant 0 : i32
      %dma_start3A_277 = tpu.memref_slice %arg7[%dma_start3A_275, %dma_start3A_276] : memref<160x64xf32, #tpu.memory_space<vmem>> -> memref<80x64xf32, #tpu.memory_space<vmem>>
      %dma_start3A_278 = arith.constant 240 : i32
      %dma_start3A_279 = arith.constant 0 : i32
      %dma_start3A_280 = tpu.memref_slice %arg3[%dma_start3A_278, %dma_start3A_279] : memref<1000x64xf32, #tpu.memory_space<hbm>> -> memref<80x64xf32, #tpu.memory_space<hbm>>
      %dma_start3A_281 = arith.constant 0 : i32
      %dma_start3A_282 = arith.constant 0 : i32
      %dma_start3A_283 = tpu.memref_slice %arg7[%dma_start3A_281, %dma_start3A_282] : memref<160x64xf32, #tpu.memory_space<vmem>> -> memref<80x64xf32, #tpu.memory_space<vmem>>
      %dma_start3A_284 = arith.constant 240 : i32
      %dma_start3A_285 = arith.constant 0 : i32
      %dma_start3A_286 = tpu.memref_slice %arg3[%dma_start3A_284, %dma_start3A_285] : memref<1000x64xf32, #tpu.memory_space<hbm>> -> memref<80x64xf32, #tpu.memory_space<hbm>>
      tpu.enqueue_dma source(%dma_start3A_286 : memref<80x64xf32, #tpu.memory_space<hbm>>) target(%dma_start3A_283 : memref<80x64xf32, #tpu.memory_space<vmem>>) target_semaphore(%arg12 : memref<!tpu.dma_semaphore, #tpu.memory_space<semaphore_mem>>)
      %dma_start3A_287 = arith.constant 0 : i32
      %dma_start3A_288 = arith.constant 0 : i32
      %dma_start3A_289 = tpu.memref_slice %arg8[%dma_start3A_287, %dma_start3A_288] : memref<160x64xf32, #tpu.memory_space<vmem>> -> memref<88x64xf32, #tpu.memory_space<vmem>>
      %dma_start3A_290 = arith.constant 736 : i32
      %dma_start3A_291 = arith.constant 0 : i32
      %dma_start3A_292 = tpu.memref_slice %arg3[%dma_start3A_290, %dma_start3A_291] : memref<1000x64xf32, #tpu.memory_space<hbm>> -> memref<88x64xf32, #tpu.memory_space<hbm>>
      %dma_start3A_293 = arith.constant 0 : i32
      %dma_start3A_294 = arith.constant 0 : i32
      %dma_start3A_295 = tpu.memref_slice %arg8[%dma_start3A_293, %dma_start3A_294] : memref<160x64xf32, #tpu.memory_space<vmem>> -> memref<88x64xf32, #tpu.memory_space<vmem>>
      %dma_start3A_296 = arith.constant 736 : i32
      %dma_start3A_297 = arith.constant 0 : i32
      %dma_start3A_298 = tpu.memref_slice %arg3[%dma_start3A_296, %dma_start3A_297] : memref<1000x64xf32, #tpu.memory_space<hbm>> -> memref<88x64xf32, #tpu.memory_space<hbm>>
      tpu.enqueue_dma source(%dma_start3A_298 : memref<88x64xf32, #tpu.memory_space<hbm>>) target(%dma_start3A_295 : memref<88x64xf32, #tpu.memory_space<vmem>>) target_semaphore(%arg12 : memref<!tpu.dma_semaphore, #tpu.memory_space<semaphore_mem>>)
      %dma_wait3A_299 = arith.constant 0 : i32
      %dma_wait3A_300 = arith.constant 0 : i32
      %dma_wait3A_301 = tpu.memref_slice %arg7[%dma_wait3A_299, %dma_wait3A_300] : memref<160x64xf32, #tpu.memory_space<vmem>> -> memref<80x64xf32, #tpu.memory_space<vmem>>
      %dma_wait3A_302 = arith.constant 0 : i32
      %dma_wait3A_303 = arith.constant 0 : i32
      %dma_wait3A_304 = tpu.memref_slice %arg3[%dma_wait3A_302, %dma_wait3A_303] : memref<1000x64xf32, #tpu.memory_space<hbm>> -> memref<80x64xf32, #tpu.memory_space<hbm>>
      %dma_wait3A_305 = arith.constant 0 : i32
      %dma_wait3A_306 = arith.constant 0 : i32
      %dma_wait3A_307 = tpu.memref_slice %arg7[%dma_wait3A_305, %dma_wait3A_306] : memref<160x64xf32, #tpu.memory_space<vmem>> -> memref<80x64xf32, #tpu.memory_space<vmem>>
      %dma_wait3A_308 = arith.constant 0 : i32
      %dma_wait3A_309 = arith.constant 0 : i32
      %dma_wait3A_310 = tpu.memref_slice %arg3[%dma_wait3A_308, %dma_wait3A_309] : memref<1000x64xf32, #tpu.memory_space<hbm>> -> memref<80x64xf32, #tpu.memory_space<hbm>>
      tpu.wait_dma2 semaphore(%arg12 : memref<!tpu.dma_semaphore, #tpu.memory_space<semaphore_mem>>) src(%dma_wait3A_310 : memref<80x64xf32, #tpu.memory_space<hbm>>) dst(%dma_wait3A_307 : memref<80x64xf32, #tpu.memory_space<vmem>>)
      %dma_wait3A_311 = arith.constant 0 : i32
      %dma_wait3A_312 = arith.constant 0 : i32
      %dma_wait3A_313 = tpu.memref_slice %arg8[%dma_wait3A_311, %dma_wait3A_312] : memref<160x64xf32, #tpu.memory_space<vmem>> -> memref<88x64xf32, #tpu.memory_space<vmem>>
      %dma_wait3A_314 = arith.constant 0 : i32
      %dma_wait3A_315 = arith.constant 0 : i32
      %dma_wait3A_316 = tpu.memref_slice %arg3[%dma_wait3A_314, %dma_wait3A_315] : memref<1000x64xf32, #tpu.memory_space<hbm>> -> memref<88x64xf32, #tpu.memory_space<hbm>>
      %dma_wait3A_317 = arith.constant 0 : i32
      %dma_wait3A_318 = arith.constant 0 : i32
      %dma_wait3A_319 = tpu.memref_slice %arg8[%dma_wait3A_317, %dma_wait3A_318] : memref<160x64xf32, #tpu.memory_space<vmem>> -> memref<88x64xf32, #tpu.memory_space<vmem>>
      %dma_wait3A_320 = arith.constant 0 : i32
      %dma_wait3A_321 = arith.constant 0 : i32
      %dma_wait3A_322 = tpu.memref_slice %arg3[%dma_wait3A_320, %dma_wait3A_321] : memref<1000x64xf32, #tpu.memory_space<hbm>> -> memref<88x64xf32, #tpu.memory_space<hbm>>
      tpu.wait_dma2 semaphore(%arg12 : memref<!tpu.dma_semaphore, #tpu.memory_space<semaphore_mem>>) src(%dma_wait3A_322 : memref<88x64xf32, #tpu.memory_space<hbm>>) dst(%dma_wait3A_319 : memref<88x64xf32, #tpu.memory_space<vmem>>)
      %scan3A_323 = arith.constant 0 : i32
      %scan3A_324 = arith.constant 0 : i32
      %scan3A_325 = arith.constant 80 : i32
      %scan3A_326 = arith.addi %scan3A_324, %scan3A_325 : i32
      %scan3A_327 = arith.constant 1 : i32
      scf.for %scan3A_491 = %scan3A_324 to %scan3A_326 step %scan3A_327  : i32 {
        %get3A = arith.index_cast %scan3A_491 : i32 to index
        %get3A_492 = arith.constant 0 : index
        %get3A_493 = tpu.vector_load %arg7[%get3A, %get3A_492] {strides = array<i32>} : memref<160x64xf32, #tpu.memory_space<vmem>>, vector<16xf32>,
        %swap3A_494 = arith.index_cast %scan3A_491 : i32 to index
        %swap3A_495 = arith.constant 0 : index
        %swap3A_496 = tpu.vector_load %arg9[%swap3A_494, %swap3A_495] {strides = array<i32>} : memref<80x128xf32, #tpu.memory_space<vmem>>, vector<16xf32>,
        tpu.vector_store %arg9[%swap3A_494, %swap3A_495], %get3A_493 {strides = array<i32>} : memref<80x128xf32, #tpu.memory_space<vmem>>, vector<16xf32>,
        %add3A_497 = arith.constant 4 : i32
        %add3A_498 = arith.addi %add3A_497, %scan3A_491 : i32
        %get3A_499 = arith.index_cast %add3A_498 : i32 to index
        %get3A_500 = arith.constant 0 : index
        %get3A_501 = tpu.vector_load %arg8[%get3A_499, %get3A_500] {strides = array<i32>} : memref<160x64xf32, #tpu.memory_space<vmem>>, vector<16xf32>,
        %swap3A_502 = arith.index_cast %scan3A_491 : i32 to index
        %swap3A_503 = arith.constant 64 : index
        %swap3A_504 = tpu.vector_load %arg9[%swap3A_502, %swap3A_503] {strides = array<i32>} : memref<80x128xf32, #tpu.memory_space<vmem>>, vector<16xf32>,
        tpu.vector_store %arg9[%swap3A_502, %swap3A_503], %get3A_501 {strides = array<i32>} : memref<80x128xf32, #tpu.memory_space<vmem>>, vector<16xf32>,
        %get3A_505 = arith.index_cast %scan3A_491 : i32 to index
        %get3A_506 = arith.constant 16 : index
        %get3A_507 = tpu.vector_load %arg7[%get3A_505, %get3A_506] {strides = array<i32>} : memref<160x64xf32, #tpu.memory_space<vmem>>, vector<16xf32>,
        %swap3A_508 = arith.index_cast %scan3A_491 : i32 to index
        %swap3A_509 = arith.constant 16 : index
        %swap3A_510 = tpu.vector_load %arg9[%swap3A_508, %swap3A_509] {strides = array<i32>} : memref<80x128xf32, #tpu.memory_space<vmem>>, vector<16xf32>,
        tpu.vector_store %arg9[%swap3A_508, %swap3A_509], %get3A_507 {strides = array<i32>} : memref<80x128xf32, #tpu.memory_space<vmem>>, vector<16xf32>,
        %add3A_511 = arith.constant 4 : i32
        %add3A_512 = arith.addi %add3A_511, %scan3A_491 : i32
        %get3A_513 = arith.index_cast %add3A_512 : i32 to index
        %get3A_514 = arith.constant 16 : index
        %get3A_515 = tpu.vector_load %arg8[%get3A_513, %get3A_514] {strides = array<i32>} : memref<160x64xf32, #tpu.memory_space<vmem>>, vector<16xf32>,
        %swap3A_516 = arith.index_cast %scan3A_491 : i32 to index
        %swap3A_517 = arith.constant 80 : index
        %swap3A_518 = tpu.vector_load %arg9[%swap3A_516, %swap3A_517] {strides = array<i32>} : memref<80x128xf32, #tpu.memory_space<vmem>>, vector<16xf32>,
        tpu.vector_store %arg9[%swap3A_516, %swap3A_517], %get3A_515 {strides = array<i32>} : memref<80x128xf32, #tpu.memory_space<vmem>>, vector<16xf32>,
        %get3A_519 = arith.index_cast %scan3A_491 : i32 to index
        %get3A_520 = arith.constant 32 : index
        %get3A_521 = tpu.vector_load %arg7[%get3A_519, %get3A_520] {strides = array<i32>} : memref<160x64xf32, #tpu.memory_space<vmem>>, vector<16xf32>,
        %swap3A_522 = arith.index_cast %scan3A_491 : i32 to index
        %swap3A_523 = arith.constant 32 : index
        %swap3A_524 = tpu.vector_load %arg9[%swap3A_522, %swap3A_523] {strides = array<i32>} : memref<80x128xf32, #tpu.memory_space<vmem>>, vector<16xf32>,
        tpu.vector_store %arg9[%swap3A_522, %swap3A_523], %get3A_521 {strides = array<i32>} : memref<80x128xf32, #tpu.memory_space<vmem>>, vector<16xf32>,
        %add3A_525 = arith.constant 4 : i32
        %add3A_526 = arith.addi %add3A_525, %scan3A_491 : i32
        %get3A_527 = arith.index_cast %add3A_526 : i32 to index
        %get3A_528 = arith.constant 32 : index
        %get3A_529 = tpu.vector_load %arg8[%get3A_527, %get3A_528] {strides = array<i32>} : memref<160x64xf32, #tpu.memory_space<vmem>>, vector<16xf32>,
        %swap3A_530 = arith.index_cast %scan3A_491 : i32 to index
        %swap3A_531 = arith.constant 96 : index
        %swap3A_532 = tpu.vector_load %arg9[%swap3A_530, %swap3A_531] {strides = array<i32>} : memref<80x128xf32, #tpu.memory_space<vmem>>, vector<16xf32>,
        tpu.vector_store %arg9[%swap3A_530, %swap3A_531], %get3A_529 {strides = array<i32>} : memref<80x128xf32, #tpu.memory_space<vmem>>, vector<16xf32>,
        %get3A_533 = arith.index_cast %scan3A_491 : i32 to index
        %get3A_534 = arith.constant 48 : index
        %get3A_535 = tpu.vector_load %arg7[%get3A_533, %get3A_534] {strides = array<i32>} : memref<160x64xf32, #tpu.memory_space<vmem>>, vector<16xf32>,
        %swap3A_536 = arith.index_cast %scan3A_491 : i32 to index
        %swap3A_537 = arith.constant 48 : index
        %swap3A_538 = tpu.vector_load %arg9[%swap3A_536, %swap3A_537] {strides = array<i32>} : memref<80x128xf32, #tpu.memory_space<vmem>>, vector<16xf32>,
        tpu.vector_store %arg9[%swap3A_536, %swap3A_537], %get3A_535 {strides = array<i32>} : memref<80x128xf32, #tpu.memory_space<vmem>>, vector<16xf32>,
        %add3A_539 = arith.constant 4 : i32
        %add3A_540 = arith.addi %add3A_539, %scan3A_491 : i32
        %get3A_541 = arith.index_cast %add3A_540 : i32 to index
        %get3A_542 = arith.constant 48 : index
        %get3A_543 = tpu.vector_load %arg8[%get3A_541, %get3A_542] {strides = array<i32>} : memref<160x64xf32, #tpu.memory_space<vmem>>, vector<16xf32>,
        %swap3A_544 = arith.index_cast %scan3A_491 : i32 to index
        %swap3A_545 = arith.constant 112 : index
        %swap3A_546 = tpu.vector_load %arg9[%swap3A_544, %swap3A_545] {strides = array<i32>} : memref<80x128xf32, #tpu.memory_space<vmem>>, vector<16xf32>,
        tpu.vector_store %arg9[%swap3A_544, %swap3A_545], %get3A_543 {strides = array<i32>} : memref<80x128xf32, #tpu.memory_space<vmem>>, vector<16xf32>,
      }
      %scan3A_328 = arith.constant 80 : i32
      "tpu.region"() ({
        %run_scoped3A = tpu.sem_alloc : memref<!tpu.dma_semaphore, #tpu.memory_space<semaphore_mem>>
        %dma_start3A_491 = arith.constant 0 : i32
        %dma_start3A_492 = arith.constant 0 : i32
        %dma_start3A_493 = tpu.memref_slice %arg9[%dma_start3A_491, %dma_start3A_492] : memref<80x128xf32, #tpu.memory_space<vmem>> -> memref<80x128xf32, #tpu.memory_space<vmem>>
        %dma_start3A_494 = arith.constant 240 : i32
        %dma_start3A_495 = arith.constant 0 : i32
        %dma_start3A_496 = tpu.memref_slice %arg5[%dma_start3A_494, %dma_start3A_495] : memref<512x128xf32, #tpu.memory_space<hbm>> -> memref<80x128xf32, #tpu.memory_space<hbm>>
        %dma_start3A_497 = arith.constant 240 : i32
        %dma_start3A_498 = arith.constant 0 : i32
        %dma_start3A_499 = tpu.memref_slice %arg5[%dma_start3A_497, %dma_start3A_498] : memref<512x128xf32, #tpu.memory_space<hbm>> -> memref<80x128xf32, #tpu.memory_space<hbm>>
        %dma_start3A_500 = arith.constant 0 : i32
        %dma_start3A_501 = arith.constant 0 : i32
        %dma_start3A_502 = tpu.memref_slice %arg9[%dma_start3A_500, %dma_start3A_501] : memref<80x128xf32, #tpu.memory_space<vmem>> -> memref<80x128xf32, #tpu.memory_space<vmem>>
        tpu.enqueue_dma source(%dma_start3A_502 : memref<80x128xf32, #tpu.memory_space<vmem>>) target(%dma_start3A_499 : memref<80x128xf32, #tpu.memory_space<hbm>>) target_semaphore(%run_scoped3A : memref<!tpu.dma_semaphore, #tpu.memory_space<semaphore_mem>>)
        %dma_wait3A_503 = arith.constant 0 : i32
        %dma_wait3A_504 = arith.constant 0 : i32
        %dma_wait3A_505 = tpu.memref_slice %arg9[%dma_wait3A_503, %dma_wait3A_504] : memref<80x128xf32, #tpu.memory_space<vmem>> -> memref<80x128xf32, #tpu.memory_space<vmem>>
        %dma_wait3A_506 = arith.constant 240 : i32
        %dma_wait3A_507 = arith.constant 0 : i32
        %dma_wait3A_508 = tpu.memref_slice %arg5[%dma_wait3A_506, %dma_wait3A_507] : memref<512x128xf32, #tpu.memory_space<hbm>> -> memref<80x128xf32, #tpu.memory_space<hbm>>
        %dma_wait3A_509 = arith.constant 240 : i32
        %dma_wait3A_510 = arith.constant 0 : i32
        %dma_wait3A_511 = tpu.memref_slice %arg5[%dma_wait3A_509, %dma_wait3A_510] : memref<512x128xf32, #tpu.memory_space<hbm>> -> memref<80x128xf32, #tpu.memory_space<hbm>>
        %dma_wait3A_512 = arith.constant 0 : i32
        %dma_wait3A_513 = arith.constant 0 : i32
        %dma_wait3A_514 = tpu.memref_slice %arg9[%dma_wait3A_512, %dma_wait3A_513] : memref<80x128xf32, #tpu.memory_space<vmem>> -> memref<80x128xf32, #tpu.memory_space<vmem>>
        tpu.wait_dma2 semaphore(%run_scoped3A : memref<!tpu.dma_semaphore, #tpu.memory_space<semaphore_mem>>) src(%dma_wait3A_514 : memref<80x128xf32, #tpu.memory_space<vmem>>) dst(%dma_wait3A_511 : memref<80x128xf32, #tpu.memory_space<hbm>>)
        tpu.yield
      }) : () -> ()
      %dma_start3A_329 = arith.constant 0 : i32
      %dma_start3A_330 = arith.constant 0 : i32
      %dma_start3A_331 = tpu.memref_slice %arg7[%dma_start3A_329, %dma_start3A_330] : memref<160x64xf32, #tpu.memory_space<vmem>> -> memref<80x64xf32, #tpu.memory_space<vmem>>
      %dma_start3A_332 = arith.constant 320 : i32
      %dma_start3A_333 = arith.constant 0 : i32
      %dma_start3A_334 = tpu.memref_slice %arg3[%dma_start3A_332, %dma_start3A_333] : memref<1000x64xf32, #tpu.memory_space<hbm>> -> memref<80x64xf32, #tpu.memory_space<hbm>>
      %dma_start3A_335 = arith.constant 0 : i32
      %dma_start3A_336 = arith.constant 0 : i32
      %dma_start3A_337 = tpu.memref_slice %arg7[%dma_start3A_335, %dma_start3A_336] : memref<160x64xf32, #tpu.memory_space<vmem>> -> memref<80x64xf32, #tpu.memory_space<vmem>>
      %dma_start3A_338 = arith.constant 320 : i32
      %dma_start3A_339 = arith.constant 0 : i32
      %dma_start3A_340 = tpu.memref_slice %arg3[%dma_start3A_338, %dma_start3A_339] : memref<1000x64xf32, #tpu.memory_space<hbm>> -> memref<80x64xf32, #tpu.memory_space<hbm>>
      tpu.enqueue_dma source(%dma_start3A_340 : memref<80x64xf32, #tpu.memory_space<hbm>>) target(%dma_start3A_337 : memref<80x64xf32, #tpu.memory_space<vmem>>) target_semaphore(%arg12 : memref<!tpu.dma_semaphore, #tpu.memory_space<semaphore_mem>>)
      %dma_start3A_341 = arith.constant 0 : i32
      %dma_start3A_342 = arith.constant 0 : i32
      %dma_start3A_343 = tpu.memref_slice %arg8[%dma_start3A_341, %dma_start3A_342] : memref<160x64xf32, #tpu.memory_space<vmem>> -> memref<88x64xf32, #tpu.memory_space<vmem>>
      %dma_start3A_344 = arith.constant 816 : i32
      %dma_start3A_345 = arith.constant 0 : i32
      %dma_start3A_346 = tpu.memref_slice %arg3[%dma_start3A_344, %dma_start3A_345] : memref<1000x64xf32, #tpu.memory_space<hbm>> -> memref<88x64xf32, #tpu.memory_space<hbm>>
      %dma_start3A_347 = arith.constant 0 : i32
      %dma_start3A_348 = arith.constant 0 : i32
      %dma_start3A_349 = tpu.memref_slice %arg8[%dma_start3A_347, %dma_start3A_348] : memref<160x64xf32, #tpu.memory_space<vmem>> -> memref<88x64xf32, #tpu.memory_space<vmem>>
      %dma_start3A_350 = arith.constant 816 : i32
      %dma_start3A_351 = arith.constant 0 : i32
      %dma_start3A_352 = tpu.memref_slice %arg3[%dma_start3A_350, %dma_start3A_351] : memref<1000x64xf32, #tpu.memory_space<hbm>> -> memref<88x64xf32, #tpu.memory_space<hbm>>
      tpu.enqueue_dma source(%dma_start3A_352 : memref<88x64xf32, #tpu.memory_space<hbm>>) target(%dma_start3A_349 : memref<88x64xf32, #tpu.memory_space<vmem>>) target_semaphore(%arg12 : memref<!tpu.dma_semaphore, #tpu.memory_space<semaphore_mem>>)
      %dma_wait3A_353 = arith.constant 0 : i32
      %dma_wait3A_354 = arith.constant 0 : i32
      %dma_wait3A_355 = tpu.memref_slice %arg7[%dma_wait3A_353, %dma_wait3A_354] : memref<160x64xf32, #tpu.memory_space<vmem>> -> memref<80x64xf32, #tpu.memory_space<vmem>>
      %dma_wait3A_356 = arith.constant 0 : i32
      %dma_wait3A_357 = arith.constant 0 : i32
      %dma_wait3A_358 = tpu.memref_slice %arg3[%dma_wait3A_356, %dma_wait3A_357] : memref<1000x64xf32, #tpu.memory_space<hbm>> -> memref<80x64xf32, #tpu.memory_space<hbm>>
      %dma_wait3A_359 = arith.constant 0 : i32
      %dma_wait3A_360 = arith.constant 0 : i32
      %dma_wait3A_361 = tpu.memref_slice %arg7[%dma_wait3A_359, %dma_wait3A_360] : memref<160x64xf32, #tpu.memory_space<vmem>> -> memref<80x64xf32, #tpu.memory_space<vmem>>
      %dma_wait3A_362 = arith.constant 0 : i32
      %dma_wait3A_363 = arith.constant 0 : i32
      %dma_wait3A_364 = tpu.memref_slice %arg3[%dma_wait3A_362, %dma_wait3A_363] : memref<1000x64xf32, #tpu.memory_space<hbm>> -> memref<80x64xf32, #tpu.memory_space<hbm>>
      tpu.wait_dma2 semaphore(%arg12 : memref<!tpu.dma_semaphore, #tpu.memory_space<semaphore_mem>>) src(%dma_wait3A_364 : memref<80x64xf32, #tpu.memory_space<hbm>>) dst(%dma_wait3A_361 : memref<80x64xf32, #tpu.memory_space<vmem>>)
      %dma_wait3A_365 = arith.constant 0 : i32
      %dma_wait3A_366 = arith.constant 0 : i32
      %dma_wait3A_367 = tpu.memref_slice %arg8[%dma_wait3A_365, %dma_wait3A_366] : memref<160x64xf32, #tpu.memory_space<vmem>> -> memref<88x64xf32, #tpu.memory_space<vmem>>
      %dma_wait3A_368 = arith.constant 0 : i32
      %dma_wait3A_369 = arith.constant 0 : i32
      %dma_wait3A_370 = tpu.memref_slice %arg3[%dma_wait3A_368, %dma_wait3A_369] : memref<1000x64xf32, #tpu.memory_space<hbm>> -> memref<88x64xf32, #tpu.memory_space<hbm>>
      %dma_wait3A_371 = arith.constant 0 : i32
      %dma_wait3A_372 = arith.constant 0 : i32
      %dma_wait3A_373 = tpu.memref_slice %arg8[%dma_wait3A_371, %dma_wait3A_372] : memref<160x64xf32, #tpu.memory_space<vmem>> -> memref<88x64xf32, #tpu.memory_space<vmem>>
      %dma_wait3A_374 = arith.constant 0 : i32
      %dma_wait3A_375 = arith.constant 0 : i32
      %dma_wait3A_376 = tpu.memref_slice %arg3[%dma_wait3A_374, %dma_wait3A_375] : memref<1000x64xf32, #tpu.memory_space<hbm>> -> memref<88x64xf32, #tpu.memory_space<hbm>>
      tpu.wait_dma2 semaphore(%arg12 : memref<!tpu.dma_semaphore, #tpu.memory_space<semaphore_mem>>) src(%dma_wait3A_376 : memref<88x64xf32, #tpu.memory_space<hbm>>) dst(%dma_wait3A_373 : memref<88x64xf32, #tpu.memory_space<vmem>>)
      %scan3A_377 = arith.constant 0 : i32
      %scan3A_378 = arith.constant 0 : i32
      %scan3A_379 = arith.constant 80 : i32
      %scan3A_380 = arith.addi %scan3A_378, %scan3A_379 : i32
      %scan3A_381 = arith.constant 1 : i32
      scf.for %scan3A_491 = %scan3A_378 to %scan3A_380 step %scan3A_381  : i32 {
        %get3A = arith.index_cast %scan3A_491 : i32 to index
        %get3A_492 = arith.constant 0 : index
        %get3A_493 = tpu.vector_load %arg7[%get3A, %get3A_492] {strides = array<i32>} : memref<160x64xf32, #tpu.memory_space<vmem>>, vector<16xf32>,
        %swap3A_494 = arith.index_cast %scan3A_491 : i32 to index
        %swap3A_495 = arith.constant 0 : index
        %swap3A_496 = tpu.vector_load %arg9[%swap3A_494, %swap3A_495] {strides = array<i32>} : memref<80x128xf32, #tpu.memory_space<vmem>>, vector<16xf32>,
        tpu.vector_store %arg9[%swap3A_494, %swap3A_495], %get3A_493 {strides = array<i32>} : memref<80x128xf32, #tpu.memory_space<vmem>>, vector<16xf32>,
        %add3A_497 = arith.constant 4 : i32
        %add3A_498 = arith.addi %add3A_497, %scan3A_491 : i32
        %get3A_499 = arith.index_cast %add3A_498 : i32 to index
        %get3A_500 = arith.constant 0 : index
        %get3A_501 = tpu.vector_load %arg8[%get3A_499, %get3A_500] {strides = array<i32>} : memref<160x64xf32, #tpu.memory_space<vmem>>, vector<16xf32>,
        %swap3A_502 = arith.index_cast %scan3A_491 : i32 to index
        %swap3A_503 = arith.constant 64 : index
        %swap3A_504 = tpu.vector_load %arg9[%swap3A_502, %swap3A_503] {strides = array<i32>} : memref<80x128xf32, #tpu.memory_space<vmem>>, vector<16xf32>,
        tpu.vector_store %arg9[%swap3A_502, %swap3A_503], %get3A_501 {strides = array<i32>} : memref<80x128xf32, #tpu.memory_space<vmem>>, vector<16xf32>,
        %get3A_505 = arith.index_cast %scan3A_491 : i32 to index
        %get3A_506 = arith.constant 16 : index
        %get3A_507 = tpu.vector_load %arg7[%get3A_505, %get3A_506] {strides = array<i32>} : memref<160x64xf32, #tpu.memory_space<vmem>>, vector<16xf32>,
        %swap3A_508 = arith.index_cast %scan3A_491 : i32 to index
        %swap3A_509 = arith.constant 16 : index
        %swap3A_510 = tpu.vector_load %arg9[%swap3A_508, %swap3A_509] {strides = array<i32>} : memref<80x128xf32, #tpu.memory_space<vmem>>, vector<16xf32>,
        tpu.vector_store %arg9[%swap3A_508, %swap3A_509], %get3A_507 {strides = array<i32>} : memref<80x128xf32, #tpu.memory_space<vmem>>, vector<16xf32>,
        %add3A_511 = arith.constant 4 : i32
        %add3A_512 = arith.addi %add3A_511, %scan3A_491 : i32
        %get3A_513 = arith.index_cast %add3A_512 : i32 to index
        %get3A_514 = arith.constant 16 : index
        %get3A_515 = tpu.vector_load %arg8[%get3A_513, %get3A_514] {strides = array<i32>} : memref<160x64xf32, #tpu.memory_space<vmem>>, vector<16xf32>,
        %swap3A_516 = arith.index_cast %scan3A_491 : i32 to index
        %swap3A_517 = arith.constant 80 : index
        %swap3A_518 = tpu.vector_load %arg9[%swap3A_516, %swap3A_517] {strides = array<i32>} : memref<80x128xf32, #tpu.memory_space<vmem>>, vector<16xf32>,
        tpu.vector_store %arg9[%swap3A_516, %swap3A_517], %get3A_515 {strides = array<i32>} : memref<80x128xf32, #tpu.memory_space<vmem>>, vector<16xf32>,
        %get3A_519 = arith.index_cast %scan3A_491 : i32 to index
        %get3A_520 = arith.constant 32 : index
        %get3A_521 = tpu.vector_load %arg7[%get3A_519, %get3A_520] {strides = array<i32>} : memref<160x64xf32, #tpu.memory_space<vmem>>, vector<16xf32>,
        %swap3A_522 = arith.index_cast %scan3A_491 : i32 to index
        %swap3A_523 = arith.constant 32 : index
        %swap3A_524 = tpu.vector_load %arg9[%swap3A_522, %swap3A_523] {strides = array<i32>} : memref<80x128xf32, #tpu.memory_space<vmem>>, vector<16xf32>,
        tpu.vector_store %arg9[%swap3A_522, %swap3A_523], %get3A_521 {strides = array<i32>} : memref<80x128xf32, #tpu.memory_space<vmem>>, vector<16xf32>,
        %add3A_525 = arith.constant 4 : i32
        %add3A_526 = arith.addi %add3A_525, %scan3A_491 : i32
        %get3A_527 = arith.index_cast %add3A_526 : i32 to index
        %get3A_528 = arith.constant 32 : index
        %get3A_529 = tpu.vector_load %arg8[%get3A_527, %get3A_528] {strides = array<i32>} : memref<160x64xf32, #tpu.memory_space<vmem>>, vector<16xf32>,
        %swap3A_530 = arith.index_cast %scan3A_491 : i32 to index
        %swap3A_531 = arith.constant 96 : index
        %swap3A_532 = tpu.vector_load %arg9[%swap3A_530, %swap3A_531] {strides = array<i32>} : memref<80x128xf32, #tpu.memory_space<vmem>>, vector<16xf32>,
        tpu.vector_store %arg9[%swap3A_530, %swap3A_531], %get3A_529 {strides = array<i32>} : memref<80x128xf32, #tpu.memory_space<vmem>>, vector<16xf32>,
        %get3A_533 = arith.index_cast %scan3A_491 : i32 to index
        %get3A_534 = arith.constant 48 : index
        %get3A_535 = tpu.vector_load %arg7[%get3A_533, %get3A_534] {strides = array<i32>} : memref<160x64xf32, #tpu.memory_space<vmem>>, vector<16xf32>,
        %swap3A_536 = arith.index_cast %scan3A_491 : i32 to index
        %swap3A_537 = arith.constant 48 : index
        %swap3A_538 = tpu.vector_load %arg9[%swap3A_536, %swap3A_537] {strides = array<i32>} : memref<80x128xf32, #tpu.memory_space<vmem>>, vector<16xf32>,
        tpu.vector_store %arg9[%swap3A_536, %swap3A_537], %get3A_535 {strides = array<i32>} : memref<80x128xf32, #tpu.memory_space<vmem>>, vector<16xf32>,
        %add3A_539 = arith.constant 4 : i32
        %add3A_540 = arith.addi %add3A_539, %scan3A_491 : i32
        %get3A_541 = arith.index_cast %add3A_540 : i32 to index
        %get3A_542 = arith.constant 48 : index
        %get3A_543 = tpu.vector_load %arg8[%get3A_541, %get3A_542] {strides = array<i32>} : memref<160x64xf32, #tpu.memory_space<vmem>>, vector<16xf32>,
        %swap3A_544 = arith.index_cast %scan3A_491 : i32 to index
        %swap3A_545 = arith.constant 112 : index
        %swap3A_546 = tpu.vector_load %arg9[%swap3A_544, %swap3A_545] {strides = array<i32>} : memref<80x128xf32, #tpu.memory_space<vmem>>, vector<16xf32>,
        tpu.vector_store %arg9[%swap3A_544, %swap3A_545], %get3A_543 {strides = array<i32>} : memref<80x128xf32, #tpu.memory_space<vmem>>, vector<16xf32>,
      }
      %scan3A_382 = arith.constant 80 : i32
      "tpu.region"() ({
        %run_scoped3A = tpu.sem_alloc : memref<!tpu.dma_semaphore, #tpu.memory_space<semaphore_mem>>
        %dma_start3A_491 = arith.constant 0 : i32
        %dma_start3A_492 = arith.constant 0 : i32
        %dma_start3A_493 = tpu.memref_slice %arg9[%dma_start3A_491, %dma_start3A_492] : memref<80x128xf32, #tpu.memory_space<vmem>> -> memref<80x128xf32, #tpu.memory_space<vmem>>
        %dma_start3A_494 = arith.constant 320 : i32
        %dma_start3A_495 = arith.constant 0 : i32
        %dma_start3A_496 = tpu.memref_slice %arg5[%dma_start3A_494, %dma_start3A_495] : memref<512x128xf32, #tpu.memory_space<hbm>> -> memref<80x128xf32, #tpu.memory_space<hbm>>
        %dma_start3A_497 = arith.constant 320 : i32
        %dma_start3A_498 = arith.constant 0 : i32
        %dma_start3A_499 = tpu.memref_slice %arg5[%dma_start3A_497, %dma_start3A_498] : memref<512x128xf32, #tpu.memory_space<hbm>> -> memref<80x128xf32, #tpu.memory_space<hbm>>
        %dma_start3A_500 = arith.constant 0 : i32
        %dma_start3A_501 = arith.constant 0 : i32
        %dma_start3A_502 = tpu.memref_slice %arg9[%dma_start3A_500, %dma_start3A_501] : memref<80x128xf32, #tpu.memory_space<vmem>> -> memref<80x128xf32, #tpu.memory_space<vmem>>
        tpu.enqueue_dma source(%dma_start3A_502 : memref<80x128xf32, #tpu.memory_space<vmem>>) target(%dma_start3A_499 : memref<80x128xf32, #tpu.memory_space<hbm>>) target_semaphore(%run_scoped3A : memref<!tpu.dma_semaphore, #tpu.memory_space<semaphore_mem>>)
        %dma_wait3A_503 = arith.constant 0 : i32
        %dma_wait3A_504 = arith.constant 0 : i32
        %dma_wait3A_505 = tpu.memref_slice %arg9[%dma_wait3A_503, %dma_wait3A_504] : memref<80x128xf32, #tpu.memory_space<vmem>> -> memref<80x128xf32, #tpu.memory_space<vmem>>
        %dma_wait3A_506 = arith.constant 320 : i32
        %dma_wait3A_507 = arith.constant 0 : i32
        %dma_wait3A_508 = tpu.memref_slice %arg5[%dma_wait3A_506, %dma_wait3A_507] : memref<512x128xf32, #tpu.memory_space<hbm>> -> memref<80x128xf32, #tpu.memory_space<hbm>>
        %dma_wait3A_509 = arith.constant 320 : i32
        %dma_wait3A_510 = arith.constant 0 : i32
        %dma_wait3A_511 = tpu.memref_slice %arg5[%dma_wait3A_509, %dma_wait3A_510] : memref<512x128xf32, #tpu.memory_space<hbm>> -> memref<80x128xf32, #tpu.memory_space<hbm>>
        %dma_wait3A_512 = arith.constant 0 : i32
        %dma_wait3A_513 = arith.constant 0 : i32
        %dma_wait3A_514 = tpu.memref_slice %arg9[%dma_wait3A_512, %dma_wait3A_513] : memref<80x128xf32, #tpu.memory_space<vmem>> -> memref<80x128xf32, #tpu.memory_space<vmem>>
        tpu.wait_dma2 semaphore(%run_scoped3A : memref<!tpu.dma_semaphore, #tpu.memory_space<semaphore_mem>>) src(%dma_wait3A_514 : memref<80x128xf32, #tpu.memory_space<vmem>>) dst(%dma_wait3A_511 : memref<80x128xf32, #tpu.memory_space<hbm>>)
        tpu.yield
      }) : () -> ()
      %dma_start3A_383 = arith.constant 0 : i32
      %dma_start3A_384 = arith.constant 0 : i32
      %dma_start3A_385 = tpu.memref_slice %arg7[%dma_start3A_383, %dma_start3A_384] : memref<160x64xf32, #tpu.memory_space<vmem>> -> memref<80x64xf32, #tpu.memory_space<vmem>>
      %dma_start3A_386 = arith.constant 400 : i32
      %dma_start3A_387 = arith.constant 0 : i32
      %dma_start3A_388 = tpu.memref_slice %arg3[%dma_start3A_386, %dma_start3A_387] : memref<1000x64xf32, #tpu.memory_space<hbm>> -> memref<80x64xf32, #tpu.memory_space<hbm>>
      %dma_start3A_389 = arith.constant 0 : i32
      %dma_start3A_390 = arith.constant 0 : i32
      %dma_start3A_391 = tpu.memref_slice %arg7[%dma_start3A_389, %dma_start3A_390] : memref<160x64xf32, #tpu.memory_space<vmem>> -> memref<80x64xf32, #tpu.memory_space<vmem>>
      %dma_start3A_392 = arith.constant 400 : i32
      %dma_start3A_393 = arith.constant 0 : i32
      %dma_start3A_394 = tpu.memref_slice %arg3[%dma_start3A_392, %dma_start3A_393] : memref<1000x64xf32, #tpu.memory_space<hbm>> -> memref<80x64xf32, #tpu.memory_space<hbm>>
      tpu.enqueue_dma source(%dma_start3A_394 : memref<80x64xf32, #tpu.memory_space<hbm>>) target(%dma_start3A_391 : memref<80x64xf32, #tpu.memory_space<vmem>>) target_semaphore(%arg12 : memref<!tpu.dma_semaphore, #tpu.memory_space<semaphore_mem>>)
      %dma_start3A_395 = arith.constant 0 : i32
      %dma_start3A_396 = arith.constant 0 : i32
      %dma_start3A_397 = tpu.memref_slice %arg8[%dma_start3A_395, %dma_start3A_396] : memref<160x64xf32, #tpu.memory_space<vmem>> -> memref<88x64xf32, #tpu.memory_space<vmem>>
      %dma_start3A_398 = arith.constant 896 : i32
      %dma_start3A_399 = arith.constant 0 : i32
      %dma_start3A_400 = tpu.memref_slice %arg3[%dma_start3A_398, %dma_start3A_399] : memref<1000x64xf32, #tpu.memory_space<hbm>> -> memref<88x64xf32, #tpu.memory_space<hbm>>
      %dma_start3A_401 = arith.constant 0 : i32
      %dma_start3A_402 = arith.constant 0 : i32
      %dma_start3A_403 = tpu.memref_slice %arg8[%dma_start3A_401, %dma_start3A_402] : memref<160x64xf32, #tpu.memory_space<vmem>> -> memref<88x64xf32, #tpu.memory_space<vmem>>
      %dma_start3A_404 = arith.constant 896 : i32
      %dma_start3A_405 = arith.constant 0 : i32
      %dma_start3A_406 = tpu.memref_slice %arg3[%dma_start3A_404, %dma_start3A_405] : memref<1000x64xf32, #tpu.memory_space<hbm>> -> memref<88x64xf32, #tpu.memory_space<hbm>>
      tpu.enqueue_dma source(%dma_start3A_406 : memref<88x64xf32, #tpu.memory_space<hbm>>) target(%dma_start3A_403 : memref<88x64xf32, #tpu.memory_space<vmem>>) target_semaphore(%arg12 : memref<!tpu.dma_semaphore, #tpu.memory_space<semaphore_mem>>)
      %dma_wait3A_407 = arith.constant 0 : i32
      %dma_wait3A_408 = arith.constant 0 : i32
      %dma_wait3A_409 = tpu.memref_slice %arg7[%dma_wait3A_407, %dma_wait3A_408] : memref<160x64xf32, #tpu.memory_space<vmem>> -> memref<80x64xf32, #tpu.memory_space<vmem>>
      %dma_wait3A_410 = arith.constant 0 : i32
      %dma_wait3A_411 = arith.constant 0 : i32
      %dma_wait3A_412 = tpu.memref_slice %arg3[%dma_wait3A_410, %dma_wait3A_411] : memref<1000x64xf32, #tpu.memory_space<hbm>> -> memref<80x64xf32, #tpu.memory_space<hbm>>
      %dma_wait3A_413 = arith.constant 0 : i32
      %dma_wait3A_414 = arith.constant 0 : i32
      %dma_wait3A_415 = tpu.memref_slice %arg7[%dma_wait3A_413, %dma_wait3A_414] : memref<160x64xf32, #tpu.memory_space<vmem>> -> memref<80x64xf32, #tpu.memory_space<vmem>>
      %dma_wait3A_416 = arith.constant 0 : i32
      %dma_wait3A_417 = arith.constant 0 : i32
      %dma_wait3A_418 = tpu.memref_slice %arg3[%dma_wait3A_416, %dma_wait3A_417] : memref<1000x64xf32, #tpu.memory_space<hbm>> -> memref<80x64xf32, #tpu.memory_space<hbm>>
      tpu.wait_dma2 semaphore(%arg12 : memref<!tpu.dma_semaphore, #tpu.memory_space<semaphore_mem>>) src(%dma_wait3A_418 : memref<80x64xf32, #tpu.memory_space<hbm>>) dst(%dma_wait3A_415 : memref<80x64xf32, #tpu.memory_space<vmem>>)
      %dma_wait3A_419 = arith.constant 0 : i32
      %dma_wait3A_420 = arith.constant 0 : i32
      %dma_wait3A_421 = tpu.memref_slice %arg8[%dma_wait3A_419, %dma_wait3A_420] : memref<160x64xf32, #tpu.memory_space<vmem>> -> memref<88x64xf32, #tpu.memory_space<vmem>>
      %dma_wait3A_422 = arith.constant 0 : i32
      %dma_wait3A_423 = arith.constant 0 : i32
      %dma_wait3A_424 = tpu.memref_slice %arg3[%dma_wait3A_422, %dma_wait3A_423] : memref<1000x64xf32, #tpu.memory_space<hbm>> -> memref<88x64xf32, #tpu.memory_space<hbm>>
      %dma_wait3A_425 = arith.constant 0 : i32
      %dma_wait3A_426 = arith.constant 0 : i32
      %dma_wait3A_427 = tpu.memref_slice %arg8[%dma_wait3A_425, %dma_wait3A_426] : memref<160x64xf32, #tpu.memory_space<vmem>> -> memref<88x64xf32, #tpu.memory_space<vmem>>
      %dma_wait3A_428 = arith.constant 0 : i32
      %dma_wait3A_429 = arith.constant 0 : i32
      %dma_wait3A_430 = tpu.memref_slice %arg3[%dma_wait3A_428, %dma_wait3A_429] : memref<1000x64xf32, #tpu.memory_space<hbm>> -> memref<88x64xf32, #tpu.memory_space<hbm>>
      tpu.wait_dma2 semaphore(%arg12 : memref<!tpu.dma_semaphore, #tpu.memory_space<semaphore_mem>>) src(%dma_wait3A_430 : memref<88x64xf32, #tpu.memory_space<hbm>>) dst(%dma_wait3A_427 : memref<88x64xf32, #tpu.memory_space<vmem>>)
      %scan3A_431 = arith.constant 0 : i32
      %scan3A_432 = arith.constant 0 : i32
      %scan3A_433 = arith.constant 80 : i32
      %scan3A_434 = arith.addi %scan3A_432, %scan3A_433 : i32
      %scan3A_435 = arith.constant 1 : i32
      scf.for %scan3A_491 = %scan3A_432 to %scan3A_434 step %scan3A_435  : i32 {
        %get3A = arith.index_cast %scan3A_491 : i32 to index
        %get3A_492 = arith.constant 0 : index
        %get3A_493 = tpu.vector_load %arg7[%get3A, %get3A_492] {strides = array<i32>} : memref<160x64xf32, #tpu.memory_space<vmem>>, vector<16xf32>,
        %swap3A_494 = arith.index_cast %scan3A_491 : i32 to index
        %swap3A_495 = arith.constant 0 : index
        %swap3A_496 = tpu.vector_load %arg9[%swap3A_494, %swap3A_495] {strides = array<i32>} : memref<80x128xf32, #tpu.memory_space<vmem>>, vector<16xf32>,
        tpu.vector_store %arg9[%swap3A_494, %swap3A_495], %get3A_493 {strides = array<i32>} : memref<80x128xf32, #tpu.memory_space<vmem>>, vector<16xf32>,
        %add3A_497 = arith.constant 4 : i32
        %add3A_498 = arith.addi %add3A_497, %scan3A_491 : i32
        %get3A_499 = arith.index_cast %add3A_498 : i32 to index
        %get3A_500 = arith.constant 0 : index
        %get3A_501 = tpu.vector_load %arg8[%get3A_499, %get3A_500] {strides = array<i32>} : memref<160x64xf32, #tpu.memory_space<vmem>>, vector<16xf32>,
        %swap3A_502 = arith.index_cast %scan3A_491 : i32 to index
        %swap3A_503 = arith.constant 64 : index
        %swap3A_504 = tpu.vector_load %arg9[%swap3A_502, %swap3A_503] {strides = array<i32>} : memref<80x128xf32, #tpu.memory_space<vmem>>, vector<16xf32>,
        tpu.vector_store %arg9[%swap3A_502, %swap3A_503], %get3A_501 {strides = array<i32>} : memref<80x128xf32, #tpu.memory_space<vmem>>, vector<16xf32>,
        %get3A_505 = arith.index_cast %scan3A_491 : i32 to index
        %get3A_506 = arith.constant 16 : index
        %get3A_507 = tpu.vector_load %arg7[%get3A_505, %get3A_506] {strides = array<i32>} : memref<160x64xf32, #tpu.memory_space<vmem>>, vector<16xf32>,
        %swap3A_508 = arith.index_cast %scan3A_491 : i32 to index
        %swap3A_509 = arith.constant 16 : index
        %swap3A_510 = tpu.vector_load %arg9[%swap3A_508, %swap3A_509] {strides = array<i32>} : memref<80x128xf32, #tpu.memory_space<vmem>>, vector<16xf32>,
        tpu.vector_store %arg9[%swap3A_508, %swap3A_509], %get3A_507 {strides = array<i32>} : memref<80x128xf32, #tpu.memory_space<vmem>>, vector<16xf32>,
        %add3A_511 = arith.constant 4 : i32
        %add3A_512 = arith.addi %add3A_511, %scan3A_491 : i32
        %get3A_513 = arith.index_cast %add3A_512 : i32 to index
        %get3A_514 = arith.constant 16 : index
        %get3A_515 = tpu.vector_load %arg8[%get3A_513, %get3A_514] {strides = array<i32>} : memref<160x64xf32, #tpu.memory_space<vmem>>, vector<16xf32>,
        %swap3A_516 = arith.index_cast %scan3A_491 : i32 to index
        %swap3A_517 = arith.constant 80 : index
        %swap3A_518 = tpu.vector_load %arg9[%swap3A_516, %swap3A_517] {strides = array<i32>} : memref<80x128xf32, #tpu.memory_space<vmem>>, vector<16xf32>,
        tpu.vector_store %arg9[%swap3A_516, %swap3A_517], %get3A_515 {strides = array<i32>} : memref<80x128xf32, #tpu.memory_space<vmem>>, vector<16xf32>,
        %get3A_519 = arith.index_cast %scan3A_491 : i32 to index
        %get3A_520 = arith.constant 32 : index
        %get3A_521 = tpu.vector_load %arg7[%get3A_519, %get3A_520] {strides = array<i32>} : memref<160x64xf32, #tpu.memory_space<vmem>>, vector<16xf32>,
        %swap3A_522 = arith.index_cast %scan3A_491 : i32 to index
        %swap3A_523 = arith.constant 32 : index
        %swap3A_524 = tpu.vector_load %arg9[%swap3A_522, %swap3A_523] {strides = array<i32>} : memref<80x128xf32, #tpu.memory_space<vmem>>, vector<16xf32>,
        tpu.vector_store %arg9[%swap3A_522, %swap3A_523], %get3A_521 {strides = array<i32>} : memref<80x128xf32, #tpu.memory_space<vmem>>, vector<16xf32>,
        %add3A_525 = arith.constant 4 : i32
        %add3A_526 = arith.addi %add3A_525, %scan3A_491 : i32
        %get3A_527 = arith.index_cast %add3A_526 : i32 to index
        %get3A_528 = arith.constant 32 : index
        %get3A_529 = tpu.vector_load %arg8[%get3A_527, %get3A_528] {strides = array<i32>} : memref<160x64xf32, #tpu.memory_space<vmem>>, vector<16xf32>,
        %swap3A_530 = arith.index_cast %scan3A_491 : i32 to index
        %swap3A_531 = arith.constant 96 : index
        %swap3A_532 = tpu.vector_load %arg9[%swap3A_530, %swap3A_531] {strides = array<i32>} : memref<80x128xf32, #tpu.memory_space<vmem>>, vector<16xf32>,
        tpu.vector_store %arg9[%swap3A_530, %swap3A_531], %get3A_529 {strides = array<i32>} : memref<80x128xf32, #tpu.memory_space<vmem>>, vector<16xf32>,
        %get3A_533 = arith.index_cast %scan3A_491 : i32 to index
        %get3A_534 = arith.constant 48 : index
        %get3A_535 = tpu.vector_load %arg7[%get3A_533, %get3A_534] {strides = array<i32>} : memref<160x64xf32, #tpu.memory_space<vmem>>, vector<16xf32>,
        %swap3A_536 = arith.index_cast %scan3A_491 : i32 to index
        %swap3A_537 = arith.constant 48 : index
        %swap3A_538 = tpu.vector_load %arg9[%swap3A_536, %swap3A_537] {strides = array<i32>} : memref<80x128xf32, #tpu.memory_space<vmem>>, vector<16xf32>,
        tpu.vector_store %arg9[%swap3A_536, %swap3A_537], %get3A_535 {strides = array<i32>} : memref<80x128xf32, #tpu.memory_space<vmem>>, vector<16xf32>,
        %add3A_539 = arith.constant 4 : i32
        %add3A_540 = arith.addi %add3A_539, %scan3A_491 : i32
        %get3A_541 = arith.index_cast %add3A_540 : i32 to index
        %get3A_542 = arith.constant 48 : index
        %get3A_543 = tpu.vector_load %arg8[%get3A_541, %get3A_542] {strides = array<i32>} : memref<160x64xf32, #tpu.memory_space<vmem>>, vector<16xf32>,
        %swap3A_544 = arith.index_cast %scan3A_491 : i32 to index
        %swap3A_545 = arith.constant 112 : index
        %swap3A_546 = tpu.vector_load %arg9[%swap3A_544, %swap3A_545] {strides = array<i32>} : memref<80x128xf32, #tpu.memory_space<vmem>>, vector<16xf32>,
        tpu.vector_store %arg9[%swap3A_544, %swap3A_545], %get3A_543 {strides = array<i32>} : memref<80x128xf32, #tpu.memory_space<vmem>>, vector<16xf32>,
      }
      %scan3A_436 = arith.constant 80 : i32
      "tpu.region"() ({
        %run_scoped3A = tpu.sem_alloc : memref<!tpu.dma_semaphore, #tpu.memory_space<semaphore_mem>>
        %dma_start3A_491 = arith.constant 0 : i32
        %dma_start3A_492 = arith.constant 0 : i32
        %dma_start3A_493 = tpu.memref_slice %arg9[%dma_start3A_491, %dma_start3A_492] : memref<80x128xf32, #tpu.memory_space<vmem>> -> memref<80x128xf32, #tpu.memory_space<vmem>>
        %dma_start3A_494 = arith.constant 400 : i32
        %dma_start3A_495 = arith.constant 0 : i32
        %dma_start3A_496 = tpu.memref_slice %arg5[%dma_start3A_494, %dma_start3A_495] : memref<512x128xf32, #tpu.memory_space<hbm>> -> memref<80x128xf32, #tpu.memory_space<hbm>>
        %dma_start3A_497 = arith.constant 400 : i32
        %dma_start3A_498 = arith.constant 0 : i32
        %dma_start3A_499 = tpu.memref_slice %arg5[%dma_start3A_497, %dma_start3A_498] : memref<512x128xf32, #tpu.memory_space<hbm>> -> memref<80x128xf32, #tpu.memory_space<hbm>>
        %dma_start3A_500 = arith.constant 0 : i32
        %dma_start3A_501 = arith.constant 0 : i32
        %dma_start3A_502 = tpu.memref_slice %arg9[%dma_start3A_500, %dma_start3A_501] : memref<80x128xf32, #tpu.memory_space<vmem>> -> memref<80x128xf32, #tpu.memory_space<vmem>>
        tpu.enqueue_dma source(%dma_start3A_502 : memref<80x128xf32, #tpu.memory_space<vmem>>) target(%dma_start3A_499 : memref<80x128xf32, #tpu.memory_space<hbm>>) target_semaphore(%run_scoped3A : memref<!tpu.dma_semaphore, #tpu.memory_space<semaphore_mem>>)
        %dma_wait3A_503 = arith.constant 0 : i32
        %dma_wait3A_504 = arith.constant 0 : i32
        %dma_wait3A_505 = tpu.memref_slice %arg9[%dma_wait3A_503, %dma_wait3A_504] : memref<80x128xf32, #tpu.memory_space<vmem>> -> memref<80x128xf32, #tpu.memory_space<vmem>>
        %dma_wait3A_506 = arith.constant 400 : i32
        %dma_wait3A_507 = arith.constant 0 : i32
        %dma_wait3A_508 = tpu.memref_slice %arg5[%dma_wait3A_506, %dma_wait3A_507] : memref<512x128xf32, #tpu.memory_space<hbm>> -> memref<80x128xf32, #tpu.memory_space<hbm>>
        %dma_wait3A_509 = arith.constant 400 : i32
        %dma_wait3A_510 = arith.constant 0 : i32
        %dma_wait3A_511 = tpu.memref_slice %arg5[%dma_wait3A_509, %dma_wait3A_510] : memref<512x128xf32, #tpu.memory_space<hbm>> -> memref<80x128xf32, #tpu.memory_space<hbm>>
        %dma_wait3A_512 = arith.constant 0 : i32
        %dma_wait3A_513 = arith.constant 0 : i32
        %dma_wait3A_514 = tpu.memref_slice %arg9[%dma_wait3A_512, %dma_wait3A_513] : memref<80x128xf32, #tpu.memory_space<vmem>> -> memref<80x128xf32, #tpu.memory_space<vmem>>
        tpu.wait_dma2 semaphore(%run_scoped3A : memref<!tpu.dma_semaphore, #tpu.memory_space<semaphore_mem>>) src(%dma_wait3A_514 : memref<80x128xf32, #tpu.memory_space<vmem>>) dst(%dma_wait3A_511 : memref<80x128xf32, #tpu.memory_space<hbm>>)
        tpu.yield
      }) : () -> ()
      %dma_start3A_437 = arith.constant 0 : i32
      %dma_start3A_438 = arith.constant 0 : i32
      %dma_start3A_439 = tpu.memref_slice %arg7[%dma_start3A_437, %dma_start3A_438] : memref<160x64xf32, #tpu.memory_space<vmem>> -> memref<24x64xf32, #tpu.memory_space<vmem>>
      %dma_start3A_440 = arith.constant 480 : i32
      %dma_start3A_441 = arith.constant 0 : i32
      %dma_start3A_442 = tpu.memref_slice %arg3[%dma_start3A_440, %dma_start3A_441] : memref<1000x64xf32, #tpu.memory_space<hbm>> -> memref<24x64xf32, #tpu.memory_space<hbm>>
      %dma_start3A_443 = arith.constant 0 : i32
      %dma_start3A_444 = arith.constant 0 : i32
      %dma_start3A_445 = tpu.memref_slice %arg7[%dma_start3A_443, %dma_start3A_444] : memref<160x64xf32, #tpu.memory_space<vmem>> -> memref<24x64xf32, #tpu.memory_space<vmem>>
      %dma_start3A_446 = arith.constant 480 : i32
      %dma_start3A_447 = arith.constant 0 : i32
      %dma_start3A_448 = tpu.memref_slice %arg3[%dma_start3A_446, %dma_start3A_447] : memref<1000x64xf32, #tpu.memory_space<hbm>> -> memref<24x64xf32, #tpu.memory_space<hbm>>
      tpu.enqueue_dma source(%dma_start3A_448 : memref<24x64xf32, #tpu.memory_space<hbm>>) target(%dma_start3A_445 : memref<24x64xf32, #tpu.memory_space<vmem>>) target_semaphore(%arg12 : memref<!tpu.dma_semaphore, #tpu.memory_space<semaphore_mem>>)
      %dma_start3A_449 = arith.constant 0 : i32
      %dma_start3A_450 = arith.constant 0 : i32
      %dma_start3A_451 = tpu.memref_slice %arg8[%dma_start3A_449, %dma_start3A_450] : memref<160x64xf32, #tpu.memory_space<vmem>> -> memref<24x64xf32, #tpu.memory_space<vmem>>
      %dma_start3A_452 = arith.constant 976 : i32
      %dma_start3A_453 = arith.constant 0 : i32
      %dma_start3A_454 = tpu.memref_slice %arg3[%dma_start3A_452, %dma_start3A_453] : memref<1000x64xf32, #tpu.memory_space<hbm>> -> memref<24x64xf32, #tpu.memory_space<hbm>>
      %dma_start3A_455 = arith.constant 0 : i32
      %dma_start3A_456 = arith.constant 0 : i32
      %dma_start3A_457 = tpu.memref_slice %arg8[%dma_start3A_455, %dma_start3A_456] : memref<160x64xf32, #tpu.memory_space<vmem>> -> memref<24x64xf32, #tpu.memory_space<vmem>>
      %dma_start3A_458 = arith.constant 976 : i32
      %dma_start3A_459 = arith.constant 0 : i32
      %dma_start3A_460 = tpu.memref_slice %arg3[%dma_start3A_458, %dma_start3A_459] : memref<1000x64xf32, #tpu.memory_space<hbm>> -> memref<24x64xf32, #tpu.memory_space<hbm>>
      tpu.enqueue_dma source(%dma_start3A_460 : memref<24x64xf32, #tpu.memory_space<hbm>>) target(%dma_start3A_457 : memref<24x64xf32, #tpu.memory_space<vmem>>) target_semaphore(%arg12 : memref<!tpu.dma_semaphore, #tpu.memory_space<semaphore_mem>>)
      %dma_wait3A_461 = arith.constant 0 : i32
      %dma_wait3A_462 = arith.constant 0 : i32
      %dma_wait3A_463 = tpu.memref_slice %arg7[%dma_wait3A_461, %dma_wait3A_462] : memref<160x64xf32, #tpu.memory_space<vmem>> -> memref<24x64xf32, #tpu.memory_space<vmem>>
      %dma_wait3A_464 = arith.constant 0 : i32
      %dma_wait3A_465 = arith.constant 0 : i32
      %dma_wait3A_466 = tpu.memref_slice %arg3[%dma_wait3A_464, %dma_wait3A_465] : memref<1000x64xf32, #tpu.memory_space<hbm>> -> memref<24x64xf32, #tpu.memory_space<hbm>>
      %dma_wait3A_467 = arith.constant 0 : i32
      %dma_wait3A_468 = arith.constant 0 : i32
      %dma_wait3A_469 = tpu.memref_slice %arg7[%dma_wait3A_467, %dma_wait3A_468] : memref<160x64xf32, #tpu.memory_space<vmem>> -> memref<24x64xf32, #tpu.memory_space<vmem>>
      %dma_wait3A_470 = arith.constant 0 : i32
      %dma_wait3A_471 = arith.constant 0 : i32
      %dma_wait3A_472 = tpu.memref_slice %arg3[%dma_wait3A_470, %dma_wait3A_471] : memref<1000x64xf32, #tpu.memory_space<hbm>> -> memref<24x64xf32, #tpu.memory_space<hbm>>
      tpu.wait_dma2 semaphore(%arg12 : memref<!tpu.dma_semaphore, #tpu.memory_space<semaphore_mem>>) src(%dma_wait3A_472 : memref<24x64xf32, #tpu.memory_space<hbm>>) dst(%dma_wait3A_469 : memref<24x64xf32, #tpu.memory_space<vmem>>)
      %dma_wait3A_473 = arith.constant 0 : i32
      %dma_wait3A_474 = arith.constant 0 : i32
      %dma_wait3A_475 = tpu.memref_slice %arg8[%dma_wait3A_473, %dma_wait3A_474] : memref<160x64xf32, #tpu.memory_space<vmem>> -> memref<24x64xf32, #tpu.memory_space<vmem>>
      %dma_wait3A_476 = arith.constant 0 : i32
      %dma_wait3A_477 = arith.constant 0 : i32
      %dma_wait3A_478 = tpu.memref_slice %arg3[%dma_wait3A_476, %dma_wait3A_477] : memref<1000x64xf32, #tpu.memory_space<hbm>> -> memref<24x64xf32, #tpu.memory_space<hbm>>
      %dma_wait3A_479 = arith.constant 0 : i32
      %dma_wait3A_480 = arith.constant 0 : i32
      %dma_wait3A_481 = tpu.memref_slice %arg8[%dma_wait3A_479, %dma_wait3A_480] : memref<160x64xf32, #tpu.memory_space<vmem>> -> memref<24x64xf32, #tpu.memory_space<vmem>>
      %dma_wait3A_482 = arith.constant 0 : i32
      %dma_wait3A_483 = arith.constant 0 : i32
      %dma_wait3A_484 = tpu.memref_slice %arg3[%dma_wait3A_482, %dma_wait3A_483] : memref<1000x64xf32, #tpu.memory_space<hbm>> -> memref<24x64xf32, #tpu.memory_space<hbm>>
      tpu.wait_dma2 semaphore(%arg12 : memref<!tpu.dma_semaphore, #tpu.memory_space<semaphore_mem>>) src(%dma_wait3A_484 : memref<24x64xf32, #tpu.memory_space<hbm>>) dst(%dma_wait3A_481 : memref<24x64xf32, #tpu.memory_space<vmem>>)
      %scan3A_485 = arith.constant 0 : i32
      %scan3A_486 = arith.constant 0 : i32
      %scan3A_487 = arith.constant 24 : i32
      %scan3A_488 = arith.addi %scan3A_486, %scan3A_487 : i32
      %scan3A_489 = arith.constant 1 : i32
      scf.for %scan3A_491 = %scan3A_486 to %scan3A_488 step %scan3A_489  : i32 {
        %get3A = arith.index_cast %scan3A_491 : i32 to index
        %get3A_492 = arith.constant 0 : index
        %get3A_493 = tpu.vector_load %arg7[%get3A, %get3A_492] {strides = array<i32>} : memref<160x64xf32, #tpu.memory_space<vmem>>, vector<16xf32>,
        %swap3A_494 = arith.index_cast %scan3A_491 : i32 to index
        %swap3A_495 = arith.constant 0 : index
        %swap3A_496 = tpu.vector_load %arg9[%swap3A_494, %swap3A_495] {strides = array<i32>} : memref<80x128xf32, #tpu.memory_space<vmem>>, vector<16xf32>,
        tpu.vector_store %arg9[%swap3A_494, %swap3A_495], %get3A_493 {strides = array<i32>} : memref<80x128xf32, #tpu.memory_space<vmem>>, vector<16xf32>,
        %add3A_497 = arith.constant 4 : i32
        %add3A_498 = arith.addi %add3A_497, %scan3A_491 : i32
        %get3A_499 = arith.index_cast %add3A_498 : i32 to index
        %get3A_500 = arith.constant 0 : index
        %get3A_501 = tpu.vector_load %arg8[%get3A_499, %get3A_500] {strides = array<i32>} : memref<160x64xf32, #tpu.memory_space<vmem>>, vector<16xf32>,
        %swap3A_502 = arith.index_cast %scan3A_491 : i32 to index
        %swap3A_503 = arith.constant 64 : index
        %swap3A_504 = tpu.vector_load %arg9[%swap3A_502, %swap3A_503] {strides = array<i32>} : memref<80x128xf32, #tpu.memory_space<vmem>>, vector<16xf32>,
        tpu.vector_store %arg9[%swap3A_502, %swap3A_503], %get3A_501 {strides = array<i32>} : memref<80x128xf32, #tpu.memory_space<vmem>>, vector<16xf32>,
        %get3A_505 = arith.index_cast %scan3A_491 : i32 to index
        %get3A_506 = arith.constant 16 : index
        %get3A_507 = tpu.vector_load %arg7[%get3A_505, %get3A_506] {strides = array<i32>} : memref<160x64xf32, #tpu.memory_space<vmem>>, vector<16xf32>,
        %swap3A_508 = arith.index_cast %scan3A_491 : i32 to index
        %swap3A_509 = arith.constant 16 : index
        %swap3A_510 = tpu.vector_load %arg9[%swap3A_508, %swap3A_509] {strides = array<i32>} : memref<80x128xf32, #tpu.memory_space<vmem>>, vector<16xf32>,
        tpu.vector_store %arg9[%swap3A_508, %swap3A_509], %get3A_507 {strides = array<i32>} : memref<80x128xf32, #tpu.memory_space<vmem>>, vector<16xf32>,
        %add3A_511 = arith.constant 4 : i32
        %add3A_512 = arith.addi %add3A_511, %scan3A_491 : i32
        %get3A_513 = arith.index_cast %add3A_512 : i32 to index
        %get3A_514 = arith.constant 16 : index
        %get3A_515 = tpu.vector_load %arg8[%get3A_513, %get3A_514] {strides = array<i32>} : memref<160x64xf32, #tpu.memory_space<vmem>>, vector<16xf32>,
        %swap3A_516 = arith.index_cast %scan3A_491 : i32 to index
        %swap3A_517 = arith.constant 80 : index
        %swap3A_518 = tpu.vector_load %arg9[%swap3A_516, %swap3A_517] {strides = array<i32>} : memref<80x128xf32, #tpu.memory_space<vmem>>, vector<16xf32>,
        tpu.vector_store %arg9[%swap3A_516, %swap3A_517], %get3A_515 {strides = array<i32>} : memref<80x128xf32, #tpu.memory_space<vmem>>, vector<16xf32>,
        %get3A_519 = arith.index_cast %scan3A_491 : i32 to index
        %get3A_520 = arith.constant 32 : index
        %get3A_521 = tpu.vector_load %arg7[%get3A_519, %get3A_520] {strides = array<i32>} : memref<160x64xf32, #tpu.memory_space<vmem>>, vector<16xf32>,
        %swap3A_522 = arith.index_cast %scan3A_491 : i32 to index
        %swap3A_523 = arith.constant 32 : index
        %swap3A_524 = tpu.vector_load %arg9[%swap3A_522, %swap3A_523] {strides = array<i32>} : memref<80x128xf32, #tpu.memory_space<vmem>>, vector<16xf32>,
        tpu.vector_store %arg9[%swap3A_522, %swap3A_523], %get3A_521 {strides = array<i32>} : memref<80x128xf32, #tpu.memory_space<vmem>>, vector<16xf32>,
        %add3A_525 = arith.constant 4 : i32
        %add3A_526 = arith.addi %add3A_525, %scan3A_491 : i32
        %get3A_527 = arith.index_cast %add3A_526 : i32 to index
        %get3A_528 = arith.constant 32 : index
        %get3A_529 = tpu.vector_load %arg8[%get3A_527, %get3A_528] {strides = array<i32>} : memref<160x64xf32, #tpu.memory_space<vmem>>, vector<16xf32>,
        %swap3A_530 = arith.index_cast %scan3A_491 : i32 to index
        %swap3A_531 = arith.constant 96 : index
        %swap3A_532 = tpu.vector_load %arg9[%swap3A_530, %swap3A_531] {strides = array<i32>} : memref<80x128xf32, #tpu.memory_space<vmem>>, vector<16xf32>,
        tpu.vector_store %arg9[%swap3A_530, %swap3A_531], %get3A_529 {strides = array<i32>} : memref<80x128xf32, #tpu.memory_space<vmem>>, vector<16xf32>,
        %get3A_533 = arith.index_cast %scan3A_491 : i32 to index
        %get3A_534 = arith.constant 48 : index
        %get3A_535 = tpu.vector_load %arg7[%get3A_533, %get3A_534] {strides = array<i32>} : memref<160x64xf32, #tpu.memory_space<vmem>>, vector<16xf32>,
        %swap3A_536 = arith.index_cast %scan3A_491 : i32 to index
        %swap3A_537 = arith.constant 48 : index
        %swap3A_538 = tpu.vector_load %arg9[%swap3A_536, %swap3A_537] {strides = array<i32>} : memref<80x128xf32, #tpu.memory_space<vmem>>, vector<16xf32>,
        tpu.vector_store %arg9[%swap3A_536, %swap3A_537], %get3A_535 {strides = array<i32>} : memref<80x128xf32, #tpu.memory_space<vmem>>, vector<16xf32>,
        %add3A_539 = arith.constant 4 : i32
        %add3A_540 = arith.addi %add3A_539, %scan3A_491 : i32
        %get3A_541 = arith.index_cast %add3A_540 : i32 to index
        %get3A_542 = arith.constant 48 : index
        %get3A_543 = tpu.vector_load %arg8[%get3A_541, %get3A_542] {strides = array<i32>} : memref<160x64xf32, #tpu.memory_space<vmem>>, vector<16xf32>,
        %swap3A_544 = arith.index_cast %scan3A_491 : i32 to index
        %swap3A_545 = arith.constant 112 : index
        %swap3A_546 = tpu.vector_load %arg9[%swap3A_544, %swap3A_545] {strides = array<i32>} : memref<80x128xf32, #tpu.memory_space<vmem>>, vector<16xf32>,
        tpu.vector_store %arg9[%swap3A_544, %swap3A_545], %get3A_543 {strides = array<i32>} : memref<80x128xf32, #tpu.memory_space<vmem>>, vector<16xf32>,
      }
      %scan3A_490 = arith.constant 24 : i32
      "tpu.region"() ({
        %run_scoped3A = tpu.sem_alloc : memref<!tpu.dma_semaphore, #tpu.memory_space<semaphore_mem>>
        %dma_start3A_491 = arith.constant 0 : i32
        %dma_start3A_492 = arith.constant 0 : i32
        %dma_start3A_493 = tpu.memref_slice %arg9[%dma_start3A_491, %dma_start3A_492] : memref<80x128xf32, #tpu.memory_space<vmem>> -> memref<24x128xf32, #tpu.memory_space<vmem>>
        %dma_start3A_494 = arith.constant 480 : i32
        %dma_start3A_495 = arith.constant 0 : i32
        %dma_start3A_496 = tpu.memref_slice %arg5[%dma_start3A_494, %dma_start3A_495] : memref<512x128xf32, #tpu.memory_space<hbm>> -> memref<24x128xf32, #tpu.memory_space<hbm>>
        %dma_start3A_497 = arith.constant 480 : i32
        %dma_start3A_498 = arith.constant 0 : i32
        %dma_start3A_499 = tpu.memref_slice %arg5[%dma_start3A_497, %dma_start3A_498] : memref<512x128xf32, #tpu.memory_space<hbm>> -> memref<24x128xf32, #tpu.memory_space<hbm>>
        %dma_start3A_500 = arith.constant 0 : i32
        %dma_start3A_501 = arith.constant 0 : i32
        %dma_start3A_502 = tpu.memref_slice %arg9[%dma_start3A_500, %dma_start3A_501] : memref<80x128xf32, #tpu.memory_space<vmem>> -> memref<24x128xf32, #tpu.memory_space<vmem>>
        tpu.enqueue_dma source(%dma_start3A_502 : memref<24x128xf32, #tpu.memory_space<vmem>>) target(%dma_start3A_499 : memref<24x128xf32, #tpu.memory_space<hbm>>) target_semaphore(%run_scoped3A : memref<!tpu.dma_semaphore, #tpu.memory_space<semaphore_mem>>)
        %dma_wait3A_503 = arith.constant 0 : i32
        %dma_wait3A_504 = arith.constant 0 : i32
        %dma_wait3A_505 = tpu.memref_slice %arg9[%dma_wait3A_503, %dma_wait3A_504] : memref<80x128xf32, #tpu.memory_space<vmem>> -> memref<24x128xf32, #tpu.memory_space<vmem>>
        %dma_wait3A_506 = arith.constant 480 : i32
        %dma_wait3A_507 = arith.constant 0 : i32
        %dma_wait3A_508 = tpu.memref_slice %arg5[%dma_wait3A_506, %dma_wait3A_507] : memref<512x128xf32, #tpu.memory_space<hbm>> -> memref<24x128xf32, #tpu.memory_space<hbm>>
        %dma_wait3A_509 = arith.constant 480 : i32
        %dma_wait3A_510 = arith.constant 0 : i32
        %dma_wait3A_511 = tpu.memref_slice %arg5[%dma_wait3A_509, %dma_wait3A_510] : memref<512x128xf32, #tpu.memory_space<hbm>> -> memref<24x128xf32, #tpu.memory_space<hbm>>
        %dma_wait3A_512 = arith.constant 0 : i32
        %dma_wait3A_513 = arith.constant 0 : i32
        %dma_wait3A_514 = tpu.memref_slice %arg9[%dma_wait3A_512, %dma_wait3A_513] : memref<80x128xf32, #tpu.memory_space<vmem>> -> memref<24x128xf32, #tpu.memory_space<vmem>>
        tpu.wait_dma2 semaphore(%run_scoped3A : memref<!tpu.dma_semaphore, #tpu.memory_space<semaphore_mem>>) src(%dma_wait3A_514 : memref<24x128xf32, #tpu.memory_space<vmem>>) dst(%dma_wait3A_511 : memref<24x128xf32, #tpu.memory_space<hbm>>)
        tpu.yield
      }) : () -> ()
    } else {
    }
    %add3A_94 = arith.addf %select_n3A, %select_n3A_80 : vector<16xf32>
    %add3A_95 = arith.addf %add3A_94, %select_n3A_81 : vector<16xf32>
    %add3A_96 = arith.addf %add3A_95, %select_n3A_82 : vector<16xf32>
    %add3A_97 = arith.addf %add3A_96, %select_n3A_83 : vector<16xf32>
    %add3A_98 = arith.addf %add3A_97, %select_n3A_84 : vector<16xf32>
    %add3A_99 = arith.addf %add3A_98, %select_n3A_85 : vector<16xf32>
    %add3A_100 = arith.addf %add3A_99, %select_n3A_86 : vector<16xf32>
    %swap3A = arith.constant 0 : i32
    %swap3A_101 = arith.index_cast %swap3A : i32 to index
    %swap3A_102 = arith.constant 0 : index
    %swap3A_103 = tpu.vector_load %arg11[%swap3A_101, %swap3A_102] {strides = array<i32>} : memref<1x16xf32, #tpu.memory_space<vmem>>, vector<16xf32>,
    tpu.vector_store %arg11[%swap3A_101, %swap3A_102], %add3A_100 {strides = array<i32>} : memref<1x16xf32, #tpu.memory_space<vmem>>, vector<16xf32>,
    "tpu.region"() ({
      %run_scoped3A = tpu.sem_alloc : memref<!tpu.dma_semaphore, #tpu.memory_space<semaphore_mem>>
      %dma_start3A_113 = arith.constant 0 : i32
      %dma_start3A_114 = arith.constant 0 : i32
      %dma_start3A_115 = tpu.memref_slice %arg6[%add3A, %dma_start3A_113, %dma_start3A_114] : memref<32x1x16xf32, #tpu.memory_space<hbm>> -> memref<1x1x16xf32, #tpu.memory_space<hbm>>
      %dma_start3A_116 = tpu.memref_squeeze %dma_start3A_115 : memref<1x1x16xf32, #tpu.memory_space<hbm>> -> memref<1x16xf32, #tpu.memory_space<hbm>>
      %dma_start3A_117 = arith.constant 0 : i32
      %dma_start3A_118 = arith.constant 0 : i32
      %dma_start3A_119 = tpu.memref_slice %arg6[%add3A, %dma_start3A_117, %dma_start3A_118] : memref<32x1x16xf32, #tpu.memory_space<hbm>> -> memref<1x1x16xf32, #tpu.memory_space<hbm>>
      %dma_start3A_120 = tpu.memref_squeeze %dma_start3A_119 : memref<1x1x16xf32, #tpu.memory_space<hbm>> -> memref<1x16xf32, #tpu.memory_space<hbm>>
      tpu.enqueue_dma source(%arg11 : memref<1x16xf32, #tpu.memory_space<vmem>>) target(%dma_start3A_120 : memref<1x16xf32, #tpu.memory_space<hbm>>) target_semaphore(%run_scoped3A : memref<!tpu.dma_semaphore, #tpu.memory_space<semaphore_mem>>)
      %dma_wait3A_121 = arith.constant 0 : i32
      %dma_wait3A_122 = arith.constant 0 : i32
      %dma_wait3A_123 = tpu.memref_slice %arg6[%add3A, %dma_wait3A_121, %dma_wait3A_122] : memref<32x1x16xf32, #tpu.memory_space<hbm>> -> memref<1x1x16xf32, #tpu.memory_space<hbm>>
      %dma_wait3A_124 = tpu.memref_squeeze %dma_wait3A_123 : memref<1x1x16xf32, #tpu.memory_space<hbm>> -> memref<1x16xf32, #tpu.memory_space<hbm>>
      %dma_wait3A_125 = arith.constant 0 : i32
      %dma_wait3A_126 = arith.constant 0 : i32
      %dma_wait3A_127 = tpu.memref_slice %arg6[%add3A, %dma_wait3A_125, %dma_wait3A_126] : memref<32x1x16xf32, #tpu.memory_space<hbm>> -> memref<1x1x16xf32, #tpu.memory_space<hbm>>
      %dma_wait3A_128 = tpu.memref_squeeze %dma_wait3A_127 : memref<1x1x16xf32, #tpu.memory_space<hbm>> -> memref<1x16xf32, #tpu.memory_space<hbm>>
      tpu.wait_dma2 semaphore(%run_scoped3A : memref<!tpu.dma_semaphore, #tpu.memory_space<semaphore_mem>>) src(%arg11 : memref<1x16xf32, #tpu.memory_space<vmem>>) dst(%dma_wait3A_128 : memref<1x16xf32, #tpu.memory_space<hbm>>)
      tpu.yield
    }) : () -> ()
    %dma_wait3A_104 = arith.constant 0 : i32
    %dma_wait3A_105 = arith.constant 0 : i32
    %dma_wait3A_106 = tpu.memref_slice %arg4[%dma_wait3A_104, %dma_wait3A_105] : memref<500000x128xf32, #tpu.memory_space<hbm>> -> memref<80x128xf32, #tpu.memory_space<hbm>>
    %dma_wait3A_107 = arith.constant 0 : i32
    %dma_wait3A_108 = arith.constant 0 : i32
    %dma_wait3A_109 = tpu.memref_slice %arg4[%dma_wait3A_107, %dma_wait3A_108] : memref<500000x128xf32, #tpu.memory_space<hbm>> -> memref<80x128xf32, #tpu.memory_space<hbm>>
    tpu.wait_dma2 semaphore(%arg13 : memref<!tpu.dma_semaphore, #tpu.memory_space<semaphore_mem>>) src(%dma_wait3A_109 : memref<80x128xf32, #tpu.memory_space<hbm>>) dst(%arg9 : memref<80x128xf32, #tpu.memory_space<vmem>>)
    %convert_element_type3A_110 = arith.extui %lt3A_64 : i1 to i32
    %cond3A_111 = arith.constant 0 : i32
    %cond3A_112 = arith.cmpi ne, %convert_element_type3A_110, %cond3A_111 : i32
    scf.if %cond3A_112 {
      %dma_wait3A_113 = arith.constant 0 : i32
      %dma_wait3A_114 = arith.constant 0 : i32
      %dma_wait3A_115 = tpu.memref_slice %arg4[%dma_wait3A_113, %dma_wait3A_114] : memref<500000x128xf32, #tpu.memory_space<hbm>> -> memref<80x128xf32, #tpu.memory_space<hbm>>
      %dma_wait3A_116 = arith.constant 0 : i32
      %dma_wait3A_117 = arith.constant 0 : i32
      %dma_wait3A_118 = tpu.memref_slice %arg4[%dma_wait3A_116, %dma_wait3A_117] : memref<500000x128xf32, #tpu.memory_space<hbm>> -> memref<80x128xf32, #tpu.memory_space<hbm>>
      tpu.wait_dma2 semaphore(%arg13 : memref<!tpu.dma_semaphore, #tpu.memory_space<semaphore_mem>>) src(%dma_wait3A_118 : memref<80x128xf32, #tpu.memory_space<hbm>>) dst(%arg10 : memref<80x128xf32, #tpu.memory_space<vmem>>)
    } else {
    }
    return
  }
}

#map = affine_map<(d0, d1) -> (0, 0)>
#map1 = affine_map<(d0, d1) -> (0, 0, 0)>
module attributes {stable_mosaic.version = 14 : i64} {
  func.func @_gather_kernel(%arg0: i32, %arg1: i32, %arg2: memref<500000x128xf32, #tpu.memory_space<hbm>>, %arg3: memref<512x128xf32, #tpu.memory_space<hbm>>, %arg4: memref<32x1x512xi32, #tpu.memory_space<hbm>>, %arg5: memref<32x1x512xi32, #tpu.memory_space<hbm>>, %arg6: memref<32x1x512xi32, #tpu.memory_space<hbm>>, %arg7: memref<64x16384xf32, #tpu.memory_space<hbm>>, %arg8: memref<64x16384xf32, #tpu.memory_space<hbm>>, %arg9: memref<64x16384xf32, #tpu.memory_space<hbm>>, %arg10: memref<1x512xi32, #tpu.memory_space<vmem>>, %arg11: memref<1x512xi32, #tpu.memory_space<vmem>>, %arg12: memref<1x512xi32, #tpu.memory_space<vmem>>, %arg13: memref<1x128xi32, #tpu.memory_space<vmem>>, %arg14: memref<128x128xf32, #tpu.memory_space<vmem>>, %arg15: memref<64x512xf32, #tpu.memory_space<vmem>>, %arg16: memref<!tpu.dma_semaphore, #tpu.memory_space<semaphore_mem>>) attributes {dimension_semantics = [#tpu.dimension_semantics<core_parallel>, #tpu.dimension_semantics<subcore_parallel>], iteration_bounds = array<i64: 2, 16>, scalar_prefetch = 0 : i64, scratch_operands = 7 : i64, tpu.core_type = #tpu.core_type<sc_vector_subcore>, window_params = [{transform_indices = #map}, {transform_indices = #map}, {transform_indices = #map1}, {transform_indices = #map1}, {transform_indices = #map1}, {transform_indices = #map}, {transform_indices = #map}, {transform_indices = #map}]} {
    %mul3A = arith.constant 2 : i32
    %mul3A_0 = arith.muli %arg1, %mul3A : i32
    %add3A = arith.addi %mul3A_0, %arg0 : i32
    %mul3A_1 = arith.constant 512 : i32
    %mul3A_2 = arith.muli %add3A, %mul3A_1 : i32
    %multiple_of3A = tpu.assume_multiple %mul3A_2, 512 : i32
    "tpu.region"() ({
      %run_scoped3A = tpu.sem_alloc : memref<!tpu.dma_semaphore, #tpu.memory_space<semaphore_mem>>
      %dma_start3A = arith.constant 0 : i32
      %dma_start3A_20 = arith.constant 0 : i32
      %dma_start3A_21 = tpu.memref_slice %arg4[%add3A, %dma_start3A, %dma_start3A_20] : memref<32x1x512xi32, #tpu.memory_space<hbm>> -> memref<1x1x512xi32, #tpu.memory_space<hbm>>
      %dma_start3A_22 = tpu.memref_squeeze %dma_start3A_21 : memref<1x1x512xi32, #tpu.memory_space<hbm>> -> memref<1x512xi32, #tpu.memory_space<hbm>>
      %dma_start3A_23 = arith.constant 0 : i32
      %dma_start3A_24 = arith.constant 0 : i32
      %dma_start3A_25 = tpu.memref_slice %arg4[%add3A, %dma_start3A_23, %dma_start3A_24] : memref<32x1x512xi32, #tpu.memory_space<hbm>> -> memref<1x1x512xi32, #tpu.memory_space<hbm>>
      %dma_start3A_26 = tpu.memref_squeeze %dma_start3A_25 : memref<1x1x512xi32, #tpu.memory_space<hbm>> -> memref<1x512xi32, #tpu.memory_space<hbm>>
      tpu.enqueue_dma source(%dma_start3A_26 : memref<1x512xi32, #tpu.memory_space<hbm>>) target(%arg10 : memref<1x512xi32, #tpu.memory_space<vmem>>) target_semaphore(%run_scoped3A : memref<!tpu.dma_semaphore, #tpu.memory_space<semaphore_mem>>)
      %dma_wait3A = arith.constant 0 : i32
      %dma_wait3A_27 = arith.constant 0 : i32
      %dma_wait3A_28 = tpu.memref_slice %arg4[%add3A, %dma_wait3A, %dma_wait3A_27] : memref<32x1x512xi32, #tpu.memory_space<hbm>> -> memref<1x1x512xi32, #tpu.memory_space<hbm>>
      %dma_wait3A_29 = tpu.memref_squeeze %dma_wait3A_28 : memref<1x1x512xi32, #tpu.memory_space<hbm>> -> memref<1x512xi32, #tpu.memory_space<hbm>>
      %dma_wait3A_30 = arith.constant 0 : i32
      %dma_wait3A_31 = arith.constant 0 : i32
      %dma_wait3A_32 = tpu.memref_slice %arg4[%add3A, %dma_wait3A_30, %dma_wait3A_31] : memref<32x1x512xi32, #tpu.memory_space<hbm>> -> memref<1x1x512xi32, #tpu.memory_space<hbm>>
      %dma_wait3A_33 = tpu.memref_squeeze %dma_wait3A_32 : memref<1x1x512xi32, #tpu.memory_space<hbm>> -> memref<1x512xi32, #tpu.memory_space<hbm>>
      tpu.wait_dma2 semaphore(%run_scoped3A : memref<!tpu.dma_semaphore, #tpu.memory_space<semaphore_mem>>) src(%dma_wait3A_33 : memref<1x512xi32, #tpu.memory_space<hbm>>) dst(%arg10 : memref<1x512xi32, #tpu.memory_space<vmem>>)
      tpu.yield
    }) : () -> ()
    "tpu.region"() ({
      %run_scoped3A = tpu.sem_alloc : memref<!tpu.dma_semaphore, #tpu.memory_space<semaphore_mem>>
      %dma_start3A = arith.constant 0 : i32
      %dma_start3A_20 = arith.constant 0 : i32
      %dma_start3A_21 = tpu.memref_slice %arg5[%add3A, %dma_start3A, %dma_start3A_20] : memref<32x1x512xi32, #tpu.memory_space<hbm>> -> memref<1x1x512xi32, #tpu.memory_space<hbm>>
      %dma_start3A_22 = tpu.memref_squeeze %dma_start3A_21 : memref<1x1x512xi32, #tpu.memory_space<hbm>> -> memref<1x512xi32, #tpu.memory_space<hbm>>
      %dma_start3A_23 = arith.constant 0 : i32
      %dma_start3A_24 = arith.constant 0 : i32
      %dma_start3A_25 = tpu.memref_slice %arg5[%add3A, %dma_start3A_23, %dma_start3A_24] : memref<32x1x512xi32, #tpu.memory_space<hbm>> -> memref<1x1x512xi32, #tpu.memory_space<hbm>>
      %dma_start3A_26 = tpu.memref_squeeze %dma_start3A_25 : memref<1x1x512xi32, #tpu.memory_space<hbm>> -> memref<1x512xi32, #tpu.memory_space<hbm>>
      tpu.enqueue_dma source(%dma_start3A_26 : memref<1x512xi32, #tpu.memory_space<hbm>>) target(%arg11 : memref<1x512xi32, #tpu.memory_space<vmem>>) target_semaphore(%run_scoped3A : memref<!tpu.dma_semaphore, #tpu.memory_space<semaphore_mem>>)
      %dma_wait3A = arith.constant 0 : i32
      %dma_wait3A_27 = arith.constant 0 : i32
      %dma_wait3A_28 = tpu.memref_slice %arg5[%add3A, %dma_wait3A, %dma_wait3A_27] : memref<32x1x512xi32, #tpu.memory_space<hbm>> -> memref<1x1x512xi32, #tpu.memory_space<hbm>>
      %dma_wait3A_29 = tpu.memref_squeeze %dma_wait3A_28 : memref<1x1x512xi32, #tpu.memory_space<hbm>> -> memref<1x512xi32, #tpu.memory_space<hbm>>
      %dma_wait3A_30 = arith.constant 0 : i32
      %dma_wait3A_31 = arith.constant 0 : i32
      %dma_wait3A_32 = tpu.memref_slice %arg5[%add3A, %dma_wait3A_30, %dma_wait3A_31] : memref<32x1x512xi32, #tpu.memory_space<hbm>> -> memref<1x1x512xi32, #tpu.memory_space<hbm>>
      %dma_wait3A_33 = tpu.memref_squeeze %dma_wait3A_32 : memref<1x1x512xi32, #tpu.memory_space<hbm>> -> memref<1x512xi32, #tpu.memory_space<hbm>>
      tpu.wait_dma2 semaphore(%run_scoped3A : memref<!tpu.dma_semaphore, #tpu.memory_space<semaphore_mem>>) src(%dma_wait3A_33 : memref<1x512xi32, #tpu.memory_space<hbm>>) dst(%arg11 : memref<1x512xi32, #tpu.memory_space<vmem>>)
      tpu.yield
    }) : () -> ()
    "tpu.region"() ({
      %run_scoped3A = tpu.sem_alloc : memref<!tpu.dma_semaphore, #tpu.memory_space<semaphore_mem>>
      %dma_start3A = arith.constant 0 : i32
      %dma_start3A_20 = arith.constant 0 : i32
      %dma_start3A_21 = tpu.memref_slice %arg6[%add3A, %dma_start3A, %dma_start3A_20] : memref<32x1x512xi32, #tpu.memory_space<hbm>> -> memref<1x1x512xi32, #tpu.memory_space<hbm>>
      %dma_start3A_22 = tpu.memref_squeeze %dma_start3A_21 : memref<1x1x512xi32, #tpu.memory_space<hbm>> -> memref<1x512xi32, #tpu.memory_space<hbm>>
      %dma_start3A_23 = arith.constant 0 : i32
      %dma_start3A_24 = arith.constant 0 : i32
      %dma_start3A_25 = tpu.memref_slice %arg6[%add3A, %dma_start3A_23, %dma_start3A_24] : memref<32x1x512xi32, #tpu.memory_space<hbm>> -> memref<1x1x512xi32, #tpu.memory_space<hbm>>
      %dma_start3A_26 = tpu.memref_squeeze %dma_start3A_25 : memref<1x1x512xi32, #tpu.memory_space<hbm>> -> memref<1x512xi32, #tpu.memory_space<hbm>>
      tpu.enqueue_dma source(%dma_start3A_26 : memref<1x512xi32, #tpu.memory_space<hbm>>) target(%arg12 : memref<1x512xi32, #tpu.memory_space<vmem>>) target_semaphore(%run_scoped3A : memref<!tpu.dma_semaphore, #tpu.memory_space<semaphore_mem>>)
      %dma_wait3A = arith.constant 0 : i32
      %dma_wait3A_27 = arith.constant 0 : i32
      %dma_wait3A_28 = tpu.memref_slice %arg6[%add3A, %dma_wait3A, %dma_wait3A_27] : memref<32x1x512xi32, #tpu.memory_space<hbm>> -> memref<1x1x512xi32, #tpu.memory_space<hbm>>
      %dma_wait3A_29 = tpu.memref_squeeze %dma_wait3A_28 : memref<1x1x512xi32, #tpu.memory_space<hbm>> -> memref<1x512xi32, #tpu.memory_space<hbm>>
      %dma_wait3A_30 = arith.constant 0 : i32
      %dma_wait3A_31 = arith.constant 0 : i32
      %dma_wait3A_32 = tpu.memref_slice %arg6[%add3A, %dma_wait3A_30, %dma_wait3A_31] : memref<32x1x512xi32, #tpu.memory_space<hbm>> -> memref<1x1x512xi32, #tpu.memory_space<hbm>>
      %dma_wait3A_33 = tpu.memref_squeeze %dma_wait3A_32 : memref<1x1x512xi32, #tpu.memory_space<hbm>> -> memref<1x512xi32, #tpu.memory_space<hbm>>
      tpu.wait_dma2 semaphore(%run_scoped3A : memref<!tpu.dma_semaphore, #tpu.memory_space<semaphore_mem>>) src(%dma_wait3A_33 : memref<1x512xi32, #tpu.memory_space<hbm>>) dst(%arg12 : memref<1x512xi32, #tpu.memory_space<vmem>>)
      tpu.yield
    }) : () -> ()
    %scan3A = arith.constant 0 : i32
    %scan3A_3 = arith.constant 0 : i32
    %scan3A_4 = arith.constant 4 : i32
    %scan3A_5 = arith.addi %scan3A_3, %scan3A_4 : i32
    %scan3A_6 = arith.constant 1 : i32
    scf.for %scan3A_20 = %scan3A_3 to %scan3A_5 step %scan3A_6  : i32 {
      %mul3A_21 = arith.constant 128 : i32
      %mul3A_22 = arith.muli %scan3A_20, %mul3A_21 : i32
      %multiple_of3A_23 = tpu.assume_multiple %mul3A_22, 128 : i32
      %add3A_24 = arith.constant 0 : i32
      %add3A_25 = arith.addi %multiple_of3A_23, %add3A_24 : i32
      %get3A = arith.constant 0 : i32
      %get3A_26 = arith.index_cast %get3A : i32 to index
      %get3A_27 = arith.index_cast %add3A_25 : i32 to index
      %get3A_28 = tpu.vector_load %arg10[%get3A_26, %get3A_27] {strides = array<i32>} : memref<1x512xi32, #tpu.memory_space<vmem>>, vector<16xi32>,
      %ge3A = arith.constant 500000 : i32
      %ge3A_29 = vector.broadcast %ge3A : i32 to vector<16xi32>
      %ge3A_30 = arith.cmpi sge, %get3A_28, %ge3A_29 : vector<16xi32>
      %sub3A = arith.constant 500000 : i32
      %sub3A_31 = vector.broadcast %sub3A : i32 to vector<16xi32>
      %sub3A_32 = arith.subi %get3A_28, %sub3A_31 : vector<16xi32>
      %select_n3A = arith.select %ge3A_30, %sub3A_32, %get3A_28 : vector<16xi1>, vector<16xi32>
      %swap3A = arith.constant 0 : i32
      %swap3A_33 = arith.index_cast %swap3A : i32 to index
      %swap3A_34 = arith.constant 0 : index
      %swap3A_35 = tpu.vector_load %arg13[%swap3A_33, %swap3A_34] {strides = array<i32>} : memref<1x128xi32, #tpu.memory_space<vmem>>, vector<16xi32>,
      tpu.vector_store %arg13[%swap3A_33, %swap3A_34], %select_n3A {strides = array<i32>} : memref<1x128xi32, #tpu.memory_space<vmem>>, vector<16xi32>,
      %add3A_36 = arith.constant 16 : i32
      %add3A_37 = arith.addi %multiple_of3A_23, %add3A_36 : i32
      %get3A_38 = arith.constant 0 : i32
      %get3A_39 = arith.index_cast %get3A_38 : i32 to index
      %get3A_40 = arith.index_cast %add3A_37 : i32 to index
      %get3A_41 = tpu.vector_load %arg10[%get3A_39, %get3A_40] {strides = array<i32>} : memref<1x512xi32, #tpu.memory_space<vmem>>, vector<16xi32>,
      %ge3A_42 = arith.constant 500000 : i32
      %ge3A_43 = vector.broadcast %ge3A_42 : i32 to vector<16xi32>
      %ge3A_44 = arith.cmpi sge, %get3A_41, %ge3A_43 : vector<16xi32>
      %sub3A_45 = arith.constant 500000 : i32
      %sub3A_46 = vector.broadcast %sub3A_45 : i32 to vector<16xi32>
      %sub3A_47 = arith.subi %get3A_41, %sub3A_46 : vector<16xi32>
      %select_n3A_48 = arith.select %ge3A_44, %sub3A_47, %get3A_41 : vector<16xi1>, vector<16xi32>
      %swap3A_49 = arith.constant 0 : i32
      %swap3A_50 = arith.index_cast %swap3A_49 : i32 to index
      %swap3A_51 = arith.constant 16 : index
      %swap3A_52 = tpu.vector_load %arg13[%swap3A_50, %swap3A_51] {strides = array<i32>} : memref<1x128xi32, #tpu.memory_space<vmem>>, vector<16xi32>,
      tpu.vector_store %arg13[%swap3A_50, %swap3A_51], %select_n3A_48 {strides = array<i32>} : memref<1x128xi32, #tpu.memory_space<vmem>>, vector<16xi32>,
      %add3A_53 = arith.constant 32 : i32
      %add3A_54 = arith.addi %multiple_of3A_23, %add3A_53 : i32
      %get3A_55 = arith.constant 0 : i32
      %get3A_56 = arith.index_cast %get3A_55 : i32 to index
      %get3A_57 = arith.index_cast %add3A_54 : i32 to index
      %get3A_58 = tpu.vector_load %arg10[%get3A_56, %get3A_57] {strides = array<i32>} : memref<1x512xi32, #tpu.memory_space<vmem>>, vector<16xi32>,
      %ge3A_59 = arith.constant 500000 : i32
      %ge3A_60 = vector.broadcast %ge3A_59 : i32 to vector<16xi32>
      %ge3A_61 = arith.cmpi sge, %get3A_58, %ge3A_60 : vector<16xi32>
      %sub3A_62 = arith.constant 500000 : i32
      %sub3A_63 = vector.broadcast %sub3A_62 : i32 to vector<16xi32>
      %sub3A_64 = arith.subi %get3A_58, %sub3A_63 : vector<16xi32>
      %select_n3A_65 = arith.select %ge3A_61, %sub3A_64, %get3A_58 : vector<16xi1>, vector<16xi32>
      %swap3A_66 = arith.constant 0 : i32
      %swap3A_67 = arith.index_cast %swap3A_66 : i32 to index
      %swap3A_68 = arith.constant 32 : index
      %swap3A_69 = tpu.vector_load %arg13[%swap3A_67, %swap3A_68] {strides = array<i32>} : memref<1x128xi32, #tpu.memory_space<vmem>>, vector<16xi32>,
      tpu.vector_store %arg13[%swap3A_67, %swap3A_68], %select_n3A_65 {strides = array<i32>} : memref<1x128xi32, #tpu.memory_space<vmem>>, vector<16xi32>,
      %add3A_70 = arith.constant 48 : i32
      %add3A_71 = arith.addi %multiple_of3A_23, %add3A_70 : i32
      %get3A_72 = arith.constant 0 : i32
      %get3A_73 = arith.index_cast %get3A_72 : i32 to index
      %get3A_74 = arith.index_cast %add3A_71 : i32 to index
      %get3A_75 = tpu.vector_load %arg10[%get3A_73, %get3A_74] {strides = array<i32>} : memref<1x512xi32, #tpu.memory_space<vmem>>, vector<16xi32>,
      %ge3A_76 = arith.constant 500000 : i32
      %ge3A_77 = vector.broadcast %ge3A_76 : i32 to vector<16xi32>
      %ge3A_78 = arith.cmpi sge, %get3A_75, %ge3A_77 : vector<16xi32>
      %sub3A_79 = arith.constant 500000 : i32
      %sub3A_80 = vector.broadcast %sub3A_79 : i32 to vector<16xi32>
      %sub3A_81 = arith.subi %get3A_75, %sub3A_80 : vector<16xi32>
      %select_n3A_82 = arith.select %ge3A_78, %sub3A_81, %get3A_75 : vector<16xi1>, vector<16xi32>
      %swap3A_83 = arith.constant 0 : i32
      %swap3A_84 = arith.index_cast %swap3A_83 : i32 to index
      %swap3A_85 = arith.constant 48 : index
      %swap3A_86 = tpu.vector_load %arg13[%swap3A_84, %swap3A_85] {strides = array<i32>} : memref<1x128xi32, #tpu.memory_space<vmem>>, vector<16xi32>,
      tpu.vector_store %arg13[%swap3A_84, %swap3A_85], %select_n3A_82 {strides = array<i32>} : memref<1x128xi32, #tpu.memory_space<vmem>>, vector<16xi32>,
      %add3A_87 = arith.constant 64 : i32
      %add3A_88 = arith.addi %multiple_of3A_23, %add3A_87 : i32
      %get3A_89 = arith.constant 0 : i32
      %get3A_90 = arith.index_cast %get3A_89 : i32 to index
      %get3A_91 = arith.index_cast %add3A_88 : i32 to index
      %get3A_92 = tpu.vector_load %arg10[%get3A_90, %get3A_91] {strides = array<i32>} : memref<1x512xi32, #tpu.memory_space<vmem>>, vector<16xi32>,
      %ge3A_93 = arith.constant 500000 : i32
      %ge3A_94 = vector.broadcast %ge3A_93 : i32 to vector<16xi32>
      %ge3A_95 = arith.cmpi sge, %get3A_92, %ge3A_94 : vector<16xi32>
      %sub3A_96 = arith.constant 500000 : i32
      %sub3A_97 = vector.broadcast %sub3A_96 : i32 to vector<16xi32>
      %sub3A_98 = arith.subi %get3A_92, %sub3A_97 : vector<16xi32>
      %select_n3A_99 = arith.select %ge3A_95, %sub3A_98, %get3A_92 : vector<16xi1>, vector<16xi32>
      %swap3A_100 = arith.constant 0 : i32
      %swap3A_101 = arith.index_cast %swap3A_100 : i32 to index
      %swap3A_102 = arith.constant 64 : index
      %swap3A_103 = tpu.vector_load %arg13[%swap3A_101, %swap3A_102] {strides = array<i32>} : memref<1x128xi32, #tpu.memory_space<vmem>>, vector<16xi32>,
      tpu.vector_store %arg13[%swap3A_101, %swap3A_102], %select_n3A_99 {strides = array<i32>} : memref<1x128xi32, #tpu.memory_space<vmem>>, vector<16xi32>,
      %add3A_104 = arith.constant 80 : i32
      %add3A_105 = arith.addi %multiple_of3A_23, %add3A_104 : i32
      %get3A_106 = arith.constant 0 : i32
      %get3A_107 = arith.index_cast %get3A_106 : i32 to index
      %get3A_108 = arith.index_cast %add3A_105 : i32 to index
      %get3A_109 = tpu.vector_load %arg10[%get3A_107, %get3A_108] {strides = array<i32>} : memref<1x512xi32, #tpu.memory_space<vmem>>, vector<16xi32>,
      %ge3A_110 = arith.constant 500000 : i32
      %ge3A_111 = vector.broadcast %ge3A_110 : i32 to vector<16xi32>
      %ge3A_112 = arith.cmpi sge, %get3A_109, %ge3A_111 : vector<16xi32>
      %sub3A_113 = arith.constant 500000 : i32
      %sub3A_114 = vector.broadcast %sub3A_113 : i32 to vector<16xi32>
      %sub3A_115 = arith.subi %get3A_109, %sub3A_114 : vector<16xi32>
      %select_n3A_116 = arith.select %ge3A_112, %sub3A_115, %get3A_109 : vector<16xi1>, vector<16xi32>
      %swap3A_117 = arith.constant 0 : i32
      %swap3A_118 = arith.index_cast %swap3A_117 : i32 to index
      %swap3A_119 = arith.constant 80 : index
      %swap3A_120 = tpu.vector_load %arg13[%swap3A_118, %swap3A_119] {strides = array<i32>} : memref<1x128xi32, #tpu.memory_space<vmem>>, vector<16xi32>,
      tpu.vector_store %arg13[%swap3A_118, %swap3A_119], %select_n3A_116 {strides = array<i32>} : memref<1x128xi32, #tpu.memory_space<vmem>>, vector<16xi32>,
      %add3A_121 = arith.constant 96 : i32
      %add3A_122 = arith.addi %multiple_of3A_23, %add3A_121 : i32
      %get3A_123 = arith.constant 0 : i32
      %get3A_124 = arith.index_cast %get3A_123 : i32 to index
      %get3A_125 = arith.index_cast %add3A_122 : i32 to index
      %get3A_126 = tpu.vector_load %arg10[%get3A_124, %get3A_125] {strides = array<i32>} : memref<1x512xi32, #tpu.memory_space<vmem>>, vector<16xi32>,
      %ge3A_127 = arith.constant 500000 : i32
      %ge3A_128 = vector.broadcast %ge3A_127 : i32 to vector<16xi32>
      %ge3A_129 = arith.cmpi sge, %get3A_126, %ge3A_128 : vector<16xi32>
      %sub3A_130 = arith.constant 500000 : i32
      %sub3A_131 = vector.broadcast %sub3A_130 : i32 to vector<16xi32>
      %sub3A_132 = arith.subi %get3A_126, %sub3A_131 : vector<16xi32>
      %select_n3A_133 = arith.select %ge3A_129, %sub3A_132, %get3A_126 : vector<16xi1>, vector<16xi32>
      %swap3A_134 = arith.constant 0 : i32
      %swap3A_135 = arith.index_cast %swap3A_134 : i32 to index
      %swap3A_136 = arith.constant 96 : index
      %swap3A_137 = tpu.vector_load %arg13[%swap3A_135, %swap3A_136] {strides = array<i32>} : memref<1x128xi32, #tpu.memory_space<vmem>>, vector<16xi32>,
      tpu.vector_store %arg13[%swap3A_135, %swap3A_136], %select_n3A_133 {strides = array<i32>} : memref<1x128xi32, #tpu.memory_space<vmem>>, vector<16xi32>,
      %add3A_138 = arith.constant 112 : i32
      %add3A_139 = arith.addi %multiple_of3A_23, %add3A_138 : i32
      %get3A_140 = arith.constant 0 : i32
      %get3A_141 = arith.index_cast %get3A_140 : i32 to index
      %get3A_142 = arith.index_cast %add3A_139 : i32 to index
      %get3A_143 = tpu.vector_load %arg10[%get3A_141, %get3A_142] {strides = array<i32>} : memref<1x512xi32, #tpu.memory_space<vmem>>, vector<16xi32>,
      %ge3A_144 = arith.constant 500000 : i32
      %ge3A_145 = vector.broadcast %ge3A_144 : i32 to vector<16xi32>
      %ge3A_146 = arith.cmpi sge, %get3A_143, %ge3A_145 : vector<16xi32>
      %sub3A_147 = arith.constant 500000 : i32
      %sub3A_148 = vector.broadcast %sub3A_147 : i32 to vector<16xi32>
      %sub3A_149 = arith.subi %get3A_143, %sub3A_148 : vector<16xi32>
      %select_n3A_150 = arith.select %ge3A_146, %sub3A_149, %get3A_143 : vector<16xi1>, vector<16xi32>
      %swap3A_151 = arith.constant 0 : i32
      %swap3A_152 = arith.index_cast %swap3A_151 : i32 to index
      %swap3A_153 = arith.constant 112 : index
      %swap3A_154 = tpu.vector_load %arg13[%swap3A_152, %swap3A_153] {strides = array<i32>} : memref<1x128xi32, #tpu.memory_space<vmem>>, vector<16xi32>,
      tpu.vector_store %arg13[%swap3A_152, %swap3A_153], %select_n3A_150 {strides = array<i32>} : memref<1x128xi32, #tpu.memory_space<vmem>>, vector<16xi32>,
      %dma_start3A = arith.constant 0 : i32
      %dma_start3A_155 = arith.constant 0 : i32
      %dma_start3A_156 = tpu.memref_slice %arg13[%dma_start3A, %dma_start3A_155] : memref<1x128xi32, #tpu.memory_space<vmem>> -> memref<1x128xi32, #tpu.memory_space<vmem>>
      %dma_start3A_157 = tpu.memref_squeeze %dma_start3A_156 : memref<1x128xi32, #tpu.memory_space<vmem>> -> memref<128xi32, #tpu.memory_space<vmem>>
      %dma_start3A_158 = arith.constant 0 : i32
      %dma_start3A_159 = arith.constant 0 : i32
      %dma_start3A_160 = tpu.memref_slice %arg2[%dma_start3A_158, %dma_start3A_159] : memref<500000x128xf32, #tpu.memory_space<hbm>> -> memref<500000x128xf32, #tpu.memory_space<hbm>>
      tpu.enqueue_indirect_dma source(%dma_start3A_160 : memref<500000x128xf32, #tpu.memory_space<hbm>>) target(%arg14 : memref<128x128xf32, #tpu.memory_space<vmem>>) offsets(%dma_start3A_157 : memref<128xi32, #tpu.memory_space<vmem>>) semaphore(%arg16 : memref<!tpu.dma_semaphore, #tpu.memory_space<semaphore_mem>>)
      %dma_wait3A = arith.constant 0 : i32
      %dma_wait3A_161 = arith.constant 0 : i32
      %dma_wait3A_162 = tpu.memref_slice %arg2[%dma_wait3A, %dma_wait3A_161] : memref<500000x128xf32, #tpu.memory_space<hbm>> -> memref<128x128xf32, #tpu.memory_space<hbm>>
      %dma_wait3A_163 = arith.constant 0 : i32
      %dma_wait3A_164 = arith.constant 0 : i32
      %dma_wait3A_165 = tpu.memref_slice %arg2[%dma_wait3A_163, %dma_wait3A_164] : memref<500000x128xf32, #tpu.memory_space<hbm>> -> memref<128x128xf32, #tpu.memory_space<hbm>>
      tpu.wait_dma2 semaphore(%arg16 : memref<!tpu.dma_semaphore, #tpu.memory_space<semaphore_mem>>) src(%dma_wait3A_165 : memref<128x128xf32, #tpu.memory_space<hbm>>) dst(%arg14 : memref<128x128xf32, #tpu.memory_space<vmem>>)
      %add3A_166 = arith.constant 0 : i32
      %add3A_167 = arith.addi %multiple_of3A_23, %add3A_166 : i32
      %get3A_168 = arith.constant 0 : i32
      %get3A_169 = arith.index_cast %get3A_168 : i32 to index
      %get3A_170 = arith.index_cast %add3A_167 : i32 to index
      %get3A_171 = tpu.vector_load %arg10[%get3A_169, %get3A_170] {strides = array<i32>} : memref<1x512xi32, #tpu.memory_space<vmem>>, vector<16xi32>,
      %ge3A_172 = arith.constant 500000 : i32
      %ge3A_173 = vector.broadcast %ge3A_172 : i32 to vector<16xi32>
      %ge3A_174 = arith.cmpi sge, %get3A_171, %ge3A_173 : vector<16xi32>
      %jit3A = arith.constant 64 : i32
      %jit3A_175 = arith.constant 0 : i32
      %broadcast_in_dim3A = vector.broadcast %jit3A : i32 to vector<16xi32>
      %broadcast_in_dim3A_176 = vector.broadcast %jit3A_175 : i32 to vector<16xi32>
      %select_n3A_177 = arith.select %ge3A_174, %broadcast_in_dim3A, %broadcast_in_dim3A_176 : vector<16xi1>, vector<16xi32>
      %add3A_178 = arith.constant 16 : i32
      %add3A_179 = arith.addi %multiple_of3A_23, %add3A_178 : i32
      %get3A_180 = arith.constant 0 : i32
      %get3A_181 = arith.index_cast %get3A_180 : i32 to index
      %get3A_182 = arith.index_cast %add3A_179 : i32 to index
      %get3A_183 = tpu.vector_load %arg10[%get3A_181, %get3A_182] {strides = array<i32>} : memref<1x512xi32, #tpu.memory_space<vmem>>, vector<16xi32>,
      %ge3A_184 = arith.constant 500000 : i32
      %ge3A_185 = vector.broadcast %ge3A_184 : i32 to vector<16xi32>
      %ge3A_186 = arith.cmpi sge, %get3A_183, %ge3A_185 : vector<16xi32>
      %jit3A_187 = arith.constant 64 : i32
      %jit3A_188 = arith.constant 0 : i32
      %broadcast_in_dim3A_189 = vector.broadcast %jit3A_187 : i32 to vector<16xi32>
      %broadcast_in_dim3A_190 = vector.broadcast %jit3A_188 : i32 to vector<16xi32>
      %select_n3A_191 = arith.select %ge3A_186, %broadcast_in_dim3A_189, %broadcast_in_dim3A_190 : vector<16xi1>, vector<16xi32>
      %add3A_192 = arith.constant 32 : i32
      %add3A_193 = arith.addi %multiple_of3A_23, %add3A_192 : i32
      %get3A_194 = arith.constant 0 : i32
      %get3A_195 = arith.index_cast %get3A_194 : i32 to index
      %get3A_196 = arith.index_cast %add3A_193 : i32 to index
      %get3A_197 = tpu.vector_load %arg10[%get3A_195, %get3A_196] {strides = array<i32>} : memref<1x512xi32, #tpu.memory_space<vmem>>, vector<16xi32>,
      %ge3A_198 = arith.constant 500000 : i32
      %ge3A_199 = vector.broadcast %ge3A_198 : i32 to vector<16xi32>
      %ge3A_200 = arith.cmpi sge, %get3A_197, %ge3A_199 : vector<16xi32>
      %jit3A_201 = arith.constant 64 : i32
      %jit3A_202 = arith.constant 0 : i32
      %broadcast_in_dim3A_203 = vector.broadcast %jit3A_201 : i32 to vector<16xi32>
      %broadcast_in_dim3A_204 = vector.broadcast %jit3A_202 : i32 to vector<16xi32>
      %select_n3A_205 = arith.select %ge3A_200, %broadcast_in_dim3A_203, %broadcast_in_dim3A_204 : vector<16xi1>, vector<16xi32>
      %add3A_206 = arith.constant 48 : i32
      %add3A_207 = arith.addi %multiple_of3A_23, %add3A_206 : i32
      %get3A_208 = arith.constant 0 : i32
      %get3A_209 = arith.index_cast %get3A_208 : i32 to index
      %get3A_210 = arith.index_cast %add3A_207 : i32 to index
      %get3A_211 = tpu.vector_load %arg10[%get3A_209, %get3A_210] {strides = array<i32>} : memref<1x512xi32, #tpu.memory_space<vmem>>, vector<16xi32>,
      %ge3A_212 = arith.constant 500000 : i32
      %ge3A_213 = vector.broadcast %ge3A_212 : i32 to vector<16xi32>
      %ge3A_214 = arith.cmpi sge, %get3A_211, %ge3A_213 : vector<16xi32>
      %jit3A_215 = arith.constant 64 : i32
      %jit3A_216 = arith.constant 0 : i32
      %broadcast_in_dim3A_217 = vector.broadcast %jit3A_215 : i32 to vector<16xi32>
      %broadcast_in_dim3A_218 = vector.broadcast %jit3A_216 : i32 to vector<16xi32>
      %select_n3A_219 = arith.select %ge3A_214, %broadcast_in_dim3A_217, %broadcast_in_dim3A_218 : vector<16xi1>, vector<16xi32>
      %add3A_220 = arith.constant 64 : i32
      %add3A_221 = arith.addi %multiple_of3A_23, %add3A_220 : i32
      %get3A_222 = arith.constant 0 : i32
      %get3A_223 = arith.index_cast %get3A_222 : i32 to index
      %get3A_224 = arith.index_cast %add3A_221 : i32 to index
      %get3A_225 = tpu.vector_load %arg10[%get3A_223, %get3A_224] {strides = array<i32>} : memref<1x512xi32, #tpu.memory_space<vmem>>, vector<16xi32>,
      %ge3A_226 = arith.constant 500000 : i32
      %ge3A_227 = vector.broadcast %ge3A_226 : i32 to vector<16xi32>
      %ge3A_228 = arith.cmpi sge, %get3A_225, %ge3A_227 : vector<16xi32>
      %jit3A_229 = arith.constant 64 : i32
      %jit3A_230 = arith.constant 0 : i32
      %broadcast_in_dim3A_231 = vector.broadcast %jit3A_229 : i32 to vector<16xi32>
      %broadcast_in_dim3A_232 = vector.broadcast %jit3A_230 : i32 to vector<16xi32>
      %select_n3A_233 = arith.select %ge3A_228, %broadcast_in_dim3A_231, %broadcast_in_dim3A_232 : vector<16xi1>, vector<16xi32>
      %add3A_234 = arith.constant 80 : i32
      %add3A_235 = arith.addi %multiple_of3A_23, %add3A_234 : i32
      %get3A_236 = arith.constant 0 : i32
      %get3A_237 = arith.index_cast %get3A_236 : i32 to index
      %get3A_238 = arith.index_cast %add3A_235 : i32 to index
      %get3A_239 = tpu.vector_load %arg10[%get3A_237, %get3A_238] {strides = array<i32>} : memref<1x512xi32, #tpu.memory_space<vmem>>, vector<16xi32>,
      %ge3A_240 = arith.constant 500000 : i32
      %ge3A_241 = vector.broadcast %ge3A_240 : i32 to vector<16xi32>
      %ge3A_242 = arith.cmpi sge, %get3A_239, %ge3A_241 : vector<16xi32>
      %jit3A_243 = arith.constant 64 : i32
      %jit3A_244 = arith.constant 0 : i32
      %broadcast_in_dim3A_245 = vector.broadcast %jit3A_243 : i32 to vector<16xi32>
      %broadcast_in_dim3A_246 = vector.broadcast %jit3A_244 : i32 to vector<16xi32>
      %select_n3A_247 = arith.select %ge3A_242, %broadcast_in_dim3A_245, %broadcast_in_dim3A_246 : vector<16xi1>, vector<16xi32>
      %add3A_248 = arith.constant 96 : i32
      %add3A_249 = arith.addi %multiple_of3A_23, %add3A_248 : i32
      %get3A_250 = arith.constant 0 : i32
      %get3A_251 = arith.index_cast %get3A_250 : i32 to index
      %get3A_252 = arith.index_cast %add3A_249 : i32 to index
      %get3A_253 = tpu.vector_load %arg10[%get3A_251, %get3A_252] {strides = array<i32>} : memref<1x512xi32, #tpu.memory_space<vmem>>, vector<16xi32>,
      %ge3A_254 = arith.constant 500000 : i32
      %ge3A_255 = vector.broadcast %ge3A_254 : i32 to vector<16xi32>
      %ge3A_256 = arith.cmpi sge, %get3A_253, %ge3A_255 : vector<16xi32>
      %jit3A_257 = arith.constant 64 : i32
      %jit3A_258 = arith.constant 0 : i32
      %broadcast_in_dim3A_259 = vector.broadcast %jit3A_257 : i32 to vector<16xi32>
      %broadcast_in_dim3A_260 = vector.broadcast %jit3A_258 : i32 to vector<16xi32>
      %select_n3A_261 = arith.select %ge3A_256, %broadcast_in_dim3A_259, %broadcast_in_dim3A_260 : vector<16xi1>, vector<16xi32>
      %add3A_262 = arith.constant 112 : i32
      %add3A_263 = arith.addi %multiple_of3A_23, %add3A_262 : i32
      %get3A_264 = arith.constant 0 : i32
      %get3A_265 = arith.index_cast %get3A_264 : i32 to index
      %get3A_266 = arith.index_cast %add3A_263 : i32 to index
      %get3A_267 = tpu.vector_load %arg10[%get3A_265, %get3A_266] {strides = array<i32>} : memref<1x512xi32, #tpu.memory_space<vmem>>, vector<16xi32>,
      %ge3A_268 = arith.constant 500000 : i32
      %ge3A_269 = vector.broadcast %ge3A_268 : i32 to vector<16xi32>
      %ge3A_270 = arith.cmpi sge, %get3A_267, %ge3A_269 : vector<16xi32>
      %jit3A_271 = arith.constant 64 : i32
      %jit3A_272 = arith.constant 0 : i32
      %broadcast_in_dim3A_273 = vector.broadcast %jit3A_271 : i32 to vector<16xi32>
      %broadcast_in_dim3A_274 = vector.broadcast %jit3A_272 : i32 to vector<16xi32>
      %select_n3A_275 = arith.select %ge3A_270, %broadcast_in_dim3A_273, %broadcast_in_dim3A_274 : vector<16xi1>, vector<16xi32>
      %iota3A = tpu.iota {dimensions = array<i32: 0>} : vector<16xi32>
      %add3A_276 = arith.constant 0 : i32
      %add3A_277 = vector.broadcast %add3A_276 : i32 to vector<16xi32>
      %add3A_278 = arith.addi %iota3A, %add3A_277 : vector<16xi32>
      %iota3A_279 = tpu.iota {dimensions = array<i32: 0>} : vector<16xi32>
      %add3A_280 = arith.constant 16 : i32
      %add3A_281 = vector.broadcast %add3A_280 : i32 to vector<16xi32>
      %add3A_282 = arith.addi %iota3A_279, %add3A_281 : vector<16xi32>
      %iota3A_283 = tpu.iota {dimensions = array<i32: 0>} : vector<16xi32>
      %add3A_284 = arith.constant 32 : i32
      %add3A_285 = vector.broadcast %add3A_284 : i32 to vector<16xi32>
      %add3A_286 = arith.addi %iota3A_283, %add3A_285 : vector<16xi32>
      %iota3A_287 = tpu.iota {dimensions = array<i32: 0>} : vector<16xi32>
      %add3A_288 = arith.constant 48 : i32
      %add3A_289 = vector.broadcast %add3A_288 : i32 to vector<16xi32>
      %add3A_290 = arith.addi %iota3A_287, %add3A_289 : vector<16xi32>
      %iota3A_291 = tpu.iota {dimensions = array<i32: 0>} : vector<16xi32>
      %add3A_292 = arith.constant 64 : i32
      %add3A_293 = vector.broadcast %add3A_292 : i32 to vector<16xi32>
      %add3A_294 = arith.addi %iota3A_291, %add3A_293 : vector<16xi32>
      %iota3A_295 = tpu.iota {dimensions = array<i32: 0>} : vector<16xi32>
      %add3A_296 = arith.constant 80 : i32
      %add3A_297 = vector.broadcast %add3A_296 : i32 to vector<16xi32>
      %add3A_298 = arith.addi %iota3A_295, %add3A_297 : vector<16xi32>
      %iota3A_299 = tpu.iota {dimensions = array<i32: 0>} : vector<16xi32>
      %add3A_300 = arith.constant 96 : i32
      %add3A_301 = vector.broadcast %add3A_300 : i32 to vector<16xi32>
      %add3A_302 = arith.addi %iota3A_299, %add3A_301 : vector<16xi32>
      %iota3A_303 = tpu.iota {dimensions = array<i32: 0>} : vector<16xi32>
      %add3A_304 = arith.constant 112 : i32
      %add3A_305 = vector.broadcast %add3A_304 : i32 to vector<16xi32>
      %add3A_306 = arith.addi %iota3A_303, %add3A_305 : vector<16xi32>
      %scan3A_307 = arith.constant 0 : i32
      %scan3A_308 = arith.constant 0 : i32
      %scan3A_309 = arith.constant 32 : i32
      %scan3A_310 = arith.addi %scan3A_308, %scan3A_309 : i32
      %scan3A_311 = arith.constant 1 : i32
      scf.for %scan3A_313 = %scan3A_308 to %scan3A_310 step %scan3A_311  : i32 {
        %mul3A_314 = arith.constant 2 : i32
        %mul3A_315 = arith.muli %scan3A_313, %mul3A_314 : i32
        %add3A_316 = arith.constant 0 : i32
        %add3A_317 = arith.addi %mul3A_315, %add3A_316 : i32
        %add3A_318 = vector.broadcast %add3A_317 : i32 to vector<16xi32>
        %add3A_319 = arith.addi %select_n3A_177, %add3A_318 : vector<16xi32>
        %gather3A = tpu.vector_load_idx %arg14[%add3A_278, %add3A_319] : memref<128x128xf32, #tpu.memory_space<vmem>>[vector<16xi32>, vector<16xi32>], vector<16xf32>,
        %add3A_320 = arith.constant 0 : i32
        %add3A_321 = arith.addi %multiple_of3A_23, %add3A_320 : i32
        %swap3A_322 = arith.index_cast %add3A_317 : i32 to index
        %swap3A_323 = arith.index_cast %add3A_321 : i32 to index
        %swap3A_324 = tpu.vector_load %arg15[%swap3A_322, %swap3A_323] {strides = array<i32>} : memref<64x512xf32, #tpu.memory_space<vmem>>, vector<16xf32>,
        tpu.vector_store %arg15[%swap3A_322, %swap3A_323], %gather3A {strides = array<i32>} : memref<64x512xf32, #tpu.memory_space<vmem>>, vector<16xf32>,
        %add3A_325 = vector.broadcast %add3A_317 : i32 to vector<16xi32>
        %add3A_326 = arith.addi %select_n3A_191, %add3A_325 : vector<16xi32>
        %gather3A_327 = tpu.vector_load_idx %arg14[%add3A_282, %add3A_326] : memref<128x128xf32, #tpu.memory_space<vmem>>[vector<16xi32>, vector<16xi32>], vector<16xf32>,
        %add3A_328 = arith.constant 16 : i32
        %add3A_329 = arith.addi %multiple_of3A_23, %add3A_328 : i32
        %swap3A_330 = arith.index_cast %add3A_317 : i32 to index
        %swap3A_331 = arith.index_cast %add3A_329 : i32 to index
        %swap3A_332 = tpu.vector_load %arg15[%swap3A_330, %swap3A_331] {strides = array<i32>} : memref<64x512xf32, #tpu.memory_space<vmem>>, vector<16xf32>,
        tpu.vector_store %arg15[%swap3A_330, %swap3A_331], %gather3A_327 {strides = array<i32>} : memref<64x512xf32, #tpu.memory_space<vmem>>, vector<16xf32>,
        %add3A_333 = vector.broadcast %add3A_317 : i32 to vector<16xi32>
        %add3A_334 = arith.addi %select_n3A_205, %add3A_333 : vector<16xi32>
        %gather3A_335 = tpu.vector_load_idx %arg14[%add3A_286, %add3A_334] : memref<128x128xf32, #tpu.memory_space<vmem>>[vector<16xi32>, vector<16xi32>], vector<16xf32>,
        %add3A_336 = arith.constant 32 : i32
        %add3A_337 = arith.addi %multiple_of3A_23, %add3A_336 : i32
        %swap3A_338 = arith.index_cast %add3A_317 : i32 to index
        %swap3A_339 = arith.index_cast %add3A_337 : i32 to index
        %swap3A_340 = tpu.vector_load %arg15[%swap3A_338, %swap3A_339] {strides = array<i32>} : memref<64x512xf32, #tpu.memory_space<vmem>>, vector<16xf32>,
        tpu.vector_store %arg15[%swap3A_338, %swap3A_339], %gather3A_335 {strides = array<i32>} : memref<64x512xf32, #tpu.memory_space<vmem>>, vector<16xf32>,
        %add3A_341 = vector.broadcast %add3A_317 : i32 to vector<16xi32>
        %add3A_342 = arith.addi %select_n3A_219, %add3A_341 : vector<16xi32>
        %gather3A_343 = tpu.vector_load_idx %arg14[%add3A_290, %add3A_342] : memref<128x128xf32, #tpu.memory_space<vmem>>[vector<16xi32>, vector<16xi32>], vector<16xf32>,
        %add3A_344 = arith.constant 48 : i32
        %add3A_345 = arith.addi %multiple_of3A_23, %add3A_344 : i32
        %swap3A_346 = arith.index_cast %add3A_317 : i32 to index
        %swap3A_347 = arith.index_cast %add3A_345 : i32 to index
        %swap3A_348 = tpu.vector_load %arg15[%swap3A_346, %swap3A_347] {strides = array<i32>} : memref<64x512xf32, #tpu.memory_space<vmem>>, vector<16xf32>,
        tpu.vector_store %arg15[%swap3A_346, %swap3A_347], %gather3A_343 {strides = array<i32>} : memref<64x512xf32, #tpu.memory_space<vmem>>, vector<16xf32>,
        %add3A_349 = vector.broadcast %add3A_317 : i32 to vector<16xi32>
        %add3A_350 = arith.addi %select_n3A_233, %add3A_349 : vector<16xi32>
        %gather3A_351 = tpu.vector_load_idx %arg14[%add3A_294, %add3A_350] : memref<128x128xf32, #tpu.memory_space<vmem>>[vector<16xi32>, vector<16xi32>], vector<16xf32>,
        %add3A_352 = arith.constant 64 : i32
        %add3A_353 = arith.addi %multiple_of3A_23, %add3A_352 : i32
        %swap3A_354 = arith.index_cast %add3A_317 : i32 to index
        %swap3A_355 = arith.index_cast %add3A_353 : i32 to index
        %swap3A_356 = tpu.vector_load %arg15[%swap3A_354, %swap3A_355] {strides = array<i32>} : memref<64x512xf32, #tpu.memory_space<vmem>>, vector<16xf32>,
        tpu.vector_store %arg15[%swap3A_354, %swap3A_355], %gather3A_351 {strides = array<i32>} : memref<64x512xf32, #tpu.memory_space<vmem>>, vector<16xf32>,
        %add3A_357 = vector.broadcast %add3A_317 : i32 to vector<16xi32>
        %add3A_358 = arith.addi %select_n3A_247, %add3A_357 : vector<16xi32>
        %gather3A_359 = tpu.vector_load_idx %arg14[%add3A_298, %add3A_358] : memref<128x128xf32, #tpu.memory_space<vmem>>[vector<16xi32>, vector<16xi32>], vector<16xf32>,
        %add3A_360 = arith.constant 80 : i32
        %add3A_361 = arith.addi %multiple_of3A_23, %add3A_360 : i32
        %swap3A_362 = arith.index_cast %add3A_317 : i32 to index
        %swap3A_363 = arith.index_cast %add3A_361 : i32 to index
        %swap3A_364 = tpu.vector_load %arg15[%swap3A_362, %swap3A_363] {strides = array<i32>} : memref<64x512xf32, #tpu.memory_space<vmem>>, vector<16xf32>,
        tpu.vector_store %arg15[%swap3A_362, %swap3A_363], %gather3A_359 {strides = array<i32>} : memref<64x512xf32, #tpu.memory_space<vmem>>, vector<16xf32>,
        %add3A_365 = vector.broadcast %add3A_317 : i32 to vector<16xi32>
        %add3A_366 = arith.addi %select_n3A_261, %add3A_365 : vector<16xi32>
        %gather3A_367 = tpu.vector_load_idx %arg14[%add3A_302, %add3A_366] : memref<128x128xf32, #tpu.memory_space<vmem>>[vector<16xi32>, vector<16xi32>], vector<16xf32>,
        %add3A_368 = arith.constant 96 : i32
        %add3A_369 = arith.addi %multiple_of3A_23, %add3A_368 : i32
        %swap3A_370 = arith.index_cast %add3A_317 : i32 to index
        %swap3A_371 = arith.index_cast %add3A_369 : i32 to index
        %swap3A_372 = tpu.vector_load %arg15[%swap3A_370, %swap3A_371] {strides = array<i32>} : memref<64x512xf32, #tpu.memory_space<vmem>>, vector<16xf32>,
        tpu.vector_store %arg15[%swap3A_370, %swap3A_371], %gather3A_367 {strides = array<i32>} : memref<64x512xf32, #tpu.memory_space<vmem>>, vector<16xf32>,
        %add3A_373 = vector.broadcast %add3A_317 : i32 to vector<16xi32>
        %add3A_374 = arith.addi %select_n3A_275, %add3A_373 : vector<16xi32>
        %gather3A_375 = tpu.vector_load_idx %arg14[%add3A_306, %add3A_374] : memref<128x128xf32, #tpu.memory_space<vmem>>[vector<16xi32>, vector<16xi32>], vector<16xf32>,
        %add3A_376 = arith.constant 112 : i32
        %add3A_377 = arith.addi %multiple_of3A_23, %add3A_376 : i32
        %swap3A_378 = arith.index_cast %add3A_317 : i32 to index
        %swap3A_379 = arith.index_cast %add3A_377 : i32 to index
        %swap3A_380 = tpu.vector_load %arg15[%swap3A_378, %swap3A_379] {strides = array<i32>} : memref<64x512xf32, #tpu.memory_space<vmem>>, vector<16xf32>,
        tpu.vector_store %arg15[%swap3A_378, %swap3A_379], %gather3A_375 {strides = array<i32>} : memref<64x512xf32, #tpu.memory_space<vmem>>, vector<16xf32>,
        %mul3A_381 = arith.constant 2 : i32
        %mul3A_382 = arith.muli %scan3A_313, %mul3A_381 : i32
        %add3A_383 = arith.constant 1 : i32
        %add3A_384 = arith.addi %mul3A_382, %add3A_383 : i32
        %add3A_385 = vector.broadcast %add3A_384 : i32 to vector<16xi32>
        %add3A_386 = arith.addi %select_n3A_177, %add3A_385 : vector<16xi32>
        %gather3A_387 = tpu.vector_load_idx %arg14[%add3A_278, %add3A_386] : memref<128x128xf32, #tpu.memory_space<vmem>>[vector<16xi32>, vector<16xi32>], vector<16xf32>,
        %add3A_388 = arith.constant 0 : i32
        %add3A_389 = arith.addi %multiple_of3A_23, %add3A_388 : i32
        %swap3A_390 = arith.index_cast %add3A_384 : i32 to index
        %swap3A_391 = arith.index_cast %add3A_389 : i32 to index
        %swap3A_392 = tpu.vector_load %arg15[%swap3A_390, %swap3A_391] {strides = array<i32>} : memref<64x512xf32, #tpu.memory_space<vmem>>, vector<16xf32>,
        tpu.vector_store %arg15[%swap3A_390, %swap3A_391], %gather3A_387 {strides = array<i32>} : memref<64x512xf32, #tpu.memory_space<vmem>>, vector<16xf32>,
        %add3A_393 = vector.broadcast %add3A_384 : i32 to vector<16xi32>
        %add3A_394 = arith.addi %select_n3A_191, %add3A_393 : vector<16xi32>
        %gather3A_395 = tpu.vector_load_idx %arg14[%add3A_282, %add3A_394] : memref<128x128xf32, #tpu.memory_space<vmem>>[vector<16xi32>, vector<16xi32>], vector<16xf32>,
        %add3A_396 = arith.constant 16 : i32
        %add3A_397 = arith.addi %multiple_of3A_23, %add3A_396 : i32
        %swap3A_398 = arith.index_cast %add3A_384 : i32 to index
        %swap3A_399 = arith.index_cast %add3A_397 : i32 to index
        %swap3A_400 = tpu.vector_load %arg15[%swap3A_398, %swap3A_399] {strides = array<i32>} : memref<64x512xf32, #tpu.memory_space<vmem>>, vector<16xf32>,
        tpu.vector_store %arg15[%swap3A_398, %swap3A_399], %gather3A_395 {strides = array<i32>} : memref<64x512xf32, #tpu.memory_space<vmem>>, vector<16xf32>,
        %add3A_401 = vector.broadcast %add3A_384 : i32 to vector<16xi32>
        %add3A_402 = arith.addi %select_n3A_205, %add3A_401 : vector<16xi32>
        %gather3A_403 = tpu.vector_load_idx %arg14[%add3A_286, %add3A_402] : memref<128x128xf32, #tpu.memory_space<vmem>>[vector<16xi32>, vector<16xi32>], vector<16xf32>,
        %add3A_404 = arith.constant 32 : i32
        %add3A_405 = arith.addi %multiple_of3A_23, %add3A_404 : i32
        %swap3A_406 = arith.index_cast %add3A_384 : i32 to index
        %swap3A_407 = arith.index_cast %add3A_405 : i32 to index
        %swap3A_408 = tpu.vector_load %arg15[%swap3A_406, %swap3A_407] {strides = array<i32>} : memref<64x512xf32, #tpu.memory_space<vmem>>, vector<16xf32>,
        tpu.vector_store %arg15[%swap3A_406, %swap3A_407], %gather3A_403 {strides = array<i32>} : memref<64x512xf32, #tpu.memory_space<vmem>>, vector<16xf32>,
        %add3A_409 = vector.broadcast %add3A_384 : i32 to vector<16xi32>
        %add3A_410 = arith.addi %select_n3A_219, %add3A_409 : vector<16xi32>
        %gather3A_411 = tpu.vector_load_idx %arg14[%add3A_290, %add3A_410] : memref<128x128xf32, #tpu.memory_space<vmem>>[vector<16xi32>, vector<16xi32>], vector<16xf32>,
        %add3A_412 = arith.constant 48 : i32
        %add3A_413 = arith.addi %multiple_of3A_23, %add3A_412 : i32
        %swap3A_414 = arith.index_cast %add3A_384 : i32 to index
        %swap3A_415 = arith.index_cast %add3A_413 : i32 to index
        %swap3A_416 = tpu.vector_load %arg15[%swap3A_414, %swap3A_415] {strides = array<i32>} : memref<64x512xf32, #tpu.memory_space<vmem>>, vector<16xf32>,
        tpu.vector_store %arg15[%swap3A_414, %swap3A_415], %gather3A_411 {strides = array<i32>} : memref<64x512xf32, #tpu.memory_space<vmem>>, vector<16xf32>,
        %add3A_417 = vector.broadcast %add3A_384 : i32 to vector<16xi32>
        %add3A_418 = arith.addi %select_n3A_233, %add3A_417 : vector<16xi32>
        %gather3A_419 = tpu.vector_load_idx %arg14[%add3A_294, %add3A_418] : memref<128x128xf32, #tpu.memory_space<vmem>>[vector<16xi32>, vector<16xi32>], vector<16xf32>,
        %add3A_420 = arith.constant 64 : i32
        %add3A_421 = arith.addi %multiple_of3A_23, %add3A_420 : i32
        %swap3A_422 = arith.index_cast %add3A_384 : i32 to index
        %swap3A_423 = arith.index_cast %add3A_421 : i32 to index
        %swap3A_424 = tpu.vector_load %arg15[%swap3A_422, %swap3A_423] {strides = array<i32>} : memref<64x512xf32, #tpu.memory_space<vmem>>, vector<16xf32>,
        tpu.vector_store %arg15[%swap3A_422, %swap3A_423], %gather3A_419 {strides = array<i32>} : memref<64x512xf32, #tpu.memory_space<vmem>>, vector<16xf32>,
        %add3A_425 = vector.broadcast %add3A_384 : i32 to vector<16xi32>
        %add3A_426 = arith.addi %select_n3A_247, %add3A_425 : vector<16xi32>
        %gather3A_427 = tpu.vector_load_idx %arg14[%add3A_298, %add3A_426] : memref<128x128xf32, #tpu.memory_space<vmem>>[vector<16xi32>, vector<16xi32>], vector<16xf32>,
        %add3A_428 = arith.constant 80 : i32
        %add3A_429 = arith.addi %multiple_of3A_23, %add3A_428 : i32
        %swap3A_430 = arith.index_cast %add3A_384 : i32 to index
        %swap3A_431 = arith.index_cast %add3A_429 : i32 to index
        %swap3A_432 = tpu.vector_load %arg15[%swap3A_430, %swap3A_431] {strides = array<i32>} : memref<64x512xf32, #tpu.memory_space<vmem>>, vector<16xf32>,
        tpu.vector_store %arg15[%swap3A_430, %swap3A_431], %gather3A_427 {strides = array<i32>} : memref<64x512xf32, #tpu.memory_space<vmem>>, vector<16xf32>,
        %add3A_433 = vector.broadcast %add3A_384 : i32 to vector<16xi32>
        %add3A_434 = arith.addi %select_n3A_261, %add3A_433 : vector<16xi32>
        %gather3A_435 = tpu.vector_load_idx %arg14[%add3A_302, %add3A_434] : memref<128x128xf32, #tpu.memory_space<vmem>>[vector<16xi32>, vector<16xi32>], vector<16xf32>,
        %add3A_436 = arith.constant 96 : i32
        %add3A_437 = arith.addi %multiple_of3A_23, %add3A_436 : i32
        %swap3A_438 = arith.index_cast %add3A_384 : i32 to index
        %swap3A_439 = arith.index_cast %add3A_437 : i32 to index
        %swap3A_440 = tpu.vector_load %arg15[%swap3A_438, %swap3A_439] {strides = array<i32>} : memref<64x512xf32, #tpu.memory_space<vmem>>, vector<16xf32>,
        tpu.vector_store %arg15[%swap3A_438, %swap3A_439], %gather3A_435 {strides = array<i32>} : memref<64x512xf32, #tpu.memory_space<vmem>>, vector<16xf32>,
        %add3A_441 = vector.broadcast %add3A_384 : i32 to vector<16xi32>
        %add3A_442 = arith.addi %select_n3A_275, %add3A_441 : vector<16xi32>
        %gather3A_443 = tpu.vector_load_idx %arg14[%add3A_306, %add3A_442] : memref<128x128xf32, #tpu.memory_space<vmem>>[vector<16xi32>, vector<16xi32>], vector<16xf32>,
        %add3A_444 = arith.constant 112 : i32
        %add3A_445 = arith.addi %multiple_of3A_23, %add3A_444 : i32
        %swap3A_446 = arith.index_cast %add3A_384 : i32 to index
        %swap3A_447 = arith.index_cast %add3A_445 : i32 to index
        %swap3A_448 = tpu.vector_load %arg15[%swap3A_446, %swap3A_447] {strides = array<i32>} : memref<64x512xf32, #tpu.memory_space<vmem>>, vector<16xf32>,
        tpu.vector_store %arg15[%swap3A_446, %swap3A_447], %gather3A_443 {strides = array<i32>} : memref<64x512xf32, #tpu.memory_space<vmem>>, vector<16xf32>,
      }
      %scan3A_312 = arith.constant 32 : i32
    }
    %scan3A_7 = arith.constant 4 : i32
    "tpu.region"() ({
      %run_scoped3A = tpu.sem_alloc : memref<!tpu.dma_semaphore, #tpu.memory_space<semaphore_mem>>
      %dma_start3A = arith.constant 0 : i32
      %dma_start3A_20 = tpu.memref_slice %arg7[%dma_start3A, %multiple_of3A] : memref<64x16384xf32, #tpu.memory_space<hbm>> -> memref<64x512xf32, #tpu.memory_space<hbm>>
      %dma_start3A_21 = arith.constant 0 : i32
      %dma_start3A_22 = tpu.memref_slice %arg7[%dma_start3A_21, %multiple_of3A] : memref<64x16384xf32, #tpu.memory_space<hbm>> -> memref<64x512xf32, #tpu.memory_space<hbm>>
      tpu.enqueue_dma source(%arg15 : memref<64x512xf32, #tpu.memory_space<vmem>>) target(%dma_start3A_22 : memref<64x512xf32, #tpu.memory_space<hbm>>) target_semaphore(%run_scoped3A : memref<!tpu.dma_semaphore, #tpu.memory_space<semaphore_mem>>)
      %dma_wait3A = arith.constant 0 : i32
      %dma_wait3A_23 = tpu.memref_slice %arg7[%dma_wait3A, %multiple_of3A] : memref<64x16384xf32, #tpu.memory_space<hbm>> -> memref<64x512xf32, #tpu.memory_space<hbm>>
      %dma_wait3A_24 = arith.constant 0 : i32
      %dma_wait3A_25 = tpu.memref_slice %arg7[%dma_wait3A_24, %multiple_of3A] : memref<64x16384xf32, #tpu.memory_space<hbm>> -> memref<64x512xf32, #tpu.memory_space<hbm>>
      tpu.wait_dma2 semaphore(%run_scoped3A : memref<!tpu.dma_semaphore, #tpu.memory_space<semaphore_mem>>) src(%arg15 : memref<64x512xf32, #tpu.memory_space<vmem>>) dst(%dma_wait3A_25 : memref<64x512xf32, #tpu.memory_space<hbm>>)
      tpu.yield
    }) : () -> ()
    %scan3A_8 = arith.constant 0 : i32
    %scan3A_9 = arith.constant 0 : i32
    %scan3A_10 = arith.constant 4 : i32
    %scan3A_11 = arith.addi %scan3A_9, %scan3A_10 : i32
    %scan3A_12 = arith.constant 1 : i32
    scf.for %scan3A_20 = %scan3A_9 to %scan3A_11 step %scan3A_12  : i32 {
      %mul3A_21 = arith.constant 128 : i32
      %mul3A_22 = arith.muli %scan3A_20, %mul3A_21 : i32
      %multiple_of3A_23 = tpu.assume_multiple %mul3A_22, 128 : i32
      %add3A_24 = arith.constant 0 : i32
      %add3A_25 = arith.addi %multiple_of3A_23, %add3A_24 : i32
      %get3A = arith.constant 0 : i32
      %get3A_26 = arith.index_cast %get3A : i32 to index
      %get3A_27 = arith.index_cast %add3A_25 : i32 to index
      %get3A_28 = tpu.vector_load %arg11[%get3A_26, %get3A_27] {strides = array<i32>} : memref<1x512xi32, #tpu.memory_space<vmem>>, vector<16xi32>,
      %ge3A = arith.constant 500 : i32
      %ge3A_29 = vector.broadcast %ge3A : i32 to vector<16xi32>
      %ge3A_30 = arith.cmpi sge, %get3A_28, %ge3A_29 : vector<16xi32>
      %sub3A = arith.constant 500 : i32
      %sub3A_31 = vector.broadcast %sub3A : i32 to vector<16xi32>
      %sub3A_32 = arith.subi %get3A_28, %sub3A_31 : vector<16xi32>
      %select_n3A = arith.select %ge3A_30, %sub3A_32, %get3A_28 : vector<16xi1>, vector<16xi32>
      %swap3A = arith.constant 0 : i32
      %swap3A_33 = arith.index_cast %swap3A : i32 to index
      %swap3A_34 = arith.constant 0 : index
      %swap3A_35 = tpu.vector_load %arg13[%swap3A_33, %swap3A_34] {strides = array<i32>} : memref<1x128xi32, #tpu.memory_space<vmem>>, vector<16xi32>,
      tpu.vector_store %arg13[%swap3A_33, %swap3A_34], %select_n3A {strides = array<i32>} : memref<1x128xi32, #tpu.memory_space<vmem>>, vector<16xi32>,
      %add3A_36 = arith.constant 16 : i32
      %add3A_37 = arith.addi %multiple_of3A_23, %add3A_36 : i32
      %get3A_38 = arith.constant 0 : i32
      %get3A_39 = arith.index_cast %get3A_38 : i32 to index
      %get3A_40 = arith.index_cast %add3A_37 : i32 to index
      %get3A_41 = tpu.vector_load %arg11[%get3A_39, %get3A_40] {strides = array<i32>} : memref<1x512xi32, #tpu.memory_space<vmem>>, vector<16xi32>,
      %ge3A_42 = arith.constant 500 : i32
      %ge3A_43 = vector.broadcast %ge3A_42 : i32 to vector<16xi32>
      %ge3A_44 = arith.cmpi sge, %get3A_41, %ge3A_43 : vector<16xi32>
      %sub3A_45 = arith.constant 500 : i32
      %sub3A_46 = vector.broadcast %sub3A_45 : i32 to vector<16xi32>
      %sub3A_47 = arith.subi %get3A_41, %sub3A_46 : vector<16xi32>
      %select_n3A_48 = arith.select %ge3A_44, %sub3A_47, %get3A_41 : vector<16xi1>, vector<16xi32>
      %swap3A_49 = arith.constant 0 : i32
      %swap3A_50 = arith.index_cast %swap3A_49 : i32 to index
      %swap3A_51 = arith.constant 16 : index
      %swap3A_52 = tpu.vector_load %arg13[%swap3A_50, %swap3A_51] {strides = array<i32>} : memref<1x128xi32, #tpu.memory_space<vmem>>, vector<16xi32>,
      tpu.vector_store %arg13[%swap3A_50, %swap3A_51], %select_n3A_48 {strides = array<i32>} : memref<1x128xi32, #tpu.memory_space<vmem>>, vector<16xi32>,
      %add3A_53 = arith.constant 32 : i32
      %add3A_54 = arith.addi %multiple_of3A_23, %add3A_53 : i32
      %get3A_55 = arith.constant 0 : i32
      %get3A_56 = arith.index_cast %get3A_55 : i32 to index
      %get3A_57 = arith.index_cast %add3A_54 : i32 to index
      %get3A_58 = tpu.vector_load %arg11[%get3A_56, %get3A_57] {strides = array<i32>} : memref<1x512xi32, #tpu.memory_space<vmem>>, vector<16xi32>,
      %ge3A_59 = arith.constant 500 : i32
      %ge3A_60 = vector.broadcast %ge3A_59 : i32 to vector<16xi32>
      %ge3A_61 = arith.cmpi sge, %get3A_58, %ge3A_60 : vector<16xi32>
      %sub3A_62 = arith.constant 500 : i32
      %sub3A_63 = vector.broadcast %sub3A_62 : i32 to vector<16xi32>
      %sub3A_64 = arith.subi %get3A_58, %sub3A_63 : vector<16xi32>
      %select_n3A_65 = arith.select %ge3A_61, %sub3A_64, %get3A_58 : vector<16xi1>, vector<16xi32>
      %swap3A_66 = arith.constant 0 : i32
      %swap3A_67 = arith.index_cast %swap3A_66 : i32 to index
      %swap3A_68 = arith.constant 32 : index
      %swap3A_69 = tpu.vector_load %arg13[%swap3A_67, %swap3A_68] {strides = array<i32>} : memref<1x128xi32, #tpu.memory_space<vmem>>, vector<16xi32>,
      tpu.vector_store %arg13[%swap3A_67, %swap3A_68], %select_n3A_65 {strides = array<i32>} : memref<1x128xi32, #tpu.memory_space<vmem>>, vector<16xi32>,
      %add3A_70 = arith.constant 48 : i32
      %add3A_71 = arith.addi %multiple_of3A_23, %add3A_70 : i32
      %get3A_72 = arith.constant 0 : i32
      %get3A_73 = arith.index_cast %get3A_72 : i32 to index
      %get3A_74 = arith.index_cast %add3A_71 : i32 to index
      %get3A_75 = tpu.vector_load %arg11[%get3A_73, %get3A_74] {strides = array<i32>} : memref<1x512xi32, #tpu.memory_space<vmem>>, vector<16xi32>,
      %ge3A_76 = arith.constant 500 : i32
      %ge3A_77 = vector.broadcast %ge3A_76 : i32 to vector<16xi32>
      %ge3A_78 = arith.cmpi sge, %get3A_75, %ge3A_77 : vector<16xi32>
      %sub3A_79 = arith.constant 500 : i32
      %sub3A_80 = vector.broadcast %sub3A_79 : i32 to vector<16xi32>
      %sub3A_81 = arith.subi %get3A_75, %sub3A_80 : vector<16xi32>
      %select_n3A_82 = arith.select %ge3A_78, %sub3A_81, %get3A_75 : vector<16xi1>, vector<16xi32>
      %swap3A_83 = arith.constant 0 : i32
      %swap3A_84 = arith.index_cast %swap3A_83 : i32 to index
      %swap3A_85 = arith.constant 48 : index
      %swap3A_86 = tpu.vector_load %arg13[%swap3A_84, %swap3A_85] {strides = array<i32>} : memref<1x128xi32, #tpu.memory_space<vmem>>, vector<16xi32>,
      tpu.vector_store %arg13[%swap3A_84, %swap3A_85], %select_n3A_82 {strides = array<i32>} : memref<1x128xi32, #tpu.memory_space<vmem>>, vector<16xi32>,
      %add3A_87 = arith.constant 64 : i32
      %add3A_88 = arith.addi %multiple_of3A_23, %add3A_87 : i32
      %get3A_89 = arith.constant 0 : i32
      %get3A_90 = arith.index_cast %get3A_89 : i32 to index
      %get3A_91 = arith.index_cast %add3A_88 : i32 to index
      %get3A_92 = tpu.vector_load %arg11[%get3A_90, %get3A_91] {strides = array<i32>} : memref<1x512xi32, #tpu.memory_space<vmem>>, vector<16xi32>,
      %ge3A_93 = arith.constant 500 : i32
      %ge3A_94 = vector.broadcast %ge3A_93 : i32 to vector<16xi32>
      %ge3A_95 = arith.cmpi sge, %get3A_92, %ge3A_94 : vector<16xi32>
      %sub3A_96 = arith.constant 500 : i32
      %sub3A_97 = vector.broadcast %sub3A_96 : i32 to vector<16xi32>
      %sub3A_98 = arith.subi %get3A_92, %sub3A_97 : vector<16xi32>
      %select_n3A_99 = arith.select %ge3A_95, %sub3A_98, %get3A_92 : vector<16xi1>, vector<16xi32>
      %swap3A_100 = arith.constant 0 : i32
      %swap3A_101 = arith.index_cast %swap3A_100 : i32 to index
      %swap3A_102 = arith.constant 64 : index
      %swap3A_103 = tpu.vector_load %arg13[%swap3A_101, %swap3A_102] {strides = array<i32>} : memref<1x128xi32, #tpu.memory_space<vmem>>, vector<16xi32>,
      tpu.vector_store %arg13[%swap3A_101, %swap3A_102], %select_n3A_99 {strides = array<i32>} : memref<1x128xi32, #tpu.memory_space<vmem>>, vector<16xi32>,
      %add3A_104 = arith.constant 80 : i32
      %add3A_105 = arith.addi %multiple_of3A_23, %add3A_104 : i32
      %get3A_106 = arith.constant 0 : i32
      %get3A_107 = arith.index_cast %get3A_106 : i32 to index
      %get3A_108 = arith.index_cast %add3A_105 : i32 to index
      %get3A_109 = tpu.vector_load %arg11[%get3A_107, %get3A_108] {strides = array<i32>} : memref<1x512xi32, #tpu.memory_space<vmem>>, vector<16xi32>,
      %ge3A_110 = arith.constant 500 : i32
      %ge3A_111 = vector.broadcast %ge3A_110 : i32 to vector<16xi32>
      %ge3A_112 = arith.cmpi sge, %get3A_109, %ge3A_111 : vector<16xi32>
      %sub3A_113 = arith.constant 500 : i32
      %sub3A_114 = vector.broadcast %sub3A_113 : i32 to vector<16xi32>
      %sub3A_115 = arith.subi %get3A_109, %sub3A_114 : vector<16xi32>
      %select_n3A_116 = arith.select %ge3A_112, %sub3A_115, %get3A_109 : vector<16xi1>, vector<16xi32>
      %swap3A_117 = arith.constant 0 : i32
      %swap3A_118 = arith.index_cast %swap3A_117 : i32 to index
      %swap3A_119 = arith.constant 80 : index
      %swap3A_120 = tpu.vector_load %arg13[%swap3A_118, %swap3A_119] {strides = array<i32>} : memref<1x128xi32, #tpu.memory_space<vmem>>, vector<16xi32>,
      tpu.vector_store %arg13[%swap3A_118, %swap3A_119], %select_n3A_116 {strides = array<i32>} : memref<1x128xi32, #tpu.memory_space<vmem>>, vector<16xi32>,
      %add3A_121 = arith.constant 96 : i32
      %add3A_122 = arith.addi %multiple_of3A_23, %add3A_121 : i32
      %get3A_123 = arith.constant 0 : i32
      %get3A_124 = arith.index_cast %get3A_123 : i32 to index
      %get3A_125 = arith.index_cast %add3A_122 : i32 to index
      %get3A_126 = tpu.vector_load %arg11[%get3A_124, %get3A_125] {strides = array<i32>} : memref<1x512xi32, #tpu.memory_space<vmem>>, vector<16xi32>,
      %ge3A_127 = arith.constant 500 : i32
      %ge3A_128 = vector.broadcast %ge3A_127 : i32 to vector<16xi32>
      %ge3A_129 = arith.cmpi sge, %get3A_126, %ge3A_128 : vector<16xi32>
      %sub3A_130 = arith.constant 500 : i32
      %sub3A_131 = vector.broadcast %sub3A_130 : i32 to vector<16xi32>
      %sub3A_132 = arith.subi %get3A_126, %sub3A_131 : vector<16xi32>
      %select_n3A_133 = arith.select %ge3A_129, %sub3A_132, %get3A_126 : vector<16xi1>, vector<16xi32>
      %swap3A_134 = arith.constant 0 : i32
      %swap3A_135 = arith.index_cast %swap3A_134 : i32 to index
      %swap3A_136 = arith.constant 96 : index
      %swap3A_137 = tpu.vector_load %arg13[%swap3A_135, %swap3A_136] {strides = array<i32>} : memref<1x128xi32, #tpu.memory_space<vmem>>, vector<16xi32>,
      tpu.vector_store %arg13[%swap3A_135, %swap3A_136], %select_n3A_133 {strides = array<i32>} : memref<1x128xi32, #tpu.memory_space<vmem>>, vector<16xi32>,
      %add3A_138 = arith.constant 112 : i32
      %add3A_139 = arith.addi %multiple_of3A_23, %add3A_138 : i32
      %get3A_140 = arith.constant 0 : i32
      %get3A_141 = arith.index_cast %get3A_140 : i32 to index
      %get3A_142 = arith.index_cast %add3A_139 : i32 to index
      %get3A_143 = tpu.vector_load %arg11[%get3A_141, %get3A_142] {strides = array<i32>} : memref<1x512xi32, #tpu.memory_space<vmem>>, vector<16xi32>,
      %ge3A_144 = arith.constant 500 : i32
      %ge3A_145 = vector.broadcast %ge3A_144 : i32 to vector<16xi32>
      %ge3A_146 = arith.cmpi sge, %get3A_143, %ge3A_145 : vector<16xi32>
      %sub3A_147 = arith.constant 500 : i32
      %sub3A_148 = vector.broadcast %sub3A_147 : i32 to vector<16xi32>
      %sub3A_149 = arith.subi %get3A_143, %sub3A_148 : vector<16xi32>
      %select_n3A_150 = arith.select %ge3A_146, %sub3A_149, %get3A_143 : vector<16xi1>, vector<16xi32>
      %swap3A_151 = arith.constant 0 : i32
      %swap3A_152 = arith.index_cast %swap3A_151 : i32 to index
      %swap3A_153 = arith.constant 112 : index
      %swap3A_154 = tpu.vector_load %arg13[%swap3A_152, %swap3A_153] {strides = array<i32>} : memref<1x128xi32, #tpu.memory_space<vmem>>, vector<16xi32>,
      tpu.vector_store %arg13[%swap3A_152, %swap3A_153], %select_n3A_150 {strides = array<i32>} : memref<1x128xi32, #tpu.memory_space<vmem>>, vector<16xi32>,
      %dma_start3A = arith.constant 0 : i32
      %dma_start3A_155 = arith.constant 0 : i32
      %dma_start3A_156 = tpu.memref_slice %arg13[%dma_start3A, %dma_start3A_155] : memref<1x128xi32, #tpu.memory_space<vmem>> -> memref<1x128xi32, #tpu.memory_space<vmem>>
      %dma_start3A_157 = tpu.memref_squeeze %dma_start3A_156 : memref<1x128xi32, #tpu.memory_space<vmem>> -> memref<128xi32, #tpu.memory_space<vmem>>
      %dma_start3A_158 = arith.constant 0 : i32
      %dma_start3A_159 = arith.constant 0 : i32
      %dma_start3A_160 = tpu.memref_slice %arg3[%dma_start3A_158, %dma_start3A_159] : memref<512x128xf32, #tpu.memory_space<hbm>> -> memref<512x128xf32, #tpu.memory_space<hbm>>
      tpu.enqueue_indirect_dma source(%dma_start3A_160 : memref<512x128xf32, #tpu.memory_space<hbm>>) target(%arg14 : memref<128x128xf32, #tpu.memory_space<vmem>>) offsets(%dma_start3A_157 : memref<128xi32, #tpu.memory_space<vmem>>) semaphore(%arg16 : memref<!tpu.dma_semaphore, #tpu.memory_space<semaphore_mem>>)
      %dma_wait3A = arith.constant 0 : i32
      %dma_wait3A_161 = arith.constant 0 : i32
      %dma_wait3A_162 = tpu.memref_slice %arg3[%dma_wait3A, %dma_wait3A_161] : memref<512x128xf32, #tpu.memory_space<hbm>> -> memref<128x128xf32, #tpu.memory_space<hbm>>
      %dma_wait3A_163 = arith.constant 0 : i32
      %dma_wait3A_164 = arith.constant 0 : i32
      %dma_wait3A_165 = tpu.memref_slice %arg3[%dma_wait3A_163, %dma_wait3A_164] : memref<512x128xf32, #tpu.memory_space<hbm>> -> memref<128x128xf32, #tpu.memory_space<hbm>>
      tpu.wait_dma2 semaphore(%arg16 : memref<!tpu.dma_semaphore, #tpu.memory_space<semaphore_mem>>) src(%dma_wait3A_165 : memref<128x128xf32, #tpu.memory_space<hbm>>) dst(%arg14 : memref<128x128xf32, #tpu.memory_space<vmem>>)
      %add3A_166 = arith.constant 0 : i32
      %add3A_167 = arith.addi %multiple_of3A_23, %add3A_166 : i32
      %get3A_168 = arith.constant 0 : i32
      %get3A_169 = arith.index_cast %get3A_168 : i32 to index
      %get3A_170 = arith.index_cast %add3A_167 : i32 to index
      %get3A_171 = tpu.vector_load %arg11[%get3A_169, %get3A_170] {strides = array<i32>} : memref<1x512xi32, #tpu.memory_space<vmem>>, vector<16xi32>,
      %ge3A_172 = arith.constant 500 : i32
      %ge3A_173 = vector.broadcast %ge3A_172 : i32 to vector<16xi32>
      %ge3A_174 = arith.cmpi sge, %get3A_171, %ge3A_173 : vector<16xi32>
      %jit3A = arith.constant 64 : i32
      %jit3A_175 = arith.constant 0 : i32
      %broadcast_in_dim3A = vector.broadcast %jit3A : i32 to vector<16xi32>
      %broadcast_in_dim3A_176 = vector.broadcast %jit3A_175 : i32 to vector<16xi32>
      %select_n3A_177 = arith.select %ge3A_174, %broadcast_in_dim3A, %broadcast_in_dim3A_176 : vector<16xi1>, vector<16xi32>
      %add3A_178 = arith.constant 16 : i32
      %add3A_179 = arith.addi %multiple_of3A_23, %add3A_178 : i32
      %get3A_180 = arith.constant 0 : i32
      %get3A_181 = arith.index_cast %get3A_180 : i32 to index
      %get3A_182 = arith.index_cast %add3A_179 : i32 to index
      %get3A_183 = tpu.vector_load %arg11[%get3A_181, %get3A_182] {strides = array<i32>} : memref<1x512xi32, #tpu.memory_space<vmem>>, vector<16xi32>,
      %ge3A_184 = arith.constant 500 : i32
      %ge3A_185 = vector.broadcast %ge3A_184 : i32 to vector<16xi32>
      %ge3A_186 = arith.cmpi sge, %get3A_183, %ge3A_185 : vector<16xi32>
      %jit3A_187 = arith.constant 64 : i32
      %jit3A_188 = arith.constant 0 : i32
      %broadcast_in_dim3A_189 = vector.broadcast %jit3A_187 : i32 to vector<16xi32>
      %broadcast_in_dim3A_190 = vector.broadcast %jit3A_188 : i32 to vector<16xi32>
      %select_n3A_191 = arith.select %ge3A_186, %broadcast_in_dim3A_189, %broadcast_in_dim3A_190 : vector<16xi1>, vector<16xi32>
      %add3A_192 = arith.constant 32 : i32
      %add3A_193 = arith.addi %multiple_of3A_23, %add3A_192 : i32
      %get3A_194 = arith.constant 0 : i32
      %get3A_195 = arith.index_cast %get3A_194 : i32 to index
      %get3A_196 = arith.index_cast %add3A_193 : i32 to index
      %get3A_197 = tpu.vector_load %arg11[%get3A_195, %get3A_196] {strides = array<i32>} : memref<1x512xi32, #tpu.memory_space<vmem>>, vector<16xi32>,
      %ge3A_198 = arith.constant 500 : i32
      %ge3A_199 = vector.broadcast %ge3A_198 : i32 to vector<16xi32>
      %ge3A_200 = arith.cmpi sge, %get3A_197, %ge3A_199 : vector<16xi32>
      %jit3A_201 = arith.constant 64 : i32
      %jit3A_202 = arith.constant 0 : i32
      %broadcast_in_dim3A_203 = vector.broadcast %jit3A_201 : i32 to vector<16xi32>
      %broadcast_in_dim3A_204 = vector.broadcast %jit3A_202 : i32 to vector<16xi32>
      %select_n3A_205 = arith.select %ge3A_200, %broadcast_in_dim3A_203, %broadcast_in_dim3A_204 : vector<16xi1>, vector<16xi32>
      %add3A_206 = arith.constant 48 : i32
      %add3A_207 = arith.addi %multiple_of3A_23, %add3A_206 : i32
      %get3A_208 = arith.constant 0 : i32
      %get3A_209 = arith.index_cast %get3A_208 : i32 to index
      %get3A_210 = arith.index_cast %add3A_207 : i32 to index
      %get3A_211 = tpu.vector_load %arg11[%get3A_209, %get3A_210] {strides = array<i32>} : memref<1x512xi32, #tpu.memory_space<vmem>>, vector<16xi32>,
      %ge3A_212 = arith.constant 500 : i32
      %ge3A_213 = vector.broadcast %ge3A_212 : i32 to vector<16xi32>
      %ge3A_214 = arith.cmpi sge, %get3A_211, %ge3A_213 : vector<16xi32>
      %jit3A_215 = arith.constant 64 : i32
      %jit3A_216 = arith.constant 0 : i32
      %broadcast_in_dim3A_217 = vector.broadcast %jit3A_215 : i32 to vector<16xi32>
      %broadcast_in_dim3A_218 = vector.broadcast %jit3A_216 : i32 to vector<16xi32>
      %select_n3A_219 = arith.select %ge3A_214, %broadcast_in_dim3A_217, %broadcast_in_dim3A_218 : vector<16xi1>, vector<16xi32>
      %add3A_220 = arith.constant 64 : i32
      %add3A_221 = arith.addi %multiple_of3A_23, %add3A_220 : i32
      %get3A_222 = arith.constant 0 : i32
      %get3A_223 = arith.index_cast %get3A_222 : i32 to index
      %get3A_224 = arith.index_cast %add3A_221 : i32 to index
      %get3A_225 = tpu.vector_load %arg11[%get3A_223, %get3A_224] {strides = array<i32>} : memref<1x512xi32, #tpu.memory_space<vmem>>, vector<16xi32>,
      %ge3A_226 = arith.constant 500 : i32
      %ge3A_227 = vector.broadcast %ge3A_226 : i32 to vector<16xi32>
      %ge3A_228 = arith.cmpi sge, %get3A_225, %ge3A_227 : vector<16xi32>
      %jit3A_229 = arith.constant 64 : i32
      %jit3A_230 = arith.constant 0 : i32
      %broadcast_in_dim3A_231 = vector.broadcast %jit3A_229 : i32 to vector<16xi32>
      %broadcast_in_dim3A_232 = vector.broadcast %jit3A_230 : i32 to vector<16xi32>
      %select_n3A_233 = arith.select %ge3A_228, %broadcast_in_dim3A_231, %broadcast_in_dim3A_232 : vector<16xi1>, vector<16xi32>
      %add3A_234 = arith.constant 80 : i32
      %add3A_235 = arith.addi %multiple_of3A_23, %add3A_234 : i32
      %get3A_236 = arith.constant 0 : i32
      %get3A_237 = arith.index_cast %get3A_236 : i32 to index
      %get3A_238 = arith.index_cast %add3A_235 : i32 to index
      %get3A_239 = tpu.vector_load %arg11[%get3A_237, %get3A_238] {strides = array<i32>} : memref<1x512xi32, #tpu.memory_space<vmem>>, vector<16xi32>,
      %ge3A_240 = arith.constant 500 : i32
      %ge3A_241 = vector.broadcast %ge3A_240 : i32 to vector<16xi32>
      %ge3A_242 = arith.cmpi sge, %get3A_239, %ge3A_241 : vector<16xi32>
      %jit3A_243 = arith.constant 64 : i32
      %jit3A_244 = arith.constant 0 : i32
      %broadcast_in_dim3A_245 = vector.broadcast %jit3A_243 : i32 to vector<16xi32>
      %broadcast_in_dim3A_246 = vector.broadcast %jit3A_244 : i32 to vector<16xi32>
      %select_n3A_247 = arith.select %ge3A_242, %broadcast_in_dim3A_245, %broadcast_in_dim3A_246 : vector<16xi1>, vector<16xi32>
      %add3A_248 = arith.constant 96 : i32
      %add3A_249 = arith.addi %multiple_of3A_23, %add3A_248 : i32
      %get3A_250 = arith.constant 0 : i32
      %get3A_251 = arith.index_cast %get3A_250 : i32 to index
      %get3A_252 = arith.index_cast %add3A_249 : i32 to index
      %get3A_253 = tpu.vector_load %arg11[%get3A_251, %get3A_252] {strides = array<i32>} : memref<1x512xi32, #tpu.memory_space<vmem>>, vector<16xi32>,
      %ge3A_254 = arith.constant 500 : i32
      %ge3A_255 = vector.broadcast %ge3A_254 : i32 to vector<16xi32>
      %ge3A_256 = arith.cmpi sge, %get3A_253, %ge3A_255 : vector<16xi32>
      %jit3A_257 = arith.constant 64 : i32
      %jit3A_258 = arith.constant 0 : i32
      %broadcast_in_dim3A_259 = vector.broadcast %jit3A_257 : i32 to vector<16xi32>
      %broadcast_in_dim3A_260 = vector.broadcast %jit3A_258 : i32 to vector<16xi32>
      %select_n3A_261 = arith.select %ge3A_256, %broadcast_in_dim3A_259, %broadcast_in_dim3A_260 : vector<16xi1>, vector<16xi32>
      %add3A_262 = arith.constant 112 : i32
      %add3A_263 = arith.addi %multiple_of3A_23, %add3A_262 : i32
      %get3A_264 = arith.constant 0 : i32
      %get3A_265 = arith.index_cast %get3A_264 : i32 to index
      %get3A_266 = arith.index_cast %add3A_263 : i32 to index
      %get3A_267 = tpu.vector_load %arg11[%get3A_265, %get3A_266] {strides = array<i32>} : memref<1x512xi32, #tpu.memory_space<vmem>>, vector<16xi32>,
      %ge3A_268 = arith.constant 500 : i32
      %ge3A_269 = vector.broadcast %ge3A_268 : i32 to vector<16xi32>
      %ge3A_270 = arith.cmpi sge, %get3A_267, %ge3A_269 : vector<16xi32>
      %jit3A_271 = arith.constant 64 : i32
      %jit3A_272 = arith.constant 0 : i32
      %broadcast_in_dim3A_273 = vector.broadcast %jit3A_271 : i32 to vector<16xi32>
      %broadcast_in_dim3A_274 = vector.broadcast %jit3A_272 : i32 to vector<16xi32>
      %select_n3A_275 = arith.select %ge3A_270, %broadcast_in_dim3A_273, %broadcast_in_dim3A_274 : vector<16xi1>, vector<16xi32>
      %iota3A = tpu.iota {dimensions = array<i32: 0>} : vector<16xi32>
      %add3A_276 = arith.constant 0 : i32
      %add3A_277 = vector.broadcast %add3A_276 : i32 to vector<16xi32>
      %add3A_278 = arith.addi %iota3A, %add3A_277 : vector<16xi32>
      %iota3A_279 = tpu.iota {dimensions = array<i32: 0>} : vector<16xi32>
      %add3A_280 = arith.constant 16 : i32
      %add3A_281 = vector.broadcast %add3A_280 : i32 to vector<16xi32>
      %add3A_282 = arith.addi %iota3A_279, %add3A_281 : vector<16xi32>
      %iota3A_283 = tpu.iota {dimensions = array<i32: 0>} : vector<16xi32>
      %add3A_284 = arith.constant 32 : i32
      %add3A_285 = vector.broadcast %add3A_284 : i32 to vector<16xi32>
      %add3A_286 = arith.addi %iota3A_283, %add3A_285 : vector<16xi32>
      %iota3A_287 = tpu.iota {dimensions = array<i32: 0>} : vector<16xi32>
      %add3A_288 = arith.constant 48 : i32
      %add3A_289 = vector.broadcast %add3A_288 : i32 to vector<16xi32>
      %add3A_290 = arith.addi %iota3A_287, %add3A_289 : vector<16xi32>
      %iota3A_291 = tpu.iota {dimensions = array<i32: 0>} : vector<16xi32>
      %add3A_292 = arith.constant 64 : i32
      %add3A_293 = vector.broadcast %add3A_292 : i32 to vector<16xi32>
      %add3A_294 = arith.addi %iota3A_291, %add3A_293 : vector<16xi32>
      %iota3A_295 = tpu.iota {dimensions = array<i32: 0>} : vector<16xi32>
      %add3A_296 = arith.constant 80 : i32
      %add3A_297 = vector.broadcast %add3A_296 : i32 to vector<16xi32>
      %add3A_298 = arith.addi %iota3A_295, %add3A_297 : vector<16xi32>
      %iota3A_299 = tpu.iota {dimensions = array<i32: 0>} : vector<16xi32>
      %add3A_300 = arith.constant 96 : i32
      %add3A_301 = vector.broadcast %add3A_300 : i32 to vector<16xi32>
      %add3A_302 = arith.addi %iota3A_299, %add3A_301 : vector<16xi32>
      %iota3A_303 = tpu.iota {dimensions = array<i32: 0>} : vector<16xi32>
      %add3A_304 = arith.constant 112 : i32
      %add3A_305 = vector.broadcast %add3A_304 : i32 to vector<16xi32>
      %add3A_306 = arith.addi %iota3A_303, %add3A_305 : vector<16xi32>
      %scan3A_307 = arith.constant 0 : i32
      %scan3A_308 = arith.constant 0 : i32
      %scan3A_309 = arith.constant 32 : i32
      %scan3A_310 = arith.addi %scan3A_308, %scan3A_309 : i32
      %scan3A_311 = arith.constant 1 : i32
      scf.for %scan3A_313 = %scan3A_308 to %scan3A_310 step %scan3A_311  : i32 {
        %mul3A_314 = arith.constant 2 : i32
        %mul3A_315 = arith.muli %scan3A_313, %mul3A_314 : i32
        %add3A_316 = arith.constant 0 : i32
        %add3A_317 = arith.addi %mul3A_315, %add3A_316 : i32
        %add3A_318 = vector.broadcast %add3A_317 : i32 to vector<16xi32>
        %add3A_319 = arith.addi %select_n3A_177, %add3A_318 : vector<16xi32>
        %gather3A = tpu.vector_load_idx %arg14[%add3A_278, %add3A_319] : memref<128x128xf32, #tpu.memory_space<vmem>>[vector<16xi32>, vector<16xi32>], vector<16xf32>,
        %add3A_320 = arith.constant 0 : i32
        %add3A_321 = arith.addi %multiple_of3A_23, %add3A_320 : i32
        %swap3A_322 = arith.index_cast %add3A_317 : i32 to index
        %swap3A_323 = arith.index_cast %add3A_321 : i32 to index
        %swap3A_324 = tpu.vector_load %arg15[%swap3A_322, %swap3A_323] {strides = array<i32>} : memref<64x512xf32, #tpu.memory_space<vmem>>, vector<16xf32>,
        tpu.vector_store %arg15[%swap3A_322, %swap3A_323], %gather3A {strides = array<i32>} : memref<64x512xf32, #tpu.memory_space<vmem>>, vector<16xf32>,
        %add3A_325 = vector.broadcast %add3A_317 : i32 to vector<16xi32>
        %add3A_326 = arith.addi %select_n3A_191, %add3A_325 : vector<16xi32>
        %gather3A_327 = tpu.vector_load_idx %arg14[%add3A_282, %add3A_326] : memref<128x128xf32, #tpu.memory_space<vmem>>[vector<16xi32>, vector<16xi32>], vector<16xf32>,
        %add3A_328 = arith.constant 16 : i32
        %add3A_329 = arith.addi %multiple_of3A_23, %add3A_328 : i32
        %swap3A_330 = arith.index_cast %add3A_317 : i32 to index
        %swap3A_331 = arith.index_cast %add3A_329 : i32 to index
        %swap3A_332 = tpu.vector_load %arg15[%swap3A_330, %swap3A_331] {strides = array<i32>} : memref<64x512xf32, #tpu.memory_space<vmem>>, vector<16xf32>,
        tpu.vector_store %arg15[%swap3A_330, %swap3A_331], %gather3A_327 {strides = array<i32>} : memref<64x512xf32, #tpu.memory_space<vmem>>, vector<16xf32>,
        %add3A_333 = vector.broadcast %add3A_317 : i32 to vector<16xi32>
        %add3A_334 = arith.addi %select_n3A_205, %add3A_333 : vector<16xi32>
        %gather3A_335 = tpu.vector_load_idx %arg14[%add3A_286, %add3A_334] : memref<128x128xf32, #tpu.memory_space<vmem>>[vector<16xi32>, vector<16xi32>], vector<16xf32>,
        %add3A_336 = arith.constant 32 : i32
        %add3A_337 = arith.addi %multiple_of3A_23, %add3A_336 : i32
        %swap3A_338 = arith.index_cast %add3A_317 : i32 to index
        %swap3A_339 = arith.index_cast %add3A_337 : i32 to index
        %swap3A_340 = tpu.vector_load %arg15[%swap3A_338, %swap3A_339] {strides = array<i32>} : memref<64x512xf32, #tpu.memory_space<vmem>>, vector<16xf32>,
        tpu.vector_store %arg15[%swap3A_338, %swap3A_339], %gather3A_335 {strides = array<i32>} : memref<64x512xf32, #tpu.memory_space<vmem>>, vector<16xf32>,
        %add3A_341 = vector.broadcast %add3A_317 : i32 to vector<16xi32>
        %add3A_342 = arith.addi %select_n3A_219, %add3A_341 : vector<16xi32>
        %gather3A_343 = tpu.vector_load_idx %arg14[%add3A_290, %add3A_342] : memref<128x128xf32, #tpu.memory_space<vmem>>[vector<16xi32>, vector<16xi32>], vector<16xf32>,
        %add3A_344 = arith.constant 48 : i32
        %add3A_345 = arith.addi %multiple_of3A_23, %add3A_344 : i32
        %swap3A_346 = arith.index_cast %add3A_317 : i32 to index
        %swap3A_347 = arith.index_cast %add3A_345 : i32 to index
        %swap3A_348 = tpu.vector_load %arg15[%swap3A_346, %swap3A_347] {strides = array<i32>} : memref<64x512xf32, #tpu.memory_space<vmem>>, vector<16xf32>,
        tpu.vector_store %arg15[%swap3A_346, %swap3A_347], %gather3A_343 {strides = array<i32>} : memref<64x512xf32, #tpu.memory_space<vmem>>, vector<16xf32>,
        %add3A_349 = vector.broadcast %add3A_317 : i32 to vector<16xi32>
        %add3A_350 = arith.addi %select_n3A_233, %add3A_349 : vector<16xi32>
        %gather3A_351 = tpu.vector_load_idx %arg14[%add3A_294, %add3A_350] : memref<128x128xf32, #tpu.memory_space<vmem>>[vector<16xi32>, vector<16xi32>], vector<16xf32>,
        %add3A_352 = arith.constant 64 : i32
        %add3A_353 = arith.addi %multiple_of3A_23, %add3A_352 : i32
        %swap3A_354 = arith.index_cast %add3A_317 : i32 to index
        %swap3A_355 = arith.index_cast %add3A_353 : i32 to index
        %swap3A_356 = tpu.vector_load %arg15[%swap3A_354, %swap3A_355] {strides = array<i32>} : memref<64x512xf32, #tpu.memory_space<vmem>>, vector<16xf32>,
        tpu.vector_store %arg15[%swap3A_354, %swap3A_355], %gather3A_351 {strides = array<i32>} : memref<64x512xf32, #tpu.memory_space<vmem>>, vector<16xf32>,
        %add3A_357 = vector.broadcast %add3A_317 : i32 to vector<16xi32>
        %add3A_358 = arith.addi %select_n3A_247, %add3A_357 : vector<16xi32>
        %gather3A_359 = tpu.vector_load_idx %arg14[%add3A_298, %add3A_358] : memref<128x128xf32, #tpu.memory_space<vmem>>[vector<16xi32>, vector<16xi32>], vector<16xf32>,
        %add3A_360 = arith.constant 80 : i32
        %add3A_361 = arith.addi %multiple_of3A_23, %add3A_360 : i32
        %swap3A_362 = arith.index_cast %add3A_317 : i32 to index
        %swap3A_363 = arith.index_cast %add3A_361 : i32 to index
        %swap3A_364 = tpu.vector_load %arg15[%swap3A_362, %swap3A_363] {strides = array<i32>} : memref<64x512xf32, #tpu.memory_space<vmem>>, vector<16xf32>,
        tpu.vector_store %arg15[%swap3A_362, %swap3A_363], %gather3A_359 {strides = array<i32>} : memref<64x512xf32, #tpu.memory_space<vmem>>, vector<16xf32>,
        %add3A_365 = vector.broadcast %add3A_317 : i32 to vector<16xi32>
        %add3A_366 = arith.addi %select_n3A_261, %add3A_365 : vector<16xi32>
        %gather3A_367 = tpu.vector_load_idx %arg14[%add3A_302, %add3A_366] : memref<128x128xf32, #tpu.memory_space<vmem>>[vector<16xi32>, vector<16xi32>], vector<16xf32>,
        %add3A_368 = arith.constant 96 : i32
        %add3A_369 = arith.addi %multiple_of3A_23, %add3A_368 : i32
        %swap3A_370 = arith.index_cast %add3A_317 : i32 to index
        %swap3A_371 = arith.index_cast %add3A_369 : i32 to index
        %swap3A_372 = tpu.vector_load %arg15[%swap3A_370, %swap3A_371] {strides = array<i32>} : memref<64x512xf32, #tpu.memory_space<vmem>>, vector<16xf32>,
        tpu.vector_store %arg15[%swap3A_370, %swap3A_371], %gather3A_367 {strides = array<i32>} : memref<64x512xf32, #tpu.memory_space<vmem>>, vector<16xf32>,
        %add3A_373 = vector.broadcast %add3A_317 : i32 to vector<16xi32>
        %add3A_374 = arith.addi %select_n3A_275, %add3A_373 : vector<16xi32>
        %gather3A_375 = tpu.vector_load_idx %arg14[%add3A_306, %add3A_374] : memref<128x128xf32, #tpu.memory_space<vmem>>[vector<16xi32>, vector<16xi32>], vector<16xf32>,
        %add3A_376 = arith.constant 112 : i32
        %add3A_377 = arith.addi %multiple_of3A_23, %add3A_376 : i32
        %swap3A_378 = arith.index_cast %add3A_317 : i32 to index
        %swap3A_379 = arith.index_cast %add3A_377 : i32 to index
        %swap3A_380 = tpu.vector_load %arg15[%swap3A_378, %swap3A_379] {strides = array<i32>} : memref<64x512xf32, #tpu.memory_space<vmem>>, vector<16xf32>,
        tpu.vector_store %arg15[%swap3A_378, %swap3A_379], %gather3A_375 {strides = array<i32>} : memref<64x512xf32, #tpu.memory_space<vmem>>, vector<16xf32>,
        %mul3A_381 = arith.constant 2 : i32
        %mul3A_382 = arith.muli %scan3A_313, %mul3A_381 : i32
        %add3A_383 = arith.constant 1 : i32
        %add3A_384 = arith.addi %mul3A_382, %add3A_383 : i32
        %add3A_385 = vector.broadcast %add3A_384 : i32 to vector<16xi32>
        %add3A_386 = arith.addi %select_n3A_177, %add3A_385 : vector<16xi32>
        %gather3A_387 = tpu.vector_load_idx %arg14[%add3A_278, %add3A_386] : memref<128x128xf32, #tpu.memory_space<vmem>>[vector<16xi32>, vector<16xi32>], vector<16xf32>,
        %add3A_388 = arith.constant 0 : i32
        %add3A_389 = arith.addi %multiple_of3A_23, %add3A_388 : i32
        %swap3A_390 = arith.index_cast %add3A_384 : i32 to index
        %swap3A_391 = arith.index_cast %add3A_389 : i32 to index
        %swap3A_392 = tpu.vector_load %arg15[%swap3A_390, %swap3A_391] {strides = array<i32>} : memref<64x512xf32, #tpu.memory_space<vmem>>, vector<16xf32>,
        tpu.vector_store %arg15[%swap3A_390, %swap3A_391], %gather3A_387 {strides = array<i32>} : memref<64x512xf32, #tpu.memory_space<vmem>>, vector<16xf32>,
        %add3A_393 = vector.broadcast %add3A_384 : i32 to vector<16xi32>
        %add3A_394 = arith.addi %select_n3A_191, %add3A_393 : vector<16xi32>
        %gather3A_395 = tpu.vector_load_idx %arg14[%add3A_282, %add3A_394] : memref<128x128xf32, #tpu.memory_space<vmem>>[vector<16xi32>, vector<16xi32>], vector<16xf32>,
        %add3A_396 = arith.constant 16 : i32
        %add3A_397 = arith.addi %multiple_of3A_23, %add3A_396 : i32
        %swap3A_398 = arith.index_cast %add3A_384 : i32 to index
        %swap3A_399 = arith.index_cast %add3A_397 : i32 to index
        %swap3A_400 = tpu.vector_load %arg15[%swap3A_398, %swap3A_399] {strides = array<i32>} : memref<64x512xf32, #tpu.memory_space<vmem>>, vector<16xf32>,
        tpu.vector_store %arg15[%swap3A_398, %swap3A_399], %gather3A_395 {strides = array<i32>} : memref<64x512xf32, #tpu.memory_space<vmem>>, vector<16xf32>,
        %add3A_401 = vector.broadcast %add3A_384 : i32 to vector<16xi32>
        %add3A_402 = arith.addi %select_n3A_205, %add3A_401 : vector<16xi32>
        %gather3A_403 = tpu.vector_load_idx %arg14[%add3A_286, %add3A_402] : memref<128x128xf32, #tpu.memory_space<vmem>>[vector<16xi32>, vector<16xi32>], vector<16xf32>,
        %add3A_404 = arith.constant 32 : i32
        %add3A_405 = arith.addi %multiple_of3A_23, %add3A_404 : i32
        %swap3A_406 = arith.index_cast %add3A_384 : i32 to index
        %swap3A_407 = arith.index_cast %add3A_405 : i32 to index
        %swap3A_408 = tpu.vector_load %arg15[%swap3A_406, %swap3A_407] {strides = array<i32>} : memref<64x512xf32, #tpu.memory_space<vmem>>, vector<16xf32>,
        tpu.vector_store %arg15[%swap3A_406, %swap3A_407], %gather3A_403 {strides = array<i32>} : memref<64x512xf32, #tpu.memory_space<vmem>>, vector<16xf32>,
        %add3A_409 = vector.broadcast %add3A_384 : i32 to vector<16xi32>
        %add3A_410 = arith.addi %select_n3A_219, %add3A_409 : vector<16xi32>
        %gather3A_411 = tpu.vector_load_idx %arg14[%add3A_290, %add3A_410] : memref<128x128xf32, #tpu.memory_space<vmem>>[vector<16xi32>, vector<16xi32>], vector<16xf32>,
        %add3A_412 = arith.constant 48 : i32
        %add3A_413 = arith.addi %multiple_of3A_23, %add3A_412 : i32
        %swap3A_414 = arith.index_cast %add3A_384 : i32 to index
        %swap3A_415 = arith.index_cast %add3A_413 : i32 to index
        %swap3A_416 = tpu.vector_load %arg15[%swap3A_414, %swap3A_415] {strides = array<i32>} : memref<64x512xf32, #tpu.memory_space<vmem>>, vector<16xf32>,
        tpu.vector_store %arg15[%swap3A_414, %swap3A_415], %gather3A_411 {strides = array<i32>} : memref<64x512xf32, #tpu.memory_space<vmem>>, vector<16xf32>,
        %add3A_417 = vector.broadcast %add3A_384 : i32 to vector<16xi32>
        %add3A_418 = arith.addi %select_n3A_233, %add3A_417 : vector<16xi32>
        %gather3A_419 = tpu.vector_load_idx %arg14[%add3A_294, %add3A_418] : memref<128x128xf32, #tpu.memory_space<vmem>>[vector<16xi32>, vector<16xi32>], vector<16xf32>,
        %add3A_420 = arith.constant 64 : i32
        %add3A_421 = arith.addi %multiple_of3A_23, %add3A_420 : i32
        %swap3A_422 = arith.index_cast %add3A_384 : i32 to index
        %swap3A_423 = arith.index_cast %add3A_421 : i32 to index
        %swap3A_424 = tpu.vector_load %arg15[%swap3A_422, %swap3A_423] {strides = array<i32>} : memref<64x512xf32, #tpu.memory_space<vmem>>, vector<16xf32>,
        tpu.vector_store %arg15[%swap3A_422, %swap3A_423], %gather3A_419 {strides = array<i32>} : memref<64x512xf32, #tpu.memory_space<vmem>>, vector<16xf32>,
        %add3A_425 = vector.broadcast %add3A_384 : i32 to vector<16xi32>
        %add3A_426 = arith.addi %select_n3A_247, %add3A_425 : vector<16xi32>
        %gather3A_427 = tpu.vector_load_idx %arg14[%add3A_298, %add3A_426] : memref<128x128xf32, #tpu.memory_space<vmem>>[vector<16xi32>, vector<16xi32>], vector<16xf32>,
        %add3A_428 = arith.constant 80 : i32
        %add3A_429 = arith.addi %multiple_of3A_23, %add3A_428 : i32
        %swap3A_430 = arith.index_cast %add3A_384 : i32 to index
        %swap3A_431 = arith.index_cast %add3A_429 : i32 to index
        %swap3A_432 = tpu.vector_load %arg15[%swap3A_430, %swap3A_431] {strides = array<i32>} : memref<64x512xf32, #tpu.memory_space<vmem>>, vector<16xf32>,
        tpu.vector_store %arg15[%swap3A_430, %swap3A_431], %gather3A_427 {strides = array<i32>} : memref<64x512xf32, #tpu.memory_space<vmem>>, vector<16xf32>,
        %add3A_433 = vector.broadcast %add3A_384 : i32 to vector<16xi32>
        %add3A_434 = arith.addi %select_n3A_261, %add3A_433 : vector<16xi32>
        %gather3A_435 = tpu.vector_load_idx %arg14[%add3A_302, %add3A_434] : memref<128x128xf32, #tpu.memory_space<vmem>>[vector<16xi32>, vector<16xi32>], vector<16xf32>,
        %add3A_436 = arith.constant 96 : i32
        %add3A_437 = arith.addi %multiple_of3A_23, %add3A_436 : i32
        %swap3A_438 = arith.index_cast %add3A_384 : i32 to index
        %swap3A_439 = arith.index_cast %add3A_437 : i32 to index
        %swap3A_440 = tpu.vector_load %arg15[%swap3A_438, %swap3A_439] {strides = array<i32>} : memref<64x512xf32, #tpu.memory_space<vmem>>, vector<16xf32>,
        tpu.vector_store %arg15[%swap3A_438, %swap3A_439], %gather3A_435 {strides = array<i32>} : memref<64x512xf32, #tpu.memory_space<vmem>>, vector<16xf32>,
        %add3A_441 = vector.broadcast %add3A_384 : i32 to vector<16xi32>
        %add3A_442 = arith.addi %select_n3A_275, %add3A_441 : vector<16xi32>
        %gather3A_443 = tpu.vector_load_idx %arg14[%add3A_306, %add3A_442] : memref<128x128xf32, #tpu.memory_space<vmem>>[vector<16xi32>, vector<16xi32>], vector<16xf32>,
        %add3A_444 = arith.constant 112 : i32
        %add3A_445 = arith.addi %multiple_of3A_23, %add3A_444 : i32
        %swap3A_446 = arith.index_cast %add3A_384 : i32 to index
        %swap3A_447 = arith.index_cast %add3A_445 : i32 to index
        %swap3A_448 = tpu.vector_load %arg15[%swap3A_446, %swap3A_447] {strides = array<i32>} : memref<64x512xf32, #tpu.memory_space<vmem>>, vector<16xf32>,
        tpu.vector_store %arg15[%swap3A_446, %swap3A_447], %gather3A_443 {strides = array<i32>} : memref<64x512xf32, #tpu.memory_space<vmem>>, vector<16xf32>,
      }
      %scan3A_312 = arith.constant 32 : i32
    }
    %scan3A_13 = arith.constant 4 : i32
    "tpu.region"() ({
      %run_scoped3A = tpu.sem_alloc : memref<!tpu.dma_semaphore, #tpu.memory_space<semaphore_mem>>
      %dma_start3A = arith.constant 0 : i32
      %dma_start3A_20 = tpu.memref_slice %arg8[%dma_start3A, %multiple_of3A] : memref<64x16384xf32, #tpu.memory_space<hbm>> -> memref<64x512xf32, #tpu.memory_space<hbm>>
      %dma_start3A_21 = arith.constant 0 : i32
      %dma_start3A_22 = tpu.memref_slice %arg8[%dma_start3A_21, %multiple_of3A] : memref<64x16384xf32, #tpu.memory_space<hbm>> -> memref<64x512xf32, #tpu.memory_space<hbm>>
      tpu.enqueue_dma source(%arg15 : memref<64x512xf32, #tpu.memory_space<vmem>>) target(%dma_start3A_22 : memref<64x512xf32, #tpu.memory_space<hbm>>) target_semaphore(%run_scoped3A : memref<!tpu.dma_semaphore, #tpu.memory_space<semaphore_mem>>)
      %dma_wait3A = arith.constant 0 : i32
      %dma_wait3A_23 = tpu.memref_slice %arg8[%dma_wait3A, %multiple_of3A] : memref<64x16384xf32, #tpu.memory_space<hbm>> -> memref<64x512xf32, #tpu.memory_space<hbm>>
      %dma_wait3A_24 = arith.constant 0 : i32
      %dma_wait3A_25 = tpu.memref_slice %arg8[%dma_wait3A_24, %multiple_of3A] : memref<64x16384xf32, #tpu.memory_space<hbm>> -> memref<64x512xf32, #tpu.memory_space<hbm>>
      tpu.wait_dma2 semaphore(%run_scoped3A : memref<!tpu.dma_semaphore, #tpu.memory_space<semaphore_mem>>) src(%arg15 : memref<64x512xf32, #tpu.memory_space<vmem>>) dst(%dma_wait3A_25 : memref<64x512xf32, #tpu.memory_space<hbm>>)
      tpu.yield
    }) : () -> ()
    %scan3A_14 = arith.constant 0 : i32
    %scan3A_15 = arith.constant 0 : i32
    %scan3A_16 = arith.constant 4 : i32
    %scan3A_17 = arith.addi %scan3A_15, %scan3A_16 : i32
    %scan3A_18 = arith.constant 1 : i32
    scf.for %scan3A_20 = %scan3A_15 to %scan3A_17 step %scan3A_18  : i32 {
      %mul3A_21 = arith.constant 128 : i32
      %mul3A_22 = arith.muli %scan3A_20, %mul3A_21 : i32
      %multiple_of3A_23 = tpu.assume_multiple %mul3A_22, 128 : i32
      %add3A_24 = arith.constant 0 : i32
      %add3A_25 = arith.addi %multiple_of3A_23, %add3A_24 : i32
      %get3A = arith.constant 0 : i32
      %get3A_26 = arith.index_cast %get3A : i32 to index
      %get3A_27 = arith.index_cast %add3A_25 : i32 to index
      %get3A_28 = tpu.vector_load %arg12[%get3A_26, %get3A_27] {strides = array<i32>} : memref<1x512xi32, #tpu.memory_space<vmem>>, vector<16xi32>,
      %ge3A = arith.constant 500000 : i32
      %ge3A_29 = vector.broadcast %ge3A : i32 to vector<16xi32>
      %ge3A_30 = arith.cmpi sge, %get3A_28, %ge3A_29 : vector<16xi32>
      %sub3A = arith.constant 500000 : i32
      %sub3A_31 = vector.broadcast %sub3A : i32 to vector<16xi32>
      %sub3A_32 = arith.subi %get3A_28, %sub3A_31 : vector<16xi32>
      %select_n3A = arith.select %ge3A_30, %sub3A_32, %get3A_28 : vector<16xi1>, vector<16xi32>
      %swap3A = arith.constant 0 : i32
      %swap3A_33 = arith.index_cast %swap3A : i32 to index
      %swap3A_34 = arith.constant 0 : index
      %swap3A_35 = tpu.vector_load %arg13[%swap3A_33, %swap3A_34] {strides = array<i32>} : memref<1x128xi32, #tpu.memory_space<vmem>>, vector<16xi32>,
      tpu.vector_store %arg13[%swap3A_33, %swap3A_34], %select_n3A {strides = array<i32>} : memref<1x128xi32, #tpu.memory_space<vmem>>, vector<16xi32>,
      %add3A_36 = arith.constant 16 : i32
      %add3A_37 = arith.addi %multiple_of3A_23, %add3A_36 : i32
      %get3A_38 = arith.constant 0 : i32
      %get3A_39 = arith.index_cast %get3A_38 : i32 to index
      %get3A_40 = arith.index_cast %add3A_37 : i32 to index
      %get3A_41 = tpu.vector_load %arg12[%get3A_39, %get3A_40] {strides = array<i32>} : memref<1x512xi32, #tpu.memory_space<vmem>>, vector<16xi32>,
      %ge3A_42 = arith.constant 500000 : i32
      %ge3A_43 = vector.broadcast %ge3A_42 : i32 to vector<16xi32>
      %ge3A_44 = arith.cmpi sge, %get3A_41, %ge3A_43 : vector<16xi32>
      %sub3A_45 = arith.constant 500000 : i32
      %sub3A_46 = vector.broadcast %sub3A_45 : i32 to vector<16xi32>
      %sub3A_47 = arith.subi %get3A_41, %sub3A_46 : vector<16xi32>
      %select_n3A_48 = arith.select %ge3A_44, %sub3A_47, %get3A_41 : vector<16xi1>, vector<16xi32>
      %swap3A_49 = arith.constant 0 : i32
      %swap3A_50 = arith.index_cast %swap3A_49 : i32 to index
      %swap3A_51 = arith.constant 16 : index
      %swap3A_52 = tpu.vector_load %arg13[%swap3A_50, %swap3A_51] {strides = array<i32>} : memref<1x128xi32, #tpu.memory_space<vmem>>, vector<16xi32>,
      tpu.vector_store %arg13[%swap3A_50, %swap3A_51], %select_n3A_48 {strides = array<i32>} : memref<1x128xi32, #tpu.memory_space<vmem>>, vector<16xi32>,
      %add3A_53 = arith.constant 32 : i32
      %add3A_54 = arith.addi %multiple_of3A_23, %add3A_53 : i32
      %get3A_55 = arith.constant 0 : i32
      %get3A_56 = arith.index_cast %get3A_55 : i32 to index
      %get3A_57 = arith.index_cast %add3A_54 : i32 to index
      %get3A_58 = tpu.vector_load %arg12[%get3A_56, %get3A_57] {strides = array<i32>} : memref<1x512xi32, #tpu.memory_space<vmem>>, vector<16xi32>,
      %ge3A_59 = arith.constant 500000 : i32
      %ge3A_60 = vector.broadcast %ge3A_59 : i32 to vector<16xi32>
      %ge3A_61 = arith.cmpi sge, %get3A_58, %ge3A_60 : vector<16xi32>
      %sub3A_62 = arith.constant 500000 : i32
      %sub3A_63 = vector.broadcast %sub3A_62 : i32 to vector<16xi32>
      %sub3A_64 = arith.subi %get3A_58, %sub3A_63 : vector<16xi32>
      %select_n3A_65 = arith.select %ge3A_61, %sub3A_64, %get3A_58 : vector<16xi1>, vector<16xi32>
      %swap3A_66 = arith.constant 0 : i32
      %swap3A_67 = arith.index_cast %swap3A_66 : i32 to index
      %swap3A_68 = arith.constant 32 : index
      %swap3A_69 = tpu.vector_load %arg13[%swap3A_67, %swap3A_68] {strides = array<i32>} : memref<1x128xi32, #tpu.memory_space<vmem>>, vector<16xi32>,
      tpu.vector_store %arg13[%swap3A_67, %swap3A_68], %select_n3A_65 {strides = array<i32>} : memref<1x128xi32, #tpu.memory_space<vmem>>, vector<16xi32>,
      %add3A_70 = arith.constant 48 : i32
      %add3A_71 = arith.addi %multiple_of3A_23, %add3A_70 : i32
      %get3A_72 = arith.constant 0 : i32
      %get3A_73 = arith.index_cast %get3A_72 : i32 to index
      %get3A_74 = arith.index_cast %add3A_71 : i32 to index
      %get3A_75 = tpu.vector_load %arg12[%get3A_73, %get3A_74] {strides = array<i32>} : memref<1x512xi32, #tpu.memory_space<vmem>>, vector<16xi32>,
      %ge3A_76 = arith.constant 500000 : i32
      %ge3A_77 = vector.broadcast %ge3A_76 : i32 to vector<16xi32>
      %ge3A_78 = arith.cmpi sge, %get3A_75, %ge3A_77 : vector<16xi32>
      %sub3A_79 = arith.constant 500000 : i32
      %sub3A_80 = vector.broadcast %sub3A_79 : i32 to vector<16xi32>
      %sub3A_81 = arith.subi %get3A_75, %sub3A_80 : vector<16xi32>
      %select_n3A_82 = arith.select %ge3A_78, %sub3A_81, %get3A_75 : vector<16xi1>, vector<16xi32>
      %swap3A_83 = arith.constant 0 : i32
      %swap3A_84 = arith.index_cast %swap3A_83 : i32 to index
      %swap3A_85 = arith.constant 48 : index
      %swap3A_86 = tpu.vector_load %arg13[%swap3A_84, %swap3A_85] {strides = array<i32>} : memref<1x128xi32, #tpu.memory_space<vmem>>, vector<16xi32>,
      tpu.vector_store %arg13[%swap3A_84, %swap3A_85], %select_n3A_82 {strides = array<i32>} : memref<1x128xi32, #tpu.memory_space<vmem>>, vector<16xi32>,
      %add3A_87 = arith.constant 64 : i32
      %add3A_88 = arith.addi %multiple_of3A_23, %add3A_87 : i32
      %get3A_89 = arith.constant 0 : i32
      %get3A_90 = arith.index_cast %get3A_89 : i32 to index
      %get3A_91 = arith.index_cast %add3A_88 : i32 to index
      %get3A_92 = tpu.vector_load %arg12[%get3A_90, %get3A_91] {strides = array<i32>} : memref<1x512xi32, #tpu.memory_space<vmem>>, vector<16xi32>,
      %ge3A_93 = arith.constant 500000 : i32
      %ge3A_94 = vector.broadcast %ge3A_93 : i32 to vector<16xi32>
      %ge3A_95 = arith.cmpi sge, %get3A_92, %ge3A_94 : vector<16xi32>
      %sub3A_96 = arith.constant 500000 : i32
      %sub3A_97 = vector.broadcast %sub3A_96 : i32 to vector<16xi32>
      %sub3A_98 = arith.subi %get3A_92, %sub3A_97 : vector<16xi32>
      %select_n3A_99 = arith.select %ge3A_95, %sub3A_98, %get3A_92 : vector<16xi1>, vector<16xi32>
      %swap3A_100 = arith.constant 0 : i32
      %swap3A_101 = arith.index_cast %swap3A_100 : i32 to index
      %swap3A_102 = arith.constant 64 : index
      %swap3A_103 = tpu.vector_load %arg13[%swap3A_101, %swap3A_102] {strides = array<i32>} : memref<1x128xi32, #tpu.memory_space<vmem>>, vector<16xi32>,
      tpu.vector_store %arg13[%swap3A_101, %swap3A_102], %select_n3A_99 {strides = array<i32>} : memref<1x128xi32, #tpu.memory_space<vmem>>, vector<16xi32>,
      %add3A_104 = arith.constant 80 : i32
      %add3A_105 = arith.addi %multiple_of3A_23, %add3A_104 : i32
      %get3A_106 = arith.constant 0 : i32
      %get3A_107 = arith.index_cast %get3A_106 : i32 to index
      %get3A_108 = arith.index_cast %add3A_105 : i32 to index
      %get3A_109 = tpu.vector_load %arg12[%get3A_107, %get3A_108] {strides = array<i32>} : memref<1x512xi32, #tpu.memory_space<vmem>>, vector<16xi32>,
      %ge3A_110 = arith.constant 500000 : i32
      %ge3A_111 = vector.broadcast %ge3A_110 : i32 to vector<16xi32>
      %ge3A_112 = arith.cmpi sge, %get3A_109, %ge3A_111 : vector<16xi32>
      %sub3A_113 = arith.constant 500000 : i32
      %sub3A_114 = vector.broadcast %sub3A_113 : i32 to vector<16xi32>
      %sub3A_115 = arith.subi %get3A_109, %sub3A_114 : vector<16xi32>
      %select_n3A_116 = arith.select %ge3A_112, %sub3A_115, %get3A_109 : vector<16xi1>, vector<16xi32>
      %swap3A_117 = arith.constant 0 : i32
      %swap3A_118 = arith.index_cast %swap3A_117 : i32 to index
      %swap3A_119 = arith.constant 80 : index
      %swap3A_120 = tpu.vector_load %arg13[%swap3A_118, %swap3A_119] {strides = array<i32>} : memref<1x128xi32, #tpu.memory_space<vmem>>, vector<16xi32>,
      tpu.vector_store %arg13[%swap3A_118, %swap3A_119], %select_n3A_116 {strides = array<i32>} : memref<1x128xi32, #tpu.memory_space<vmem>>, vector<16xi32>,
      %add3A_121 = arith.constant 96 : i32
      %add3A_122 = arith.addi %multiple_of3A_23, %add3A_121 : i32
      %get3A_123 = arith.constant 0 : i32
      %get3A_124 = arith.index_cast %get3A_123 : i32 to index
      %get3A_125 = arith.index_cast %add3A_122 : i32 to index
      %get3A_126 = tpu.vector_load %arg12[%get3A_124, %get3A_125] {strides = array<i32>} : memref<1x512xi32, #tpu.memory_space<vmem>>, vector<16xi32>,
      %ge3A_127 = arith.constant 500000 : i32
      %ge3A_128 = vector.broadcast %ge3A_127 : i32 to vector<16xi32>
      %ge3A_129 = arith.cmpi sge, %get3A_126, %ge3A_128 : vector<16xi32>
      %sub3A_130 = arith.constant 500000 : i32
      %sub3A_131 = vector.broadcast %sub3A_130 : i32 to vector<16xi32>
      %sub3A_132 = arith.subi %get3A_126, %sub3A_131 : vector<16xi32>
      %select_n3A_133 = arith.select %ge3A_129, %sub3A_132, %get3A_126 : vector<16xi1>, vector<16xi32>
      %swap3A_134 = arith.constant 0 : i32
      %swap3A_135 = arith.index_cast %swap3A_134 : i32 to index
      %swap3A_136 = arith.constant 96 : index
      %swap3A_137 = tpu.vector_load %arg13[%swap3A_135, %swap3A_136] {strides = array<i32>} : memref<1x128xi32, #tpu.memory_space<vmem>>, vector<16xi32>,
      tpu.vector_store %arg13[%swap3A_135, %swap3A_136], %select_n3A_133 {strides = array<i32>} : memref<1x128xi32, #tpu.memory_space<vmem>>, vector<16xi32>,
      %add3A_138 = arith.constant 112 : i32
      %add3A_139 = arith.addi %multiple_of3A_23, %add3A_138 : i32
      %get3A_140 = arith.constant 0 : i32
      %get3A_141 = arith.index_cast %get3A_140 : i32 to index
      %get3A_142 = arith.index_cast %add3A_139 : i32 to index
      %get3A_143 = tpu.vector_load %arg12[%get3A_141, %get3A_142] {strides = array<i32>} : memref<1x512xi32, #tpu.memory_space<vmem>>, vector<16xi32>,
      %ge3A_144 = arith.constant 500000 : i32
      %ge3A_145 = vector.broadcast %ge3A_144 : i32 to vector<16xi32>
      %ge3A_146 = arith.cmpi sge, %get3A_143, %ge3A_145 : vector<16xi32>
      %sub3A_147 = arith.constant 500000 : i32
      %sub3A_148 = vector.broadcast %sub3A_147 : i32 to vector<16xi32>
      %sub3A_149 = arith.subi %get3A_143, %sub3A_148 : vector<16xi32>
      %select_n3A_150 = arith.select %ge3A_146, %sub3A_149, %get3A_143 : vector<16xi1>, vector<16xi32>
      %swap3A_151 = arith.constant 0 : i32
      %swap3A_152 = arith.index_cast %swap3A_151 : i32 to index
      %swap3A_153 = arith.constant 112 : index
      %swap3A_154 = tpu.vector_load %arg13[%swap3A_152, %swap3A_153] {strides = array<i32>} : memref<1x128xi32, #tpu.memory_space<vmem>>, vector<16xi32>,
      tpu.vector_store %arg13[%swap3A_152, %swap3A_153], %select_n3A_150 {strides = array<i32>} : memref<1x128xi32, #tpu.memory_space<vmem>>, vector<16xi32>,
      %dma_start3A = arith.constant 0 : i32
      %dma_start3A_155 = arith.constant 0 : i32
      %dma_start3A_156 = tpu.memref_slice %arg13[%dma_start3A, %dma_start3A_155] : memref<1x128xi32, #tpu.memory_space<vmem>> -> memref<1x128xi32, #tpu.memory_space<vmem>>
      %dma_start3A_157 = tpu.memref_squeeze %dma_start3A_156 : memref<1x128xi32, #tpu.memory_space<vmem>> -> memref<128xi32, #tpu.memory_space<vmem>>
      %dma_start3A_158 = arith.constant 0 : i32
      %dma_start3A_159 = arith.constant 0 : i32
      %dma_start3A_160 = tpu.memref_slice %arg2[%dma_start3A_158, %dma_start3A_159] : memref<500000x128xf32, #tpu.memory_space<hbm>> -> memref<500000x128xf32, #tpu.memory_space<hbm>>
      tpu.enqueue_indirect_dma source(%dma_start3A_160 : memref<500000x128xf32, #tpu.memory_space<hbm>>) target(%arg14 : memref<128x128xf32, #tpu.memory_space<vmem>>) offsets(%dma_start3A_157 : memref<128xi32, #tpu.memory_space<vmem>>) semaphore(%arg16 : memref<!tpu.dma_semaphore, #tpu.memory_space<semaphore_mem>>)
      %dma_wait3A = arith.constant 0 : i32
      %dma_wait3A_161 = arith.constant 0 : i32
      %dma_wait3A_162 = tpu.memref_slice %arg2[%dma_wait3A, %dma_wait3A_161] : memref<500000x128xf32, #tpu.memory_space<hbm>> -> memref<128x128xf32, #tpu.memory_space<hbm>>
      %dma_wait3A_163 = arith.constant 0 : i32
      %dma_wait3A_164 = arith.constant 0 : i32
      %dma_wait3A_165 = tpu.memref_slice %arg2[%dma_wait3A_163, %dma_wait3A_164] : memref<500000x128xf32, #tpu.memory_space<hbm>> -> memref<128x128xf32, #tpu.memory_space<hbm>>
      tpu.wait_dma2 semaphore(%arg16 : memref<!tpu.dma_semaphore, #tpu.memory_space<semaphore_mem>>) src(%dma_wait3A_165 : memref<128x128xf32, #tpu.memory_space<hbm>>) dst(%arg14 : memref<128x128xf32, #tpu.memory_space<vmem>>)
      %add3A_166 = arith.constant 0 : i32
      %add3A_167 = arith.addi %multiple_of3A_23, %add3A_166 : i32
      %get3A_168 = arith.constant 0 : i32
      %get3A_169 = arith.index_cast %get3A_168 : i32 to index
      %get3A_170 = arith.index_cast %add3A_167 : i32 to index
      %get3A_171 = tpu.vector_load %arg12[%get3A_169, %get3A_170] {strides = array<i32>} : memref<1x512xi32, #tpu.memory_space<vmem>>, vector<16xi32>,
      %ge3A_172 = arith.constant 500000 : i32
      %ge3A_173 = vector.broadcast %ge3A_172 : i32 to vector<16xi32>
      %ge3A_174 = arith.cmpi sge, %get3A_171, %ge3A_173 : vector<16xi32>
      %jit3A = arith.constant 64 : i32
      %jit3A_175 = arith.constant 0 : i32
      %broadcast_in_dim3A = vector.broadcast %jit3A : i32 to vector<16xi32>
      %broadcast_in_dim3A_176 = vector.broadcast %jit3A_175 : i32 to vector<16xi32>
      %select_n3A_177 = arith.select %ge3A_174, %broadcast_in_dim3A, %broadcast_in_dim3A_176 : vector<16xi1>, vector<16xi32>
      %add3A_178 = arith.constant 16 : i32
      %add3A_179 = arith.addi %multiple_of3A_23, %add3A_178 : i32
      %get3A_180 = arith.constant 0 : i32
      %get3A_181 = arith.index_cast %get3A_180 : i32 to index
      %get3A_182 = arith.index_cast %add3A_179 : i32 to index
      %get3A_183 = tpu.vector_load %arg12[%get3A_181, %get3A_182] {strides = array<i32>} : memref<1x512xi32, #tpu.memory_space<vmem>>, vector<16xi32>,
      %ge3A_184 = arith.constant 500000 : i32
      %ge3A_185 = vector.broadcast %ge3A_184 : i32 to vector<16xi32>
      %ge3A_186 = arith.cmpi sge, %get3A_183, %ge3A_185 : vector<16xi32>
      %jit3A_187 = arith.constant 64 : i32
      %jit3A_188 = arith.constant 0 : i32
      %broadcast_in_dim3A_189 = vector.broadcast %jit3A_187 : i32 to vector<16xi32>
      %broadcast_in_dim3A_190 = vector.broadcast %jit3A_188 : i32 to vector<16xi32>
      %select_n3A_191 = arith.select %ge3A_186, %broadcast_in_dim3A_189, %broadcast_in_dim3A_190 : vector<16xi1>, vector<16xi32>
      %add3A_192 = arith.constant 32 : i32
      %add3A_193 = arith.addi %multiple_of3A_23, %add3A_192 : i32
      %get3A_194 = arith.constant 0 : i32
      %get3A_195 = arith.index_cast %get3A_194 : i32 to index
      %get3A_196 = arith.index_cast %add3A_193 : i32 to index
      %get3A_197 = tpu.vector_load %arg12[%get3A_195, %get3A_196] {strides = array<i32>} : memref<1x512xi32, #tpu.memory_space<vmem>>, vector<16xi32>,
      %ge3A_198 = arith.constant 500000 : i32
      %ge3A_199 = vector.broadcast %ge3A_198 : i32 to vector<16xi32>
      %ge3A_200 = arith.cmpi sge, %get3A_197, %ge3A_199 : vector<16xi32>
      %jit3A_201 = arith.constant 64 : i32
      %jit3A_202 = arith.constant 0 : i32
      %broadcast_in_dim3A_203 = vector.broadcast %jit3A_201 : i32 to vector<16xi32>
      %broadcast_in_dim3A_204 = vector.broadcast %jit3A_202 : i32 to vector<16xi32>
      %select_n3A_205 = arith.select %ge3A_200, %broadcast_in_dim3A_203, %broadcast_in_dim3A_204 : vector<16xi1>, vector<16xi32>
      %add3A_206 = arith.constant 48 : i32
      %add3A_207 = arith.addi %multiple_of3A_23, %add3A_206 : i32
      %get3A_208 = arith.constant 0 : i32
      %get3A_209 = arith.index_cast %get3A_208 : i32 to index
      %get3A_210 = arith.index_cast %add3A_207 : i32 to index
      %get3A_211 = tpu.vector_load %arg12[%get3A_209, %get3A_210] {strides = array<i32>} : memref<1x512xi32, #tpu.memory_space<vmem>>, vector<16xi32>,
      %ge3A_212 = arith.constant 500000 : i32
      %ge3A_213 = vector.broadcast %ge3A_212 : i32 to vector<16xi32>
      %ge3A_214 = arith.cmpi sge, %get3A_211, %ge3A_213 : vector<16xi32>
      %jit3A_215 = arith.constant 64 : i32
      %jit3A_216 = arith.constant 0 : i32
      %broadcast_in_dim3A_217 = vector.broadcast %jit3A_215 : i32 to vector<16xi32>
      %broadcast_in_dim3A_218 = vector.broadcast %jit3A_216 : i32 to vector<16xi32>
      %select_n3A_219 = arith.select %ge3A_214, %broadcast_in_dim3A_217, %broadcast_in_dim3A_218 : vector<16xi1>, vector<16xi32>
      %add3A_220 = arith.constant 64 : i32
      %add3A_221 = arith.addi %multiple_of3A_23, %add3A_220 : i32
      %get3A_222 = arith.constant 0 : i32
      %get3A_223 = arith.index_cast %get3A_222 : i32 to index
      %get3A_224 = arith.index_cast %add3A_221 : i32 to index
      %get3A_225 = tpu.vector_load %arg12[%get3A_223, %get3A_224] {strides = array<i32>} : memref<1x512xi32, #tpu.memory_space<vmem>>, vector<16xi32>,
      %ge3A_226 = arith.constant 500000 : i32
      %ge3A_227 = vector.broadcast %ge3A_226 : i32 to vector<16xi32>
      %ge3A_228 = arith.cmpi sge, %get3A_225, %ge3A_227 : vector<16xi32>
      %jit3A_229 = arith.constant 64 : i32
      %jit3A_230 = arith.constant 0 : i32
      %broadcast_in_dim3A_231 = vector.broadcast %jit3A_229 : i32 to vector<16xi32>
      %broadcast_in_dim3A_232 = vector.broadcast %jit3A_230 : i32 to vector<16xi32>
      %select_n3A_233 = arith.select %ge3A_228, %broadcast_in_dim3A_231, %broadcast_in_dim3A_232 : vector<16xi1>, vector<16xi32>
      %add3A_234 = arith.constant 80 : i32
      %add3A_235 = arith.addi %multiple_of3A_23, %add3A_234 : i32
      %get3A_236 = arith.constant 0 : i32
      %get3A_237 = arith.index_cast %get3A_236 : i32 to index
      %get3A_238 = arith.index_cast %add3A_235 : i32 to index
      %get3A_239 = tpu.vector_load %arg12[%get3A_237, %get3A_238] {strides = array<i32>} : memref<1x512xi32, #tpu.memory_space<vmem>>, vector<16xi32>,
      %ge3A_240 = arith.constant 500000 : i32
      %ge3A_241 = vector.broadcast %ge3A_240 : i32 to vector<16xi32>
      %ge3A_242 = arith.cmpi sge, %get3A_239, %ge3A_241 : vector<16xi32>
      %jit3A_243 = arith.constant 64 : i32
      %jit3A_244 = arith.constant 0 : i32
      %broadcast_in_dim3A_245 = vector.broadcast %jit3A_243 : i32 to vector<16xi32>
      %broadcast_in_dim3A_246 = vector.broadcast %jit3A_244 : i32 to vector<16xi32>
      %select_n3A_247 = arith.select %ge3A_242, %broadcast_in_dim3A_245, %broadcast_in_dim3A_246 : vector<16xi1>, vector<16xi32>
      %add3A_248 = arith.constant 96 : i32
      %add3A_249 = arith.addi %multiple_of3A_23, %add3A_248 : i32
      %get3A_250 = arith.constant 0 : i32
      %get3A_251 = arith.index_cast %get3A_250 : i32 to index
      %get3A_252 = arith.index_cast %add3A_249 : i32 to index
      %get3A_253 = tpu.vector_load %arg12[%get3A_251, %get3A_252] {strides = array<i32>} : memref<1x512xi32, #tpu.memory_space<vmem>>, vector<16xi32>,
      %ge3A_254 = arith.constant 500000 : i32
      %ge3A_255 = vector.broadcast %ge3A_254 : i32 to vector<16xi32>
      %ge3A_256 = arith.cmpi sge, %get3A_253, %ge3A_255 : vector<16xi32>
      %jit3A_257 = arith.constant 64 : i32
      %jit3A_258 = arith.constant 0 : i32
      %broadcast_in_dim3A_259 = vector.broadcast %jit3A_257 : i32 to vector<16xi32>
      %broadcast_in_dim3A_260 = vector.broadcast %jit3A_258 : i32 to vector<16xi32>
      %select_n3A_261 = arith.select %ge3A_256, %broadcast_in_dim3A_259, %broadcast_in_dim3A_260 : vector<16xi1>, vector<16xi32>
      %add3A_262 = arith.constant 112 : i32
      %add3A_263 = arith.addi %multiple_of3A_23, %add3A_262 : i32
      %get3A_264 = arith.constant 0 : i32
      %get3A_265 = arith.index_cast %get3A_264 : i32 to index
      %get3A_266 = arith.index_cast %add3A_263 : i32 to index
      %get3A_267 = tpu.vector_load %arg12[%get3A_265, %get3A_266] {strides = array<i32>} : memref<1x512xi32, #tpu.memory_space<vmem>>, vector<16xi32>,
      %ge3A_268 = arith.constant 500000 : i32
      %ge3A_269 = vector.broadcast %ge3A_268 : i32 to vector<16xi32>
      %ge3A_270 = arith.cmpi sge, %get3A_267, %ge3A_269 : vector<16xi32>
      %jit3A_271 = arith.constant 64 : i32
      %jit3A_272 = arith.constant 0 : i32
      %broadcast_in_dim3A_273 = vector.broadcast %jit3A_271 : i32 to vector<16xi32>
      %broadcast_in_dim3A_274 = vector.broadcast %jit3A_272 : i32 to vector<16xi32>
      %select_n3A_275 = arith.select %ge3A_270, %broadcast_in_dim3A_273, %broadcast_in_dim3A_274 : vector<16xi1>, vector<16xi32>
      %iota3A = tpu.iota {dimensions = array<i32: 0>} : vector<16xi32>
      %add3A_276 = arith.constant 0 : i32
      %add3A_277 = vector.broadcast %add3A_276 : i32 to vector<16xi32>
      %add3A_278 = arith.addi %iota3A, %add3A_277 : vector<16xi32>
      %iota3A_279 = tpu.iota {dimensions = array<i32: 0>} : vector<16xi32>
      %add3A_280 = arith.constant 16 : i32
      %add3A_281 = vector.broadcast %add3A_280 : i32 to vector<16xi32>
      %add3A_282 = arith.addi %iota3A_279, %add3A_281 : vector<16xi32>
      %iota3A_283 = tpu.iota {dimensions = array<i32: 0>} : vector<16xi32>
      %add3A_284 = arith.constant 32 : i32
      %add3A_285 = vector.broadcast %add3A_284 : i32 to vector<16xi32>
      %add3A_286 = arith.addi %iota3A_283, %add3A_285 : vector<16xi32>
      %iota3A_287 = tpu.iota {dimensions = array<i32: 0>} : vector<16xi32>
      %add3A_288 = arith.constant 48 : i32
      %add3A_289 = vector.broadcast %add3A_288 : i32 to vector<16xi32>
      %add3A_290 = arith.addi %iota3A_287, %add3A_289 : vector<16xi32>
      %iota3A_291 = tpu.iota {dimensions = array<i32: 0>} : vector<16xi32>
      %add3A_292 = arith.constant 64 : i32
      %add3A_293 = vector.broadcast %add3A_292 : i32 to vector<16xi32>
      %add3A_294 = arith.addi %iota3A_291, %add3A_293 : vector<16xi32>
      %iota3A_295 = tpu.iota {dimensions = array<i32: 0>} : vector<16xi32>
      %add3A_296 = arith.constant 80 : i32
      %add3A_297 = vector.broadcast %add3A_296 : i32 to vector<16xi32>
      %add3A_298 = arith.addi %iota3A_295, %add3A_297 : vector<16xi32>
      %iota3A_299 = tpu.iota {dimensions = array<i32: 0>} : vector<16xi32>
      %add3A_300 = arith.constant 96 : i32
      %add3A_301 = vector.broadcast %add3A_300 : i32 to vector<16xi32>
      %add3A_302 = arith.addi %iota3A_299, %add3A_301 : vector<16xi32>
      %iota3A_303 = tpu.iota {dimensions = array<i32: 0>} : vector<16xi32>
      %add3A_304 = arith.constant 112 : i32
      %add3A_305 = vector.broadcast %add3A_304 : i32 to vector<16xi32>
      %add3A_306 = arith.addi %iota3A_303, %add3A_305 : vector<16xi32>
      %scan3A_307 = arith.constant 0 : i32
      %scan3A_308 = arith.constant 0 : i32
      %scan3A_309 = arith.constant 32 : i32
      %scan3A_310 = arith.addi %scan3A_308, %scan3A_309 : i32
      %scan3A_311 = arith.constant 1 : i32
      scf.for %scan3A_313 = %scan3A_308 to %scan3A_310 step %scan3A_311  : i32 {
        %mul3A_314 = arith.constant 2 : i32
        %mul3A_315 = arith.muli %scan3A_313, %mul3A_314 : i32
        %add3A_316 = arith.constant 0 : i32
        %add3A_317 = arith.addi %mul3A_315, %add3A_316 : i32
        %add3A_318 = vector.broadcast %add3A_317 : i32 to vector<16xi32>
        %add3A_319 = arith.addi %select_n3A_177, %add3A_318 : vector<16xi32>
        %gather3A = tpu.vector_load_idx %arg14[%add3A_278, %add3A_319] : memref<128x128xf32, #tpu.memory_space<vmem>>[vector<16xi32>, vector<16xi32>], vector<16xf32>,
        %add3A_320 = arith.constant 0 : i32
        %add3A_321 = arith.addi %multiple_of3A_23, %add3A_320 : i32
        %swap3A_322 = arith.index_cast %add3A_317 : i32 to index
        %swap3A_323 = arith.index_cast %add3A_321 : i32 to index
        %swap3A_324 = tpu.vector_load %arg15[%swap3A_322, %swap3A_323] {strides = array<i32>} : memref<64x512xf32, #tpu.memory_space<vmem>>, vector<16xf32>,
        tpu.vector_store %arg15[%swap3A_322, %swap3A_323], %gather3A {strides = array<i32>} : memref<64x512xf32, #tpu.memory_space<vmem>>, vector<16xf32>,
        %add3A_325 = vector.broadcast %add3A_317 : i32 to vector<16xi32>
        %add3A_326 = arith.addi %select_n3A_191, %add3A_325 : vector<16xi32>
        %gather3A_327 = tpu.vector_load_idx %arg14[%add3A_282, %add3A_326] : memref<128x128xf32, #tpu.memory_space<vmem>>[vector<16xi32>, vector<16xi32>], vector<16xf32>,
        %add3A_328 = arith.constant 16 : i32
        %add3A_329 = arith.addi %multiple_of3A_23, %add3A_328 : i32
        %swap3A_330 = arith.index_cast %add3A_317 : i32 to index
        %swap3A_331 = arith.index_cast %add3A_329 : i32 to index
        %swap3A_332 = tpu.vector_load %arg15[%swap3A_330, %swap3A_331] {strides = array<i32>} : memref<64x512xf32, #tpu.memory_space<vmem>>, vector<16xf32>,
        tpu.vector_store %arg15[%swap3A_330, %swap3A_331], %gather3A_327 {strides = array<i32>} : memref<64x512xf32, #tpu.memory_space<vmem>>, vector<16xf32>,
        %add3A_333 = vector.broadcast %add3A_317 : i32 to vector<16xi32>
        %add3A_334 = arith.addi %select_n3A_205, %add3A_333 : vector<16xi32>
        %gather3A_335 = tpu.vector_load_idx %arg14[%add3A_286, %add3A_334] : memref<128x128xf32, #tpu.memory_space<vmem>>[vector<16xi32>, vector<16xi32>], vector<16xf32>,
        %add3A_336 = arith.constant 32 : i32
        %add3A_337 = arith.addi %multiple_of3A_23, %add3A_336 : i32
        %swap3A_338 = arith.index_cast %add3A_317 : i32 to index
        %swap3A_339 = arith.index_cast %add3A_337 : i32 to index
        %swap3A_340 = tpu.vector_load %arg15[%swap3A_338, %swap3A_339] {strides = array<i32>} : memref<64x512xf32, #tpu.memory_space<vmem>>, vector<16xf32>,
        tpu.vector_store %arg15[%swap3A_338, %swap3A_339], %gather3A_335 {strides = array<i32>} : memref<64x512xf32, #tpu.memory_space<vmem>>, vector<16xf32>,
        %add3A_341 = vector.broadcast %add3A_317 : i32 to vector<16xi32>
        %add3A_342 = arith.addi %select_n3A_219, %add3A_341 : vector<16xi32>
        %gather3A_343 = tpu.vector_load_idx %arg14[%add3A_290, %add3A_342] : memref<128x128xf32, #tpu.memory_space<vmem>>[vector<16xi32>, vector<16xi32>], vector<16xf32>,
        %add3A_344 = arith.constant 48 : i32
        %add3A_345 = arith.addi %multiple_of3A_23, %add3A_344 : i32
        %swap3A_346 = arith.index_cast %add3A_317 : i32 to index
        %swap3A_347 = arith.index_cast %add3A_345 : i32 to index
        %swap3A_348 = tpu.vector_load %arg15[%swap3A_346, %swap3A_347] {strides = array<i32>} : memref<64x512xf32, #tpu.memory_space<vmem>>, vector<16xf32>,
        tpu.vector_store %arg15[%swap3A_346, %swap3A_347], %gather3A_343 {strides = array<i32>} : memref<64x512xf32, #tpu.memory_space<vmem>>, vector<16xf32>,
        %add3A_349 = vector.broadcast %add3A_317 : i32 to vector<16xi32>
        %add3A_350 = arith.addi %select_n3A_233, %add3A_349 : vector<16xi32>
        %gather3A_351 = tpu.vector_load_idx %arg14[%add3A_294, %add3A_350] : memref<128x128xf32, #tpu.memory_space<vmem>>[vector<16xi32>, vector<16xi32>], vector<16xf32>,
        %add3A_352 = arith.constant 64 : i32
        %add3A_353 = arith.addi %multiple_of3A_23, %add3A_352 : i32
        %swap3A_354 = arith.index_cast %add3A_317 : i32 to index
        %swap3A_355 = arith.index_cast %add3A_353 : i32 to index
        %swap3A_356 = tpu.vector_load %arg15[%swap3A_354, %swap3A_355] {strides = array<i32>} : memref<64x512xf32, #tpu.memory_space<vmem>>, vector<16xf32>,
        tpu.vector_store %arg15[%swap3A_354, %swap3A_355], %gather3A_351 {strides = array<i32>} : memref<64x512xf32, #tpu.memory_space<vmem>>, vector<16xf32>,
        %add3A_357 = vector.broadcast %add3A_317 : i32 to vector<16xi32>
        %add3A_358 = arith.addi %select_n3A_247, %add3A_357 : vector<16xi32>
        %gather3A_359 = tpu.vector_load_idx %arg14[%add3A_298, %add3A_358] : memref<128x128xf32, #tpu.memory_space<vmem>>[vector<16xi32>, vector<16xi32>], vector<16xf32>,
        %add3A_360 = arith.constant 80 : i32
        %add3A_361 = arith.addi %multiple_of3A_23, %add3A_360 : i32
        %swap3A_362 = arith.index_cast %add3A_317 : i32 to index
        %swap3A_363 = arith.index_cast %add3A_361 : i32 to index
        %swap3A_364 = tpu.vector_load %arg15[%swap3A_362, %swap3A_363] {strides = array<i32>} : memref<64x512xf32, #tpu.memory_space<vmem>>, vector<16xf32>,
        tpu.vector_store %arg15[%swap3A_362, %swap3A_363], %gather3A_359 {strides = array<i32>} : memref<64x512xf32, #tpu.memory_space<vmem>>, vector<16xf32>,
        %add3A_365 = vector.broadcast %add3A_317 : i32 to vector<16xi32>
        %add3A_366 = arith.addi %select_n3A_261, %add3A_365 : vector<16xi32>
        %gather3A_367 = tpu.vector_load_idx %arg14[%add3A_302, %add3A_366] : memref<128x128xf32, #tpu.memory_space<vmem>>[vector<16xi32>, vector<16xi32>], vector<16xf32>,
        %add3A_368 = arith.constant 96 : i32
        %add3A_369 = arith.addi %multiple_of3A_23, %add3A_368 : i32
        %swap3A_370 = arith.index_cast %add3A_317 : i32 to index
        %swap3A_371 = arith.index_cast %add3A_369 : i32 to index
        %swap3A_372 = tpu.vector_load %arg15[%swap3A_370, %swap3A_371] {strides = array<i32>} : memref<64x512xf32, #tpu.memory_space<vmem>>, vector<16xf32>,
        tpu.vector_store %arg15[%swap3A_370, %swap3A_371], %gather3A_367 {strides = array<i32>} : memref<64x512xf32, #tpu.memory_space<vmem>>, vector<16xf32>,
        %add3A_373 = vector.broadcast %add3A_317 : i32 to vector<16xi32>
        %add3A_374 = arith.addi %select_n3A_275, %add3A_373 : vector<16xi32>
        %gather3A_375 = tpu.vector_load_idx %arg14[%add3A_306, %add3A_374] : memref<128x128xf32, #tpu.memory_space<vmem>>[vector<16xi32>, vector<16xi32>], vector<16xf32>,
        %add3A_376 = arith.constant 112 : i32
        %add3A_377 = arith.addi %multiple_of3A_23, %add3A_376 : i32
        %swap3A_378 = arith.index_cast %add3A_317 : i32 to index
        %swap3A_379 = arith.index_cast %add3A_377 : i32 to index
        %swap3A_380 = tpu.vector_load %arg15[%swap3A_378, %swap3A_379] {strides = array<i32>} : memref<64x512xf32, #tpu.memory_space<vmem>>, vector<16xf32>,
        tpu.vector_store %arg15[%swap3A_378, %swap3A_379], %gather3A_375 {strides = array<i32>} : memref<64x512xf32, #tpu.memory_space<vmem>>, vector<16xf32>,
        %mul3A_381 = arith.constant 2 : i32
        %mul3A_382 = arith.muli %scan3A_313, %mul3A_381 : i32
        %add3A_383 = arith.constant 1 : i32
        %add3A_384 = arith.addi %mul3A_382, %add3A_383 : i32
        %add3A_385 = vector.broadcast %add3A_384 : i32 to vector<16xi32>
        %add3A_386 = arith.addi %select_n3A_177, %add3A_385 : vector<16xi32>
        %gather3A_387 = tpu.vector_load_idx %arg14[%add3A_278, %add3A_386] : memref<128x128xf32, #tpu.memory_space<vmem>>[vector<16xi32>, vector<16xi32>], vector<16xf32>,
        %add3A_388 = arith.constant 0 : i32
        %add3A_389 = arith.addi %multiple_of3A_23, %add3A_388 : i32
        %swap3A_390 = arith.index_cast %add3A_384 : i32 to index
        %swap3A_391 = arith.index_cast %add3A_389 : i32 to index
        %swap3A_392 = tpu.vector_load %arg15[%swap3A_390, %swap3A_391] {strides = array<i32>} : memref<64x512xf32, #tpu.memory_space<vmem>>, vector<16xf32>,
        tpu.vector_store %arg15[%swap3A_390, %swap3A_391], %gather3A_387 {strides = array<i32>} : memref<64x512xf32, #tpu.memory_space<vmem>>, vector<16xf32>,
        %add3A_393 = vector.broadcast %add3A_384 : i32 to vector<16xi32>
        %add3A_394 = arith.addi %select_n3A_191, %add3A_393 : vector<16xi32>
        %gather3A_395 = tpu.vector_load_idx %arg14[%add3A_282, %add3A_394] : memref<128x128xf32, #tpu.memory_space<vmem>>[vector<16xi32>, vector<16xi32>], vector<16xf32>,
        %add3A_396 = arith.constant 16 : i32
        %add3A_397 = arith.addi %multiple_of3A_23, %add3A_396 : i32
        %swap3A_398 = arith.index_cast %add3A_384 : i32 to index
        %swap3A_399 = arith.index_cast %add3A_397 : i32 to index
        %swap3A_400 = tpu.vector_load %arg15[%swap3A_398, %swap3A_399] {strides = array<i32>} : memref<64x512xf32, #tpu.memory_space<vmem>>, vector<16xf32>,
        tpu.vector_store %arg15[%swap3A_398, %swap3A_399], %gather3A_395 {strides = array<i32>} : memref<64x512xf32, #tpu.memory_space<vmem>>, vector<16xf32>,
        %add3A_401 = vector.broadcast %add3A_384 : i32 to vector<16xi32>
        %add3A_402 = arith.addi %select_n3A_205, %add3A_401 : vector<16xi32>
        %gather3A_403 = tpu.vector_load_idx %arg14[%add3A_286, %add3A_402] : memref<128x128xf32, #tpu.memory_space<vmem>>[vector<16xi32>, vector<16xi32>], vector<16xf32>,
        %add3A_404 = arith.constant 32 : i32
        %add3A_405 = arith.addi %multiple_of3A_23, %add3A_404 : i32
        %swap3A_406 = arith.index_cast %add3A_384 : i32 to index
        %swap3A_407 = arith.index_cast %add3A_405 : i32 to index
        %swap3A_408 = tpu.vector_load %arg15[%swap3A_406, %swap3A_407] {strides = array<i32>} : memref<64x512xf32, #tpu.memory_space<vmem>>, vector<16xf32>,
        tpu.vector_store %arg15[%swap3A_406, %swap3A_407], %gather3A_403 {strides = array<i32>} : memref<64x512xf32, #tpu.memory_space<vmem>>, vector<16xf32>,
        %add3A_409 = vector.broadcast %add3A_384 : i32 to vector<16xi32>
        %add3A_410 = arith.addi %select_n3A_219, %add3A_409 : vector<16xi32>
        %gather3A_411 = tpu.vector_load_idx %arg14[%add3A_290, %add3A_410] : memref<128x128xf32, #tpu.memory_space<vmem>>[vector<16xi32>, vector<16xi32>], vector<16xf32>,
        %add3A_412 = arith.constant 48 : i32
        %add3A_413 = arith.addi %multiple_of3A_23, %add3A_412 : i32
        %swap3A_414 = arith.index_cast %add3A_384 : i32 to index
        %swap3A_415 = arith.index_cast %add3A_413 : i32 to index
        %swap3A_416 = tpu.vector_load %arg15[%swap3A_414, %swap3A_415] {strides = array<i32>} : memref<64x512xf32, #tpu.memory_space<vmem>>, vector<16xf32>,
        tpu.vector_store %arg15[%swap3A_414, %swap3A_415], %gather3A_411 {strides = array<i32>} : memref<64x512xf32, #tpu.memory_space<vmem>>, vector<16xf32>,
        %add3A_417 = vector.broadcast %add3A_384 : i32 to vector<16xi32>
        %add3A_418 = arith.addi %select_n3A_233, %add3A_417 : vector<16xi32>
        %gather3A_419 = tpu.vector_load_idx %arg14[%add3A_294, %add3A_418] : memref<128x128xf32, #tpu.memory_space<vmem>>[vector<16xi32>, vector<16xi32>], vector<16xf32>,
        %add3A_420 = arith.constant 64 : i32
        %add3A_421 = arith.addi %multiple_of3A_23, %add3A_420 : i32
        %swap3A_422 = arith.index_cast %add3A_384 : i32 to index
        %swap3A_423 = arith.index_cast %add3A_421 : i32 to index
        %swap3A_424 = tpu.vector_load %arg15[%swap3A_422, %swap3A_423] {strides = array<i32>} : memref<64x512xf32, #tpu.memory_space<vmem>>, vector<16xf32>,
        tpu.vector_store %arg15[%swap3A_422, %swap3A_423], %gather3A_419 {strides = array<i32>} : memref<64x512xf32, #tpu.memory_space<vmem>>, vector<16xf32>,
        %add3A_425 = vector.broadcast %add3A_384 : i32 to vector<16xi32>
        %add3A_426 = arith.addi %select_n3A_247, %add3A_425 : vector<16xi32>
        %gather3A_427 = tpu.vector_load_idx %arg14[%add3A_298, %add3A_426] : memref<128x128xf32, #tpu.memory_space<vmem>>[vector<16xi32>, vector<16xi32>], vector<16xf32>,
        %add3A_428 = arith.constant 80 : i32
        %add3A_429 = arith.addi %multiple_of3A_23, %add3A_428 : i32
        %swap3A_430 = arith.index_cast %add3A_384 : i32 to index
        %swap3A_431 = arith.index_cast %add3A_429 : i32 to index
        %swap3A_432 = tpu.vector_load %arg15[%swap3A_430, %swap3A_431] {strides = array<i32>} : memref<64x512xf32, #tpu.memory_space<vmem>>, vector<16xf32>,
        tpu.vector_store %arg15[%swap3A_430, %swap3A_431], %gather3A_427 {strides = array<i32>} : memref<64x512xf32, #tpu.memory_space<vmem>>, vector<16xf32>,
        %add3A_433 = vector.broadcast %add3A_384 : i32 to vector<16xi32>
        %add3A_434 = arith.addi %select_n3A_261, %add3A_433 : vector<16xi32>
        %gather3A_435 = tpu.vector_load_idx %arg14[%add3A_302, %add3A_434] : memref<128x128xf32, #tpu.memory_space<vmem>>[vector<16xi32>, vector<16xi32>], vector<16xf32>,
        %add3A_436 = arith.constant 96 : i32
        %add3A_437 = arith.addi %multiple_of3A_23, %add3A_436 : i32
        %swap3A_438 = arith.index_cast %add3A_384 : i32 to index
        %swap3A_439 = arith.index_cast %add3A_437 : i32 to index
        %swap3A_440 = tpu.vector_load %arg15[%swap3A_438, %swap3A_439] {strides = array<i32>} : memref<64x512xf32, #tpu.memory_space<vmem>>, vector<16xf32>,
        tpu.vector_store %arg15[%swap3A_438, %swap3A_439], %gather3A_435 {strides = array<i32>} : memref<64x512xf32, #tpu.memory_space<vmem>>, vector<16xf32>,
        %add3A_441 = vector.broadcast %add3A_384 : i32 to vector<16xi32>
        %add3A_442 = arith.addi %select_n3A_275, %add3A_441 : vector<16xi32>
        %gather3A_443 = tpu.vector_load_idx %arg14[%add3A_306, %add3A_442] : memref<128x128xf32, #tpu.memory_space<vmem>>[vector<16xi32>, vector<16xi32>], vector<16xf32>,
        %add3A_444 = arith.constant 112 : i32
        %add3A_445 = arith.addi %multiple_of3A_23, %add3A_444 : i32
        %swap3A_446 = arith.index_cast %add3A_384 : i32 to index
        %swap3A_447 = arith.index_cast %add3A_445 : i32 to index
        %swap3A_448 = tpu.vector_load %arg15[%swap3A_446, %swap3A_447] {strides = array<i32>} : memref<64x512xf32, #tpu.memory_space<vmem>>, vector<16xf32>,
        tpu.vector_store %arg15[%swap3A_446, %swap3A_447], %gather3A_443 {strides = array<i32>} : memref<64x512xf32, #tpu.memory_space<vmem>>, vector<16xf32>,
      }
      %scan3A_312 = arith.constant 32 : i32
    }
    %scan3A_19 = arith.constant 4 : i32
    "tpu.region"() ({
      %run_scoped3A = tpu.sem_alloc : memref<!tpu.dma_semaphore, #tpu.memory_space<semaphore_mem>>
      %dma_start3A = arith.constant 0 : i32
      %dma_start3A_20 = tpu.memref_slice %arg9[%dma_start3A, %multiple_of3A] : memref<64x16384xf32, #tpu.memory_space<hbm>> -> memref<64x512xf32, #tpu.memory_space<hbm>>
      %dma_start3A_21 = arith.constant 0 : i32
      %dma_start3A_22 = tpu.memref_slice %arg9[%dma_start3A_21, %multiple_of3A] : memref<64x16384xf32, #tpu.memory_space<hbm>> -> memref<64x512xf32, #tpu.memory_space<hbm>>
      tpu.enqueue_dma source(%arg15 : memref<64x512xf32, #tpu.memory_space<vmem>>) target(%dma_start3A_22 : memref<64x512xf32, #tpu.memory_space<hbm>>) target_semaphore(%run_scoped3A : memref<!tpu.dma_semaphore, #tpu.memory_space<semaphore_mem>>)
      %dma_wait3A = arith.constant 0 : i32
      %dma_wait3A_23 = tpu.memref_slice %arg9[%dma_wait3A, %multiple_of3A] : memref<64x16384xf32, #tpu.memory_space<hbm>> -> memref<64x512xf32, #tpu.memory_space<hbm>>
      %dma_wait3A_24 = arith.constant 0 : i32
      %dma_wait3A_25 = tpu.memref_slice %arg9[%dma_wait3A_24, %multiple_of3A] : memref<64x16384xf32, #tpu.memory_space<hbm>> -> memref<64x512xf32, #tpu.memory_space<hbm>>
      tpu.wait_dma2 semaphore(%run_scoped3A : memref<!tpu.dma_semaphore, #tpu.memory_space<semaphore_mem>>) src(%arg15 : memref<64x512xf32, #tpu.memory_space<vmem>>) dst(%dma_wait3A_25 : memref<64x512xf32, #tpu.memory_space<hbm>>)
      tpu.yield
    }) : () -> ()
    return
  }
}

module attributes {stable_mosaic.version = 14 : i64} {
  func.func @_score_body(%arg0: i32, %arg1: memref<32x16xf32, #tpu.memory_space<vmem>>, %arg2: memref<64x16384xf32, #tpu.memory_space<vmem>>, %arg3: memref<64x16384xf32, #tpu.memory_space<vmem>>, %arg4: memref<64x16384xf32, #tpu.memory_space<vmem>>, %arg5: memref<1x16384xf32, #tpu.memory_space<vmem>>) attributes {dimension_semantics = [#tpu.dimension_semantics<arbitrary>], iteration_bounds = array<i64: 1>, scalar_prefetch = 0 : i64, scratch_operands = 0 : i64, tpu.core_type = #tpu.core_type<tc>, window_params = [{pipeline_mode = #tpu.pipeline_mode<synchronous>, transform_indices = @transform_0, window_bounds = array<i64: 32, 16>}, {transform_indices = @transform_1, window_bounds = array<i64: 64, 16384>}, {transform_indices = @transform_2, window_bounds = array<i64: 64, 16384>}, {transform_indices = @transform_3, window_bounds = array<i64: 64, 16384>}, {transform_indices = @transform_4, window_bounds = array<i64: 1, 16384>}]} {
    %get3A = arith.constant 0 : index
    %get3A_0 = arith.constant 0 : index
    %get3A_1 = vector.load %arg1[%get3A, %get3A_0] : memref<32x16xf32, #tpu.memory_space<vmem>>, vector<32x16xf32>
    %reduce_sum3A = vector.shape_cast %get3A_1 : vector<32x16xf32> to vector<1x32x16xf32>
    %reduce_sum3A_2 = arith.constant dense<0.000000e+00> : vector<1xf32>
    %reduce_sum3A_3 = vector.multi_reduction <add>, %reduce_sum3A, %reduce_sum3A_2 [1, 2] : vector<1x32x16xf32> to vector<1xf32>
    %reduce_sum3A_4 = vector.shape_cast %reduce_sum3A_3 : vector<1xf32> to vector<1x1x1xf32>
    %reduce_sum3A_5 = vector.extract %reduce_sum3A_4[0, 0, 0] : f32 from vector<1x1x1xf32>
    %sqrt3A = math.sqrt %reduce_sum3A_5 : f32
    %add3A = arith.constant 9.99999971E-10 : f32
    %add3A_6 = arith.addf %sqrt3A, %add3A : f32
    %div3A = arith.constant 3.14159274 : f32
    %div3A_7 = arith.divf %div3A, %add3A_6 : f32
    %get3A_8 = arith.constant 0 : index
    %get3A_9 = arith.constant 0 : index
    %get3A_10 = vector.load %arg3[%get3A_8, %get3A_9] : memref<64x16384xf32, #tpu.memory_space<vmem>>, vector<32x16384xf32>
    %mul3A = vector.broadcast %div3A_7 : f32 to vector<32x16384xf32>
    %mul3A_11 = arith.mulf %get3A_10, %mul3A : vector<32x16384xf32>
    %cos3A = math.cos %mul3A_11 : vector<32x16384xf32>
    %sin3A = math.sin %mul3A_11 : vector<32x16384xf32>
    %get3A_12 = arith.constant 0 : index
    %get3A_13 = arith.constant 0 : index
    %get3A_14 = vector.load %arg2[%get3A_12, %get3A_13] : memref<64x16384xf32, #tpu.memory_space<vmem>>, vector<32x16384xf32>
    %get3A_15 = arith.constant 32 : index
    %get3A_16 = arith.constant 0 : index
    %get3A_17 = vector.load %arg2[%get3A_15, %get3A_16] : memref<64x16384xf32, #tpu.memory_space<vmem>>, vector<32x16384xf32>
    %mul3A_18 = arith.mulf %get3A_14, %cos3A : vector<32x16384xf32>
    %mul3A_19 = arith.mulf %get3A_17, %sin3A : vector<32x16384xf32>
    %sub3A = arith.subf %mul3A_18, %mul3A_19 : vector<32x16384xf32>
    %mul3A_20 = arith.mulf %get3A_14, %sin3A : vector<32x16384xf32>
    %mul3A_21 = arith.mulf %get3A_17, %cos3A : vector<32x16384xf32>
    %add3A_22 = arith.addf %mul3A_20, %mul3A_21 : vector<32x16384xf32>
    %get3A_23 = arith.constant 0 : index
    %get3A_24 = arith.constant 0 : index
    %get3A_25 = vector.load %arg4[%get3A_23, %get3A_24] : memref<64x16384xf32, #tpu.memory_space<vmem>>, vector<32x16384xf32>
    %sub3A_26 = arith.subf %sub3A, %get3A_25 : vector<32x16384xf32>
    %get3A_27 = arith.constant 32 : index
    %get3A_28 = arith.constant 0 : index
    %get3A_29 = vector.load %arg4[%get3A_27, %get3A_28] : memref<64x16384xf32, #tpu.memory_space<vmem>>, vector<32x16384xf32>
    %sub3A_30 = arith.subf %add3A_22, %get3A_29 : vector<32x16384xf32>
    %mul3A_31 = arith.mulf %sub3A_26, %sub3A_26 : vector<32x16384xf32>
    %mul3A_32 = arith.mulf %sub3A_30, %sub3A_30 : vector<32x16384xf32>
    %add3A_33 = arith.addf %mul3A_31, %mul3A_32 : vector<32x16384xf32>
    %add3A_34 = arith.constant 9.99999971E-10 : f32
    %add3A_35 = vector.broadcast %add3A_34 : f32 to vector<32x16384xf32>
    %add3A_36 = arith.addf %add3A_33, %add3A_35 : vector<32x16384xf32>
    %sqrt3A_37 = math.sqrt %add3A_36 : vector<32x16384xf32>
    %reduce_sum3A_38 = arith.constant dense<0.000000e+00> : vector<16384xf32>
    %reduce_sum3A_39 = vector.multi_reduction <add>, %sqrt3A_37, %reduce_sum3A_38 [0] : vector<32x16384xf32> to vector<16384xf32>
    %sub3A_40 = arith.constant 1.200000e+01 : f32
    %sub3A_41 = vector.broadcast %sub3A_40 : f32 to vector<16384xf32>
    %sub3A_42 = arith.subf %sub3A_41, %reduce_sum3A_39 : vector<16384xf32>
    %broadcast_in_dim3A = vector.shape_cast %sub3A_42 : vector<16384xf32> to vector<1x16384xf32>
    %swap3A = arith.constant 0 : index
    %swap3A_43 = arith.constant 0 : index
    %swap3A_44 = vector.load %arg5[%swap3A, %swap3A_43] : memref<1x16384xf32, #tpu.memory_space<vmem>>, vector<1x16384xf32>
    tpu.vector_store %arg5[%swap3A, %swap3A_43], %broadcast_in_dim3A {strides = array<i32>} : memref<1x16384xf32, #tpu.memory_space<vmem>>, vector<1x16384xf32>,
    return
  }
  func.func @transform_0(%arg0: i32) -> (i32, i32) {
    %c0_i32 = arith.constant 0 : i32
    %c0_i32_0 = arith.constant 0 : i32
    %c0_i32_1 = arith.constant 0 : i32
    return %c0_i32, %c0_i32_0 : i32, i32
  }
  func.func @transform_1(%arg0: i32) -> (i32, i32) {
    %c0_i32 = arith.constant 0 : i32
    %c0_i32_0 = arith.constant 0 : i32
    return %c0_i32, %arg0 : i32, i32
  }
  func.func @transform_2(%arg0: i32) -> (i32, i32) {
    %c0_i32 = arith.constant 0 : i32
    %c0_i32_0 = arith.constant 0 : i32
    return %c0_i32, %arg0 : i32, i32
  }
  func.func @transform_3(%arg0: i32) -> (i32, i32) {
    %c0_i32 = arith.constant 0 : i32
    %c0_i32_0 = arith.constant 0 : i32
    return %c0_i32, %arg0 : i32, i32
  }
  func.func @transform_4(%arg0: i32) -> (i32, i32) {
    %c0_i32 = arith.constant 0 : i32
    %c0_i32_0 = arith.constant 0 : i32
    return %c0_i32, %arg0 : i32, i32
  }
}

</mosaic_0001>

<sc_bundles>
// kernel: kernel.5.cloned.1.call-start
scs
__scs_entry_jumppad:
0x0: {  	(pc) =	sbr.rel $0x88, $3  }
0x1: {  	(tag) =	ssettag $0x0;
	lr =	simm.s32 $0x1  }
0x2: {  	[smem:$0x3F9C] =	sst lr;
	_ =	strace $0xD0000000  }
0x3: {  	_ = 	snop  }
0x4: {  	_ = 	snop  }
0x5: {  	_ = 	snop  }
0x6: {  	_ = 	snop  }
0x7: {  	_ = 	snop  }
__scs_overlays_trampoline_lowered:
0x8: {  	[smem:$0x3FAB] =	sst s0  }
0x9: {  	[smem:$0x3FAC] =	sst s1  }
0xa: {  	[smem:$0x3FAD] =	sst s2  }
0xb: {  	[smem:$0x3FAE] =	sst s3  }
0xc: {  	[smem:$0x3FAF] =	sst s4  }
0xd: {  	[smem:$0x3FB0] =	sst s5  }
0xe: {  	[smem:$0x3FB1] =	sst s6  }
0xf: {  	[smem:$0x3FB2] =	sst s7  }
0x10: {  	[smem:$0x3FB3] =	sst s8  }
0x11: {  	[smem:$0x3FB4] =	sst s9;
	s0 =	simm.s32 @!p0 $0x0  }
0x12: {  	s1 =	sld [smem:$0x3F9A];
	s0 =	simm.s32 @p0 $0x1  }
0x13: {  	[smem:$0x3FB5] =	sst s0;
	s0 =	simm.s32 @!p1 $0x0  }
0x14: {  	s2 =	sld [smem:$0x3F99];
	s0 =	simm.s32 @p1 $0x1  }
0x15: {  	[smem:$0x3FB6] =	sst s0;
	s0 =	simm.s32 @!p2 $0x0  }
0x16: {  	s3 =	sld [smem:$0x3FDB];
	s0 =	simm.s32 @p2 $0x1  }
0x17: {  	s4 =	simm.s32 $0x1BF5;
	[smem:$0x3FB8] =	sst s0  }
0x18: {  	s0 =	sld [smem:$0x3F9B];
	_ =	swait.ge [sflag:s4], $0x0  }
0x19: {  	s7 =	sld [smem:$0x3F9C]  }
0x1a: {  	s8 =	sadd.s32 $0xFFFFE003, lr  }
0x1b: {  	s9 =	sadd.s32 $0xFFFFFEF7, lr;
	s5 =	simm.s32 $0xFFFFFFFF;
	p2 =	slt.u32 s8, $0xFFFFF086  }
0x1c: {  	p1 =	slt.u32 s9, $0xF7A;
	s5 =	simm.s32 @!p2 $0x0  }
0x1d: {  	s5 =	simm.s32 @p1 $0x1;
	p0 =	seq.s32 s7, s2  }
0x1e: {  	s7 =	smul.u32 @!p0 $0xF7A, s2;
	p2 =	seq.s32 @!p0 s5, $0x0  }
0x1f: {  	s9 =	smul.u32 $0xF7A, s1;
	s8 =	simm.s32 @!p0 $0x1BF5;
	p2 =	por !p2, p0  }
0x20: {  	[sflag:s8] =	ssyncset.s32 @!p0 $0xFFFFF086;
	s6 =	sadd.s32 @!p0 s3, s7;
	s7 =	simm.s32 @!p0 $0x108  }
0x21: {  	s3 =	sadd.s32 s3, s9;
	s6 =	sadd.s32 @!p0 $0x88, s6;
	s7 =	simm.s32 @p2 $0x1082  }
0x22: {  	[simem:s7], [sflag:s8] =	dma.local @!p0 [hbm:s6], $0xF7A  }
0x23: {  	s9 =	sor.u32 $0xD0000000, s2;
	s6 =	simm.s32 $0x108;
	_ =	swait.ge @!p0 [sflag:s8], $0x0  }
0x24: {  	s3 =	sadd.s32 $0x88, s3;
	s6 =	simm.s32 @!p1 $0x1082;
	[sflag:s4] =	ssyncset.s32 $0xFFFFF086  }
0x25: {  	[simem:s6], [sflag:s4] =	dma.local [hbm:s3], $0xF7A  }
0x26: {  	[smem:$0x3F9C] =	sst s1;
	(tag) =	ssettag s2;
	_ =	strace s9  }
0x27: {  	s1 =	sld [smem:$0x3FAC]  }
0x28: {  	s2 =	sld [smem:$0x3FAD]  }
0x29: {  	s4 =	sld [smem:$0x3FAF]  }
0x2a: {  	p0 =	seq.s32 s5, $0x0;
	s5 =	sld [smem:$0x3FB0]  }
0x2b: {  	s6 =	sld [smem:$0x3FB1]  }
0x2c: {  	s7 =	sld [smem:$0x3FB2]  }
0x2d: {  	s3 =	simm.s32 $0x108;
	s8 =	sld [smem:$0x3FB3]  }
0x2e: {  	s3 =	simm.s32 @!p0 $0x1082;
	s9 =	sld [smem:$0x3FB4]  }
0x2f: {  	lr =	sadd.s32 s0, s3;
	s0 =	sld [smem:$0x3FAB]  }
0x30: {  	s3 =	sld [smem:$0x3FAE]  }
0x31: {  	[smem:$0x3FB7] =	sst s10  }
0x32: {  	s10 =	sld [smem:$0x3FB5];
	_ =	sdelay $0x3  }
0x33: {  	p0 =	seq.s32 s10, $0x1;
	s10 =	sld [smem:$0x3FB7];
	_ =	sdelay $0x3  }
0x34: {  	[smem:$0x3FB7] =	sst s10  }
0x35: {  	s10 =	sld [smem:$0x3FB6];
	_ =	sdelay $0x3  }
0x36: {  	p1 =	seq.s32 s10, $0x1;
	s10 =	sld [smem:$0x3FB7];
	_ =	sdelay $0x3  }
0x37: {  	[smem:$0x3FB7] =	sst s10  }
0x38: {  	s10 =	sld [smem:$0x3FB8]  }
0x39: {  	_ = 	snop;
	(pc) =	sbr.ind lr, $3  }
0x3a: {  	_ = 	snop  }
0x3b: {  	_ = 	snop  }
0x3c: {  	p2 =	seq.s32 s10, $0x1;
	s10 =	sld [smem:$0x3FB7]  }
0x3d: {  	_ =	shalt  }
0x3e: {  	_ =	shalt  }
0x3f: {  	_ =	shalt  }
0x40: {  	_ =	shalt  }
0x41: {  	_ =	shalt  }
0x42: {  	_ =	shalt  }
0x43: {  	_ =	shalt  }
0x44: {  	_ =	shalt  }
0x45: {  	_ =	shalt  }
0x46: {  	_ =	shalt  }
0x47: {  	_ =	shalt  }
0x48: {  	_ =	shalt  }
0x49: {  	_ =	shalt  }
0x4a: {  	_ =	shalt  }
0x4b: {  	_ =	shalt  }
0x4c: {  	_ =	shalt  }
0x4d: {  	_ =	shalt  }
0x4e: {  	_ =	shalt  }
0x4f: {  	_ =	shalt  }
0x50: {  	_ =	shalt  }
0x51: {  	_ =	shalt  }
0x52: {  	_ =	shalt  }
0x53: {  	_ =	shalt  }
0x54: {  	_ =	shalt  }
0x55: {  	_ =	shalt  }
0x56: {  	_ =	shalt  }
0x57: {  	_ =	shalt  }
0x58: {  	_ =	shalt  }
0x59: {  	_ =	shalt  }
0x5a: {  	_ =	shalt  }
0x5b: {  	_ =	shalt  }
0x5c: {  	_ =	shalt  }
0x5d: {  	_ =	shalt  }
0x5e: {  	_ =	shalt  }
0x5f: {  	_ =	shalt  }
0x60: {  	_ =	shalt  }
0x61: {  	_ =	shalt  }
0x62: {  	_ =	shalt  }
0x63: {  	_ =	shalt  }
0x64: {  	_ =	shalt  }
0x65: {  	_ =	shalt  }
0x66: {  	_ =	shalt  }
0x67: {  	_ =	shalt  }
0x68: {  	_ =	shalt  }
0x69: {  	_ =	shalt  }
0x6a: {  	_ =	shalt  }
0x6b: {  	_ =	shalt  }
0x6c: {  	_ =	shalt  }
0x6d: {  	_ =	shalt  }
0x6e: {  	_ =	shalt  }
0x6f: {  	_ =	shalt  }
0x70: {  	_ =	shalt  }
0x71: {  	_ =	shalt  }
0x72: {  	_ =	shalt  }
0x73: {  	_ =	shalt  }
0x74: {  	_ =	shalt  }
0x75: {  	_ =	shalt  }
0x76: {  	_ =	shalt  }
0x77: {  	_ =	shalt  }
0x78: {  	_ =	shalt  }
0x79: {  	_ =	shalt  }
0x7a: {  	_ =	shalt  }
0x7b: {  	_ =	shalt  }
0x7c: {  	_ =	shalt  }
0x7d: {  	_ =	shalt  }
0x7e: {  	_ =	shalt  }
0x7f: {  	_ =	shalt  }
0x80: {  	_ =	shalt  }
0x81: {  	_ =	shalt  }
0x82: {  	_ =	shalt  }
0x83: {  	_ =	shalt  }
0x84: {  	_ =	shalt  }
0x85: {  	_ =	shalt  }
0x86: {  	_ =	shalt  }
0x87: {  	_ =	shalt  }
.Lfunc_end0:
.L_simem_size_0:
called_computation_lowered:
.L_overlay_start_0:
0x88: {  	s2 =	sld [smem:$0x3FD9]  }
0x89: {  	s3 =	sld [smem:$0x3FFE];
	_ =	sdelay $0x1  }
0x8a: {  	s1 =	srdreg.scid  }
0x8b: {  	s0 =	sand.u32 $0x1, s1  }
0x8c: {  	s17 =	sshll.u32 s0, $0xA;
	s2 =	sadd.s32 s3, s2  }
0x8d: {  	s2 =	sadd.s32 s2, s17  }
0x8e: {  	[smem:$0x3FC3] =	sst s2  }
0x8f: {  	_ = 	snop  }
0x90: {  	s2 =	sld [smem:$0x3FD0];
	(tm) =	ssettm $0x1  }
0x91: {  	s18 =	sld [smem:$0x3FFB];
	_ =	sdelay $0x3  }
0x92: {  	_ =	strace s18  }
0x93: {  	s3 =	sld [smem:$0x3FFC];
	_ =	sdelay $0x3  }
0x94: {  	_ =	strace s3  }
0x95: {  	s3 =	sld [smem:$0x3FFD];
	_ =	sdelay $0x3  }
0x96: {  	_ =	strace s3  }
0x97: {  	_ =	strace $0x8FFFFFFF  }
0x98: {  	s19 =	sld [smem:$0x3FDB];
	_ =	sdelay $0x1  }
0x99: {  	s4 =	simm.s32 $_scs_section_size  }
0x9a: {  	s5 =	simm.s32 $_size__tile_overlayer_lowered;
	s6 =	simm.s32 $_tile_overlayer_lowered  }
0x9b: {  	s22 =	simm.s32 $0x1BFF;
	s21 =	sshll.u32 s6, $0x1;
	s3 =	sadd.s32 s4, s19  }
0x9c: {  	s7 =	simm.s32 $0x0;
	s20 =	sshll.u32 s5, $0x1;
	s5 =	sadd.s32 s21, s3  }
0x9d: {  	[timem:s7], [sflag:s22] =	dma.local [hbm:s5], s20  }
0x9e: {  	_ =	swait.ge [sflag:s22], s20  }
0x9f: {  	s4 =	ssub.s32 $0x0, s20;
	[sflag:s22] =	ssyncset.done $0x0  }
0xa0: {  	[sflag:s22] =	ssyncadd.s32 s4;
	_ =	sdelay $0x1  }
0xa1: {  	s23 =	simm.s32 $0x1B8B  }
0xa2: {  	_ =	swait.ge [sflag:s23], $0x1  }
0xa3: {  	[sflag:s23] =	ssyncset.done $0x0  }
0xa4: {  	s25 =	simm.s32 $0x1B8E;
	s24 =	sld [smem:$0x3FFE];
	[sflag:s23] =	ssyncadd.s32 $0xFFFFFFFF  }
0xa5: {  	s26 =	simm.s32 $execute0_lowered;
	[smem:$0x3FD2] =	sst s25  }
0xa6: {  	s5 =	sshll.u32 s26, $0x1;
	_ =	strace $0x80000046;
	[dreg:$0x1] =	wrdreg $0xFFFFFFFF  }
0xa7: {  	s28 =	simm.s32 $_size_execute0_lowered;
	s3 =	sadd.s32 s3, s5;
	[dreg:$0x0] =	wrdreg $0x0  }
0xa8: {  	s5 =	sshll.u32 s28, $0x1;
	[dreg:$0x2] =	wrdreg s3  }
0xa9: {  	[dreg:$0x3] =	wrdreg s5  }
0xaa: {  	[dreg:$0x4] =	wrdreg $0xC0  }
0xab: {  	_ =	task [dreg:s7], $0x5FFFF  }
0xac: {  	[dreg:$0x1] =	wrdreg $0xFFFFFFFF  }
0xad: {  	[dreg:$0x0] =	wrdreg $0x60  }
0xae: {  	[dreg:$0x2] =	wrdreg s24  }
0xaf: {  	[dreg:$0x3] =	wrdreg s2  }
0xb0: {  	[dreg:$0x4] =	wrdreg $0x9  }
0xb1: {  	_ =	task.clear_ibuf [dreg:s7], $0x5FFFF;
	_ =	strace $0x90000046  }
0xb2: {  	s29 =	simm.s32 $0x9;
	_ =	strace $0x80000048  }
0xb3: {  	_ =	swait.ge [sflag:s29], $0x1  }
0xb4: {  	[sflag:s29] =	ssyncadd.s32 $0xFFFFFFFF  }
0xb5: {  	_ =	strace $0x90000048  }
0xb6: {  	_ =	sfence  }
0xb7: {  	s30 =	sld [smem:$0x0];
	_ =	sdelay $0x2  }
0xb8: {  	s31 =	sshll.u32 s1, $0xD;
	s1 =	sshrl.u32 s1, $0x2  }
0xb9: {  	s3 =	sand.u32 $0x4000, s31;
	s1 =	sadd.s32 s1, s30  }
0xba: {  	s0 =	sor.u32 s3, s0;
	s1 =	sshll.u32 s1, $0x11  }
0xbb: {  	s0 =	sor.u32 s1, s0  }
0xbc: {  	s0 =	sadd.s32 $0x8F2B, s0  }
0xbd: {  	[sflag:s0] =	ssyncadd.remote.s32 $0x1  }
0xbe: {  	_ =	sfence.sel $0xFFFF  }
0xbf: {  	[dreg:$0x0] =	wrdreg $0xFFFFFFFF;
	(pc) =	sbr.abs _section_cstart, $3  }
0xc0: {  	[dreg:$0x1] =	wrdreg $0xFFFFFFFF  }
0xc1: {  	_ =	task.clear_ibuf [dreg:s7], $0x2FFFF;
	_ =	strace $0x9FFFFFFF  }
0xc2: {  	(tm) =	ssettm $0x7FFFFFFF  }
0xc3: {  	_ =	shalt  }
tec
execute0_lowered:
.L_overlay_start_1:
0x0: {  	(tag) =	ssettag $0x1  }
0x1: {  	s0 =	rddreg [dreg:$0x0]  }
0x2: {  	s1 =	rddreg [dreg:$0x1];
	s2 =	simm.s32 $0x0  }
0x3: {  	[smem:$0x7FF] =	sst s2;
	s6 =	sadd.s32 $0x1800, s0  }
0x4: {  	s10 =	sadd.s32 $0x16E8E00, s0;
	_ =	strace $0x80000047;
	[dreg:$0x3] =	wrdreg s6  }
0x5: {  	s29 =	sadd.s32 $0x3700, s0;
	[dreg:$0x4] =	wrdreg s10  }
0x6: {  	s3 =	srdreg.scid;
	s30 =	sadd.s32 $0x1D00, s0;
	[dreg:$0x5] =	wrdreg s29  }
0x7: {  	s15 =	stileid.u32;
	s31 =	sadd.s32 $0x3C00, s0;
	[dreg:$0x6] =	wrdreg s30  }
0x8: {  	s5 =	sand.u32 $0x1, s3;
	s16 =	sadd.s32 $0x2200, s0;
	[dreg:$0x7] =	wrdreg s31  }
0x9: {  	s25 =	sshll.u32 s15, $0x1;
	s17 =	sadd.s32 $0x4100, s0;
	[dreg:$0x9] =	wrdreg s16  }
0xa: {  	s4 =	sadd.s32 $0x5800, s0;
	s19 =	sadd.s32 $0x16E9800, s0;
	[dreg:$0xa] =	wrdreg s17  }
0xb: {  	s20 =	sadd.s32 $0x2700, s0;
	s21 =	sadd.s32 $0x4600, s0;
	[dreg:$0xb] =	wrdreg s19  }
0xc: {  	s23 =	sadd.s32 $0x16E9D00, s0;
	s24 =	sadd.s32 $0x2C00, s0;
	[dreg:$0xc] =	wrdreg s20  }
0xd: {  	p0 =	sgt.u32 s15, $0x4;
	p1 =	slt.u32 s15, $0x5;
	[dreg:$0xd] =	wrdreg s21  }
0xe: {  	s3 =	sor.u32 s5, s25;
	s6 =	sadd.s32 $0xF47C00, s0;
	[dreg:$0xe] =	wrdreg s23  }
0xf: {  	s5 =	ssub.s32 $0x2, s5;
	[dreg:$0xf] =	wrdreg s24;
	s25 =	sadd.s32 $0x4B00, s0  }
0x10: {  	s29 =	sadd.s32 $0x5000, s0;
	s30 =	sadd.s32 $0x16EA700, s0;
	s31 =	sadd.s32 $0x3600, s0  }
0x11: {  	s16 =	simm.s32 $0x2800;
	s17 =	simm.s32 $0x1;
	s19 =	simm.s32 $0x7800  }
0x12: {  	s20 =	simm.s32 $0xA000;
	s21 =	simm.s32 $0xC800;
	[dreg:$0x10] =	wrdreg s25  }
0x13: {  	s23 =	simm.s32 $0x2;
	s24 =	simm.s32 $0x3;
	[dreg:$0x13] =	wrdreg s29  }
0x14: {  	s7 =	smul.u32 $0x2800, s3;
	s8 =	sshrl.u32 s5, $0x1;
	[dreg:$0x14] =	wrdreg s30  }
0x15: {  	s9 =	smul.u32 $0x500, s3;
	s18 =	sshll.u32 s3, $0x4;
	[dreg:$0x15] =	wrdreg s31  }
0x16: {  	p2 =	sne.s32 s3, $0x1F;
	s15 =	sor.u32 $0x20, s3;
	s25 =	simm.s32 $0x0  }
0x17: {  	s14 =	ssub.s32 s5, s8;
	s22 =	sadd.s32 s1, s18;
	s1 =	sadd.s32 $0x5500, s0  }
0x18: {  	s5 =	sadd.s32 $0x16EAC00, s0;
	s18 =	simm.s32 $0x5000;
	s7 =	sshrl.u32 s7, $0x3  }
0x19: {  	s8 =	sadd.s32 s4, s9;
	s26 =	sadd.s32 s4, s7;
	s13 =	sadd.s32 $0x79E000, s7  }
.Ltmp0:
0x1a: {  	s28 =	sadd.s32 s6, s7;
	s7 =	sadd.s32 $0x16E9300, s0;
	(pc) =	sbr.rel .LBB2_1-.Ltmp0, $4  }
0x1b: {  	s9 =	sadd.s32 $0x7A1200, s26;
	s10 =	sadd.s32 s4, s13;
	s11 =	sadd.s32 $0xF3F200, s26  }
0x1c: {  	s12 =	sadd.s32 $0x794000, s28;
	[dreg:$0x8] =	wrdreg s7;
	s26 =	sadd.s32 $0x16EA200, s0  }
0x1d: {  	s13 =	sadd.s32 s6, s13;
	s28 =	sadd.s32 $0x3100, s0;
	[dreg:$0x11] =	wrdreg s26  }
0x1e: {  	s7 =	smax.u32 s14, $0x1;
	s14 =	sor.u32 $0x40, s3;
	[dreg:$0x12] =	wrdreg s28  }
.LBB2_27:
0x1f: {  	v1 =	vpsel p1, v9, v1;
	v2 =	vpsel p1, v10, v2  }
0x20: {  	v1 =	vadd.f32 v2, v1  }
0x21: {  	v59 =	vpsel p1, v12, v3  }
0x22: {  	v1 =	vadd.f32 v59, v1  }
0x23: {  	v60 =	vpsel p1, v15, v7  }
0x24: {  	v1 =	vadd.f32 v60, v1  }
0x25: {  	v61 =	vpsel p1, v14, v5  }
0x26: {  	v1 =	vadd.f32 v61, v1  }
0x27: {  	v62 =	vpsel p1, v13, v6  }
0x28: {  	v1 =	vadd.f32 v62, v1  }
0x29: {  	v63 =	vpsel p1, v11, v4  }
0x2a: {  	v1 =	vadd.f32 v63, v1  }
0x2b: {  	v0 =	vpsel p1, v8, v0  }
0x2c: {  	v0 =	vadd.f32 v0, v1;
	_ =	sdelay $0x1  }
0x2d: {  	s0 =	simm.s32 $0xF000;
	[tilespmem:$0xF000] =	vst v0  }
0x2e: {  	[hbm4b:s22+s2] =	stream.linear.scatter [tilespmem:s0], [sflag:$0x3], $0x80, $0x38;
	[tilespmem:$0xF080] =	vst v63  }
0x2f: {  	_ =	swait.ge [sflag:s24], $0x80  }
0x30: {  	[sflag:s24] =	ssyncset.done $0x0  }
0x31: {  	s25 =	sadd.s32 $0x1, s25;
	[sflag:s24] =	ssyncadd.s32 $0xFFFFFF80  }
0x32: {  	p3 =	sne.s32 s25, s7;
	_ =	swait.ge [sflag:s23], $0x2800  }
.Ltmp1:
0x33: {  	[sflag:s23] =	ssyncset.done $0x0;
	(pc) =	sbr.rel @!p3 .LBB2_28-.Ltmp1, $4  }
0x34: {  	s0 =	simm.s32 @!p0 $0x2;
	[sflag:s23] =	ssyncadd.s32 $0xFFFFD800  }
0x35: {  	_ =	swait.ge @!p0 [sflag:s0], $0x2800  }
0x36: {  	[sflag:s0] =	ssyncset.done @!p0 $0x0  }
0x37: {  	[sflag:s0] =	ssyncadd.s32 @!p0 $0xFFFFD800  }
.LBB2_1:
0x38: {  	[tilespmem:s2], [sflag:$0x1] =	stream.linear.gather [hbm4b:s8+s2], $0x2800, $0x38;
	v0 =	vimm.f32 $0.0e+00;
	v7 =	vimm.f32 $0.0e+00;
	[tilespmem:$0xF080] =	vst v63  }
0x39: {  	v1 =	vimm.f32 $0.0e+00;
	v2 =	vimm.f32 $0.0e+00;
	v3 =	vimm.f32 $0.0e+00;
	s26 =	simm.s32 $0x0  }
0x3a: {  	v5 =	vimm.f32 $0.0e+00;
	v4 =	vimm.f32 $0.0e+00;
	v6 =	vimm.f32 $0.0e+00;
	[tilespmem:s16], [sflag:$0x1] =	stream.linear.gather [hbm4b:s9+s2], $0x2800, $0x38;
	[tilespmem:$0xF080] =	vst v63  }
.LBB2_2:
0x3b: {  	s29 =	sshll.u32 s26, $0x6  }
0x3c: {  	s0 =	sor.u32 s15, s29  }
0x3d: {  	s28 =	smul.u32 $0x500, s0  }
0x3e: {  	_ =	swait.ge [sflag:s17], $0x5000;
	s0 =	smul.u32 $0x2800, s0  }
0x3f: {  	[sflag:s17] =	ssyncset.done $0x0  }
0x40: {  	[sflag:s17] =	ssyncadd.s32 $0xFFFFB000;
	s30 =	sadd.s32 s4, s28;
	s0 =	sshrl.u32 s0, $0x3  }
0x41: {  	[tilespmem:s18], [sflag:$0x1] =	stream.linear.gather [hbm4b:s30+s2], $0x2800, $0x38;
	[tilespmem:$0xF080] =	vst v63  }
0x42: {  	s0 =	sadd.s32 s4, s0  }
0x43: {  	p3 =	seq.s32 s26, $0x0;
	s0 =	sadd.s32 $0x7A1200, s0  }
0x44: {  	[tilespmem:s19], [sflag:$0x1] =	stream.linear.gather [hbm4b:s0+s2], $0x2800, $0x38;
	[tilespmem:$0xF080] =	vst v63  }
0x45: {  	s0 =	simm.s32 @!p3 $0x2  }
0x46: {  	_ =	swait.ge @!p3 [sflag:s0], $0x2800  }
0x47: {  	[sflag:s0] =	ssyncset.done @!p3 $0x0  }
0x48: {  	s30 =	simm.s32 $0x0;
	[sflag:s0] =	ssyncadd.s32 @!p3 $0xFFFFD800  }
0x49: {  	v11 =	vld [tilespmem:s30+$0x2830]  }
0x4a: {  	v13 =	vld [tilespmem:s30+$0x0]  }
0x4b: {  	v14 =	vld [tilespmem:s30+$0x10]  }
0x4c: {  	v12 =	vld [tilespmem:s30+$0x20]  }
0x4d: {  	v10 =	vld [tilespmem:s30+$0x30]  }
0x4e: {  	v9 =	vld [tilespmem:s30+$0x2800];
	[tilespmem:s30+$0xA070] =	vst v11;
	v15 =	vmul.f32 v11, v11  }
0x4f: {  	v8 =	vld [tilespmem:s30+$0x2810];
	[tilespmem:s30+$0xA000] =	vst v13;
	v13 =	vmul.f32 v13, v13  }
0x50: {  	s31 =	simm.s32 $0x80;
	s0 =	simm.s32 $0x400;
	v11 =	vld [tilespmem:s30+$0x2820];
	[tilespmem:s30+$0xA010] =	vst v14;
	v14 =	vmul.f32 v14, v14;
	v7 =	vadd.f32 v15, v7  }
.LBB2_3:
0x51: {  	p4 =	sne.s32 s0, $0x9E00;
	v15 =	vld [tilespmem:s31+$0x2830];
	[tilespmem:s30+$0xA020] =	vst v12;
	v6 =	vadd.f32 v13, v6;
	v12 =	vmul.f32 v12, v12  }
0x52: {  	v13 =	vld [tilespmem:s31+$0x0];
	[tilespmem:s30+$0xA030] =	vst v10;
	v4 =	vadd.f32 v14, v4;
	v10 =	vmul.f32 v10, v10  }
0x53: {  	v14 =	vld [tilespmem:s31+$0x10];
	[tilespmem:s30+$0xA040] =	vst v9;
	v5 =	vadd.f32 v12, v5;
	v9 =	vmul.f32 v9, v9  }
.Ltmp2:
0x54: {  	v12 =	vld [tilespmem:s31+$0x20];
	[tilespmem:s30+$0xA050] =	vst v8;
	v3 =	vadd.f32 v10, v3;
	v8 =	vmul.f32 v8, v8;
	(pc) =	sbr.rel @p4 .LBB2_3-.Ltmp2, $4  }
0x55: {  	v10 =	vld [tilespmem:s31+$0x30];
	[tilespmem:s30+$0xA060] =	vst v11;
	v2 =	vadd.f32 v9, v2;
	v11 =	vmul.f32 v11, v11;
	s30 =	smov.u32 s31  }
0x56: {  	v9 =	vld [tilespmem:s30+$0x2800];
	[tilespmem:s30+$0xA070] =	vst v15;
	v15 =	vmul.f32 v15, v15;
	v1 =	vadd.f32 v8, v1  }
0x57: {  	v8 =	vld [tilespmem:s30+$0x2810];
	[tilespmem:s30+$0xA000] =	vst v13;
	v13 =	vmul.f32 v13, v13;
	v0 =	vadd.f32 v11, v0  }
0x58: {  	s31 =	sshra.s32 s0, $0x2;
	s0 =	sadd.s32 $0x200, s0;
	v11 =	vld [tilespmem:s30+$0x2820];
	[tilespmem:s30+$0xA010] =	vst v14;
	v14 =	vmul.f32 v14, v14;
	v7 =	vadd.f32 v15, v7  }
0x59: {  	v15 =	vld [tilespmem:s31+$0x2830];
	[tilespmem:s30+$0xA020] =	vst v12  }
0x5a: {  	v16 =	vld [tilespmem:s31+$0x0];
	[tilespmem:s30+$0xA030] =	vst v10  }
0x5b: {  	v17 =	vld [tilespmem:s31+$0x10];
	[tilespmem:s30+$0xA040] =	vst v9  }
0x5c: {  	v18 =	vld [tilespmem:s31+$0x20];
	[tilespmem:s30+$0xA050] =	vst v8  }
0x5d: {  	v19 =	vld [tilespmem:s31+$0x30];
	[tilespmem:s30+$0xA060] =	vst v11  }
0x5e: {  	v20 =	vld [tilespmem:s31+$0x2800];
	[tilespmem:s31+$0xA070] =	vst v15  }
0x5f: {  	v21 =	vld [tilespmem:s31+$0x2810];
	[tilespmem:s31+$0xA000] =	vst v16  }
0x60: {  	v22 =	vld [tilespmem:s31+$0x2820];
	[tilespmem:s31+$0xA010] =	vst v17  }
0x61: {  	[tilespmem:s31+$0xA020] =	vst v18  }
0x62: {  	s0 =	sor.u32 s3, s29;
	[tilespmem:s31+$0xA030] =	vst v19  }
0x63: {  	s0 =	smul.u32 $0x500, s0;
	[tilespmem:s31+$0xA040] =	vst v20  }
0x64: {  	[tilespmem:s31+$0xA050] =	vst v21  }
0x65: {  	s0 =	sadd.s32 s6, s0;
	[tilespmem:s31+$0xA060] =	vst v22;
	s31 =	sadd.s32 s14, s29  }
0x66: {  	[hbm4b:s0+s2] =	stream.linear.scatter [tilespmem:s20], [sflag:$0x2], $0x2800, $0x38;
	[tilespmem:$0xF080] =	vst v63  }
0x67: {  	s0 =	smul.u32 $0x2800, s31  }
0x68: {  	s29 =	smul.u32 $0x500, s31;
	_ =	swait.ge [sflag:s17], $0x5000  }
0x69: {  	[sflag:s17] =	ssyncset.done $0x0;
	s0 =	sshrl.u32 s0, $0x3  }
0x6a: {  	s29 =	sadd.s32 s4, s29;
	[sflag:s17] =	ssyncadd.s32 $0xFFFFB000;
	s0 =	sadd.s32 s4, s0  }
0x6b: {  	[tilespmem:s2], [sflag:$0x1] =	stream.linear.gather [hbm4b:s29+s2], $0x2800, $0x38;
	[tilespmem:$0xF080] =	vst v63  }
0x6c: {  	s0 =	sadd.s32 $0x7A1200, s0  }
0x6d: {  	[tilespmem:s16], [sflag:$0x1] =	stream.linear.gather [hbm4b:s0+s2], $0x2800, $0x38;
	[tilespmem:$0xF080] =	vst v63  }
0x6e: {  	s0 =	simm.s32 @!p3 $0x2  }
0x6f: {  	v12 =	vmul.f32 v12, v12;
	v10 =	vmul.f32 v10, v10;
	_ =	swait.ge @!p3 [sflag:s0], $0x2800  }
0x70: {  	v6 =	vadd.f32 v13, v6;
	v4 =	vadd.f32 v14, v4;
	v9 =	vmul.f32 v9, v9;
	[sflag:s0] =	ssyncset.done @!p3 $0x0  }
0x71: {  	v3 =	vadd.f32 v10, v3;
	v10 =	vmul.f32 v8, v8;
	v11 =	vmul.f32 v11, v11;
	s29 =	simm.s32 $0x0;
	[sflag:s0] =	ssyncadd.s32 @!p3 $0xFFFFD800  }
0x72: {  	v5 =	vadd.f32 v12, v5;
	v12 =	vmul.f32 v15, v15;
	v15 =	vmul.f32 v16, v16;
	v13 =	vld [tilespmem:s29+$0x7830]  }
0x73: {  	v2 =	vadd.f32 v9, v2;
	v61 =	vadd.f32 v10, v1;
	v1 =	vmul.f32 v17, v17;
	v14 =	vld [tilespmem:s29+$0x5000]  }
0x74: {  	v24 =	vadd.f32 v11, v0;
	v0 =	vadd.f32 v15, v6;
	v6 =	vmul.f32 v18, v18;
	v23 =	vld [tilespmem:s29+$0x5010]  }
0x75: {  	v7 =	vadd.f32 v12, v7;
	v1 =	vadd.f32 v1, v4;
	v4 =	vmul.f32 v19, v19;
	v8 =	vld [tilespmem:s29+$0x5020]  }
0x76: {  	v12 =	vmul.f32 v20, v20;
	v5 =	vadd.f32 v6, v5;
	v15 =	vmul.f32 v21, v21;
	v9 =	vld [tilespmem:s29+$0x5030]  }
0x77: {  	v62 =	vmul.f32 v22, v22;
	v6 =	vadd.f32 v4, v3;
	v10 =	vld [tilespmem:s29+$0x7800];
	[tilespmem:s29+$0xC870] =	vst v13;
	v63 =	vmul.f32 v13, v13  }
0x78: {  	v4 =	vadd.f32 v12, v2;
	v2 =	vadd.f32 v15, v61;
	v11 =	vld [tilespmem:s29+$0x7810];
	[tilespmem:s29+$0xC800] =	vst v14;
	v13 =	vmul.f32 v14, v14  }
0x79: {  	s30 =	simm.s32 $0x80;
	v3 =	vadd.f32 v62, v24;
	s0 =	simm.s32 $0x400;
	v12 =	vld [tilespmem:s29+$0x7820];
	[tilespmem:s29+$0xC810] =	vst v23;
	v14 =	vmul.f32 v23, v23;
	v7 =	vadd.f32 v63, v7  }
.LBB2_5:
0x7a: {  	p3 =	sne.s32 s0, $0x9E00;
	v15 =	vld [tilespmem:s30+$0x7830];
	[tilespmem:s29+$0xC820] =	vst v8;
	v0 =	vadd.f32 v13, v0;
	v8 =	vmul.f32 v8, v8  }
0x7b: {  	v13 =	vld [tilespmem:s30+$0x5000];
	[tilespmem:s29+$0xC830] =	vst v9;
	v1 =	vadd.f32 v14, v1;
	v9 =	vmul.f32 v9, v9  }
0x7c: {  	v14 =	vld [tilespmem:s30+$0x5010];
	[tilespmem:s29+$0xC840] =	vst v10;
	v5 =	vadd.f32 v8, v5;
	v10 =	vmul.f32 v10, v10  }
.Ltmp3:
0x7d: {  	v8 =	vld [tilespmem:s30+$0x5020];
	[tilespmem:s29+$0xC850] =	vst v11;
	v6 =	vadd.f32 v9, v6;
	v11 =	vmul.f32 v11, v11;
	(pc) =	sbr.rel @p3 .LBB2_5-.Ltmp3, $4  }
0x7e: {  	v9 =	vld [tilespmem:s30+$0x5030];
	[tilespmem:s29+$0xC860] =	vst v12;
	v4 =	vadd.f32 v10, v4;
	v12 =	vmul.f32 v12, v12;
	s29 =	smov.u32 s30  }
0x7f: {  	v10 =	vld [tilespmem:s29+$0x7800];
	[tilespmem:s29+$0xC870] =	vst v15;
	v15 =	vmul.f32 v15, v15;
	v2 =	vadd.f32 v11, v2  }
0x80: {  	v11 =	vld [tilespmem:s29+$0x7810];
	[tilespmem:s29+$0xC800] =	vst v13;
	v13 =	vmul.f32 v13, v13;
	v3 =	vadd.f32 v12, v3  }
0x81: {  	s30 =	sshra.s32 s0, $0x2;
	s0 =	sadd.s32 $0x200, s0;
	v12 =	vld [tilespmem:s29+$0x7820];
	[tilespmem:s29+$0xC810] =	vst v14;
	v14 =	vmul.f32 v14, v14;
	v7 =	vadd.f32 v15, v7  }
0x82: {  	v15 =	vld [tilespmem:s30+$0x7830];
	[tilespmem:s29+$0xC820] =	vst v8  }
0x83: {  	v16 =	vld [tilespmem:s30+$0x5000];
	[tilespmem:s29+$0xC830] =	vst v9  }
0x84: {  	v17 =	vld [tilespmem:s30+$0x5010];
	[tilespmem:s29+$0xC840] =	vst v10  }
0x85: {  	v18 =	vld [tilespmem:s30+$0x5020];
	[tilespmem:s29+$0xC850] =	vst v11  }
0x86: {  	v8 =	vmul.f32 v8, v8;
	v19 =	vld [tilespmem:s30+$0x5030];
	[tilespmem:s29+$0xC860] =	vst v12  }
0x87: {  	v0 =	vadd.f32 v13, v0;
	v59 =	vmul.f32 v9, v9;
	v20 =	vld [tilespmem:s30+$0x7800]  }
0x88: {  	v1 =	vadd.f32 v14, v1;
	v5 =	vadd.f32 v8, v5;
	v8 =	vmul.f32 v10, v10;
	[tilespmem:s30+$0xC870] =	vst v15;
	v21 =	vld [tilespmem:s30+$0x7810]  }
0x89: {  	v9 =	vadd.f32 v59, v6;
	v6 =	vmul.f32 v11, v11;
	v60 =	vmul.f32 v12, v12;
	v22 =	vld [tilespmem:s30+$0x7820];
	[tilespmem:s30+$0xC800] =	vst v16  }
0x8a: {  	s26 =	sadd.s32 $0x1, s26;
	v8 =	vadd.f32 v8, v4;
	v4 =	vmul.f32 v15, v15;
	v61 =	vmul.f32 v16, v16;
	[tilespmem:s30+$0xC810] =	vst v17  }
0x8b: {  	p3 =	sne.s32 s26, $0x61;
	v62 =	vadd.f32 v6, v2;
	v10 =	vadd.f32 v60, v3;
	v2 =	vmul.f32 v17, v17;
	[tilespmem:s30+$0xC820] =	vst v18  }
.Ltmp4:
0x8c: {  	v7 =	vadd.f32 v4, v7;
	v6 =	vadd.f32 v61, v0;
	v0 =	vmul.f32 v18, v18;
	[tilespmem:s30+$0xC830] =	vst v19;
	(pc) =	sbr.rel @p3 .LBB2_2-.Ltmp4, $4  }
0x8d: {  	v4 =	vadd.f32 v2, v1;
	v1 =	vmul.f32 v19, v19;
	[tilespmem:s30+$0xC840] =	vst v20;
	v2 =	vmul.f32 v20, v20  }
0x8e: {  	[tilespmem:s30+$0xC850] =	vst v21;
	v5 =	vadd.f32 v0, v5;
	v0 =	vmul.f32 v21, v21;
	v63 =	vmul.f32 v22, v22  }
0x8f: {  	s0 =	sadd.s32 s6, s28;
	[tilespmem:s30+$0xC860] =	vst v22;
	v3 =	vadd.f32 v1, v9;
	v2 =	vadd.f32 v2, v8  }
0x90: {  	[hbm4b:s0+s2] =	stream.linear.scatter [tilespmem:s21], [sflag:$0x2], $0x2800, $0x38;
	v1 =	vadd.f32 v0, v62;
	v0 =	vadd.f32 v63, v10;
	[tilespmem:$0xF080] =	vst v63  }
0x91: {  	_ =	swait.ge [sflag:s17], $0x5000  }
0x92: {  	[sflag:s17] =	ssyncset.done $0x0  }
0x93: {  	s0 =	simm.s32 @!p0 $0x0;
	s26 =	simm.s32 @!p0 $0x5000;
	[sflag:s17] =	ssyncadd.s32 $0xFFFFB000  }
0x94: {  	[tilespmem:s26], [sflag:$0x1] =	stream.linear.gather @!p0 [hbm4b:s10+s0], $0x2800, $0x38;
	[tilespmem:$0xF080] =	vst v63  }
0x95: {  	s26 =	simm.s32 @!p0 $0x7800  }
0x96: {  	[tilespmem:s26], [sflag:$0x1] =	stream.linear.gather @!p0 [hbm4b:s11+s0], $0x2800, $0x38;
	[tilespmem:$0xF080] =	vst v63  }
0x97: {  	_ =	swait.ge [sflag:s23], $0x2800  }
0x98: {  	[sflag:s23] =	ssyncset.done $0x0  }
0x99: {  	s26 =	simm.s32 $0x0;
	[sflag:s23] =	ssyncadd.s32 $0xFFFFD800  }
0x9a: {  	v11 =	vld [tilespmem:s26+$0x2830]  }
0x9b: {  	v13 =	vld [tilespmem:s26+$0x0]  }
0x9c: {  	v14 =	vld [tilespmem:s26+$0x10]  }
0x9d: {  	v12 =	vld [tilespmem:s26+$0x20]  }
0x9e: {  	v10 =	vld [tilespmem:s26+$0x30]  }
0x9f: {  	v9 =	vld [tilespmem:s26+$0x2800];
	[tilespmem:s26+$0xA070] =	vst v11;
	v15 =	vmul.f32 v11, v11  }
0xa0: {  	v8 =	vld [tilespmem:s26+$0x2810];
	[tilespmem:s26+$0xA000] =	vst v13;
	v13 =	vmul.f32 v13, v13  }
0xa1: {  	s28 =	simm.s32 $0x80;
	s0 =	simm.s32 $0x400;
	v11 =	vld [tilespmem:s26+$0x2820];
	[tilespmem:s26+$0xA010] =	vst v14;
	v14 =	vmul.f32 v14, v14;
	v7 =	vadd.f32 v15, v7  }
.LBB2_8:
0xa2: {  	p3 =	sne.s32 s0, $0x9E00;
	v15 =	vld [tilespmem:s28+$0x2830];
	[tilespmem:s26+$0xA020] =	vst v12;
	v6 =	vadd.f32 v13, v6;
	v12 =	vmul.f32 v12, v12  }
0xa3: {  	v13 =	vld [tilespmem:s28+$0x0];
	[tilespmem:s26+$0xA030] =	vst v10;
	v4 =	vadd.f32 v14, v4;
	v10 =	vmul.f32 v10, v10  }
0xa4: {  	v14 =	vld [tilespmem:s28+$0x10];
	[tilespmem:s26+$0xA040] =	vst v9;
	v5 =	vadd.f32 v12, v5;
	v9 =	vmul.f32 v9, v9  }
.Ltmp5:
0xa5: {  	v12 =	vld [tilespmem:s28+$0x20];
	[tilespmem:s26+$0xA050] =	vst v8;
	v3 =	vadd.f32 v10, v3;
	v8 =	vmul.f32 v8, v8;
	(pc) =	sbr.rel @p3 .LBB2_8-.Ltmp5, $4  }
0xa6: {  	v10 =	vld [tilespmem:s28+$0x30];
	[tilespmem:s26+$0xA060] =	vst v11;
	v2 =	vadd.f32 v9, v2;
	v11 =	vmul.f32 v11, v11;
	s26 =	smov.u32 s28  }
0xa7: {  	v9 =	vld [tilespmem:s26+$0x2800];
	[tilespmem:s26+$0xA070] =	vst v15;
	v15 =	vmul.f32 v15, v15;
	v1 =	vadd.f32 v8, v1  }
0xa8: {  	v8 =	vld [tilespmem:s26+$0x2810];
	[tilespmem:s26+$0xA000] =	vst v13;
	v13 =	vmul.f32 v13, v13;
	v0 =	vadd.f32 v11, v0  }
0xa9: {  	s28 =	sshra.s32 s0, $0x2;
	s0 =	sadd.s32 $0x200, s0;
	v11 =	vld [tilespmem:s26+$0x2820];
	[tilespmem:s26+$0xA010] =	vst v14;
	v14 =	vmul.f32 v14, v14;
	v7 =	vadd.f32 v15, v7  }
0xaa: {  	v15 =	vld [tilespmem:s28+$0x2830];
	[tilespmem:s26+$0xA020] =	vst v12  }
0xab: {  	v16 =	vld [tilespmem:s28+$0x0];
	[tilespmem:s26+$0xA030] =	vst v10  }
0xac: {  	v17 =	vld [tilespmem:s28+$0x10];
	[tilespmem:s26+$0xA040] =	vst v9  }
0xad: {  	v18 =	vld [tilespmem:s28+$0x20];
	[tilespmem:s26+$0xA050] =	vst v8  }
0xae: {  	v19 =	vld [tilespmem:s28+$0x30];
	[tilespmem:s26+$0xA060] =	vst v11  }
0xaf: {  	v20 =	vld [tilespmem:s28+$0x2800];
	[tilespmem:s28+$0xA070] =	vst v15  }
0xb0: {  	v21 =	vld [tilespmem:s28+$0x2810];
	[tilespmem:s28+$0xA000] =	vst v16  }
0xb1: {  	v22 =	vld [tilespmem:s28+$0x2820];
	[tilespmem:s28+$0xA010] =	vst v17  }
0xb2: {  	[tilespmem:s28+$0xA020] =	vst v18  }
0xb3: {  	[tilespmem:s28+$0xA030] =	vst v19  }
0xb4: {  	[tilespmem:s28+$0xA040] =	vst v20  }
0xb5: {  	[tilespmem:s28+$0xA050] =	vst v21  }
0xb6: {  	s0 =	simm.s32 @!p0 $0x1;
	[tilespmem:s28+$0xA060] =	vst v22  }
0xb7: {  	[hbm4b:s12+s2] =	stream.linear.scatter [tilespmem:s20], [sflag:$0x2], $0x2800, $0x38;
	[tilespmem:$0xF080] =	vst v63  }
0xb8: {  	v12 =	vmul.f32 v12, v12;
	_ =	swait.ge @!p0 [sflag:s0], $0x5000  }
0xb9: {  	v6 =	vadd.f32 v13, v6;
	v10 =	vmul.f32 v10, v10;
	[sflag:s0] =	ssyncset.done @!p0 $0x0  }
0xba: {  	v4 =	vadd.f32 v14, v4;
	v5 =	vadd.f32 v12, v5;
	v9 =	vmul.f32 v9, v9;
	[sflag:s0] =	ssyncadd.s32 @!p0 $0xFFFFB000  }
0xbb: {  	v13 =	vadd.f32 v10, v3;
	v3 =	vmul.f32 v8, v8;
	v8 =	vmul.f32 v11, v11;
	_ =	swait.ge [sflag:s23], $0x2800  }
0xbc: {  	v14 =	vadd.f32 v9, v2;
	v2 =	vmul.f32 v15, v15;
	v10 =	vmul.f32 v16, v16;
	[sflag:s23] =	ssyncset.done $0x0  }
0xbd: {  	s26 =	simm.s32 $0x0;
	v16 =	vadd.f32 v3, v1;
	v8 =	vadd.f32 v8, v0;
	v3 =	vmul.f32 v17, v17;
	[sflag:s23] =	ssyncadd.s32 $0xFFFFD800  }
0xbe: {  	v0 =	vadd.f32 v2, v7;
	v1 =	vadd.f32 v10, v6;
	v12 =	vld [tilespmem:s26+$0x7830]  }
0xbf: {  	v6 =	vmul.f32 v18, v18;
	v2 =	vadd.f32 v3, v4;
	v4 =	vmul.f32 v19, v19;
	v23 =	vld [tilespmem:s26+$0x5000]  }
0xc0: {  	v17 =	vmul.f32 v20, v20;
	v18 =	vmul.f32 v22, v22;
	v15 =	vld [tilespmem:s26+$0x5010]  }
0xc1: {  	v3 =	vadd.f32 v6, v5;
	v6 =	vmul.f32 v21, v21;
	v9 =	vld [tilespmem:s26+$0x5020]  }
0xc2: {  	v20 =	vmov v1;
	v7 =	vadd.f32 v4, v13;
	v4 =	vadd.f32 v18, v8;
	v10 =	vld [tilespmem:s26+$0x5030]  }
0xc3: {  	v5 =	vadd.f32 v17, v14;
	v6 =	vadd.f32 v6, v16;
	v11 =	vld [tilespmem:s26+$0x7800];
	[tilespmem:s26+$0xC870] =	vst v12;
	v8 =	vmul.f32 v12, v12  }
0xc4: {  	v16 =	vmovc v7;
	v17 =	vmovc v2;
	v18 =	vmov v3;
	v13 =	vmov v4;
	v14 =	vld [tilespmem:s26+$0x7810];
	[tilespmem:s26+$0xC800] =	vst v23;
	v21 =	vmul.f32 v23, v23  }
0xc5: {  	s29 =	simm.s32 $0x400;
	s28 =	simm.s32 $0x80;
	v19 =	vld [tilespmem:s26+$0x7820];
	[tilespmem:s26+$0xC810] =	vst v15;
	v22 =	vmul.f32 v15, v15;
	v15 =	vmovc v5;
	v12 =	vmov v6;
	v8 =	vadd.f32 v8, v0  }
.LBB2_10:
0xc6: {  	p3 =	sne.s32 s29, $0x9E00;
	v23 =	vld [tilespmem:s28+$0x7830];
	[tilespmem:s26+$0xC820] =	vst v9;
	v20 =	vadd.f32 v21, v20;
	v9 =	vmul.f32 v9, v9  }
0xc7: {  	v21 =	vld [tilespmem:s28+$0x5000];
	[tilespmem:s26+$0xC830] =	vst v10;
	v17 =	vadd.f32 v22, v17;
	v10 =	vmul.f32 v10, v10  }
0xc8: {  	v22 =	vld [tilespmem:s28+$0x5010];
	[tilespmem:s26+$0xC840] =	vst v11;
	v18 =	vadd.f32 v9, v18;
	v11 =	vmul.f32 v11, v11  }
.Ltmp6:
0xc9: {  	v9 =	vld [tilespmem:s28+$0x5020];
	[tilespmem:s26+$0xC850] =	vst v14;
	v16 =	vadd.f32 v10, v16;
	v14 =	vmul.f32 v14, v14;
	(pc) =	sbr.rel @p3 .LBB2_10-.Ltmp6, $4  }
0xca: {  	v10 =	vld [tilespmem:s28+$0x5030];
	[tilespmem:s26+$0xC860] =	vst v19;
	v15 =	vadd.f32 v11, v15;
	v19 =	vmul.f32 v19, v19;
	s26 =	smov.u32 s28  }
0xcb: {  	v11 =	vld [tilespmem:s26+$0x7800];
	[tilespmem:s26+$0xC870] =	vst v23;
	v23 =	vmul.f32 v23, v23;
	v12 =	vadd.f32 v14, v12  }
0xcc: {  	v14 =	vld [tilespmem:s26+$0x7810];
	[tilespmem:s26+$0xC800] =	vst v21;
	v21 =	vmul.f32 v21, v21;
	v13 =	vadd.f32 v19, v13  }
0xcd: {  	s28 =	sshra.s32 s29, $0x2;
	s29 =	sadd.s32 $0x200, s29;
	v19 =	vld [tilespmem:s26+$0x7820];
	[tilespmem:s26+$0xC810] =	vst v22;
	v22 =	vmul.f32 v22, v22;
	v8 =	vadd.f32 v23, v8  }
0xce: {  	v23 =	vld [tilespmem:s28+$0x7830];
	[tilespmem:s26+$0xC820] =	vst v9  }
0xcf: {  	v24 =	vld [tilespmem:s28+$0x5000];
	[tilespmem:s26+$0xC830] =	vst v10  }
0xd0: {  	v25 =	vld [tilespmem:s28+$0x5010];
	[tilespmem:s26+$0xC840] =	vst v11  }
0xd1: {  	v26 =	vld [tilespmem:s28+$0x5020];
	[tilespmem:s26+$0xC850] =	vst v14  }
0xd2: {  	v9 =	vmul.f32 v9, v9;
	v27 =	vld [tilespmem:s28+$0x5030];
	[tilespmem:s26+$0xC860] =	vst v19  }
0xd3: {  	v20 =	vadd.f32 v21, v20;
	v10 =	vmul.f32 v10, v10;
	v28 =	vld [tilespmem:s28+$0x7800]  }
0xd4: {  	v17 =	vadd.f32 v22, v17;
	v18 =	vadd.f32 v9, v18;
	v9 =	vmul.f32 v11, v11;
	[tilespmem:s28+$0xC870] =	vst v23;
	v29 =	vld [tilespmem:s28+$0x7810]  }
0xd5: {  	v11 =	vadd.f32 v10, v16;
	v10 =	vmul.f32 v14, v14;
	v14 =	vmul.f32 v19, v19;
	v60 =	vld [tilespmem:s28+$0x7820];
	[tilespmem:s28+$0xC800] =	vst v24  }
0xd6: {  	v16 =	vadd.f32 v9, v15;
	v9 =	vmul.f32 v23, v23;
	v15 =	vmul.f32 v24, v24;
	[tilespmem:s28+$0xC810] =	vst v25  }
0xd7: {  	v61 =	vadd.f32 v10, v12;
	v62 =	vadd.f32 v14, v13;
	v10 =	vmul.f32 v25, v25;
	[tilespmem:s28+$0xC820] =	vst v26  }
.Ltmp7:
0xd8: {  	v8 =	vadd.f32 v9, v8;
	v9 =	vadd.f32 v15, v20;
	v12 =	vmul.f32 v26, v26;
	[tilespmem:s28+$0xC830] =	vst v27;
	(pc) =	sbr.rel @p2 .LBB2_27-.Ltmp7, $4  }
0xd9: {  	v10 =	vadd.f32 v10, v17;
	v13 =	vmul.f32 v27, v27;
	[tilespmem:s28+$0xC840] =	vst v28;
	v14 =	vmul.f32 v28, v28  }
0xda: {  	[tilespmem:s28+$0xC850] =	vst v29;
	v12 =	vadd.f32 v12, v18;
	v17 =	vmul.f32 v29, v29;
	v63 =	vmul.f32 v60, v60  }
0xdb: {  	s0 =	simm.s32 @!p0 $0x0;
	s26 =	simm.s32 @!p0 $0xC800;
	[tilespmem:s28+$0xC860] =	vst v60;
	v15 =	vadd.f32 v13, v11;
	v14 =	vadd.f32 v14, v16  }
0xdc: {  	[hbm4b:s13+s0] =	stream.linear.scatter @!p0 [tilespmem:s26], [sflag:$0x2], $0x2800, $0x38;
	v13 =	vadd.f32 v17, v61;
	v11 =	vadd.f32 v63, v62;
	[tilespmem:$0xF080] =	vst v63  }
0xdd: {  	s0 =	simm.s32 $0x0;
	s26 =	rddreg [dreg:$0x3]  }
0xde: {  	[tilespmem:s0], [sflag:$0x1] =	stream.linear.gather [hbm4b:s26+s0], $0x2800, $0x38;
	[tilespmem:$0xF080] =	vst v63  }
0xdf: {  	s31 =	rddreg [dreg:$0x5]  }
0xe0: {  	[tilespmem:s18], [sflag:$0x1] =	stream.linear.gather [hbm4b:s31+s0], $0x2C00, $0x38;
	[tilespmem:$0xF080] =	vst v63  }
0xe1: {  	_ =	swait.ge [sflag:s17], $0x2800  }
0xe2: {  	[sflag:s17] =	ssyncset.done $0x0  }
0xe3: {  	[sflag:s17] =	ssyncadd.s32 $0xFFFFD800  }
0xe4: {  	_ =	swait.ge [sflag:s17], $0x2C00  }
0xe5: {  	[sflag:s17] =	ssyncset.done $0x0  }
0xe6: {  	s26 =	simm.s32 $0x0;
	[sflag:s17] =	ssyncadd.s32 $0xFFFFD400  }
0xe7: {  	v19 =	vld [tilespmem:s26+$0x5230]  }
0xe8: {  	v20 =	vld [tilespmem:s26+$0x0]  }
0xe9: {  	v21 =	vld [tilespmem:s26+$0x5200]  }
0xea: {  	v18 =	vld [tilespmem:s26+$0x10]  }
0xeb: {  	v16 =	vld [tilespmem:s26+$0x5210]  }
0xec: {  	v17 =	vld [tilespmem:s26+$0x20];
	[tilespmem:s26+$0xA070] =	vst v19  }
0xed: {  	[tilespmem:s26+$0xA000] =	vst v20;
	v19 =	vld [tilespmem:s26+$0x5220]  }
0xee: {  	s28 =	simm.s32 $0x400;
	s0 =	simm.s32 $0x80;
	[tilespmem:s26+$0xA040] =	vst v21;
	v20 =	vld [tilespmem:s26+$0x30]  }
.LBB2_13:
0xef: {  	p3 =	sne.s32 s28, $0x9E00;
	v21 =	vld [tilespmem:s0+$0x5230];
	[tilespmem:s26+$0xA010] =	vst v18  }
0xf0: {  	v22 =	vld [tilespmem:s0+$0x0];
	[tilespmem:s26+$0xA050] =	vst v16  }
0xf1: {  	v23 =	vld [tilespmem:s0+$0x5200];
	[tilespmem:s26+$0xA020] =	vst v17  }
.Ltmp8:
0xf2: {  	v18 =	vld [tilespmem:s0+$0x10];
	[tilespmem:s26+$0xA060] =	vst v19;
	(pc) =	sbr.rel @p3 .LBB2_13-.Ltmp8, $4  }
0xf3: {  	v16 =	vld [tilespmem:s0+$0x5210];
	[tilespmem:s26+$0xA030] =	vst v20;
	s26 =	smov.u32 s0  }
0xf4: {  	v17 =	vld [tilespmem:s26+$0x20];
	[tilespmem:s26+$0xA070] =	vst v21  }
0xf5: {  	[tilespmem:s26+$0xA000] =	vst v22;
	v19 =	vld [tilespmem:s26+$0x5220]  }
0xf6: {  	s0 =	sshra.s32 s28, $0x2;
	s28 =	sadd.s32 $0x200, s28;
	[tilespmem:s26+$0xA040] =	vst v23;
	v20 =	vld [tilespmem:s26+$0x30]  }
0xf7: {  	v21 =	vld [tilespmem:s0+$0x5230];
	[tilespmem:s26+$0xA010] =	vst v18  }
0xf8: {  	v18 =	vld [tilespmem:s0+$0x0];
	[tilespmem:s26+$0xA050] =	vst v16  }
0xf9: {  	v16 =	vld [tilespmem:s0+$0x5200];
	[tilespmem:s26+$0xA020] =	vst v17  }
0xfa: {  	v17 =	vld [tilespmem:s0+$0x10];
	[tilespmem:s26+$0xA060] =	vst v19  }
0xfb: {  	v19 =	vld [tilespmem:s0+$0x5210];
	[tilespmem:s26+$0xA030] =	vst v20  }
0xfc: {  	v20 =	vld [tilespmem:s0+$0x20];
	[tilespmem:s0+$0xA070] =	vst v21  }
0xfd: {  	[tilespmem:s0+$0xA000] =	vst v18;
	v18 =	vld [tilespmem:s0+$0x5220]  }
0xfe: {  	[tilespmem:s0+$0xA040] =	vst v16;
	v16 =	vld [tilespmem:s0+$0x30]  }
0xff: {  	[tilespmem:s0+$0xA010] =	vst v17  }
0x100: {  	[tilespmem:s0+$0xA050] =	vst v19  }
0x101: {  	[tilespmem:s0+$0xA020] =	vst v20  }
0x102: {  	[tilespmem:s0+$0xA060] =	vst v18  }
0x103: {  	s29 =	rddreg [dreg:$0x4];
	[tilespmem:s0+$0xA030] =	vst v16;
	s0 =	simm.s32 $0x0  }
0x104: {  	[hbm4b:s29+s0] =	stream.linear.scatter [tilespmem:s20], [sflag:$0x3], $0x2800, $0x38;
	[tilespmem:$0xF080] =	vst v63  }
0x105: {  	_ =	swait.ge [sflag:s24], $0x2800  }
0x106: {  	[sflag:s24] =	ssyncset.done $0x0  }
0x107: {  	s30 =	rddreg [dreg:$0x6];
	[sflag:s24] =	ssyncadd.s32 $0xFFFFD800  }
0x108: {  	[tilespmem:s0], [sflag:$0x1] =	stream.linear.gather [hbm4b:s30+s0], $0x2800, $0x38;
	[tilespmem:$0xF080] =	vst v63  }
0x109: {  	s31 =	rddreg [dreg:$0x7]  }
0x10a: {  	[tilespmem:s18], [sflag:$0x1] =	stream.linear.gather [hbm4b:s31+s0], $0x2C00, $0x38;
	[tilespmem:$0xF080] =	vst v63  }
0x10b: {  	_ =	swait.ge [sflag:s17], $0x2800  }
0x10c: {  	[sflag:s17] =	ssyncset.done $0x0  }
0x10d: {  	[sflag:s17] =	ssyncadd.s32 $0xFFFFD800  }
0x10e: {  	_ =	swait.ge [sflag:s17], $0x2C00  }
0x10f: {  	[sflag:s17] =	ssyncset.done $0x0  }
0x110: {  	s26 =	simm.s32 $0x0;
	[sflag:s17] =	ssyncadd.s32 $0xFFFFD400  }
0x111: {  	v19 =	vld [tilespmem:s26+$0x5230]  }
0x112: {  	v20 =	vld [tilespmem:s26+$0x0]  }
0x113: {  	v21 =	vld [tilespmem:s26+$0x5200]  }
0x114: {  	v18 =	vld [tilespmem:s26+$0x10]  }
0x115: {  	v16 =	vld [tilespmem:s26+$0x5210]  }
0x116: {  	v17 =	vld [tilespmem:s26+$0x20];
	[tilespmem:s26+$0xA070] =	vst v19  }
0x117: {  	[tilespmem:s26+$0xA000] =	vst v20;
	v19 =	vld [tilespmem:s26+$0x5220]  }
0x118: {  	s28 =	simm.s32 $0x400;
	s0 =	simm.s32 $0x80;
	[tilespmem:s26+$0xA040] =	vst v21;
	v20 =	vld [tilespmem:s26+$0x30]  }
.LBB2_15:
0x119: {  	p3 =	sne.s32 s28, $0x9E00;
	v21 =	vld [tilespmem:s0+$0x5230];
	[tilespmem:s26+$0xA010] =	vst v18  }
0x11a: {  	v22 =	vld [tilespmem:s0+$0x0];
	[tilespmem:s26+$0xA050] =	vst v16  }
0x11b: {  	v23 =	vld [tilespmem:s0+$0x5200];
	[tilespmem:s26+$0xA020] =	vst v17  }
.Ltmp9:
0x11c: {  	v18 =	vld [tilespmem:s0+$0x10];
	[tilespmem:s26+$0xA060] =	vst v19;
	(pc) =	sbr.rel @p3 .LBB2_15-.Ltmp9, $4  }
0x11d: {  	v16 =	vld [tilespmem:s0+$0x5210];
	[tilespmem:s26+$0xA030] =	vst v20;
	s26 =	smov.u32 s0  }
0x11e: {  	v17 =	vld [tilespmem:s26+$0x20];
	[tilespmem:s26+$0xA070] =	vst v21  }
0x11f: {  	[tilespmem:s26+$0xA000] =	vst v22;
	v19 =	vld [tilespmem:s26+$0x5220]  }
0x120: {  	s0 =	sshra.s32 s28, $0x2;
	s28 =	sadd.s32 $0x200, s28;
	[tilespmem:s26+$0xA040] =	vst v23;
	v20 =	vld [tilespmem:s26+$0x30]  }
0x121: {  	v21 =	vld [tilespmem:s0+$0x5230];
	[tilespmem:s26+$0xA010] =	vst v18  }
0x122: {  	v18 =	vld [tilespmem:s0+$0x0];
	[tilespmem:s26+$0xA050] =	vst v16  }
0x123: {  	v16 =	vld [tilespmem:s0+$0x5200];
	[tilespmem:s26+$0xA020] =	vst v17  }
0x124: {  	v17 =	vld [tilespmem:s0+$0x10];
	[tilespmem:s26+$0xA060] =	vst v19  }
0x125: {  	v19 =	vld [tilespmem:s0+$0x5210];
	[tilespmem:s26+$0xA030] =	vst v20  }
0x126: {  	v20 =	vld [tilespmem:s0+$0x20];
	[tilespmem:s0+$0xA070] =	vst v21  }
0x127: {  	[tilespmem:s0+$0xA000] =	vst v18;
	v18 =	vld [tilespmem:s0+$0x5220]  }
0x128: {  	[tilespmem:s0+$0xA040] =	vst v16;
	v16 =	vld [tilespmem:s0+$0x30]  }
0x129: {  	[tilespmem:s0+$0xA010] =	vst v17  }
0x12a: {  	[tilespmem:s0+$0xA050] =	vst v19  }
0x12b: {  	[tilespmem:s0+$0xA020] =	vst v20  }
0x12c: {  	[tilespmem:s0+$0xA060] =	vst v18  }
0x12d: {  	s29 =	rddreg [dreg:$0x8];
	[tilespmem:s0+$0xA030] =	vst v16;
	s0 =	simm.s32 $0x0  }
0x12e: {  	[hbm4b:s29+s0] =	stream.linear.scatter [tilespmem:s20], [sflag:$0x3], $0x2800, $0x38;
	[tilespmem:$0xF080] =	vst v63  }
0x12f: {  	_ =	swait.ge [sflag:s24], $0x2800  }
0x130: {  	[sflag:s24] =	ssyncset.done $0x0  }
0x131: {  	s30 =	rddreg [dreg:$0x9];
	[sflag:s24] =	ssyncadd.s32 $0xFFFFD800  }
0x132: {  	[tilespmem:s0], [sflag:$0x1] =	stream.linear.gather [hbm4b:s30+s0], $0x2800, $0x38;
	[tilespmem:$0xF080] =	vst v63  }
0x133: {  	s31 =	rddreg [dreg:$0xa]  }
0x134: {  	[tilespmem:s18], [sflag:$0x1] =	stream.linear.gather [hbm4b:s31+s0], $0x2C00, $0x38;
	[tilespmem:$0xF080] =	vst v63  }
0x135: {  	_ =	swait.ge [sflag:s17], $0x2800  }
0x136: {  	[sflag:s17] =	ssyncset.done $0x0  }
0x137: {  	[sflag:s17] =	ssyncadd.s32 $0xFFFFD800  }
0x138: {  	_ =	swait.ge [sflag:s17], $0x2C00  }
0x139: {  	[sflag:s17] =	ssyncset.done $0x0  }
0x13a: {  	s26 =	simm.s32 $0x0;
	[sflag:s17] =	ssyncadd.s32 $0xFFFFD400  }
0x13b: {  	v19 =	vld [tilespmem:s26+$0x5230]  }
0x13c: {  	v20 =	vld [tilespmem:s26+$0x0]  }
0x13d: {  	v21 =	vld [tilespmem:s26+$0x5200]  }
0x13e: {  	v18 =	vld [tilespmem:s26+$0x10]  }
0x13f: {  	v16 =	vld [tilespmem:s26+$0x5210]  }
0x140: {  	v17 =	vld [tilespmem:s26+$0x20];
	[tilespmem:s26+$0xA070] =	vst v19  }
0x141: {  	[tilespmem:s26+$0xA000] =	vst v20;
	v19 =	vld [tilespmem:s26+$0x5220]  }
0x142: {  	s28 =	simm.s32 $0x400;
	s0 =	simm.s32 $0x80;
	[tilespmem:s26+$0xA040] =	vst v21;
	v20 =	vld [tilespmem:s26+$0x30]  }
.LBB2_17:
0x143: {  	p3 =	sne.s32 s28, $0x9E00;
	v21 =	vld [tilespmem:s0+$0x5230];
	[tilespmem:s26+$0xA010] =	vst v18  }
0x144: {  	v22 =	vld [tilespmem:s0+$0x0];
	[tilespmem:s26+$0xA050] =	vst v16  }
0x145: {  	v23 =	vld [tilespmem:s0+$0x5200];
	[tilespmem:s26+$0xA020] =	vst v17  }
.Ltmp10:
0x146: {  	v18 =	vld [tilespmem:s0+$0x10];
	[tilespmem:s26+$0xA060] =	vst v19;
	(pc) =	sbr.rel @p3 .LBB2_17-.Ltmp10, $4  }
0x147: {  	v16 =	vld [tilespmem:s0+$0x5210];
	[tilespmem:s26+$0xA030] =	vst v20;
	s26 =	smov.u32 s0  }
0x148: {  	v17 =	vld [tilespmem:s26+$0x20];
	[tilespmem:s26+$0xA070] =	vst v21  }
0x149: {  	[tilespmem:s26+$0xA000] =	vst v22;
	v19 =	vld [tilespmem:s26+$0x5220]  }
0x14a: {  	s0 =	sshra.s32 s28, $0x2;
	s28 =	sadd.s32 $0x200, s28;
	[tilespmem:s26+$0xA040] =	vst v23;
	v20 =	vld [tilespmem:s26+$0x30]  }
0x14b: {  	v21 =	vld [tilespmem:s0+$0x5230];
	[tilespmem:s26+$0xA010] =	vst v18  }
0x14c: {  	v18 =	vld [tilespmem:s0+$0x0];
	[tilespmem:s26+$0xA050] =	vst v16  }
0x14d: {  	v16 =	vld [tilespmem:s0+$0x5200];
	[tilespmem:s26+$0xA020] =	vst v17  }
0x14e: {  	v17 =	vld [tilespmem:s0+$0x10];
	[tilespmem:s26+$0xA060] =	vst v19  }
0x14f: {  	v19 =	vld [tilespmem:s0+$0x5210];
	[tilespmem:s26+$0xA030] =	vst v20  }
0x150: {  	v20 =	vld [tilespmem:s0+$0x20];
	[tilespmem:s0+$0xA070] =	vst v21  }
0x151: {  	[tilespmem:s0+$0xA000] =	vst v18;
	v18 =	vld [tilespmem:s0+$0x5220]  }
0x152: {  	[tilespmem:s0+$0xA040] =	vst v16;
	v16 =	vld [tilespmem:s0+$0x30]  }
0x153: {  	[tilespmem:s0+$0xA010] =	vst v17  }
0x154: {  	[tilespmem:s0+$0xA050] =	vst v19  }
0x155: {  	[tilespmem:s0+$0xA020] =	vst v20  }
0x156: {  	[tilespmem:s0+$0xA060] =	vst v18  }
0x157: {  	s29 =	rddreg [dreg:$0xb];
	[tilespmem:s0+$0xA030] =	vst v16;
	s0 =	simm.s32 $0x0  }
0x158: {  	[hbm4b:s29+s0] =	stream.linear.scatter [tilespmem:s20], [sflag:$0x3], $0x2800, $0x38;
	[tilespmem:$0xF080] =	vst v63  }
0x159: {  	_ =	swait.ge [sflag:s24], $0x2800  }
0x15a: {  	[sflag:s24] =	ssyncset.done $0x0  }
0x15b: {  	s30 =	rddreg [dreg:$0xc];
	[sflag:s24] =	ssyncadd.s32 $0xFFFFD800  }
0x15c: {  	[tilespmem:s0], [sflag:$0x1] =	stream.linear.gather [hbm4b:s30+s0], $0x2800, $0x38;
	[tilespmem:$0xF080] =	vst v63  }
0x15d: {  	s31 =	rddreg [dreg:$0xd]  }
0x15e: {  	[tilespmem:s18], [sflag:$0x1] =	stream.linear.gather [hbm4b:s31+s0], $0x2C00, $0x38;
	[tilespmem:$0xF080] =	vst v63  }
0x15f: {  	_ =	swait.ge [sflag:s17], $0x2800  }
0x160: {  	[sflag:s17] =	ssyncset.done $0x0  }
0x161: {  	[sflag:s17] =	ssyncadd.s32 $0xFFFFD800  }
0x162: {  	_ =	swait.ge [sflag:s17], $0x2C00  }
0x163: {  	[sflag:s17] =	ssyncset.done $0x0  }
0x164: {  	s26 =	simm.s32 $0x0;
	[sflag:s17] =	ssyncadd.s32 $0xFFFFD400  }
0x165: {  	v19 =	vld [tilespmem:s26+$0x5230]  }
0x166: {  	v20 =	vld [tilespmem:s26+$0x0]  }
0x167: {  	v21 =	vld [tilespmem:s26+$0x5200]  }
0x168: {  	v18 =	vld [tilespmem:s26+$0x10]  }
0x169: {  	v16 =	vld [tilespmem:s26+$0x5210]  }
0x16a: {  	v17 =	vld [tilespmem:s26+$0x20];
	[tilespmem:s26+$0xA070] =	vst v19  }
0x16b: {  	[tilespmem:s26+$0xA000] =	vst v20;
	v19 =	vld [tilespmem:s26+$0x5220]  }
0x16c: {  	s28 =	simm.s32 $0x400;
	s0 =	simm.s32 $0x80;
	[tilespmem:s26+$0xA040] =	vst v21;
	v20 =	vld [tilespmem:s26+$0x30]  }
.LBB2_19:
0x16d: {  	p3 =	sne.s32 s28, $0x9E00;
	v21 =	vld [tilespmem:s0+$0x5230];
	[tilespmem:s26+$0xA010] =	vst v18  }
0x16e: {  	v22 =	vld [tilespmem:s0+$0x0];
	[tilespmem:s26+$0xA050] =	vst v16  }
0x16f: {  	v23 =	vld [tilespmem:s0+$0x5200];
	[tilespmem:s26+$0xA020] =	vst v17  }
.Ltmp11:
0x170: {  	v18 =	vld [tilespmem:s0+$0x10];
	[tilespmem:s26+$0xA060] =	vst v19;
	(pc) =	sbr.rel @p3 .LBB2_19-.Ltmp11, $4  }
0x171: {  	v16 =	vld [tilespmem:s0+$0x5210];
	[tilespmem:s26+$0xA030] =	vst v20;
	s26 =	smov.u32 s0  }
0x172: {  	v17 =	vld [tilespmem:s26+$0x20];
	[tilespmem:s26+$0xA070] =	vst v21  }
0x173: {  	[tilespmem:s26+$0xA000] =	vst v22;
	v19 =	vld [tilespmem:s26+$0x5220]  }
0x174: {  	s0 =	sshra.s32 s28, $0x2;
	s28 =	sadd.s32 $0x200, s28;
	[tilespmem:s26+$0xA040] =	vst v23;
	v20 =	vld [tilespmem:s26+$0x30]  }
0x175: {  	v21 =	vld [tilespmem:s0+$0x5230];
	[tilespmem:s26+$0xA010] =	vst v18  }
0x176: {  	v18 =	vld [tilespmem:s0+$0x0];
	[tilespmem:s26+$0xA050] =	vst v16  }
0x177: {  	v16 =	vld [tilespmem:s0+$0x5200];
	[tilespmem:s26+$0xA020] =	vst v17  }
0x178: {  	v17 =	vld [tilespmem:s0+$0x10];
	[tilespmem:s26+$0xA060] =	vst v19  }
0x179: {  	v19 =	vld [tilespmem:s0+$0x5210];
	[tilespmem:s26+$0xA030] =	vst v20  }
0x17a: {  	v20 =	vld [tilespmem:s0+$0x20];
	[tilespmem:s0+$0xA070] =	vst v21  }
0x17b: {  	[tilespmem:s0+$0xA000] =	vst v18;
	v18 =	vld [tilespmem:s0+$0x5220]  }
0x17c: {  	[tilespmem:s0+$0xA040] =	vst v16;
	v16 =	vld [tilespmem:s0+$0x30]  }
0x17d: {  	[tilespmem:s0+$0xA010] =	vst v17  }
0x17e: {  	[tilespmem:s0+$0xA050] =	vst v19  }
0x17f: {  	[tilespmem:s0+$0xA020] =	vst v20  }
0x180: {  	[tilespmem:s0+$0xA060] =	vst v18  }
0x181: {  	s29 =	rddreg [dreg:$0xe];
	[tilespmem:s0+$0xA030] =	vst v16;
	s0 =	simm.s32 $0x0  }
0x182: {  	[hbm4b:s29+s0] =	stream.linear.scatter [tilespmem:s20], [sflag:$0x3], $0x2800, $0x38;
	[tilespmem:$0xF080] =	vst v63  }
0x183: {  	_ =	swait.ge [sflag:s24], $0x2800  }
0x184: {  	[sflag:s24] =	ssyncset.done $0x0  }
0x185: {  	s30 =	rddreg [dreg:$0xf];
	[sflag:s24] =	ssyncadd.s32 $0xFFFFD800  }
0x186: {  	[tilespmem:s0], [sflag:$0x1] =	stream.linear.gather [hbm4b:s30+s0], $0x2800, $0x38;
	[tilespmem:$0xF080] =	vst v63  }
0x187: {  	s31 =	rddreg [dreg:$0x10]  }
0x188: {  	[tilespmem:s18], [sflag:$0x1] =	stream.linear.gather [hbm4b:s31+s0], $0x2C00, $0x38;
	[tilespmem:$0xF080] =	vst v63  }
0x189: {  	_ =	swait.ge [sflag:s17], $0x2800  }
0x18a: {  	[sflag:s17] =	ssyncset.done $0x0  }
0x18b: {  	[sflag:s17] =	ssyncadd.s32 $0xFFFFD800  }
0x18c: {  	_ =	swait.ge [sflag:s17], $0x2C00  }
0x18d: {  	[sflag:s17] =	ssyncset.done $0x0  }
0x18e: {  	s26 =	simm.s32 $0x0;
	[sflag:s17] =	ssyncadd.s32 $0xFFFFD400  }
0x18f: {  	v19 =	vld [tilespmem:s26+$0x5230]  }
0x190: {  	v20 =	vld [tilespmem:s26+$0x0]  }
0x191: {  	v21 =	vld [tilespmem:s26+$0x5200]  }
0x192: {  	v18 =	vld [tilespmem:s26+$0x10]  }
0x193: {  	v16 =	vld [tilespmem:s26+$0x5210]  }
0x194: {  	v17 =	vld [tilespmem:s26+$0x20];
	[tilespmem:s26+$0xA070] =	vst v19  }
0x195: {  	[tilespmem:s26+$0xA000] =	vst v20;
	v19 =	vld [tilespmem:s26+$0x5220]  }
0x196: {  	s28 =	simm.s32 $0x400;
	s0 =	simm.s32 $0x80;
	[tilespmem:s26+$0xA040] =	vst v21;
	v20 =	vld [tilespmem:s26+$0x30]  }
.LBB2_21:
0x197: {  	p3 =	sne.s32 s28, $0x9E00;
	v21 =	vld [tilespmem:s0+$0x5230];
	[tilespmem:s26+$0xA010] =	vst v18  }
0x198: {  	v22 =	vld [tilespmem:s0+$0x0];
	[tilespmem:s26+$0xA050] =	vst v16  }
0x199: {  	v23 =	vld [tilespmem:s0+$0x5200];
	[tilespmem:s26+$0xA020] =	vst v17  }
.Ltmp12:
0x19a: {  	v18 =	vld [tilespmem:s0+$0x10];
	[tilespmem:s26+$0xA060] =	vst v19;
	(pc) =	sbr.rel @p3 .LBB2_21-.Ltmp12, $4  }
0x19b: {  	v16 =	vld [tilespmem:s0+$0x5210];
	[tilespmem:s26+$0xA030] =	vst v20;
	s26 =	smov.u32 s0  }
0x19c: {  	v17 =	vld [tilespmem:s26+$0x20];
	[tilespmem:s26+$0xA070] =	vst v21  }
0x19d: {  	[tilespmem:s26+$0xA000] =	vst v22;
	v19 =	vld [tilespmem:s26+$0x5220]  }
0x19e: {  	s0 =	sshra.s32 s28, $0x2;
	s28 =	sadd.s32 $0x200, s28;
	[tilespmem:s26+$0xA040] =	vst v23;
	v20 =	vld [tilespmem:s26+$0x30]  }
0x19f: {  	v21 =	vld [tilespmem:s0+$0x5230];
	[tilespmem:s26+$0xA010] =	vst v18  }
0x1a0: {  	v18 =	vld [tilespmem:s0+$0x0];
	[tilespmem:s26+$0xA050] =	vst v16  }
0x1a1: {  	v16 =	vld [tilespmem:s0+$0x5200];
	[tilespmem:s26+$0xA020] =	vst v17  }
0x1a2: {  	v17 =	vld [tilespmem:s0+$0x10];
	[tilespmem:s26+$0xA060] =	vst v19  }
0x1a3: {  	v19 =	vld [tilespmem:s0+$0x5210];
	[tilespmem:s26+$0xA030] =	vst v20  }
0x1a4: {  	v20 =	vld [tilespmem:s0+$0x20];
	[tilespmem:s0+$0xA070] =	vst v21  }
0x1a5: {  	[tilespmem:s0+$0xA000] =	vst v18;
	v18 =	vld [tilespmem:s0+$0x5220]  }
0x1a6: {  	[tilespmem:s0+$0xA040] =	vst v16;
	v16 =	vld [tilespmem:s0+$0x30]  }
0x1a7: {  	[tilespmem:s0+$0xA010] =	vst v17  }
0x1a8: {  	[tilespmem:s0+$0xA050] =	vst v19  }
0x1a9: {  	[tilespmem:s0+$0xA020] =	vst v20  }
0x1aa: {  	[tilespmem:s0+$0xA060] =	vst v18  }
0x1ab: {  	s29 =	rddreg [dreg:$0x11];
	[tilespmem:s0+$0xA030] =	vst v16;
	s0 =	simm.s32 $0x0  }
0x1ac: {  	[hbm4b:s29+s0] =	stream.linear.scatter [tilespmem:s20], [sflag:$0x3], $0x2800, $0x38;
	[tilespmem:$0xF080] =	vst v63  }
0x1ad: {  	_ =	swait.ge [sflag:s24], $0x2800  }
0x1ae: {  	[sflag:s24] =	ssyncset.done $0x0  }
0x1af: {  	s30 =	rddreg [dreg:$0x12];
	[sflag:s24] =	ssyncadd.s32 $0xFFFFD800  }
0x1b0: {  	[tilespmem:s0], [sflag:$0x1] =	stream.linear.gather [hbm4b:s30+s0], $0x2800, $0x38;
	[tilespmem:$0xF080] =	vst v63  }
0x1b1: {  	s31 =	rddreg [dreg:$0x13]  }
0x1b2: {  	[tilespmem:s18], [sflag:$0x1] =	stream.linear.gather [hbm4b:s31+s0], $0x2C00, $0x38;
	[tilespmem:$0xF080] =	vst v63  }
0x1b3: {  	_ =	swait.ge [sflag:s17], $0x2800  }
0x1b4: {  	[sflag:s17] =	ssyncset.done $0x0  }
0x1b5: {  	[sflag:s17] =	ssyncadd.s32 $0xFFFFD800  }
0x1b6: {  	_ =	swait.ge [sflag:s17], $0x2C00  }
0x1b7: {  	[sflag:s17] =	ssyncset.done $0x0  }
0x1b8: {  	s26 =	simm.s32 $0x0;
	[sflag:s17] =	ssyncadd.s32 $0xFFFFD400  }
0x1b9: {  	v19 =	vld [tilespmem:s26+$0x5230]  }
0x1ba: {  	v20 =	vld [tilespmem:s26+$0x0]  }
0x1bb: {  	v21 =	vld [tilespmem:s26+$0x5200]  }
0x1bc: {  	v18 =	vld [tilespmem:s26+$0x10]  }
0x1bd: {  	v16 =	vld [tilespmem:s26+$0x5210]  }
0x1be: {  	v17 =	vld [tilespmem:s26+$0x20];
	[tilespmem:s26+$0xA070] =	vst v19  }
0x1bf: {  	[tilespmem:s26+$0xA000] =	vst v20;
	v19 =	vld [tilespmem:s26+$0x5220]  }
0x1c0: {  	s28 =	simm.s32 $0x400;
	s0 =	simm.s32 $0x80;
	[tilespmem:s26+$0xA040] =	vst v21;
	v20 =	vld [tilespmem:s26+$0x30]  }
.LBB2_23:
0x1c1: {  	p3 =	sne.s32 s28, $0x9E00;
	v21 =	vld [tilespmem:s0+$0x5230];
	[tilespmem:s26+$0xA010] =	vst v18  }
0x1c2: {  	v22 =	vld [tilespmem:s0+$0x0];
	[tilespmem:s26+$0xA050] =	vst v16  }
0x1c3: {  	v23 =	vld [tilespmem:s0+$0x5200];
	[tilespmem:s26+$0xA020] =	vst v17  }
.Ltmp13:
0x1c4: {  	v18 =	vld [tilespmem:s0+$0x10];
	[tilespmem:s26+$0xA060] =	vst v19;
	(pc) =	sbr.rel @p3 .LBB2_23-.Ltmp13, $4  }
0x1c5: {  	v16 =	vld [tilespmem:s0+$0x5210];
	[tilespmem:s26+$0xA030] =	vst v20;
	s26 =	smov.u32 s0  }
0x1c6: {  	v17 =	vld [tilespmem:s26+$0x20];
	[tilespmem:s26+$0xA070] =	vst v21  }
0x1c7: {  	[tilespmem:s26+$0xA000] =	vst v22;
	v19 =	vld [tilespmem:s26+$0x5220]  }
0x1c8: {  	s0 =	sshra.s32 s28, $0x2;
	s28 =	sadd.s32 $0x200, s28;
	[tilespmem:s26+$0xA040] =	vst v23;
	v20 =	vld [tilespmem:s26+$0x30]  }
0x1c9: {  	v21 =	vld [tilespmem:s0+$0x5230];
	[tilespmem:s26+$0xA010] =	vst v18  }
0x1ca: {  	v18 =	vld [tilespmem:s0+$0x0];
	[tilespmem:s26+$0xA050] =	vst v16  }
0x1cb: {  	v16 =	vld [tilespmem:s0+$0x5200];
	[tilespmem:s26+$0xA020] =	vst v17  }
0x1cc: {  	v17 =	vld [tilespmem:s0+$0x10];
	[tilespmem:s26+$0xA060] =	vst v19  }
0x1cd: {  	v19 =	vld [tilespmem:s0+$0x5210];
	[tilespmem:s26+$0xA030] =	vst v20  }
0x1ce: {  	v20 =	vld [tilespmem:s0+$0x20];
	[tilespmem:s0+$0xA070] =	vst v21  }
0x1cf: {  	[tilespmem:s0+$0xA000] =	vst v18;
	v18 =	vld [tilespmem:s0+$0x5220]  }
0x1d0: {  	[tilespmem:s0+$0xA040] =	vst v16;
	v16 =	vld [tilespmem:s0+$0x30]  }
0x1d1: {  	[tilespmem:s0+$0xA010] =	vst v17  }
0x1d2: {  	[tilespmem:s0+$0xA050] =	vst v19  }
0x1d3: {  	[tilespmem:s0+$0xA020] =	vst v20  }
0x1d4: {  	[tilespmem:s0+$0xA060] =	vst v18  }
0x1d5: {  	s29 =	simm.s32 $0x0;
	s30 =	rddreg [dreg:$0x14];
	[tilespmem:s0+$0xA030] =	vst v16  }
0x1d6: {  	[hbm4b:s30+s29] =	stream.linear.scatter [tilespmem:s20], [sflag:$0x3], $0x2800, $0x38;
	[tilespmem:$0xF080] =	vst v63  }
0x1d7: {  	_ =	swait.ge [sflag:s24], $0x2800  }
0x1d8: {  	[sflag:s24] =	ssyncset.done $0x0  }
0x1d9: {  	s31 =	rddreg [dreg:$0x15];
	[sflag:s24] =	ssyncadd.s32 $0xFFFFD800  }
0x1da: {  	[tilespmem:s29], [sflag:$0x1] =	stream.linear.gather [hbm4b:s31+s29], $0xC00, $0x38;
	[tilespmem:$0xF080] =	vst v63  }
0x1db: {  	_ = 	snop  }
0x1dc: {  	[tilespmem:s18], [sflag:$0x1] =	stream.linear.gather [hbm4b:s1+s29], $0xC00, $0x38;
	[tilespmem:$0xF080] =	vst v63  }
0x1dd: {  	_ =	swait.ge [sflag:s17], $0xC00  }
0x1de: {  	[sflag:s17] =	ssyncset.done $0x0  }
0x1df: {  	[sflag:s17] =	ssyncadd.s32 $0xFFFFF400  }
0x1e0: {  	_ =	swait.ge [sflag:s17], $0xC00  }
0x1e1: {  	[sflag:s17] =	ssyncset.done $0x0  }
0x1e2: {  	s26 =	simm.s32 $0x0;
	[sflag:s17] =	ssyncadd.s32 $0xFFFFF400  }
0x1e3: {  	v19 =	vld [tilespmem:s26+$0x5230]  }
0x1e4: {  	v20 =	vld [tilespmem:s26+$0x0]  }
0x1e5: {  	v21 =	vld [tilespmem:s26+$0x5200]  }
0x1e6: {  	v18 =	vld [tilespmem:s26+$0x10]  }
0x1e7: {  	v16 =	vld [tilespmem:s26+$0x5210]  }
0x1e8: {  	v17 =	vld [tilespmem:s26+$0x20];
	[tilespmem:s26+$0xA070] =	vst v19  }
0x1e9: {  	[tilespmem:s26+$0xA000] =	vst v20;
	v19 =	vld [tilespmem:s26+$0x5220]  }
0x1ea: {  	s28 =	simm.s32 $0x400;
	s0 =	simm.s32 $0x80;
	[tilespmem:s26+$0xA040] =	vst v21;
	v20 =	vld [tilespmem:s26+$0x30]  }
.LBB2_25:
0x1eb: {  	p3 =	sne.s32 s28, $0x2E00;
	v21 =	vld [tilespmem:s0+$0x5230];
	[tilespmem:s26+$0xA010] =	vst v18  }
0x1ec: {  	v22 =	vld [tilespmem:s0+$0x0];
	[tilespmem:s26+$0xA050] =	vst v16  }
0x1ed: {  	v23 =	vld [tilespmem:s0+$0x5200];
	[tilespmem:s26+$0xA020] =	vst v17  }
.Ltmp14:
0x1ee: {  	v18 =	vld [tilespmem:s0+$0x10];
	[tilespmem:s26+$0xA060] =	vst v19;
	(pc) =	sbr.rel @p3 .LBB2_25-.Ltmp14, $4  }
0x1ef: {  	v16 =	vld [tilespmem:s0+$0x5210];
	[tilespmem:s26+$0xA030] =	vst v20;
	s26 =	smov.u32 s0  }
0x1f0: {  	v17 =	vld [tilespmem:s26+$0x20];
	[tilespmem:s26+$0xA070] =	vst v21  }
0x1f1: {  	[tilespmem:s26+$0xA000] =	vst v22;
	v19 =	vld [tilespmem:s26+$0x5220]  }
0x1f2: {  	s0 =	sshra.s32 s28, $0x2;
	s28 =	sadd.s32 $0x200, s28;
	[tilespmem:s26+$0xA040] =	vst v23;
	v20 =	vld [tilespmem:s26+$0x30]  }
0x1f3: {  	v21 =	vld [tilespmem:s0+$0x5230];
	[tilespmem:s26+$0xA010] =	vst v18  }
0x1f4: {  	v18 =	vld [tilespmem:s0+$0x0];
	[tilespmem:s26+$0xA050] =	vst v16  }
0x1f5: {  	v16 =	vld [tilespmem:s0+$0x5200];
	[tilespmem:s26+$0xA020] =	vst v17  }
0x1f6: {  	v17 =	vld [tilespmem:s0+$0x10];
	[tilespmem:s26+$0xA060] =	vst v19  }
0x1f7: {  	v19 =	vld [tilespmem:s0+$0x5210];
	[tilespmem:s26+$0xA030] =	vst v20  }
0x1f8: {  	v20 =	vld [tilespmem:s0+$0x20];
	[tilespmem:s0+$0xA070] =	vst v21  }
0x1f9: {  	v63 =	vld [tilespmem:s0+$0x5220];
	[tilespmem:s0+$0xA000] =	vst v18  }
0x1fa: {  	[tilespmem:s0+$0xA040] =	vst v16;
	v16 =	vld [tilespmem:s0+$0x30]  }
0x1fb: {  	[tilespmem:s0+$0xA010] =	vst v17  }
0x1fc: {  	[tilespmem:s0+$0xA050] =	vst v19  }
0x1fd: {  	[tilespmem:s0+$0xA020] =	vst v20  }
0x1fe: {  	[tilespmem:s0+$0xA060] =	vst v63  }
.Ltmp15:
0x1ff: {  	[tilespmem:s0+$0xA030] =	vst v16;
	(pc) =	sbr.rel .LBB2_27-.Ltmp15, $4  }
0x200: {  	[hbm4b:s5+s2] =	stream.linear.scatter [tilespmem:s20], [sflag:$0x3], $0xC00, $0x38;
	[tilespmem:$0xF080] =	vst v63  }
0x201: {  	_ =	swait.ge [sflag:s24], $0xC00  }
0x202: {  	[sflag:s24] =	ssyncset.done $0x0  }
0x203: {  	[sflag:s24] =	ssyncadd.s32 $0xFFFFF400  }
.LBB2_28:
0x204: {  	_ =	sfence.sel $0x180000  }
0x205: {  	[bflag:$0x0] =	sbarrier.arrive $0xFFFF  }
0x206: {  	_ =	strace $0x90000047  }
0x207: {  	s0 =	stileid.u32;
	[bflag:$0x2] =	sbarrier.arrive $0xFFFF  }
0x208: {  	p0 =	sne.s32 s0, $0x0;
	s0 =	rddreg [dreg:$0x2]  }
0x209: {  	s0 =	sadd.s32 @!p0 $0x100000, s0  }
0x20a: {  	[sflag:s0] =	ssyncadd.tile.s32 @!p0 $0x1;
	_ =	shalt  }
.Lfunc_end2:
_tile_overlayer_lowered:
.L_overlay_start_2:
0x20b: {  	(tag) =	ssettag $0x2  }
0x20c: {  	s0 =	rddreg [dreg:$0x0];
	s2 =	stileid.u32  }
0x20d: {  	s1 =	rddreg [dreg:$0x1];
	p0 =	sne.s32 s2, $0x0  }
0x20e: {  	s3 =	rddreg [dreg:$0x2];
	[bflag:$0x3] =	sbarrier.arrive $0xFFFF;
	s2 =	simm.s32 @!p0 $0x1C03  }
0x20f: {  	[timem:s3], [sflag:s2] =	dma.local @!p0 [hbm:s0], s1  }
0x210: {  	s0 =	simm.s32 @!p0 $0x3  }
0x211: {  	_ =	swait.ge @!p0 [sflag:s0], s1  }
0x212: {  	s1 =	ssub.s32 @!p0 $0x0, s1;
	[sflag:s0] =	ssyncset.done @!p0 $0x0  }
0x213: {  	[sflag:s0] =	ssyncadd.s32 @!p0 s1  }
0x214: {  	[bflag:$0x3] =	sbarrier.arrive $0xFFFF  }
0x215: {  	_ =	shalt  }

// kernel: kernel.8.cloned.1.call-start
scs
__scs_entry_jumppad:
0x0: {  	(pc) =	sbr.rel $0x88, $3  }
0x1: {  	(tag) =	ssettag $0x0;
	lr =	simm.s32 $0x1  }
0x2: {  	[smem:$0x3F9C] =	sst lr;
	_ =	strace $0xD0000000  }
0x3: {  	_ = 	snop  }
0x4: {  	_ = 	snop  }
0x5: {  	_ = 	snop  }
0x6: {  	_ = 	snop  }
0x7: {  	_ = 	snop  }
__scs_overlays_trampoline_lowered:
0x8: {  	[smem:$0x3FAB] =	sst s0  }
0x9: {  	[smem:$0x3FAC] =	sst s1  }
0xa: {  	[smem:$0x3FAD] =	sst s2  }
0xb: {  	[smem:$0x3FAE] =	sst s3  }
0xc: {  	[smem:$0x3FAF] =	sst s4  }
0xd: {  	[smem:$0x3FB0] =	sst s5  }
0xe: {  	[smem:$0x3FB1] =	sst s6  }
0xf: {  	[smem:$0x3FB2] =	sst s7  }
0x10: {  	[smem:$0x3FB3] =	sst s8  }
0x11: {  	[smem:$0x3FB4] =	sst s9;
	s0 =	simm.s32 @!p0 $0x0  }
0x12: {  	s1 =	sld [smem:$0x3F9A];
	s0 =	simm.s32 @p0 $0x1  }
0x13: {  	[smem:$0x3FB5] =	sst s0;
	s0 =	simm.s32 @!p1 $0x0  }
0x14: {  	s2 =	sld [smem:$0x3F99];
	s0 =	simm.s32 @p1 $0x1  }
0x15: {  	[smem:$0x3FB6] =	sst s0;
	s0 =	simm.s32 @!p2 $0x0  }
0x16: {  	s3 =	sld [smem:$0x3FDB];
	s0 =	simm.s32 @p2 $0x1  }
0x17: {  	s4 =	simm.s32 $0x1BF5;
	[smem:$0x3FB8] =	sst s0  }
0x18: {  	s0 =	sld [smem:$0x3F9B];
	_ =	swait.ge [sflag:s4], $0x0  }
0x19: {  	s7 =	sld [smem:$0x3F9C]  }
0x1a: {  	s8 =	sadd.s32 $0xFFFFE003, lr  }
0x1b: {  	s9 =	sadd.s32 $0xFFFFFEF7, lr;
	s5 =	simm.s32 $0xFFFFFFFF;
	p2 =	slt.u32 s8, $0xFFFFF086  }
0x1c: {  	p1 =	slt.u32 s9, $0xF7A;
	s5 =	simm.s32 @!p2 $0x0  }
0x1d: {  	s5 =	simm.s32 @p1 $0x1;
	p0 =	seq.s32 s7, s2  }
0x1e: {  	s7 =	smul.u32 @!p0 $0xF7A, s2;
	p2 =	seq.s32 @!p0 s5, $0x0  }
0x1f: {  	s9 =	smul.u32 $0xF7A, s1;
	s8 =	simm.s32 @!p0 $0x1BF5;
	p2 =	por !p2, p0  }
0x20: {  	[sflag:s8] =	ssyncset.s32 @!p0 $0xFFFFF086;
	s6 =	sadd.s32 @!p0 s3, s7;
	s7 =	simm.s32 @!p0 $0x108  }
0x21: {  	s3 =	sadd.s32 s3, s9;
	s6 =	sadd.s32 @!p0 $0x88, s6;
	s7 =	simm.s32 @p2 $0x1082  }
0x22: {  	[simem:s7], [sflag:s8] =	dma.local @!p0 [hbm:s6], $0xF7A  }
0x23: {  	s9 =	sor.u32 $0xD0000000, s2;
	s6 =	simm.s32 $0x108;
	_ =	swait.ge @!p0 [sflag:s8], $0x0  }
0x24: {  	s3 =	sadd.s32 $0x88, s3;
	s6 =	simm.s32 @!p1 $0x1082;
	[sflag:s4] =	ssyncset.s32 $0xFFFFF086  }
0x25: {  	[simem:s6], [sflag:s4] =	dma.local [hbm:s3], $0xF7A  }
0x26: {  	[smem:$0x3F9C] =	sst s1;
	(tag) =	ssettag s2;
	_ =	strace s9  }
0x27: {  	s1 =	sld [smem:$0x3FAC]  }
0x28: {  	s2 =	sld [smem:$0x3FAD]  }
0x29: {  	s4 =	sld [smem:$0x3FAF]  }
0x2a: {  	p0 =	seq.s32 s5, $0x0;
	s5 =	sld [smem:$0x3FB0]  }
0x2b: {  	s6 =	sld [smem:$0x3FB1]  }
0x2c: {  	s7 =	sld [smem:$0x3FB2]  }
0x2d: {  	s3 =	simm.s32 $0x108;
	s8 =	sld [smem:$0x3FB3]  }
0x2e: {  	s3 =	simm.s32 @!p0 $0x1082;
	s9 =	sld [smem:$0x3FB4]  }
0x2f: {  	lr =	sadd.s32 s0, s3;
	s0 =	sld [smem:$0x3FAB]  }
0x30: {  	s3 =	sld [smem:$0x3FAE]  }
0x31: {  	[smem:$0x3FB7] =	sst s10  }
0x32: {  	s10 =	sld [smem:$0x3FB5];
	_ =	sdelay $0x3  }
0x33: {  	p0 =	seq.s32 s10, $0x1;
	s10 =	sld [smem:$0x3FB7];
	_ =	sdelay $0x3  }
0x34: {  	[smem:$0x3FB7] =	sst s10  }
0x35: {  	s10 =	sld [smem:$0x3FB6];
	_ =	sdelay $0x3  }
0x36: {  	p1 =	seq.s32 s10, $0x1;
	s10 =	sld [smem:$0x3FB7];
	_ =	sdelay $0x3  }
0x37: {  	[smem:$0x3FB7] =	sst s10  }
0x38: {  	s10 =	sld [smem:$0x3FB8]  }
0x39: {  	_ = 	snop;
	(pc) =	sbr.ind lr, $3  }
0x3a: {  	_ = 	snop  }
0x3b: {  	_ = 	snop  }
0x3c: {  	p2 =	seq.s32 s10, $0x1;
	s10 =	sld [smem:$0x3FB7]  }
0x3d: {  	_ =	shalt  }
0x3e: {  	_ =	shalt  }
0x3f: {  	_ =	shalt  }
0x40: {  	_ =	shalt  }
0x41: {  	_ =	shalt  }
0x42: {  	_ =	shalt  }
0x43: {  	_ =	shalt  }
0x44: {  	_ =	shalt  }
0x45: {  	_ =	shalt  }
0x46: {  	_ =	shalt  }
0x47: {  	_ =	shalt  }
0x48: {  	_ =	shalt  }
0x49: {  	_ =	shalt  }
0x4a: {  	_ =	shalt  }
0x4b: {  	_ =	shalt  }
0x4c: {  	_ =	shalt  }
0x4d: {  	_ =	shalt  }
0x4e: {  	_ =	shalt  }
0x4f: {  	_ =	shalt  }
0x50: {  	_ =	shalt  }
0x51: {  	_ =	shalt  }
0x52: {  	_ =	shalt  }
0x53: {  	_ =	shalt  }
0x54: {  	_ =	shalt  }
0x55: {  	_ =	shalt  }
0x56: {  	_ =	shalt  }
0x57: {  	_ =	shalt  }
0x58: {  	_ =	shalt  }
0x59: {  	_ =	shalt  }
0x5a: {  	_ =	shalt  }
0x5b: {  	_ =	shalt  }
0x5c: {  	_ =	shalt  }
0x5d: {  	_ =	shalt  }
0x5e: {  	_ =	shalt  }
0x5f: {  	_ =	shalt  }
0x60: {  	_ =	shalt  }
0x61: {  	_ =	shalt  }
0x62: {  	_ =	shalt  }
0x63: {  	_ =	shalt  }
0x64: {  	_ =	shalt  }
0x65: {  	_ =	shalt  }
0x66: {  	_ =	shalt  }
0x67: {  	_ =	shalt  }
0x68: {  	_ =	shalt  }
0x69: {  	_ =	shalt  }
0x6a: {  	_ =	shalt  }
0x6b: {  	_ =	shalt  }
0x6c: {  	_ =	shalt  }
0x6d: {  	_ =	shalt  }
0x6e: {  	_ =	shalt  }
0x6f: {  	_ =	shalt  }
0x70: {  	_ =	shalt  }
0x71: {  	_ =	shalt  }
0x72: {  	_ =	shalt  }
0x73: {  	_ =	shalt  }
0x74: {  	_ =	shalt  }
0x75: {  	_ =	shalt  }
0x76: {  	_ =	shalt  }
0x77: {  	_ =	shalt  }
0x78: {  	_ =	shalt  }
0x79: {  	_ =	shalt  }
0x7a: {  	_ =	shalt  }
0x7b: {  	_ =	shalt  }
0x7c: {  	_ =	shalt  }
0x7d: {  	_ =	shalt  }
0x7e: {  	_ =	shalt  }
0x7f: {  	_ =	shalt  }
0x80: {  	_ =	shalt  }
0x81: {  	_ =	shalt  }
0x82: {  	_ =	shalt  }
0x83: {  	_ =	shalt  }
0x84: {  	_ =	shalt  }
0x85: {  	_ =	shalt  }
0x86: {  	_ =	shalt  }
0x87: {  	_ =	shalt  }
.Lfunc_end0:
.L_simem_size_0:
called_computation.1_lowered:
.L_overlay_start_0:
0x88: {  	s2 =	sld [smem:$0x3FD9]  }
0x89: {  	s3 =	sld [smem:$0x3FFE];
	_ =	sdelay $0x1  }
0x8a: {  	s1 =	srdreg.scid  }
0x8b: {  	s0 =	sand.u32 $0x1, s1  }
0x8c: {  	s17 =	sshll.u32 s0, $0xA;
	s2 =	sadd.s32 s3, s2  }
0x8d: {  	s2 =	sadd.s32 s2, s17  }
0x8e: {  	[smem:$0x3FC3] =	sst s2  }
0x8f: {  	_ = 	snop  }
0x90: {  	s2 =	sld [smem:$0x3FC7]  }
0x91: {  	s18 =	sld [smem:$0x3FC6]  }
0x92: {  	s4 =	sld [smem:$0x3FC5];
	(tm) =	ssettm $0x1  }
0x93: {  	s5 =	sld [smem:$0x3FFB];
	_ =	sdelay $0x3  }
0x94: {  	_ =	strace s5  }
0x95: {  	s5 =	sld [smem:$0x3FFC];
	_ =	sdelay $0x3  }
0x96: {  	_ =	strace s5  }
0x97: {  	s5 =	sld [smem:$0x3FFD];
	_ =	sdelay $0x3  }
0x98: {  	_ =	strace s5  }
0x99: {  	_ =	strace $0x8FFFFFFF  }
0x9a: {  	s19 =	sld [smem:$0x3FDB];
	_ =	sdelay $0x1  }
0x9b: {  	s6 =	simm.s32 $_scs_section_size  }
0x9c: {  	s7 =	simm.s32 $_size__tile_overlayer_lowered;
	s8 =	simm.s32 $_tile_overlayer_lowered  }
0x9d: {  	s22 =	simm.s32 $0x1BFF;
	s21 =	sshll.u32 s8, $0x1;
	s5 =	sadd.s32 s6, s19  }
0x9e: {  	s9 =	simm.s32 $0x0;
	s20 =	sshll.u32 s7, $0x1;
	s7 =	sadd.s32 s21, s5  }
0x9f: {  	[timem:s9], [sflag:s22] =	dma.local [hbm:s7], s20  }
0xa0: {  	_ =	swait.ge [sflag:s22], s20  }
0xa1: {  	s6 =	ssub.s32 $0x0, s20;
	[sflag:s22] =	ssyncset.done $0x0  }
0xa2: {  	[sflag:s22] =	ssyncadd.s32 s6;
	_ =	sdelay $0x1  }
0xa3: {  	s23 =	simm.s32 $0x1B8B  }
0xa4: {  	_ =	swait.ge [sflag:s23], $0x1  }
0xa5: {  	[sflag:s23] =	ssyncset.done $0x0  }
0xa6: {  	s25 =	simm.s32 $0x1B8E;
	s24 =	sld [smem:$0x3FFE];
	[sflag:s23] =	ssyncadd.s32 $0xFFFFFFFF  }
0xa7: {  	s26 =	simm.s32 $execute0_lowered;
	[smem:$0x3FD2] =	sst s25  }
0xa8: {  	s7 =	sshll.u32 s26, $0x1;
	_ =	strace $0x80000049;
	[dreg:$0x1] =	wrdreg $0xFFFFFFFF  }
0xa9: {  	s28 =	simm.s32 $_size_execute0_lowered;
	s5 =	sadd.s32 s5, s7;
	[dreg:$0x0] =	wrdreg $0x0  }
0xaa: {  	s7 =	sshll.u32 s28, $0x1;
	[dreg:$0x2] =	wrdreg s5  }
0xab: {  	[dreg:$0x3] =	wrdreg s7  }
0xac: {  	[dreg:$0x4] =	wrdreg $0xC0  }
0xad: {  	_ =	task [dreg:s9], $0x5FFFF  }
0xae: {  	[dreg:$0x1] =	wrdreg $0xFFFFFFFF  }
0xaf: {  	[dreg:$0x0] =	wrdreg $0x60  }
0xb0: {  	[dreg:$0x2] =	wrdreg s24  }
0xb1: {  	[dreg:$0x3] =	wrdreg s2  }
0xb2: {  	[dreg:$0x4] =	wrdreg s18  }
0xb3: {  	[dreg:$0x5] =	wrdreg s4  }
0xb4: {  	[dreg:$0x6] =	wrdreg $0x9  }
0xb5: {  	_ =	task.clear_ibuf [dreg:s9], $0x7FFFF;
	_ =	strace $0x90000049  }
0xb6: {  	s29 =	simm.s32 $0x9;
	_ =	strace $0x8000004B  }
0xb7: {  	_ =	swait.ge [sflag:s29], $0x1  }
0xb8: {  	[sflag:s29] =	ssyncadd.s32 $0xFFFFFFFF  }
0xb9: {  	_ =	strace $0x9000004B  }
0xba: {  	_ =	sfence  }
0xbb: {  	s30 =	sld [smem:$0x0];
	_ =	sdelay $0x2  }
0xbc: {  	s31 =	sshll.u32 s1, $0xD;
	s1 =	sshrl.u32 s1, $0x2  }
0xbd: {  	s3 =	sand.u32 $0x4000, s31;
	s1 =	sadd.s32 s1, s30  }
0xbe: {  	s0 =	sor.u32 s3, s0;
	s1 =	sshll.u32 s1, $0x11  }
0xbf: {  	s0 =	sor.u32 s1, s0  }
0xc0: {  	s0 =	sadd.s32 $0x8F2B, s0  }
0xc1: {  	[sflag:s0] =	ssyncadd.remote.s32 $0x1  }
0xc2: {  	_ =	sfence.sel $0xFFFF  }
0xc3: {  	[dreg:$0x0] =	wrdreg $0xFFFFFFFF;
	(pc) =	sbr.abs _section_cstart, $3  }
0xc4: {  	[dreg:$0x1] =	wrdreg $0xFFFFFFFF  }
0xc5: {  	_ =	task.clear_ibuf [dreg:s9], $0x2FFFF;
	_ =	strace $0x9FFFFFFF  }
0xc6: {  	(tm) =	ssettm $0x7FFFFFFF  }
0xc7: {  	_ =	shalt  }
tec
execute0_lowered:
.L_overlay_start_1:
0x0: {  	(tag) =	ssettag $0x1  }
0x1: {  	s0 =	rddreg [dreg:$0x0]  }
0x2: {  	s2 =	rddreg [dreg:$0x1]  }
0x3: {  	s6 =	rddreg [dreg:$0x2]  }
0x4: {  	s7 =	rddreg [dreg:$0x3];
	s1 =	simm.s32 $0x0  }
0x5: {  	s4 =	srdreg.scid;
	s5 =	stileid.u32;
	s12 =	simm.s32 $0x2  }
0x6: {  	s13 =	simm.s32 $0x200;
	s14 =	simm.s32 $0x400;
	s15 =	simm.s32 $0x80  }
0x7: {  	s16 =	simm.s32 $0x600;
	s17 =	simm.s32 $0x680;
	s18 =	simm.s32 $0x1  }
0x8: {  	v0 =	vlaneseq.u32;
	s19 =	simm.s32 $0x1000;
	s20 =	simm.s32 $0x20000;
	s21 =	simm.s32 $0x4680  }
0x9: {  	s22 =	simm.s32 $0x0;
	[smem:$0x7FF] =	sst s1;
	s4 =	sand.u32 $0x1, s4;
	v0 =	vmul.u32 $0x80, v0  }
0xa: {  	s3 =	sadd.s32 $0xF47C00, s0;
	s5 =	sshll.u32 s5, $0xA;
	s8 =	sshll.u32 s4, $0x9  }
0xb: {  	_ =	strace $0x8000004A;
	s9 =	ssub.s32 $0x2, s4;
	s5 =	sor.u32 s8, s5;
	v1 =	vor.u32 $0x40, v0;
	v2 =	vor.u32 $0x800, v0;
	v3 =	vor.u32 $0x840, v0  }
0xc: {  	s4 =	sadd.s32 $0x16E8E00, s0;
	s30 =	sshrl.u32 s9, $0x1;
	v4 =	vor.u32 $0x1000, v0;
	v5 =	vor.u32 $0x1040, v0;
	v6 =	vor.u32 $0x1800, v0;
	s31 =	sshrl.u32 s5, $0x3  }
0xd: {  	v7 =	vor.u32 $0x1840, v0;
	v8 =	vor.u32 $0x2000, v0;
	v9 =	vor.u32 $0x2040, v0;
	s0 =	sadd.s32 s5, s0;
	s11 =	ssub.s32 s9, s30;
	s5 =	sadd.s32 s2, s31  }
0xe: {  	v10 =	vor.u32 $0x2800, v0;
	v11 =	vor.u32 $0x2840, v0;
	v12 =	vor.u32 $0x3000, v0;
	s6 =	sadd.s32 s6, s31;
	s7 =	sadd.s32 s7, s31;
	s8 =	sadd.s32 $0x1800, s0  }
0xf: {  	v13 =	vor.u32 $0x3040, v0;
	v14 =	vor.u32 $0x3800, v0;
	v15 =	vor.u32 $0x3840, v0;
	s9 =	sadd.s32 $0x21800, s0;
	s10 =	sadd.s32 $0x41800, s0;
	s11 =	smax.u32 s11, $0x1  }
.LBB2_1:
0x10: {  	[tilespmem:s1], [sflag:$0x2] =	stream.linear.gather [hbm4b:s5+s1], $0x200, $0x38;
	[tilespmem:$0xC680] =	vst v63  }
0x11: {  	_ =	swait.ge [sflag:s12], $0x200  }
0x12: {  	[sflag:s12] =	ssyncset.done $0x0  }
0x13: {  	[sflag:s12] =	ssyncadd.s32 $0xFFFFFE00  }
0x14: {  	[tilespmem:s13], [sflag:$0x2] =	stream.linear.gather [hbm4b:s6+s1], $0x200, $0x38;
	[tilespmem:$0xC680] =	vst v63  }
0x15: {  	_ =	swait.ge [sflag:s12], $0x200  }
0x16: {  	[sflag:s12] =	ssyncset.done $0x0  }
0x17: {  	[sflag:s12] =	ssyncadd.s32 $0xFFFFFE00  }
0x18: {  	[tilespmem:s14], [sflag:$0x2] =	stream.linear.gather [hbm4b:s7+s1], $0x200, $0x38;
	[tilespmem:$0xC680] =	vst v63  }
0x19: {  	_ =	swait.ge [sflag:s12], $0x200  }
0x1a: {  	[sflag:s12] =	ssyncset.done $0x0  }
0x1b: {  	s23 =	simm.s32 $0x0;
	[sflag:s12] =	ssyncadd.s32 $0xFFFFFE00  }
.LBB2_2:
0x1c: {  	s0 =	sshll.u32 s23, $0x7  }
0x1d: {  	s0 =	sand.u32 $0x3FFFFF80, s0  }
0x1e: {  	v16 =	vld [tilespmem:s0+$0x0];
	_ =	sdelay $0x4  }
0x1f: {  	vm0 =	vgt.s32 v16, $0x7A11F;
	v17 =	vadd.s32 $0xFFF85EE0, v16  }
0x20: {  	v16 =	vsel vm0, v17, v16  }
0x21: {  	[tilespmem:$0x600] =	vst v16  }
0x22: {  	v16 =	vld [tilespmem:s0+$0x10];
	_ =	sdelay $0x4  }
0x23: {  	vm13 =	vgt.s32 v16, $0x7A11F;
	v17 =	vadd.s32 $0xFFF85EE0, v16  }
0x24: {  	v16 =	vsel vm13, v17, v16  }
0x25: {  	[tilespmem:$0x610] =	vst v16  }
0x26: {  	v16 =	vld [tilespmem:s0+$0x20];
	_ =	sdelay $0x4  }
0x27: {  	vm14 =	vgt.s32 v16, $0x7A11F;
	v17 =	vadd.s32 $0xFFF85EE0, v16  }
0x28: {  	v16 =	vsel vm14, v17, v16  }
0x29: {  	[tilespmem:$0x620] =	vst v16  }
0x2a: {  	v16 =	vld [tilespmem:s0+$0x30];
	_ =	sdelay $0x4  }
0x2b: {  	vm15 =	vgt.s32 v16, $0x7A11F;
	v17 =	vadd.s32 $0xFFF85EE0, v16  }
0x2c: {  	v16 =	vsel vm15, v17, v16  }
0x2d: {  	[tilespmem:$0x630] =	vst v16  }
0x2e: {  	v16 =	vld [tilespmem:s0+$0x40];
	_ =	sdelay $0x4  }
0x2f: {  	vm4 =	vgt.s32 v16, $0x7A11F;
	v17 =	vadd.s32 $0xFFF85EE0, v16  }
0x30: {  	v16 =	vsel vm4, v17, v16  }
0x31: {  	[tilespmem:$0x640] =	vst v16  }
0x32: {  	v16 =	vld [tilespmem:s0+$0x50];
	_ =	sdelay $0x4  }
0x33: {  	vm5 =	vgt.s32 v16, $0x7A11F;
	v17 =	vadd.s32 $0xFFF85EE0, v16  }
0x34: {  	v16 =	vsel vm5, v17, v16  }
0x35: {  	[tilespmem:$0x650] =	vst v16  }
0x36: {  	v16 =	vld [tilespmem:s0+$0x60];
	_ =	sdelay $0x4  }
0x37: {  	vm6 =	vgt.s32 v16, $0x7A11F;
	v17 =	vadd.s32 $0xFFF85EE0, v16  }
0x38: {  	v16 =	vsel vm6, v17, v16  }
0x39: {  	[tilespmem:$0x660] =	vst v16  }
0x3a: {  	v16 =	vld [tilespmem:s0+$0x70];
	_ =	sdelay $0x4  }
0x3b: {  	vm7 =	vgt.s32 v16, $0x7A11F;
	v17 =	vadd.s32 $0xFFF85EE0, v16  }
0x3c: {  	v16 =	vsel vm7, v17, v16  }
0x3d: {  	[tilespmem:$0x670] =	vst v16  }
0x3e: {  	[tilespmem:s17], [sflag:$0x1] =	stream.indirect.gather [hbm4b:s3+s15], $0x80, s16, s15, $0xb8;
	[tilespmem:$0xC680] =	vst v63  }
0x3f: {  	_ =	swait.ge [sflag:s18], $0x4000  }
0x40: {  	[sflag:s18] =	ssyncset.done $0x0  }
0x41: {  	[sflag:s18] =	ssyncadd.s32 $0xFFFFC000  }
0x42: {  	v16 =	vld [tilespmem:s0+$0x0];
	_ =	sdelay $0x4  }
0x43: {  	vm8 =	vgt.s32 v16, $0x7A11F  }
0x44: {  	s24 =	simm.s32 $0x0;
	v17 =	vld [tilespmem:s0+$0x10];
	v16 =	vsel vm8, v1, v0  }
0x45: {  	v18 =	vor.u32 s24, v16;
	_ =	sdelay $0x3  }
0x46: {  	v19 =	vld [tilespmem:s0+$0x20];
	vm9 =	vgt.s32 v17, $0x7A11F  }
0x47: {  	s2 =	sshll.u32 s23, $0xA;
	v17 =	vsel vm9, v3, v2;
	v18 =	vld.idx.msk [tilespmem:v18+s17+$0x0], $0xffff  }
0x48: {  	s2 =	sand.u32 $0x3FFFFC00, s2;
	v20 =	vld [tilespmem:s0+$0x30];
	v22 =	vor.u32 s24, v17  }
0x49: {  	s31 =	sand.u32 $0x7000, s24;
	s25 =	sadd.s32 $0x4680, s2;
	v21 =	vld [tilespmem:s0+$0x40]  }
0x4a: {  	s26 =	sand.u32 $0x300, s24;
	s2 =	sadd.s32 s31, s25;
	v23 =	vld [tilespmem:s0+$0x50]  }
0x4b: {  	s31 =	sadd.s32 s26, s2;
	v24 =	vld [tilespmem:s0+$0x60]  }
0x4c: {  	v25 =	vld [tilespmem:s0+$0x70];
	vm10 =	vgt.s32 v19, $0x7A11F;
	[tilespmem:s31+$0x0] =	vst v18  }
0x4d: {  	v18 =	vsel vm10, v5, v4;
	v19 =	vld.idx.msk [tilespmem:v22+s17+$0x0], $0xffff  }
0x4e: {  	v22 =	vor.u32 s24, v18;
	_ =	sdelay $0x3  }
0x4f: {  	vm11 =	vgt.s32 v20, $0x7A11F;
	[tilespmem:s31+$0x10] =	vst v19  }
0x50: {  	v19 =	vsel vm11, v7, v6;
	v20 =	vld.idx.msk [tilespmem:v22+s17+$0x0], $0xffff  }
0x51: {  	v22 =	vor.u32 s24, v19;
	_ =	sdelay $0x3  }
0x52: {  	vm12 =	vgt.s32 v21, $0x7A11F;
	[tilespmem:s31+$0x20] =	vst v20  }
0x53: {  	v20 =	vsel vm12, v9, v8;
	v21 =	vld.idx.msk [tilespmem:v22+s17+$0x0], $0xffff  }
0x54: {  	v22 =	vor.u32 s24, v20;
	_ =	sdelay $0x3  }
0x55: {  	vm13 =	vgt.s32 v23, $0x7A11F;
	[tilespmem:s31+$0x30] =	vst v21  }
0x56: {  	v21 =	vsel vm13, v11, v10;
	v22 =	vld.idx.msk [tilespmem:v22+s17+$0x0], $0xffff  }
0x57: {  	v23 =	vor.u32 s24, v21;
	_ =	sdelay $0x3  }
0x58: {  	vm14 =	vgt.s32 v24, $0x7A11F;
	[tilespmem:s31+$0x40] =	vst v22  }
0x59: {  	v22 =	vsel vm14, v13, v12;
	v23 =	vld.idx.msk [tilespmem:v23+s17+$0x0], $0xffff  }
0x5a: {  	v24 =	vor.u32 s24, v22;
	_ =	sdelay $0x3  }
0x5b: {  	vm15 =	vgt.s32 v25, $0x7A11F;
	[tilespmem:s31+$0x50] =	vst v23  }
0x5c: {  	v23 =	vsel vm15, v15, v14;
	v24 =	vld.idx.msk [tilespmem:v24+s17+$0x0], $0xffff  }
0x5d: {  	v25 =	vor.u32 s24, v23;
	_ =	sdelay $0x3  }
0x5e: {  	[tilespmem:s31+$0x60] =	vst v24  }
0x5f: {  	s26 =	simm.s32 $0x1;
	v24 =	vld.idx.msk [tilespmem:v25+s17+$0x0], $0xffff  }
0x60: {  	v25 =	vor.u32 s26, v16;
	_ =	sdelay $0x3  }
0x61: {  	[tilespmem:s31+$0x70] =	vst v24  }
0x62: {  	v24 =	vld.idx.msk [tilespmem:v25+s17+$0x0], $0xffff  }
0x63: {  	v25 =	vor.u32 s26, v17  }
0x64: {  	s31 =	simm.s32 $0x80  }
0x65: {  	s0 =	sand.u32 $0x380, s31  }
0x66: {  	s30 =	sadd.s32 s0, s2  }
0x67: {  	[tilespmem:s30+$0x0] =	vst v24  }
0x68: {  	v24 =	vld.idx.msk [tilespmem:v25+s17+$0x0], $0xffff  }
0x69: {  	v25 =	vor.u32 s26, v18;
	_ =	sdelay $0x3  }
0x6a: {  	[tilespmem:s30+$0x10] =	vst v24  }
0x6b: {  	v24 =	vld.idx.msk [tilespmem:v25+s17+$0x0], $0xffff  }
0x6c: {  	v25 =	vor.u32 s26, v19;
	_ =	sdelay $0x3  }
0x6d: {  	[tilespmem:s30+$0x20] =	vst v24  }
0x6e: {  	v24 =	vld.idx.msk [tilespmem:v25+s17+$0x0], $0xffff  }
0x6f: {  	v25 =	vor.u32 s26, v20;
	_ =	sdelay $0x3  }
0x70: {  	[tilespmem:s30+$0x30] =	vst v24  }
0x71: {  	v24 =	vld.idx.msk [tilespmem:v25+s17+$0x0], $0xffff  }
0x72: {  	v25 =	vor.u32 s26, v21;
	_ =	sdelay $0x3  }
0x73: {  	[tilespmem:s30+$0x40] =	vst v24  }
0x74: {  	v24 =	vld.idx.msk [tilespmem:v25+s17+$0x0], $0xffff  }
0x75: {  	v25 =	vor.u32 s26, v22;
	_ =	sdelay $0x3  }
0x76: {  	[tilespmem:s30+$0x50] =	vst v24  }
0x77: {  	v24 =	vld.idx.msk [tilespmem:v25+s17+$0x0], $0xffff  }
0x78: {  	v25 =	vor.u32 s26, v23;
	_ =	sdelay $0x3  }
0x79: {  	[tilespmem:s30+$0x60] =	vst v24  }
0x7a: {  	s26 =	simm.s32 $0x2;
	v24 =	vld.idx.msk [tilespmem:v25+s17+$0x0], $0xffff  }
0x7b: {  	s29 =	simm.s32 $0x4;
	s28 =	simm.s32 $0x0;
	v25 =	vor.u32 s26, v16  }
.LBB2_3:
0x7c: {  	p0 =	sne.s32 s29, $0x3E;
	_ =	sdelay $0x2  }
0x7d: {  	[tilespmem:s30+$0x70] =	vst v24  }
0x7e: {  	v24 =	vld.idx.msk [tilespmem:v25+s17+$0x0], $0xffff;
	_ =	sdelay $0x1  }
0x7f: {  	s24 =	sadd.s32 $0x400, s24;
	v25 =	vor.u32 s26, v17  }
0x80: {  	s28 =	sadd.s32 $0x100, s28;
	s0 =	sand.u32 $0x7000, s24  }
0x81: {  	s2 =	sand.u32 $0x300, s28;
	s30 =	sadd.s32 s0, s25  }
0x82: {  	s0 =	sadd.s32 s2, s30  }
0x83: {  	[tilespmem:s0+$0x0] =	vst v24  }
0x84: {  	v24 =	vld.idx.msk [tilespmem:v25+s17+$0x0], $0xffff;
	_ =	sdelay $0x1  }
0x85: {  	v25 =	vor.u32 s26, v18;
	_ =	sdelay $0x3  }
0x86: {  	[tilespmem:s0+$0x10] =	vst v24  }
0x87: {  	v24 =	vld.idx.msk [tilespmem:v25+s17+$0x0], $0xffff;
	_ =	sdelay $0x1  }
0x88: {  	v25 =	vor.u32 s26, v19;
	_ =	sdelay $0x3  }
0x89: {  	[tilespmem:s0+$0x20] =	vst v24  }
0x8a: {  	v24 =	vld.idx.msk [tilespmem:v25+s17+$0x0], $0xffff;
	_ =	sdelay $0x1  }
0x8b: {  	v25 =	vor.u32 s26, v20;
	_ =	sdelay $0x3  }
0x8c: {  	[tilespmem:s0+$0x30] =	vst v24  }
0x8d: {  	v24 =	vld.idx.msk [tilespmem:v25+s17+$0x0], $0xffff;
	_ =	sdelay $0x1  }
0x8e: {  	v25 =	vor.u32 s26, v21;
	_ =	sdelay $0x3  }
0x8f: {  	[tilespmem:s0+$0x40] =	vst v24  }
0x90: {  	v24 =	vld.idx.msk [tilespmem:v25+s17+$0x0], $0xffff;
	_ =	sdelay $0x1  }
0x91: {  	v25 =	vor.u32 s26, v22;
	_ =	sdelay $0x3  }
0x92: {  	[tilespmem:s0+$0x50] =	vst v24  }
0x93: {  	v24 =	vld.idx.msk [tilespmem:v25+s17+$0x0], $0xffff;
	_ =	sdelay $0x1  }
0x94: {  	v25 =	vor.u32 s26, v23;
	_ =	sdelay $0x3  }
0x95: {  	[tilespmem:s0+$0x60] =	vst v24  }
0x96: {  	v24 =	vld.idx.msk [tilespmem:v25+s17+$0x0], $0xffff  }
0x97: {  	s31 =	sadd.s32 $0x1, s26;
	s26 =	smov.u32 s29  }
0x98: {  	v25 =	vor.u32 s31, v16;
	_ =	sdelay $0x3  }
0x99: {  	[tilespmem:s0+$0x70] =	vst v24  }
0x9a: {  	v24 =	vld.idx.msk [tilespmem:v25+s17+$0x0], $0xffff;
	_ =	sdelay $0x1  }
0x9b: {  	v25 =	vor.u32 s31, v17  }
0x9c: {  	s0 =	sadd.s32 $0x80, s28  }
0x9d: {  	s0 =	sand.u32 $0x380, s0  }
0x9e: {  	s30 =	sadd.s32 s0, s30  }
0x9f: {  	[tilespmem:s30+$0x0] =	vst v24  }
0xa0: {  	v24 =	vld.idx.msk [tilespmem:v25+s17+$0x0], $0xffff;
	_ =	sdelay $0x1  }
0xa1: {  	v25 =	vor.u32 s31, v18;
	_ =	sdelay $0x3  }
0xa2: {  	[tilespmem:s30+$0x10] =	vst v24  }
0xa3: {  	v24 =	vld.idx.msk [tilespmem:v25+s17+$0x0], $0xffff;
	_ =	sdelay $0x1  }
0xa4: {  	v25 =	vor.u32 s31, v19;
	_ =	sdelay $0x3  }
0xa5: {  	[tilespmem:s30+$0x20] =	vst v24  }
0xa6: {  	v24 =	vld.idx.msk [tilespmem:v25+s17+$0x0], $0xffff;
	_ =	sdelay $0x1  }
0xa7: {  	v25 =	vor.u32 s31, v20;
	_ =	sdelay $0x3  }
0xa8: {  	[tilespmem:s30+$0x30] =	vst v24  }
0xa9: {  	v24 =	vld.idx.msk [tilespmem:v25+s17+$0x0], $0xffff;
	_ =	sdelay $0x1  }
0xaa: {  	v25 =	vor.u32 s31, v21;
	_ =	sdelay $0x3  }
0xab: {  	[tilespmem:s30+$0x40] =	vst v24  }
0xac: {  	v24 =	vld.idx.msk [tilespmem:v25+s17+$0x0], $0xffff;
	_ =	sdelay $0x1  }
0xad: {  	v25 =	vor.u32 s31, v22;
	_ =	sdelay $0x3  }
0xae: {  	[tilespmem:s30+$0x50] =	vst v24  }
0xaf: {  	v24 =	vld.idx.msk [tilespmem:v25+s17+$0x0], $0xffff;
	_ =	sdelay $0x1  }
0xb0: {  	v25 =	vor.u32 s31, v23;
	_ =	sdelay $0x2  }
.Ltmp0:
0xb1: {  	(pc) =	sbr.rel @p0 .LBB2_3-.Ltmp0, $3  }
0xb2: {  	[tilespmem:s30+$0x60] =	vst v24  }
0xb3: {  	v24 =	vld.idx.msk [tilespmem:v25+s17+$0x0], $0xffff;
	_ =	sdelay $0x1  }
0xb4: {  	s29 =	sadd.s32 $0x2, s29;
	v25 =	vor.u32 s26, v16  }
0xb5: {  	_ =	sdelay $0x2  }
0xb6: {  	[tilespmem:s30+$0x70] =	vst v24  }
0xb7: {  	v24 =	vld.idx.msk [tilespmem:v25+s17+$0x0], $0xffff  }
0xb8: {  	v57 =	vor.u32 s26, v17;
	s0 =	sadd.s32 $0x400, s24  }
0xb9: {  	s2 =	sadd.s32 $0x100, s28;
	s0 =	sand.u32 $0x7000, s0  }
0xba: {  	s30 =	sand.u32 $0x300, s2;
	s0 =	sadd.s32 s0, s25  }
0xbb: {  	s24 =	sadd.s32 s30, s0  }
0xbc: {  	[tilespmem:s24+$0x0] =	vst v24  }
0xbd: {  	v24 =	vld.idx.msk [tilespmem:v57+s17+$0x0], $0xffff  }
0xbe: {  	v58 =	vor.u32 s26, v18;
	_ =	sdelay $0x3  }
0xbf: {  	[tilespmem:s24+$0x10] =	vst v24  }
0xc0: {  	v24 =	vld.idx.msk [tilespmem:v58+s17+$0x0], $0xffff  }
0xc1: {  	v59 =	vor.u32 s26, v19;
	_ =	sdelay $0x3  }
0xc2: {  	[tilespmem:s24+$0x20] =	vst v24  }
0xc3: {  	v24 =	vld.idx.msk [tilespmem:v59+s17+$0x0], $0xffff  }
0xc4: {  	v60 =	vor.u32 s26, v20;
	_ =	sdelay $0x3  }
0xc5: {  	[tilespmem:s24+$0x30] =	vst v24  }
0xc6: {  	v24 =	vld.idx.msk [tilespmem:v60+s17+$0x0], $0xffff  }
0xc7: {  	v61 =	vor.u32 s26, v21;
	_ =	sdelay $0x3  }
0xc8: {  	[tilespmem:s24+$0x40] =	vst v24  }
0xc9: {  	v24 =	vld.idx.msk [tilespmem:v61+s17+$0x0], $0xffff  }
0xca: {  	v62 =	vor.u32 s26, v22;
	_ =	sdelay $0x3  }
0xcb: {  	[tilespmem:s24+$0x50] =	vst v24  }
0xcc: {  	v24 =	vld.idx.msk [tilespmem:v62+s17+$0x0], $0xffff  }
0xcd: {  	v63 =	vor.u32 s26, v23;
	_ =	sdelay $0x3  }
0xce: {  	[tilespmem:s24+$0x60] =	vst v24  }
0xcf: {  	s31 =	sadd.s32 $0x1, s26;
	v24 =	vld.idx.msk [tilespmem:v63+s17+$0x0], $0xffff  }
0xd0: {  	v16 =	vor.u32 s31, v16;
	_ =	sdelay $0x3  }
0xd1: {  	[tilespmem:s24+$0x70] =	vst v24  }
0xd2: {  	v16 =	vld.idx.msk [tilespmem:v16+s17+$0x0], $0xffff  }
0xd3: {  	v17 =	vor.u32 s31, v17  }
0xd4: {  	s2 =	sadd.s32 $0x80, s2  }
0xd5: {  	s2 =	sand.u32 $0x380, s2  }
0xd6: {  	s0 =	sadd.s32 s2, s0  }
0xd7: {  	[tilespmem:s0+$0x0] =	vst v16  }
0xd8: {  	v16 =	vld.idx.msk [tilespmem:v17+s17+$0x0], $0xffff  }
0xd9: {  	v17 =	vor.u32 s31, v18;
	_ =	sdelay $0x3  }
0xda: {  	[tilespmem:s0+$0x10] =	vst v16  }
0xdb: {  	v16 =	vld.idx.msk [tilespmem:v17+s17+$0x0], $0xffff  }
0xdc: {  	v17 =	vor.u32 s31, v19;
	_ =	sdelay $0x3  }
0xdd: {  	[tilespmem:s0+$0x20] =	vst v16  }
0xde: {  	v16 =	vld.idx.msk [tilespmem:v17+s17+$0x0], $0xffff  }
0xdf: {  	v17 =	vor.u32 s31, v20;
	_ =	sdelay $0x3  }
0xe0: {  	[tilespmem:s0+$0x30] =	vst v16  }
0xe1: {  	v16 =	vld.idx.msk [tilespmem:v17+s17+$0x0], $0xffff  }
0xe2: {  	v17 =	vor.u32 s31, v21;
	_ =	sdelay $0x3  }
0xe3: {  	[tilespmem:s0+$0x40] =	vst v16  }
0xe4: {  	v16 =	vld.idx.msk [tilespmem:v17+s17+$0x0], $0xffff  }
0xe5: {  	v17 =	vor.u32 s31, v22;
	_ =	sdelay $0x3  }
0xe6: {  	[tilespmem:s0+$0x50] =	vst v16  }
0xe7: {  	v16 =	vld.idx.msk [tilespmem:v17+s17+$0x0], $0xffff  }
0xe8: {  	v17 =	vor.u32 s31, v23;
	_ =	sdelay $0x3  }
0xe9: {  	s23 =	sadd.s32 $0x1, s23;
	[tilespmem:s0+$0x60] =	vst v16  }
0xea: {  	p0 =	sne.s32 s23, $0x4;
	v16 =	vld.idx.msk [tilespmem:v17+s17+$0x0], $0xffff  }
.Ltmp1:
0xeb: {  	_ = 	snop;
	(pc) =	sbr.rel @p0 .LBB2_2-.Ltmp1, $2  }
0xec: {  	_ =	sdelay $0x2  }
0xed: {  	[tilespmem:s0+$0x70] =	vst v16  }
0xee: {  	[hbm4b:s8+s19] =	stream.strided.scatter [tilespmem:s21], [sflag:$0x2], $0x8000, s20, s19, $0x38;
	[tilespmem:$0xC680] =	vst v63  }
0xef: {  	_ =	swait.ge [sflag:s12], $0x8000  }
0xf0: {  	[sflag:s12] =	ssyncset.done $0x0  }
0xf1: {  	s23 =	simm.s32 $0x0;
	s24 =	simm.s32 $0x0;
	[sflag:s12] =	ssyncadd.s32 $0xFFFF8000  }
.LBB2_6:
0xf2: {  	s0 =	sshll.u32 s24, $0x7  }
0xf3: {  	s0 =	sand.u32 $0x3FFFFF80, s0  }
0xf4: {  	v16 =	vld [tilespmem:s0+$0x200];
	_ =	sdelay $0x4  }
0xf5: {  	vm0 =	vgt.s32 v16, $0x1F3;
	v17 =	vadd.s32 $0xFFFFFE0C, v16  }
0xf6: {  	v16 =	vsel vm0, v17, v16  }
0xf7: {  	[tilespmem:$0x600] =	vst v16  }
0xf8: {  	v16 =	vld [tilespmem:s0+$0x210];
	_ =	sdelay $0x4  }
0xf9: {  	vm13 =	vgt.s32 v16, $0x1F3;
	v17 =	vadd.s32 $0xFFFFFE0C, v16  }
0xfa: {  	v16 =	vsel vm13, v17, v16  }
0xfb: {  	[tilespmem:$0x610] =	vst v16  }
0xfc: {  	v16 =	vld [tilespmem:s0+$0x220];
	_ =	sdelay $0x4  }
0xfd: {  	vm14 =	vgt.s32 v16, $0x1F3;
	v17 =	vadd.s32 $0xFFFFFE0C, v16  }
0xfe: {  	v16 =	vsel vm14, v17, v16  }
0xff: {  	[tilespmem:$0x620] =	vst v16  }
0x100: {  	v16 =	vld [tilespmem:s0+$0x230];
	_ =	sdelay $0x4  }
0x101: {  	vm15 =	vgt.s32 v16, $0x1F3;
	v17 =	vadd.s32 $0xFFFFFE0C, v16  }
0x102: {  	v16 =	vsel vm15, v17, v16  }
0x103: {  	[tilespmem:$0x630] =	vst v16  }
0x104: {  	v16 =	vld [tilespmem:s0+$0x240];
	_ =	sdelay $0x4  }
0x105: {  	vm4 =	vgt.s32 v16, $0x1F3;
	v17 =	vadd.s32 $0xFFFFFE0C, v16  }
0x106: {  	v16 =	vsel vm4, v17, v16  }
0x107: {  	[tilespmem:$0x640] =	vst v16  }
0x108: {  	v16 =	vld [tilespmem:s0+$0x250];
	_ =	sdelay $0x4  }
0x109: {  	vm5 =	vgt.s32 v16, $0x1F3;
	v17 =	vadd.s32 $0xFFFFFE0C, v16  }
0x10a: {  	v16 =	vsel vm5, v17, v16  }
0x10b: {  	[tilespmem:$0x650] =	vst v16  }
0x10c: {  	v16 =	vld [tilespmem:s0+$0x260];
	_ =	sdelay $0x4  }
0x10d: {  	vm6 =	vgt.s32 v16, $0x1F3;
	v17 =	vadd.s32 $0xFFFFFE0C, v16  }
0x10e: {  	v16 =	vsel vm6, v17, v16  }
0x10f: {  	[tilespmem:$0x660] =	vst v16  }
0x110: {  	v16 =	vld [tilespmem:s0+$0x270];
	_ =	sdelay $0x4  }
0x111: {  	vm7 =	vgt.s32 v16, $0x1F3;
	v17 =	vadd.s32 $0xFFFFFE0C, v16  }
0x112: {  	v16 =	vsel vm7, v17, v16  }
0x113: {  	[tilespmem:$0x670] =	vst v16  }
0x114: {  	[tilespmem:s17], [sflag:$0x1] =	stream.indirect.gather [hbm4b:s4+s15], $0x80, s16, s15, $0xb8;
	[tilespmem:$0xC680] =	vst v63  }
0x115: {  	_ =	swait.ge [sflag:s18], $0x4000  }
0x116: {  	[sflag:s18] =	ssyncset.done $0x0  }
0x117: {  	[sflag:s18] =	ssyncadd.s32 $0xFFFFC000  }
0x118: {  	v16 =	vld [tilespmem:s0+$0x200];
	_ =	sdelay $0x4  }
0x119: {  	vm8 =	vgt.s32 v16, $0x1F3  }
0x11a: {  	v17 =	vld [tilespmem:s0+$0x210];
	v16 =	vsel vm8, v1, v0  }
0x11b: {  	v18 =	vor.u32 s23, v16;
	_ =	sdelay $0x2  }
0x11c: {  	v19 =	vld [tilespmem:s0+$0x220]  }
0x11d: {  	v20 =	vld [tilespmem:s0+$0x230];
	vm9 =	vgt.s32 v17, $0x1F3  }
0x11e: {  	s2 =	sshll.u32 s24, $0xA;
	v17 =	vsel vm9, v3, v2;
	v18 =	vld.idx.msk [tilespmem:v18+s17+$0x0], $0xffff  }
0x11f: {  	s2 =	sand.u32 $0x3FFFFC00, s2;
	v21 =	vld [tilespmem:s0+$0x240];
	v22 =	vor.u32 s23, v17  }
0x120: {  	s25 =	sadd.s32 $0x4680, s2;
	s2 =	sand.u32 $0x7000, s23;
	v23 =	vld [tilespmem:s0+$0x250]  }
0x121: {  	s26 =	sand.u32 $0x300, s23;
	s2 =	sadd.s32 s2, s25;
	v24 =	vld [tilespmem:s0+$0x260]  }
0x122: {  	v25 =	vld [tilespmem:s0+$0x270];
	s0 =	sadd.s32 s26, s2  }
0x123: {  	vm10 =	vgt.s32 v19, $0x1F3;
	[tilespmem:s0+$0x0] =	vst v18  }
0x124: {  	v18 =	vsel vm10, v5, v4;
	v19 =	vld.idx.msk [tilespmem:v22+s17+$0x0], $0xffff  }
0x125: {  	v22 =	vor.u32 s23, v18;
	_ =	sdelay $0x3  }
0x126: {  	vm11 =	vgt.s32 v20, $0x1F3;
	[tilespmem:s0+$0x10] =	vst v19  }
0x127: {  	v19 =	vsel vm11, v7, v6;
	v20 =	vld.idx.msk [tilespmem:v22+s17+$0x0], $0xffff  }
0x128: {  	v22 =	vor.u32 s23, v19;
	_ =	sdelay $0x3  }
0x129: {  	vm12 =	vgt.s32 v21, $0x1F3;
	[tilespmem:s0+$0x20] =	vst v20  }
0x12a: {  	v20 =	vsel vm12, v9, v8;
	v21 =	vld.idx.msk [tilespmem:v22+s17+$0x0], $0xffff  }
0x12b: {  	v22 =	vor.u32 s23, v20;
	_ =	sdelay $0x3  }
0x12c: {  	vm13 =	vgt.s32 v23, $0x1F3;
	[tilespmem:s0+$0x30] =	vst v21  }
0x12d: {  	v21 =	vsel vm13, v11, v10;
	v22 =	vld.idx.msk [tilespmem:v22+s17+$0x0], $0xffff  }
0x12e: {  	v23 =	vor.u32 s23, v21;
	_ =	sdelay $0x3  }
0x12f: {  	vm14 =	vgt.s32 v24, $0x1F3;
	[tilespmem:s0+$0x40] =	vst v22  }
0x130: {  	v22 =	vsel vm14, v13, v12;
	v23 =	vld.idx.msk [tilespmem:v23+s17+$0x0], $0xffff  }
0x131: {  	v24 =	vor.u32 s23, v22;
	_ =	sdelay $0x3  }
0x132: {  	vm15 =	vgt.s32 v25, $0x1F3;
	[tilespmem:s0+$0x50] =	vst v23  }
0x133: {  	v23 =	vsel vm15, v15, v14;
	v24 =	vld.idx.msk [tilespmem:v24+s17+$0x0], $0xffff  }
0x134: {  	v25 =	vor.u32 s23, v23;
	_ =	sdelay $0x3  }
0x135: {  	[tilespmem:s0+$0x60] =	vst v24  }
0x136: {  	s26 =	simm.s32 $0x1;
	v24 =	vld.idx.msk [tilespmem:v25+s17+$0x0], $0xffff  }
0x137: {  	v25 =	vor.u32 s26, v16;
	_ =	sdelay $0x3  }
0x138: {  	[tilespmem:s0+$0x70] =	vst v24  }
0x139: {  	v24 =	vld.idx.msk [tilespmem:v25+s17+$0x0], $0xffff  }
0x13a: {  	v25 =	vor.u32 s26, v17  }
0x13b: {  	s0 =	simm.s32 $0x80  }
0x13c: {  	s0 =	sand.u32 $0x380, s0  }
0x13d: {  	s31 =	sadd.s32 s0, s2  }
0x13e: {  	[tilespmem:s31+$0x0] =	vst v24  }
0x13f: {  	v24 =	vld.idx.msk [tilespmem:v25+s17+$0x0], $0xffff  }
0x140: {  	v25 =	vor.u32 s26, v18;
	_ =	sdelay $0x3  }
0x141: {  	[tilespmem:s31+$0x10] =	vst v24  }
0x142: {  	v24 =	vld.idx.msk [tilespmem:v25+s17+$0x0], $0xffff  }
0x143: {  	v25 =	vor.u32 s26, v19;
	_ =	sdelay $0x3  }
0x144: {  	[tilespmem:s31+$0x20] =	vst v24  }
0x145: {  	v24 =	vld.idx.msk [tilespmem:v25+s17+$0x0], $0xffff  }
0x146: {  	v25 =	vor.u32 s26, v20;
	_ =	sdelay $0x3  }
0x147: {  	[tilespmem:s31+$0x30] =	vst v24  }
0x148: {  	v24 =	vld.idx.msk [tilespmem:v25+s17+$0x0], $0xffff  }
0x149: {  	v25 =	vor.u32 s26, v21;
	_ =	sdelay $0x3  }
0x14a: {  	[tilespmem:s31+$0x40] =	vst v24  }
0x14b: {  	v24 =	vld.idx.msk [tilespmem:v25+s17+$0x0], $0xffff  }
0x14c: {  	v25 =	vor.u32 s26, v22;
	_ =	sdelay $0x3  }
0x14d: {  	[tilespmem:s31+$0x50] =	vst v24  }
0x14e: {  	v24 =	vld.idx.msk [tilespmem:v25+s17+$0x0], $0xffff  }
0x14f: {  	v25 =	vor.u32 s26, v23;
	_ =	sdelay $0x3  }
0x150: {  	[tilespmem:s31+$0x60] =	vst v24  }
0x151: {  	s26 =	simm.s32 $0x2;
	v24 =	vld.idx.msk [tilespmem:v25+s17+$0x0], $0xffff  }
0x152: {  	s30 =	simm.s32 $0x4;
	s29 =	simm.s32 $0x0;
	s28 =	simm.s32 $0x0;
	v25 =	vor.u32 s26, v16  }
.LBB2_7:
0x153: {  	p0 =	sne.s32 s30, $0x3E;
	_ =	sdelay $0x2  }
0x154: {  	[tilespmem:s31+$0x70] =	vst v24  }
0x155: {  	v24 =	vld.idx.msk [tilespmem:v25+s17+$0x0], $0xffff;
	_ =	sdelay $0x1  }
0x156: {  	s29 =	sadd.s32 $0x400, s29;
	v25 =	vor.u32 s26, v17  }
0x157: {  	s28 =	sadd.s32 $0x100, s28;
	s0 =	sand.u32 $0x7000, s29  }
0x158: {  	s2 =	sand.u32 $0x300, s28;
	s31 =	sadd.s32 s0, s25  }
0x159: {  	s2 =	sadd.s32 s2, s31  }
0x15a: {  	[tilespmem:s2+$0x0] =	vst v24  }
0x15b: {  	v24 =	vld.idx.msk [tilespmem:v25+s17+$0x0], $0xffff;
	_ =	sdelay $0x1  }
0x15c: {  	v25 =	vor.u32 s26, v18;
	_ =	sdelay $0x3  }
0x15d: {  	[tilespmem:s2+$0x10] =	vst v24  }
0x15e: {  	v24 =	vld.idx.msk [tilespmem:v25+s17+$0x0], $0xffff;
	_ =	sdelay $0x1  }
0x15f: {  	v25 =	vor.u32 s26, v19;
	_ =	sdelay $0x3  }
0x160: {  	[tilespmem:s2+$0x20] =	vst v24  }
0x161: {  	v24 =	vld.idx.msk [tilespmem:v25+s17+$0x0], $0xffff;
	_ =	sdelay $0x1  }
0x162: {  	v25 =	vor.u32 s26, v20;
	_ =	sdelay $0x3  }
0x163: {  	[tilespmem:s2+$0x30] =	vst v24  }
0x164: {  	v24 =	vld.idx.msk [tilespmem:v25+s17+$0x0], $0xffff;
	_ =	sdelay $0x1  }
0x165: {  	v25 =	vor.u32 s26, v21;
	_ =	sdelay $0x3  }
0x166: {  	[tilespmem:s2+$0x40] =	vst v24  }
0x167: {  	v24 =	vld.idx.msk [tilespmem:v25+s17+$0x0], $0xffff;
	_ =	sdelay $0x1  }
0x168: {  	v25 =	vor.u32 s26, v22;
	_ =	sdelay $0x3  }
0x169: {  	[tilespmem:s2+$0x50] =	vst v24  }
0x16a: {  	v24 =	vld.idx.msk [tilespmem:v25+s17+$0x0], $0xffff;
	_ =	sdelay $0x1  }
0x16b: {  	v25 =	vor.u32 s26, v23;
	_ =	sdelay $0x3  }
0x16c: {  	[tilespmem:s2+$0x60] =	vst v24  }
0x16d: {  	v24 =	vld.idx.msk [tilespmem:v25+s17+$0x0], $0xffff  }
0x16e: {  	s0 =	sadd.s32 $0x1, s26;
	s26 =	smov.u32 s30  }
0x16f: {  	v25 =	vor.u32 s0, v16;
	_ =	sdelay $0x3  }
0x170: {  	[tilespmem:s2+$0x70] =	vst v24  }
0x171: {  	v24 =	vld.idx.msk [tilespmem:v25+s17+$0x0], $0xffff;
	_ =	sdelay $0x1  }
0x172: {  	v25 =	vor.u32 s0, v17  }
0x173: {  	s2 =	sadd.s32 $0x80, s28  }
0x174: {  	s2 =	sand.u32 $0x380, s2  }
0x175: {  	s31 =	sadd.s32 s2, s31  }
0x176: {  	[tilespmem:s31+$0x0] =	vst v24  }
0x177: {  	v24 =	vld.idx.msk [tilespmem:v25+s17+$0x0], $0xffff;
	_ =	sdelay $0x1  }
0x178: {  	v25 =	vor.u32 s0, v18;
	_ =	sdelay $0x3  }
0x179: {  	[tilespmem:s31+$0x10] =	vst v24  }
0x17a: {  	v24 =	vld.idx.msk [tilespmem:v25+s17+$0x0], $0xffff;
	_ =	sdelay $0x1  }
0x17b: {  	v25 =	vor.u32 s0, v19;
	_ =	sdelay $0x3  }
0x17c: {  	[tilespmem:s31+$0x20] =	vst v24  }
0x17d: {  	v24 =	vld.idx.msk [tilespmem:v25+s17+$0x0], $0xffff;
	_ =	sdelay $0x1  }
0x17e: {  	v25 =	vor.u32 s0, v20;
	_ =	sdelay $0x3  }
0x17f: {  	[tilespmem:s31+$0x30] =	vst v24  }
0x180: {  	v24 =	vld.idx.msk [tilespmem:v25+s17+$0x0], $0xffff;
	_ =	sdelay $0x1  }
0x181: {  	v25 =	vor.u32 s0, v21;
	_ =	sdelay $0x3  }
0x182: {  	[tilespmem:s31+$0x40] =	vst v24  }
0x183: {  	v24 =	vld.idx.msk [tilespmem:v25+s17+$0x0], $0xffff;
	_ =	sdelay $0x1  }
0x184: {  	v25 =	vor.u32 s0, v22;
	_ =	sdelay $0x3  }
0x185: {  	[tilespmem:s31+$0x50] =	vst v24  }
0x186: {  	v24 =	vld.idx.msk [tilespmem:v25+s17+$0x0], $0xffff;
	_ =	sdelay $0x1  }
0x187: {  	v25 =	vor.u32 s0, v23;
	_ =	sdelay $0x2  }
.Ltmp2:
0x188: {  	(pc) =	sbr.rel @p0 .LBB2_7-.Ltmp2, $3  }
0x189: {  	[tilespmem:s31+$0x60] =	vst v24  }
0x18a: {  	v24 =	vld.idx.msk [tilespmem:v25+s17+$0x0], $0xffff;
	_ =	sdelay $0x1  }
0x18b: {  	s30 =	sadd.s32 $0x2, s30;
	v25 =	vor.u32 s26, v16  }
0x18c: {  	_ =	sdelay $0x2  }
0x18d: {  	[tilespmem:s31+$0x70] =	vst v24  }
0x18e: {  	v24 =	vld.idx.msk [tilespmem:v25+s17+$0x0], $0xffff  }
0x18f: {  	v57 =	vor.u32 s26, v17;
	s0 =	sadd.s32 $0x400, s29  }
0x190: {  	s2 =	sadd.s32 $0x100, s28;
	s0 =	sand.u32 $0x7000, s0  }
0x191: {  	s28 =	sand.u32 $0x300, s2;
	s0 =	sadd.s32 s0, s25  }
0x192: {  	s25 =	sadd.s32 s28, s0  }
0x193: {  	[tilespmem:s25+$0x0] =	vst v24  }
0x194: {  	v24 =	vld.idx.msk [tilespmem:v57+s17+$0x0], $0xffff  }
0x195: {  	v58 =	vor.u32 s26, v18;
	_ =	sdelay $0x3  }
0x196: {  	[tilespmem:s25+$0x10] =	vst v24  }
0x197: {  	v24 =	vld.idx.msk [tilespmem:v58+s17+$0x0], $0xffff  }
0x198: {  	v59 =	vor.u32 s26, v19;
	_ =	sdelay $0x3  }
0x199: {  	[tilespmem:s25+$0x20] =	vst v24  }
0x19a: {  	v24 =	vld.idx.msk [tilespmem:v59+s17+$0x0], $0xffff  }
0x19b: {  	v60 =	vor.u32 s26, v20;
	_ =	sdelay $0x3  }
0x19c: {  	[tilespmem:s25+$0x30] =	vst v24  }
0x19d: {  	v24 =	vld.idx.msk [tilespmem:v60+s17+$0x0], $0xffff  }
0x19e: {  	v61 =	vor.u32 s26, v21;
	_ =	sdelay $0x3  }
0x19f: {  	[tilespmem:s25+$0x40] =	vst v24  }
0x1a0: {  	v24 =	vld.idx.msk [tilespmem:v61+s17+$0x0], $0xffff  }
0x1a1: {  	v62 =	vor.u32 s26, v22;
	_ =	sdelay $0x3  }
0x1a2: {  	[tilespmem:s25+$0x50] =	vst v24  }
0x1a3: {  	v24 =	vld.idx.msk [tilespmem:v62+s17+$0x0], $0xffff  }
0x1a4: {  	v63 =	vor.u32 s26, v23;
	_ =	sdelay $0x3  }
0x1a5: {  	[tilespmem:s25+$0x60] =	vst v24  }
0x1a6: {  	s31 =	sadd.s32 $0x1, s26;
	v24 =	vld.idx.msk [tilespmem:v63+s17+$0x0], $0xffff  }
0x1a7: {  	v16 =	vor.u32 s31, v16;
	_ =	sdelay $0x3  }
0x1a8: {  	[tilespmem:s25+$0x70] =	vst v24  }
0x1a9: {  	v16 =	vld.idx.msk [tilespmem:v16+s17+$0x0], $0xffff  }
0x1aa: {  	v17 =	vor.u32 s31, v17  }
0x1ab: {  	s2 =	sadd.s32 $0x80, s2  }
0x1ac: {  	s2 =	sand.u32 $0x380, s2  }
0x1ad: {  	s0 =	sadd.s32 s2, s0  }
0x1ae: {  	[tilespmem:s0+$0x0] =	vst v16  }
0x1af: {  	v16 =	vld.idx.msk [tilespmem:v17+s17+$0x0], $0xffff  }
0x1b0: {  	v17 =	vor.u32 s31, v18;
	_ =	sdelay $0x3  }
0x1b1: {  	[tilespmem:s0+$0x10] =	vst v16  }
0x1b2: {  	v16 =	vld.idx.msk [tilespmem:v17+s17+$0x0], $0xffff  }
0x1b3: {  	v17 =	vor.u32 s31, v19;
	_ =	sdelay $0x3  }
0x1b4: {  	[tilespmem:s0+$0x20] =	vst v16  }
0x1b5: {  	v16 =	vld.idx.msk [tilespmem:v17+s17+$0x0], $0xffff  }
0x1b6: {  	v17 =	vor.u32 s31, v20;
	_ =	sdelay $0x3  }
0x1b7: {  	[tilespmem:s0+$0x30] =	vst v16  }
0x1b8: {  	v16 =	vld.idx.msk [tilespmem:v17+s17+$0x0], $0xffff  }
0x1b9: {  	v17 =	vor.u32 s31, v21;
	_ =	sdelay $0x3  }
0x1ba: {  	[tilespmem:s0+$0x40] =	vst v16  }
0x1bb: {  	v16 =	vld.idx.msk [tilespmem:v17+s17+$0x0], $0xffff  }
0x1bc: {  	v17 =	vor.u32 s31, v22;
	_ =	sdelay $0x3  }
0x1bd: {  	[tilespmem:s0+$0x50] =	vst v16  }
0x1be: {  	v16 =	vld.idx.msk [tilespmem:v17+s17+$0x0], $0xffff  }
0x1bf: {  	v17 =	vor.u32 s31, v23;
	_ =	sdelay $0x3  }
0x1c0: {  	s24 =	sadd.s32 $0x1, s24;
	[tilespmem:s0+$0x60] =	vst v16  }
0x1c1: {  	p0 =	sne.s32 s24, $0x4;
	v16 =	vld.idx.msk [tilespmem:v17+s17+$0x0], $0xffff  }
.Ltmp3:
0x1c2: {  	_ = 	snop;
	(pc) =	sbr.rel @p0 .LBB2_6-.Ltmp3, $2  }
0x1c3: {  	_ =	sdelay $0x2  }
0x1c4: {  	[tilespmem:s0+$0x70] =	vst v16  }
0x1c5: {  	[hbm4b:s9+s19] =	stream.strided.scatter [tilespmem:s21], [sflag:$0x2], $0x8000, s20, s19, $0x38;
	[tilespmem:$0xC680] =	vst v63  }
0x1c6: {  	_ =	swait.ge [sflag:s12], $0x8000  }
0x1c7: {  	[sflag:s12] =	ssyncset.done $0x0  }
0x1c8: {  	s23 =	simm.s32 $0x0;
	s24 =	simm.s32 $0x0;
	[sflag:s12] =	ssyncadd.s32 $0xFFFF8000  }
.LBB2_10:
0x1c9: {  	s0 =	sshll.u32 s24, $0x7  }
0x1ca: {  	s0 =	sand.u32 $0x3FFFFF80, s0  }
0x1cb: {  	v16 =	vld [tilespmem:s0+$0x400];
	_ =	sdelay $0x4  }
0x1cc: {  	vm0 =	vgt.s32 v16, $0x7A11F;
	v17 =	vadd.s32 $0xFFF85EE0, v16  }
0x1cd: {  	v16 =	vsel vm0, v17, v16  }
0x1ce: {  	[tilespmem:$0x600] =	vst v16  }
0x1cf: {  	v16 =	vld [tilespmem:s0+$0x410];
	_ =	sdelay $0x4  }
0x1d0: {  	vm13 =	vgt.s32 v16, $0x7A11F;
	v17 =	vadd.s32 $0xFFF85EE0, v16  }
0x1d1: {  	v16 =	vsel vm13, v17, v16  }
0x1d2: {  	[tilespmem:$0x610] =	vst v16  }
0x1d3: {  	v16 =	vld [tilespmem:s0+$0x420];
	_ =	sdelay $0x4  }
0x1d4: {  	vm14 =	vgt.s32 v16, $0x7A11F;
	v17 =	vadd.s32 $0xFFF85EE0, v16  }
0x1d5: {  	v16 =	vsel vm14, v17, v16  }
0x1d6: {  	[tilespmem:$0x620] =	vst v16  }
0x1d7: {  	v16 =	vld [tilespmem:s0+$0x430];
	_ =	sdelay $0x4  }
0x1d8: {  	vm15 =	vgt.s32 v16, $0x7A11F;
	v17 =	vadd.s32 $0xFFF85EE0, v16  }
0x1d9: {  	v16 =	vsel vm15, v17, v16  }
0x1da: {  	[tilespmem:$0x630] =	vst v16  }
0x1db: {  	v16 =	vld [tilespmem:s0+$0x440];
	_ =	sdelay $0x4  }
0x1dc: {  	vm4 =	vgt.s32 v16, $0x7A11F;
	v17 =	vadd.s32 $0xFFF85EE0, v16  }
0x1dd: {  	v16 =	vsel vm4, v17, v16  }
0x1de: {  	[tilespmem:$0x640] =	vst v16  }
0x1df: {  	v16 =	vld [tilespmem:s0+$0x450];
	_ =	sdelay $0x4  }
0x1e0: {  	vm5 =	vgt.s32 v16, $0x7A11F;
	v17 =	vadd.s32 $0xFFF85EE0, v16  }
0x1e1: {  	v16 =	vsel vm5, v17, v16  }
0x1e2: {  	[tilespmem:$0x650] =	vst v16  }
0x1e3: {  	v16 =	vld [tilespmem:s0+$0x460];
	_ =	sdelay $0x4  }
0x1e4: {  	vm6 =	vgt.s32 v16, $0x7A11F;
	v17 =	vadd.s32 $0xFFF85EE0, v16  }
0x1e5: {  	v16 =	vsel vm6, v17, v16  }
0x1e6: {  	[tilespmem:$0x660] =	vst v16  }
0x1e7: {  	v16 =	vld [tilespmem:s0+$0x470];
	_ =	sdelay $0x4  }
0x1e8: {  	vm7 =	vgt.s32 v16, $0x7A11F;
	v17 =	vadd.s32 $0xFFF85EE0, v16  }
0x1e9: {  	v16 =	vsel vm7, v17, v16  }
0x1ea: {  	[tilespmem:$0x670] =	vst v16  }
0x1eb: {  	[tilespmem:s17], [sflag:$0x1] =	stream.indirect.gather [hbm4b:s3+s15], $0x80, s16, s15, $0xb8;
	[tilespmem:$0xC680] =	vst v63  }
0x1ec: {  	_ =	swait.ge [sflag:s18], $0x4000  }
0x1ed: {  	[sflag:s18] =	ssyncset.done $0x0  }
0x1ee: {  	[sflag:s18] =	ssyncadd.s32 $0xFFFFC000  }
0x1ef: {  	v16 =	vld [tilespmem:s0+$0x400];
	_ =	sdelay $0x4  }
0x1f0: {  	vm8 =	vgt.s32 v16, $0x7A11F  }
0x1f1: {  	v17 =	vld [tilespmem:s0+$0x410];
	v16 =	vsel vm8, v1, v0  }
0x1f2: {  	v18 =	vor.u32 s23, v16;
	_ =	sdelay $0x2  }
0x1f3: {  	v19 =	vld [tilespmem:s0+$0x420]  }
0x1f4: {  	v20 =	vld [tilespmem:s0+$0x430];
	vm9 =	vgt.s32 v17, $0x7A11F  }
0x1f5: {  	s2 =	sshll.u32 s24, $0xA;
	v17 =	vsel vm9, v3, v2;
	v18 =	vld.idx.msk [tilespmem:v18+s17+$0x0], $0xffff  }
0x1f6: {  	s2 =	sand.u32 $0x3FFFFC00, s2;
	v21 =	vld [tilespmem:s0+$0x440];
	v22 =	vor.u32 s23, v17  }
0x1f7: {  	s25 =	sadd.s32 $0x4680, s2;
	s2 =	sand.u32 $0x7000, s23;
	v23 =	vld [tilespmem:s0+$0x450]  }
0x1f8: {  	s26 =	sand.u32 $0x300, s23;
	s2 =	sadd.s32 s2, s25;
	v24 =	vld [tilespmem:s0+$0x460]  }
0x1f9: {  	v25 =	vld [tilespmem:s0+$0x470];
	s0 =	sadd.s32 s26, s2  }
0x1fa: {  	vm10 =	vgt.s32 v19, $0x7A11F;
	[tilespmem:s0+$0x0] =	vst v18  }
0x1fb: {  	v18 =	vsel vm10, v5, v4;
	v19 =	vld.idx.msk [tilespmem:v22+s17+$0x0], $0xffff  }
0x1fc: {  	v22 =	vor.u32 s23, v18;
	_ =	sdelay $0x3  }
0x1fd: {  	vm11 =	vgt.s32 v20, $0x7A11F;
	[tilespmem:s0+$0x10] =	vst v19  }
0x1fe: {  	v19 =	vsel vm11, v7, v6;
	v20 =	vld.idx.msk [tilespmem:v22+s17+$0x0], $0xffff  }
0x1ff: {  	v22 =	vor.u32 s23, v19;
	_ =	sdelay $0x3  }
0x200: {  	vm12 =	vgt.s32 v21, $0x7A11F;
	[tilespmem:s0+$0x20] =	vst v20  }
0x201: {  	v20 =	vsel vm12, v9, v8;
	v21 =	vld.idx.msk [tilespmem:v22+s17+$0x0], $0xffff  }
0x202: {  	v22 =	vor.u32 s23, v20;
	_ =	sdelay $0x3  }
0x203: {  	vm13 =	vgt.s32 v23, $0x7A11F;
	[tilespmem:s0+$0x30] =	vst v21  }
0x204: {  	v21 =	vsel vm13, v11, v10;
	v22 =	vld.idx.msk [tilespmem:v22+s17+$0x0], $0xffff  }
0x205: {  	v23 =	vor.u32 s23, v21;
	_ =	sdelay $0x3  }
0x206: {  	vm14 =	vgt.s32 v24, $0x7A11F;
	[tilespmem:s0+$0x40] =	vst v22  }
0x207: {  	v22 =	vsel vm14, v13, v12;
	v23 =	vld.idx.msk [tilespmem:v23+s17+$0x0], $0xffff  }
0x208: {  	v24 =	vor.u32 s23, v22;
	_ =	sdelay $0x3  }
0x209: {  	vm15 =	vgt.s32 v25, $0x7A11F;
	[tilespmem:s0+$0x50] =	vst v23  }
0x20a: {  	v23 =	vsel vm15, v15, v14;
	v24 =	vld.idx.msk [tilespmem:v24+s17+$0x0], $0xffff  }
0x20b: {  	v25 =	vor.u32 s23, v23;
	_ =	sdelay $0x3  }
0x20c: {  	[tilespmem:s0+$0x60] =	vst v24  }
0x20d: {  	s26 =	simm.s32 $0x1;
	v24 =	vld.idx.msk [tilespmem:v25+s17+$0x0], $0xffff  }
0x20e: {  	v25 =	vor.u32 s26, v16;
	_ =	sdelay $0x3  }
0x20f: {  	[tilespmem:s0+$0x70] =	vst v24  }
0x210: {  	v24 =	vld.idx.msk [tilespmem:v25+s17+$0x0], $0xffff  }
0x211: {  	v25 =	vor.u32 s26, v17  }
0x212: {  	s0 =	simm.s32 $0x80  }
0x213: {  	s0 =	sand.u32 $0x380, s0  }
0x214: {  	s31 =	sadd.s32 s0, s2  }
0x215: {  	[tilespmem:s31+$0x0] =	vst v24  }
0x216: {  	v24 =	vld.idx.msk [tilespmem:v25+s17+$0x0], $0xffff  }
0x217: {  	v25 =	vor.u32 s26, v18;
	_ =	sdelay $0x3  }
0x218: {  	[tilespmem:s31+$0x10] =	vst v24  }
0x219: {  	v24 =	vld.idx.msk [tilespmem:v25+s17+$0x0], $0xffff  }
0x21a: {  	v25 =	vor.u32 s26, v19;
	_ =	sdelay $0x3  }
0x21b: {  	[tilespmem:s31+$0x20] =	vst v24  }
0x21c: {  	v24 =	vld.idx.msk [tilespmem:v25+s17+$0x0], $0xffff  }
0x21d: {  	v25 =	vor.u32 s26, v20;
	_ =	sdelay $0x3  }
0x21e: {  	[tilespmem:s31+$0x30] =	vst v24  }
0x21f: {  	v24 =	vld.idx.msk [tilespmem:v25+s17+$0x0], $0xffff  }
0x220: {  	v25 =	vor.u32 s26, v21;
	_ =	sdelay $0x3  }
0x221: {  	[tilespmem:s31+$0x40] =	vst v24  }
0x222: {  	v24 =	vld.idx.msk [tilespmem:v25+s17+$0x0], $0xffff  }
0x223: {  	v25 =	vor.u32 s26, v22;
	_ =	sdelay $0x3  }
0x224: {  	[tilespmem:s31+$0x50] =	vst v24  }
0x225: {  	v24 =	vld.idx.msk [tilespmem:v25+s17+$0x0], $0xffff  }
0x226: {  	v25 =	vor.u32 s26, v23;
	_ =	sdelay $0x3  }
0x227: {  	[tilespmem:s31+$0x60] =	vst v24  }
0x228: {  	s26 =	simm.s32 $0x2;
	v24 =	vld.idx.msk [tilespmem:v25+s17+$0x0], $0xffff  }
0x229: {  	s30 =	simm.s32 $0x4;
	s29 =	simm.s32 $0x0;
	s28 =	simm.s32 $0x0;
	v25 =	vor.u32 s26, v16  }
.LBB2_11:
0x22a: {  	p0 =	sne.s32 s30, $0x3E;
	_ =	sdelay $0x2  }
0x22b: {  	[tilespmem:s31+$0x70] =	vst v24  }
0x22c: {  	v24 =	vld.idx.msk [tilespmem:v25+s17+$0x0], $0xffff;
	_ =	sdelay $0x1  }
0x22d: {  	s29 =	sadd.s32 $0x400, s29;
	v25 =	vor.u32 s26, v17  }
0x22e: {  	s28 =	sadd.s32 $0x100, s28;
	s0 =	sand.u32 $0x7000, s29  }
0x22f: {  	s2 =	sand.u32 $0x300, s28;
	s31 =	sadd.s32 s0, s25  }
0x230: {  	s2 =	sadd.s32 s2, s31  }
0x231: {  	[tilespmem:s2+$0x0] =	vst v24  }
0x232: {  	v24 =	vld.idx.msk [tilespmem:v25+s17+$0x0], $0xffff;
	_ =	sdelay $0x1  }
0x233: {  	v25 =	vor.u32 s26, v18;
	_ =	sdelay $0x3  }
0x234: {  	[tilespmem:s2+$0x10] =	vst v24  }
0x235: {  	v24 =	vld.idx.msk [tilespmem:v25+s17+$0x0], $0xffff;
	_ =	sdelay $0x1  }
0x236: {  	v25 =	vor.u32 s26, v19;
	_ =	sdelay $0x3  }
0x237: {  	[tilespmem:s2+$0x20] =	vst v24  }
0x238: {  	v24 =	vld.idx.msk [tilespmem:v25+s17+$0x0], $0xffff;
	_ =	sdelay $0x1  }
0x239: {  	v25 =	vor.u32 s26, v20;
	_ =	sdelay $0x3  }
0x23a: {  	[tilespmem:s2+$0x30] =	vst v24  }
0x23b: {  	v24 =	vld.idx.msk [tilespmem:v25+s17+$0x0], $0xffff;
	_ =	sdelay $0x1  }
0x23c: {  	v25 =	vor.u32 s26, v21;
	_ =	sdelay $0x3  }
0x23d: {  	[tilespmem:s2+$0x40] =	vst v24  }
0x23e: {  	v24 =	vld.idx.msk [tilespmem:v25+s17+$0x0], $0xffff;
	_ =	sdelay $0x1  }
0x23f: {  	v25 =	vor.u32 s26, v22;
	_ =	sdelay $0x3  }
0x240: {  	[tilespmem:s2+$0x50] =	vst v24  }
0x241: {  	v24 =	vld.idx.msk [tilespmem:v25+s17+$0x0], $0xffff;
	_ =	sdelay $0x1  }
0x242: {  	v25 =	vor.u32 s26, v23;
	_ =	sdelay $0x3  }
0x243: {  	[tilespmem:s2+$0x60] =	vst v24  }
0x244: {  	v24 =	vld.idx.msk [tilespmem:v25+s17+$0x0], $0xffff  }
0x245: {  	s0 =	sadd.s32 $0x1, s26;
	s26 =	smov.u32 s30  }
0x246: {  	v25 =	vor.u32 s0, v16;
	_ =	sdelay $0x3  }
0x247: {  	[tilespmem:s2+$0x70] =	vst v24  }
0x248: {  	v24 =	vld.idx.msk [tilespmem:v25+s17+$0x0], $0xffff;
	_ =	sdelay $0x1  }
0x249: {  	v25 =	vor.u32 s0, v17  }
0x24a: {  	s2 =	sadd.s32 $0x80, s28  }
0x24b: {  	s2 =	sand.u32 $0x380, s2  }
0x24c: {  	s31 =	sadd.s32 s2, s31  }
0x24d: {  	[tilespmem:s31+$0x0] =	vst v24  }
0x24e: {  	v24 =	vld.idx.msk [tilespmem:v25+s17+$0x0], $0xffff;
	_ =	sdelay $0x1  }
0x24f: {  	v25 =	vor.u32 s0, v18;
	_ =	sdelay $0x3  }
0x250: {  	[tilespmem:s31+$0x10] =	vst v24  }
0x251: {  	v24 =	vld.idx.msk [tilespmem:v25+s17+$0x0], $0xffff;
	_ =	sdelay $0x1  }
0x252: {  	v25 =	vor.u32 s0, v19;
	_ =	sdelay $0x3  }
0x253: {  	[tilespmem:s31+$0x20] =	vst v24  }
0x254: {  	v24 =	vld.idx.msk [tilespmem:v25+s17+$0x0], $0xffff;
	_ =	sdelay $0x1  }
0x255: {  	v25 =	vor.u32 s0, v20;
	_ =	sdelay $0x3  }
0x256: {  	[tilespmem:s31+$0x30] =	vst v24  }
0x257: {  	v24 =	vld.idx.msk [tilespmem:v25+s17+$0x0], $0xffff;
	_ =	sdelay $0x1  }
0x258: {  	v25 =	vor.u32 s0, v21;
	_ =	sdelay $0x3  }
0x259: {  	[tilespmem:s31+$0x40] =	vst v24  }
0x25a: {  	v24 =	vld.idx.msk [tilespmem:v25+s17+$0x0], $0xffff;
	_ =	sdelay $0x1  }
0x25b: {  	v25 =	vor.u32 s0, v22;
	_ =	sdelay $0x3  }
0x25c: {  	[tilespmem:s31+$0x50] =	vst v24  }
0x25d: {  	v24 =	vld.idx.msk [tilespmem:v25+s17+$0x0], $0xffff;
	_ =	sdelay $0x1  }
0x25e: {  	v25 =	vor.u32 s0, v23;
	_ =	sdelay $0x2  }
.Ltmp4:
0x25f: {  	(pc) =	sbr.rel @p0 .LBB2_11-.Ltmp4, $3  }
0x260: {  	[tilespmem:s31+$0x60] =	vst v24  }
0x261: {  	v24 =	vld.idx.msk [tilespmem:v25+s17+$0x0], $0xffff;
	_ =	sdelay $0x1  }
0x262: {  	s30 =	sadd.s32 $0x2, s30;
	v25 =	vor.u32 s26, v16  }
0x263: {  	_ =	sdelay $0x2  }
0x264: {  	[tilespmem:s31+$0x70] =	vst v24  }
0x265: {  	v24 =	vld.idx.msk [tilespmem:v25+s17+$0x0], $0xffff  }
0x266: {  	v57 =	vor.u32 s26, v17;
	s0 =	sadd.s32 $0x400, s29  }
0x267: {  	s2 =	sadd.s32 $0x100, s28;
	s0 =	sand.u32 $0x7000, s0  }
0x268: {  	s28 =	sand.u32 $0x300, s2;
	s0 =	sadd.s32 s0, s25  }
0x269: {  	s25 =	sadd.s32 s28, s0  }
0x26a: {  	[tilespmem:s25+$0x0] =	vst v24  }
0x26b: {  	v24 =	vld.idx.msk [tilespmem:v57+s17+$0x0], $0xffff  }
0x26c: {  	v58 =	vor.u32 s26, v18;
	_ =	sdelay $0x3  }
0x26d: {  	[tilespmem:s25+$0x10] =	vst v24  }
0x26e: {  	v24 =	vld.idx.msk [tilespmem:v58+s17+$0x0], $0xffff  }
0x26f: {  	v59 =	vor.u32 s26, v19;
	_ =	sdelay $0x3  }
0x270: {  	[tilespmem:s25+$0x20] =	vst v24  }
0x271: {  	v24 =	vld.idx.msk [tilespmem:v59+s17+$0x0], $0xffff  }
0x272: {  	v60 =	vor.u32 s26, v20;
	_ =	sdelay $0x3  }
0x273: {  	[tilespmem:s25+$0x30] =	vst v24  }
0x274: {  	v24 =	vld.idx.msk [tilespmem:v60+s17+$0x0], $0xffff  }
0x275: {  	v61 =	vor.u32 s26, v21;
	_ =	sdelay $0x3  }
0x276: {  	[tilespmem:s25+$0x40] =	vst v24  }
0x277: {  	v24 =	vld.idx.msk [tilespmem:v61+s17+$0x0], $0xffff  }
0x278: {  	v62 =	vor.u32 s26, v22;
	_ =	sdelay $0x3  }
0x279: {  	[tilespmem:s25+$0x50] =	vst v24  }
0x27a: {  	v24 =	vld.idx.msk [tilespmem:v62+s17+$0x0], $0xffff  }
0x27b: {  	v63 =	vor.u32 s26, v23;
	_ =	sdelay $0x3  }
0x27c: {  	[tilespmem:s25+$0x60] =	vst v24  }
0x27d: {  	s31 =	sadd.s32 $0x1, s26;
	v24 =	vld.idx.msk [tilespmem:v63+s17+$0x0], $0xffff  }
0x27e: {  	v16 =	vor.u32 s31, v16;
	_ =	sdelay $0x3  }
0x27f: {  	[tilespmem:s25+$0x70] =	vst v24  }
0x280: {  	v16 =	vld.idx.msk [tilespmem:v16+s17+$0x0], $0xffff  }
0x281: {  	v17 =	vor.u32 s31, v17  }
0x282: {  	s2 =	sadd.s32 $0x80, s2  }
0x283: {  	s2 =	sand.u32 $0x380, s2  }
0x284: {  	s0 =	sadd.s32 s2, s0  }
0x285: {  	[tilespmem:s0+$0x0] =	vst v16  }
0x286: {  	v16 =	vld.idx.msk [tilespmem:v17+s17+$0x0], $0xffff  }
0x287: {  	v17 =	vor.u32 s31, v18;
	_ =	sdelay $0x3  }
0x288: {  	[tilespmem:s0+$0x10] =	vst v16  }
0x289: {  	v16 =	vld.idx.msk [tilespmem:v17+s17+$0x0], $0xffff  }
0x28a: {  	v17 =	vor.u32 s31, v19;
	_ =	sdelay $0x3  }
0x28b: {  	[tilespmem:s0+$0x20] =	vst v16  }
0x28c: {  	v16 =	vld.idx.msk [tilespmem:v17+s17+$0x0], $0xffff  }
0x28d: {  	v17 =	vor.u32 s31, v20;
	_ =	sdelay $0x3  }
0x28e: {  	[tilespmem:s0+$0x30] =	vst v16  }
0x28f: {  	v16 =	vld.idx.msk [tilespmem:v17+s17+$0x0], $0xffff  }
0x290: {  	v17 =	vor.u32 s31, v21;
	_ =	sdelay $0x3  }
0x291: {  	[tilespmem:s0+$0x40] =	vst v16  }
0x292: {  	v16 =	vld.idx.msk [tilespmem:v17+s17+$0x0], $0xffff  }
0x293: {  	v17 =	vor.u32 s31, v22;
	_ =	sdelay $0x3  }
0x294: {  	[tilespmem:s0+$0x50] =	vst v16  }
0x295: {  	v16 =	vld.idx.msk [tilespmem:v17+s17+$0x0], $0xffff  }
0x296: {  	v17 =	vor.u32 s31, v23;
	_ =	sdelay $0x3  }
0x297: {  	s24 =	sadd.s32 $0x1, s24;
	[tilespmem:s0+$0x60] =	vst v16  }
0x298: {  	p0 =	sne.s32 s24, $0x4;
	v16 =	vld.idx.msk [tilespmem:v17+s17+$0x0], $0xffff  }
.Ltmp5:
0x299: {  	_ = 	snop;
	(pc) =	sbr.rel @p0 .LBB2_10-.Ltmp5, $2  }
0x29a: {  	_ =	sdelay $0x2  }
0x29b: {  	[tilespmem:s0+$0x70] =	vst v16  }
0x29c: {  	s22 =	sadd.s32 $0x1, s22  }
0x29d: {  	p0 =	sne.s32 s22, s11  }
.Ltmp6:
0x29e: {  	_ = 	snop;
	(pc) =	sbr.rel @p0 .LBB2_1-.Ltmp6, $4  }
0x29f: {  	[hbm4b:s10+s19] =	stream.strided.scatter [tilespmem:s21], [sflag:$0x2], $0x8000, s20, s19, $0x38;
	[tilespmem:$0xC680] =	vst v63  }
0x2a0: {  	_ =	swait.ge [sflag:s12], $0x8000  }
0x2a1: {  	[sflag:s12] =	ssyncset.done $0x0  }
0x2a2: {  	[sflag:s12] =	ssyncadd.s32 $0xFFFF8000  }
0x2a3: {  	_ =	sfence.sel $0x180000  }
0x2a4: {  	[bflag:$0x0] =	sbarrier.arrive $0xFFFF  }
0x2a5: {  	_ =	strace $0x9000004A  }
0x2a6: {  	s0 =	stileid.u32;
	[bflag:$0x2] =	sbarrier.arrive $0xFFFF  }
0x2a7: {  	p0 =	sne.s32 s0, $0x0;
	s0 =	rddreg [dreg:$0x4]  }
0x2a8: {  	s0 =	sadd.s32 @!p0 $0x100000, s0  }
0x2a9: {  	[sflag:s0] =	ssyncadd.tile.s32 @!p0 $0x1;
	_ =	shalt  }
.Lfunc_end2:
_tile_overlayer_lowered:
.L_overlay_start_2:
0x2aa: {  	(tag) =	ssettag $0x2  }
0x2ab: {  	s0 =	rddreg [dreg:$0x0];
	s2 =	stileid.u32  }
0x2ac: {  	s1 =	rddreg [dreg:$0x1];
	p0 =	sne.s32 s2, $0x0  }
0x2ad: {  	s3 =	rddreg [dreg:$0x2];
	[bflag:$0x3] =	sbarrier.arrive $0xFFFF;
	s2 =	simm.s32 @!p0 $0x1C02  }
0x2ae: {  	[timem:s3], [sflag:s2] =	dma.local @!p0 [hbm:s0], s1  }
0x2af: {  	s0 =	simm.s32 @!p0 $0x2  }
0x2b0: {  	_ =	swait.ge @!p0 [sflag:s0], s1  }
0x2b1: {  	s1 =	ssub.s32 @!p0 $0x0, s1;
	[sflag:s0] =	ssyncset.done @!p0 $0x0  }
0x2b2: {  	[sflag:s0] =	ssyncadd.s32 @!p0 s1  }
0x2b3: {  	[bflag:$0x3] =	sbarrier.arrive $0xFFFF  }
0x2b4: {  	_ =	shalt  }

</sc_bundles>
